<compile_context>
chip_gen: v7x
topology: tpu7x:2x2x1
jax: 0.10.2.dev20260603
libtpu: 0.0.44.dev20260713+nightly
codegen_flags: <defaults>
</compile_context>

<pallas_src>
import functools

import jax
import jax.numpy as jnp
from jax import lax
from jax.experimental import pallas as pl
from jax.experimental.pallas import tpu as pltpu
from jax.experimental.pallas import tpu_sc as plsc

_BATCH = 16384
_EMBED = 64

_info = plsc.get_sparse_core_info()
_NC = _info.num_cores
_NS = _info.num_subcores
_NW = _NC * _NS
_BPW = _BATCH // _NW
_CHUNK = 128
_NCHUNK = _BPW // _CHUNK


@functools.partial(
    pl.kernel,
    mesh=plsc.VectorSubcoreMesh(core_axis_name="c", subcore_axis_name="s"),
    compiler_params=pltpu.CompilerParams(needs_layout_passes=False),
    out_type=[
        jax.ShapeDtypeStruct((_BATCH, _EMBED), jnp.float32),
        jax.ShapeDtypeStruct((_BATCH, _EMBED), jnp.float32),
        jax.ShapeDtypeStruct((_BATCH, _EMBED), jnp.float32),
    ],
    scratch_types=[
        pltpu.VMEM((_BPW,), jnp.int32),
        pltpu.VMEM((_BPW,), jnp.int32),
        pltpu.VMEM((_BPW,), jnp.int32),
        pltpu.VMEM((_BPW, _EMBED), jnp.float32),
        pltpu.SemaphoreType.DMA,
        pltpu.SemaphoreType.DMA,
    ],
)
def _sbpr_gather(user_hbm, pos_hbm, neg_hbm, eu_hbm, ei_hbm,
                 out_u, out_p, out_n,
                 idx_u, idx_p, idx_n, rows_v, sem_g, sem_o):
    wid = lax.axis_index("s") * _NC + lax.axis_index("c")
    base = wid * _BPW

    pltpu.sync_copy(user_hbm.at[pl.ds(base, _BPW)], idx_u)
    pltpu.sync_copy(pos_hbm.at[pl.ds(base, _BPW)], idx_p)
    pltpu.sync_copy(neg_hbm.at[pl.ds(base, _BPW)], idx_n)

    prev_out = None
    for idx_v, tbl, outh in ((idx_u, eu_hbm, out_u),
                             (idx_p, ei_hbm, out_p),
                             (idx_n, ei_hbm, out_n)):
        if prev_out is not None:
            prev_out.wait()
            prev_out = None
        for ch in range(_NCHUNK):
            def group_body(g, carry):
                j0 = ch * _CHUNK + g * 16
                v = idx_v[pl.ds(j0, 16)]
                for lane in range(16):
                    r = v[lane]
                    pltpu.async_copy(tbl.at[pl.ds(r, 1)],
                                     rows_v.at[pl.ds(j0 + lane, 1)],
                                     sem_g)
                return carry
            lax.fori_loop(0, _CHUNK // 16, group_body, 0)
            pltpu.make_async_copy(
                tbl.at[pl.ds(0, _CHUNK)],
                rows_v.at[pl.ds(ch * _CHUNK, _CHUNK)], sem_g).wait()
        prev_out = pltpu.async_copy(rows_v, outh.at[pl.ds(base, _BPW)],
                                    sem_o)
    prev_out.wait()


@jax.jit
def kernel(user, pos_item, neg_item, embed_user, embed_item):
    return tuple(_sbpr_gather(user, pos_item, neg_item,
                              embed_user, embed_item))

# --- scband reference (transcript-rebuilt; emitter-appended) ---
"""Pipeline reference for scband-sbpr-25589415150205 (READ-ONLY COPY).

The authoritative reference and input builder live on the scoring server;
editing this copy changes nothing except your own understanding.
"""

import jax, jax.numpy as jnp
import numpy as np

NUM_USERS = 1000000
NUM_ITEMS = 1000000
EMBED = 64
BATCH = 16384


def setup_inputs(seed: int = 0) -> dict:
    key = jax.random.key(seed)
    k1, k2, k3, k4, k5 = jax.random.split(key, 5)
    # xavier_uniform init, matching nn.init.xavier_uniform_ on [rows, cols]
    bu = float(np.sqrt(6.0 / (NUM_USERS + EMBED)))
    bi = float(np.sqrt(6.0 / (NUM_ITEMS + EMBED)))
    embed_user = jax.random.uniform(k1, (NUM_USERS, EMBED), minval=-bu, maxval=bu, dtype=jnp.float32)
    embed_item = jax.random.uniform(k2, (NUM_ITEMS, EMBED), minval=-bi, maxval=bi, dtype=jnp.float32)
    user = jax.random.randint(k3, (BATCH,), 0, NUM_USERS, dtype=jnp.int64 if jax.config.jax_enable_x64 else jnp.int32)
    pos_item = jax.random.randint(k4, (BATCH,), 0, NUM_ITEMS, dtype=jnp.int64 if jax.config.jax_enable_x64 else jnp.int32)
    neg_item = jax.random.randint(k5, (BATCH,), 0, NUM_ITEMS, dtype=jnp.int64 if jax.config.jax_enable_x64 else jnp.int32)
    return {
        "user": user,
        "pos_item": pos_item,
        "neg_item": neg_item,
        "embed_user": embed_user,
        "embed_item": embed_item,
    }


def reference(user, pos_item, neg_item, embed_user, embed_item):
    # Faithful translation of SBPR.forward (social_item branch disabled, i.e. == -1):
    # user_embedding = U[user, :]; pos_item_embedding = V[pos_item, :]; neg_item_embedding = V[neg_item, :]
    user_embedding = jnp.take(embed_user, user, axis=0)
    pos_item_embedding = jnp.take(embed_item, pos_item, axis=0)
    neg_item_embedding = jnp.take(embed_item, neg_item, axis=0)
    return (user_embedding, pos_item_embedding, neg_item_embedding)

if __name__ == "__main__":
    import jax
    _d = setup_inputs()
    print(jax.jit(kernel)(*tuple(_d.values())))

</pallas_src>

<mosaic_0001>
#map = affine_map<(d0, d1) -> (0)>
#map1 = affine_map<(d0, d1) -> (0, 0)>
module attributes {stable_mosaic.version = 14 : i64} {
  func.func @_sbpr_gather(%arg0: i32, %arg1: i32, %arg2: memref<16384xi32, #tpu.memory_space<hbm>>, %arg3: memref<16384xi32, #tpu.memory_space<hbm>>, %arg4: memref<16384xi32, #tpu.memory_space<hbm>>, %arg5: memref<1000000x64xf32, #tpu.memory_space<hbm>>, %arg6: memref<1000000x64xf32, #tpu.memory_space<hbm>>, %arg7: memref<16384x64xf32, #tpu.memory_space<hbm>>, %arg8: memref<16384x64xf32, #tpu.memory_space<hbm>>, %arg9: memref<16384x64xf32, #tpu.memory_space<hbm>>, %arg10: memref<512xi32, #tpu.memory_space<vmem>>, %arg11: memref<512xi32, #tpu.memory_space<vmem>>, %arg12: memref<512xi32, #tpu.memory_space<vmem>>, %arg13: memref<512x64xf32, #tpu.memory_space<vmem>>, %arg14: memref<!tpu.dma_semaphore, #tpu.memory_space<semaphore_mem>>, %arg15: memref<!tpu.dma_semaphore, #tpu.memory_space<semaphore_mem>>) attributes {dimension_semantics = [#tpu.dimension_semantics<core_parallel>, #tpu.dimension_semantics<subcore_parallel>], iteration_bounds = array<i64: 2, 16>, scalar_prefetch = 0 : i64, scratch_operands = 6 : i64, tpu.core_type = #tpu.core_type<sc_vector_subcore>, window_params = [{transform_indices = #map}, {transform_indices = #map}, {transform_indices = #map}, {transform_indices = #map1}, {transform_indices = #map1}, {transform_indices = #map1}, {transform_indices = #map1}, {transform_indices = #map1}]} {
    %mul3A = arith.constant 2 : i32
    %mul3A_0 = arith.muli %arg1, %mul3A : i32
    %add3A = arith.addi %mul3A_0, %arg0 : i32
    %mul3A_1 = arith.constant 512 : i32
    %mul3A_2 = arith.muli %add3A, %mul3A_1 : i32
    "tpu.region"() ({
      %run_scoped3A = tpu.sem_alloc : memref<!tpu.dma_semaphore, #tpu.memory_space<semaphore_mem>>
      %dma_start3A_240 = tpu.memref_slice %arg2[%mul3A_2] : memref<16384xi32, #tpu.memory_space<hbm>> -> memref<512xi32, #tpu.memory_space<hbm>>
      %dma_start3A_241 = tpu.memref_slice %arg2[%mul3A_2] : memref<16384xi32, #tpu.memory_space<hbm>> -> memref<512xi32, #tpu.memory_space<hbm>>
      tpu.enqueue_dma source(%dma_start3A_241 : memref<512xi32, #tpu.memory_space<hbm>>) target(%arg10 : memref<512xi32, #tpu.memory_space<vmem>>) target_semaphore(%run_scoped3A : memref<!tpu.dma_semaphore, #tpu.memory_space<semaphore_mem>>)
      %dma_wait3A_242 = tpu.memref_slice %arg2[%mul3A_2] : memref<16384xi32, #tpu.memory_space<hbm>> -> memref<512xi32, #tpu.memory_space<hbm>>
      %dma_wait3A_243 = tpu.memref_slice %arg2[%mul3A_2] : memref<16384xi32, #tpu.memory_space<hbm>> -> memref<512xi32, #tpu.memory_space<hbm>>
      tpu.wait_dma2 semaphore(%run_scoped3A : memref<!tpu.dma_semaphore, #tpu.memory_space<semaphore_mem>>) src(%dma_wait3A_243 : memref<512xi32, #tpu.memory_space<hbm>>) dst(%arg10 : memref<512xi32, #tpu.memory_space<vmem>>)
      tpu.yield
    }) : () -> ()
    "tpu.region"() ({
      %run_scoped3A = tpu.sem_alloc : memref<!tpu.dma_semaphore, #tpu.memory_space<semaphore_mem>>
      %dma_start3A_240 = tpu.memref_slice %arg3[%mul3A_2] : memref<16384xi32, #tpu.memory_space<hbm>> -> memref<512xi32, #tpu.memory_space<hbm>>
      %dma_start3A_241 = tpu.memref_slice %arg3[%mul3A_2] : memref<16384xi32, #tpu.memory_space<hbm>> -> memref<512xi32, #tpu.memory_space<hbm>>
      tpu.enqueue_dma source(%dma_start3A_241 : memref<512xi32, #tpu.memory_space<hbm>>) target(%arg11 : memref<512xi32, #tpu.memory_space<vmem>>) target_semaphore(%run_scoped3A : memref<!tpu.dma_semaphore, #tpu.memory_space<semaphore_mem>>)
      %dma_wait3A_242 = tpu.memref_slice %arg3[%mul3A_2] : memref<16384xi32, #tpu.memory_space<hbm>> -> memref<512xi32, #tpu.memory_space<hbm>>
      %dma_wait3A_243 = tpu.memref_slice %arg3[%mul3A_2] : memref<16384xi32, #tpu.memory_space<hbm>> -> memref<512xi32, #tpu.memory_space<hbm>>
      tpu.wait_dma2 semaphore(%run_scoped3A : memref<!tpu.dma_semaphore, #tpu.memory_space<semaphore_mem>>) src(%dma_wait3A_243 : memref<512xi32, #tpu.memory_space<hbm>>) dst(%arg11 : memref<512xi32, #tpu.memory_space<vmem>>)
      tpu.yield
    }) : () -> ()
    "tpu.region"() ({
      %run_scoped3A = tpu.sem_alloc : memref<!tpu.dma_semaphore, #tpu.memory_space<semaphore_mem>>
      %dma_start3A_240 = tpu.memref_slice %arg4[%mul3A_2] : memref<16384xi32, #tpu.memory_space<hbm>> -> memref<512xi32, #tpu.memory_space<hbm>>
      %dma_start3A_241 = tpu.memref_slice %arg4[%mul3A_2] : memref<16384xi32, #tpu.memory_space<hbm>> -> memref<512xi32, #tpu.memory_space<hbm>>
      tpu.enqueue_dma source(%dma_start3A_241 : memref<512xi32, #tpu.memory_space<hbm>>) target(%arg12 : memref<512xi32, #tpu.memory_space<vmem>>) target_semaphore(%run_scoped3A : memref<!tpu.dma_semaphore, #tpu.memory_space<semaphore_mem>>)
      %dma_wait3A_242 = tpu.memref_slice %arg4[%mul3A_2] : memref<16384xi32, #tpu.memory_space<hbm>> -> memref<512xi32, #tpu.memory_space<hbm>>
      %dma_wait3A_243 = tpu.memref_slice %arg4[%mul3A_2] : memref<16384xi32, #tpu.memory_space<hbm>> -> memref<512xi32, #tpu.memory_space<hbm>>
      tpu.wait_dma2 semaphore(%run_scoped3A : memref<!tpu.dma_semaphore, #tpu.memory_space<semaphore_mem>>) src(%dma_wait3A_243 : memref<512xi32, #tpu.memory_space<hbm>>) dst(%arg12 : memref<512xi32, #tpu.memory_space<vmem>>)
      tpu.yield
    }) : () -> ()
    %scan3A = arith.constant 0 : i32
    %scan3A_3 = arith.constant 0 : i32
    %scan3A_4 = arith.constant 8 : i32
    %scan3A_5 = arith.addi %scan3A_3, %scan3A_4 : i32
    %scan3A_6 = arith.constant 1 : i32
    scf.for %scan3A_240 = %scan3A_3 to %scan3A_5 step %scan3A_6  : i32 {
      %mul3A_241 = arith.constant 16 : i32
      %mul3A_242 = arith.muli %scan3A_240, %mul3A_241 : i32
      %add3A_243 = arith.constant 0 : i32
      %add3A_244 = arith.addi %add3A_243, %mul3A_242 : i32
      %get3A = arith.index_cast %add3A_244 : i32 to index
      %get3A_245 = tpu.vector_load %arg10[%get3A] {strides = array<i32>} : memref<512xi32, #tpu.memory_space<vmem>>, vector<16xi32>,
      %slice3A = vector.extract_strided_slice %get3A_245 {offsets = [0], sizes = [1], strides = [1]} : vector<16xi32> to vector<1xi32>
      %squeeze3A = vector.extract %slice3A[0] : i32 from vector<1xi32>
      %add3A_246 = arith.constant 0 : i32
      %add3A_247 = arith.addi %add3A_244, %add3A_246 : i32
      %dma_start3A_248 = arith.constant 0 : i32
      %dma_start3A_249 = tpu.memref_slice %arg13[%add3A_247, %dma_start3A_248] : memref<512x64xf32, #tpu.memory_space<vmem>> -> memref<1x64xf32, #tpu.memory_space<vmem>>
      %dma_start3A_250 = arith.constant 0 : i32
      %dma_start3A_251 = tpu.memref_slice %arg5[%squeeze3A, %dma_start3A_250] : memref<1000000x64xf32, #tpu.memory_space<hbm>> -> memref<1x64xf32, #tpu.memory_space<hbm>>
      %dma_start3A_252 = arith.constant 0 : i32
      %dma_start3A_253 = tpu.memref_slice %arg13[%add3A_247, %dma_start3A_252] : memref<512x64xf32, #tpu.memory_space<vmem>> -> memref<1x64xf32, #tpu.memory_space<vmem>>
      %dma_start3A_254 = arith.constant 0 : i32
      %dma_start3A_255 = tpu.memref_slice %arg5[%squeeze3A, %dma_start3A_254] : memref<1000000x64xf32, #tpu.memory_space<hbm>> -> memref<1x64xf32, #tpu.memory_space<hbm>>
      tpu.enqueue_dma source(%dma_start3A_255 : memref<1x64xf32, #tpu.memory_space<hbm>>) target(%dma_start3A_253 : memref<1x64xf32, #tpu.memory_space<vmem>>) target_semaphore(%arg14 : memref<!tpu.dma_semaphore, #tpu.memory_space<semaphore_mem>>)
      %slice3A_256 = vector.extract_strided_slice %get3A_245 {offsets = [1], sizes = [1], strides = [1]} : vector<16xi32> to vector<1xi32>
      %squeeze3A_257 = vector.extract %slice3A_256[0] : i32 from vector<1xi32>
      %add3A_258 = arith.constant 1 : i32
      %add3A_259 = arith.addi %add3A_244, %add3A_258 : i32
      %dma_start3A_260 = arith.constant 0 : i32
      %dma_start3A_261 = tpu.memref_slice %arg13[%add3A_259, %dma_start3A_260] : memref<512x64xf32, #tpu.memory_space<vmem>> -> memref<1x64xf32, #tpu.memory_space<vmem>>
      %dma_start3A_262 = arith.constant 0 : i32
      %dma_start3A_263 = tpu.memref_slice %arg5[%squeeze3A_257, %dma_start3A_262] : memref<1000000x64xf32, #tpu.memory_space<hbm>> -> memref<1x64xf32, #tpu.memory_space<hbm>>
      %dma_start3A_264 = arith.constant 0 : i32
      %dma_start3A_265 = tpu.memref_slice %arg13[%add3A_259, %dma_start3A_264] : memref<512x64xf32, #tpu.memory_space<vmem>> -> memref<1x64xf32, #tpu.memory_space<vmem>>
      %dma_start3A_266 = arith.constant 0 : i32
      %dma_start3A_267 = tpu.memref_slice %arg5[%squeeze3A_257, %dma_start3A_266] : memref<1000000x64xf32, #tpu.memory_space<hbm>> -> memref<1x64xf32, #tpu.memory_space<hbm>>
      tpu.enqueue_dma source(%dma_start3A_267 : memref<1x64xf32, #tpu.memory_space<hbm>>) target(%dma_start3A_265 : memref<1x64xf32, #tpu.memory_space<vmem>>) target_semaphore(%arg14 : memref<!tpu.dma_semaphore, #tpu.memory_space<semaphore_mem>>)
      %slice3A_268 = vector.extract_strided_slice %get3A_245 {offsets = [2], sizes = [1], strides = [1]} : vector<16xi32> to vector<1xi32>
      %squeeze3A_269 = vector.extract %slice3A_268[0] : i32 from vector<1xi32>
      %add3A_270 = arith.constant 2 : i32
      %add3A_271 = arith.addi %add3A_244, %add3A_270 : i32
      %dma_start3A_272 = arith.constant 0 : i32
      %dma_start3A_273 = tpu.memref_slice %arg13[%add3A_271, %dma_start3A_272] : memref<512x64xf32, #tpu.memory_space<vmem>> -> memref<1x64xf32, #tpu.memory_space<vmem>>
      %dma_start3A_274 = arith.constant 0 : i32
      %dma_start3A_275 = tpu.memref_slice %arg5[%squeeze3A_269, %dma_start3A_274] : memref<1000000x64xf32, #tpu.memory_space<hbm>> -> memref<1x64xf32, #tpu.memory_space<hbm>>
      %dma_start3A_276 = arith.constant 0 : i32
      %dma_start3A_277 = tpu.memref_slice %arg13[%add3A_271, %dma_start3A_276] : memref<512x64xf32, #tpu.memory_space<vmem>> -> memref<1x64xf32, #tpu.memory_space<vmem>>
      %dma_start3A_278 = arith.constant 0 : i32
      %dma_start3A_279 = tpu.memref_slice %arg5[%squeeze3A_269, %dma_start3A_278] : memref<1000000x64xf32, #tpu.memory_space<hbm>> -> memref<1x64xf32, #tpu.memory_space<hbm>>
      tpu.enqueue_dma source(%dma_start3A_279 : memref<1x64xf32, #tpu.memory_space<hbm>>) target(%dma_start3A_277 : memref<1x64xf32, #tpu.memory_space<vmem>>) target_semaphore(%arg14 : memref<!tpu.dma_semaphore, #tpu.memory_space<semaphore_mem>>)
      %slice3A_280 = vector.extract_strided_slice %get3A_245 {offsets = [3], sizes = [1], strides = [1]} : vector<16xi32> to vector<1xi32>
      %squeeze3A_281 = vector.extract %slice3A_280[0] : i32 from vector<1xi32>
      %add3A_282 = arith.constant 3 : i32
      %add3A_283 = arith.addi %add3A_244, %add3A_282 : i32
      %dma_start3A_284 = arith.constant 0 : i32
      %dma_start3A_285 = tpu.memref_slice %arg13[%add3A_283, %dma_start3A_284] : memref<512x64xf32, #tpu.memory_space<vmem>> -> memref<1x64xf32, #tpu.memory_space<vmem>>
      %dma_start3A_286 = arith.constant 0 : i32
      %dma_start3A_287 = tpu.memref_slice %arg5[%squeeze3A_281, %dma_start3A_286] : memref<1000000x64xf32, #tpu.memory_space<hbm>> -> memref<1x64xf32, #tpu.memory_space<hbm>>
      %dma_start3A_288 = arith.constant 0 : i32
      %dma_start3A_289 = tpu.memref_slice %arg13[%add3A_283, %dma_start3A_288] : memref<512x64xf32, #tpu.memory_space<vmem>> -> memref<1x64xf32, #tpu.memory_space<vmem>>
      %dma_start3A_290 = arith.constant 0 : i32
      %dma_start3A_291 = tpu.memref_slice %arg5[%squeeze3A_281, %dma_start3A_290] : memref<1000000x64xf32, #tpu.memory_space<hbm>> -> memref<1x64xf32, #tpu.memory_space<hbm>>
      tpu.enqueue_dma source(%dma_start3A_291 : memref<1x64xf32, #tpu.memory_space<hbm>>) target(%dma_start3A_289 : memref<1x64xf32, #tpu.memory_space<vmem>>) target_semaphore(%arg14 : memref<!tpu.dma_semaphore, #tpu.memory_space<semaphore_mem>>)
      %slice3A_292 = vector.extract_strided_slice %get3A_245 {offsets = [4], sizes = [1], strides = [1]} : vector<16xi32> to vector<1xi32>
      %squeeze3A_293 = vector.extract %slice3A_292[0] : i32 from vector<1xi32>
      %add3A_294 = arith.constant 4 : i32
      %add3A_295 = arith.addi %add3A_244, %add3A_294 : i32
      %dma_start3A_296 = arith.constant 0 : i32
      %dma_start3A_297 = tpu.memref_slice %arg13[%add3A_295, %dma_start3A_296] : memref<512x64xf32, #tpu.memory_space<vmem>> -> memref<1x64xf32, #tpu.memory_space<vmem>>
      %dma_start3A_298 = arith.constant 0 : i32
      %dma_start3A_299 = tpu.memref_slice %arg5[%squeeze3A_293, %dma_start3A_298] : memref<1000000x64xf32, #tpu.memory_space<hbm>> -> memref<1x64xf32, #tpu.memory_space<hbm>>
      %dma_start3A_300 = arith.constant 0 : i32
      %dma_start3A_301 = tpu.memref_slice %arg13[%add3A_295, %dma_start3A_300] : memref<512x64xf32, #tpu.memory_space<vmem>> -> memref<1x64xf32, #tpu.memory_space<vmem>>
      %dma_start3A_302 = arith.constant 0 : i32
      %dma_start3A_303 = tpu.memref_slice %arg5[%squeeze3A_293, %dma_start3A_302] : memref<1000000x64xf32, #tpu.memory_space<hbm>> -> memref<1x64xf32, #tpu.memory_space<hbm>>
      tpu.enqueue_dma source(%dma_start3A_303 : memref<1x64xf32, #tpu.memory_space<hbm>>) target(%dma_start3A_301 : memref<1x64xf32, #tpu.memory_space<vmem>>) target_semaphore(%arg14 : memref<!tpu.dma_semaphore, #tpu.memory_space<semaphore_mem>>)
      %slice3A_304 = vector.extract_strided_slice %get3A_245 {offsets = [5], sizes = [1], strides = [1]} : vector<16xi32> to vector<1xi32>
      %squeeze3A_305 = vector.extract %slice3A_304[0] : i32 from vector<1xi32>
      %add3A_306 = arith.constant 5 : i32
      %add3A_307 = arith.addi %add3A_244, %add3A_306 : i32
      %dma_start3A_308 = arith.constant 0 : i32
      %dma_start3A_309 = tpu.memref_slice %arg13[%add3A_307, %dma_start3A_308] : memref<512x64xf32, #tpu.memory_space<vmem>> -> memref<1x64xf32, #tpu.memory_space<vmem>>
      %dma_start3A_310 = arith.constant 0 : i32
      %dma_start3A_311 = tpu.memref_slice %arg5[%squeeze3A_305, %dma_start3A_310] : memref<1000000x64xf32, #tpu.memory_space<hbm>> -> memref<1x64xf32, #tpu.memory_space<hbm>>
      %dma_start3A_312 = arith.constant 0 : i32
      %dma_start3A_313 = tpu.memref_slice %arg13[%add3A_307, %dma_start3A_312] : memref<512x64xf32, #tpu.memory_space<vmem>> -> memref<1x64xf32, #tpu.memory_space<vmem>>
      %dma_start3A_314 = arith.constant 0 : i32
      %dma_start3A_315 = tpu.memref_slice %arg5[%squeeze3A_305, %dma_start3A_314] : memref<1000000x64xf32, #tpu.memory_space<hbm>> -> memref<1x64xf32, #tpu.memory_space<hbm>>
      tpu.enqueue_dma source(%dma_start3A_315 : memref<1x64xf32, #tpu.memory_space<hbm>>) target(%dma_start3A_313 : memref<1x64xf32, #tpu.memory_space<vmem>>) target_semaphore(%arg14 : memref<!tpu.dma_semaphore, #tpu.memory_space<semaphore_mem>>)
      %slice3A_316 = vector.extract_strided_slice %get3A_245 {offsets = [6], sizes = [1], strides = [1]} : vector<16xi32> to vector<1xi32>
      %squeeze3A_317 = vector.extract %slice3A_316[0] : i32 from vector<1xi32>
      %add3A_318 = arith.constant 6 : i32
      %add3A_319 = arith.addi %add3A_244, %add3A_318 : i32
      %dma_start3A_320 = arith.constant 0 : i32
      %dma_start3A_321 = tpu.memref_slice %arg13[%add3A_319, %dma_start3A_320] : memref<512x64xf32, #tpu.memory_space<vmem>> -> memref<1x64xf32, #tpu.memory_space<vmem>>
      %dma_start3A_322 = arith.constant 0 : i32
      %dma_start3A_323 = tpu.memref_slice %arg5[%squeeze3A_317, %dma_start3A_322] : memref<1000000x64xf32, #tpu.memory_space<hbm>> -> memref<1x64xf32, #tpu.memory_space<hbm>>
      %dma_start3A_324 = arith.constant 0 : i32
      %dma_start3A_325 = tpu.memref_slice %arg13[%add3A_319, %dma_start3A_324] : memref<512x64xf32, #tpu.memory_space<vmem>> -> memref<1x64xf32, #tpu.memory_space<vmem>>
      %dma_start3A_326 = arith.constant 0 : i32
      %dma_start3A_327 = tpu.memref_slice %arg5[%squeeze3A_317, %dma_start3A_326] : memref<1000000x64xf32, #tpu.memory_space<hbm>> -> memref<1x64xf32, #tpu.memory_space<hbm>>
      tpu.enqueue_dma source(%dma_start3A_327 : memref<1x64xf32, #tpu.memory_space<hbm>>) target(%dma_start3A_325 : memref<1x64xf32, #tpu.memory_space<vmem>>) target_semaphore(%arg14 : memref<!tpu.dma_semaphore, #tpu.memory_space<semaphore_mem>>)
      %slice3A_328 = vector.extract_strided_slice %get3A_245 {offsets = [7], sizes = [1], strides = [1]} : vector<16xi32> to vector<1xi32>
      %squeeze3A_329 = vector.extract %slice3A_328[0] : i32 from vector<1xi32>
      %add3A_330 = arith.constant 7 : i32
      %add3A_331 = arith.addi %add3A_244, %add3A_330 : i32
      %dma_start3A_332 = arith.constant 0 : i32
      %dma_start3A_333 = tpu.memref_slice %arg13[%add3A_331, %dma_start3A_332] : memref<512x64xf32, #tpu.memory_space<vmem>> -> memref<1x64xf32, #tpu.memory_space<vmem>>
      %dma_start3A_334 = arith.constant 0 : i32
      %dma_start3A_335 = tpu.memref_slice %arg5[%squeeze3A_329, %dma_start3A_334] : memref<1000000x64xf32, #tpu.memory_space<hbm>> -> memref<1x64xf32, #tpu.memory_space<hbm>>
      %dma_start3A_336 = arith.constant 0 : i32
      %dma_start3A_337 = tpu.memref_slice %arg13[%add3A_331, %dma_start3A_336] : memref<512x64xf32, #tpu.memory_space<vmem>> -> memref<1x64xf32, #tpu.memory_space<vmem>>
      %dma_start3A_338 = arith.constant 0 : i32
      %dma_start3A_339 = tpu.memref_slice %arg5[%squeeze3A_329, %dma_start3A_338] : memref<1000000x64xf32, #tpu.memory_space<hbm>> -> memref<1x64xf32, #tpu.memory_space<hbm>>
      tpu.enqueue_dma source(%dma_start3A_339 : memref<1x64xf32, #tpu.memory_space<hbm>>) target(%dma_start3A_337 : memref<1x64xf32, #tpu.memory_space<vmem>>) target_semaphore(%arg14 : memref<!tpu.dma_semaphore, #tpu.memory_space<semaphore_mem>>)
      %slice3A_340 = vector.extract_strided_slice %get3A_245 {offsets = [8], sizes = [1], strides = [1]} : vector<16xi32> to vector<1xi32>
      %squeeze3A_341 = vector.extract %slice3A_340[0] : i32 from vector<1xi32>
      %add3A_342 = arith.constant 8 : i32
      %add3A_343 = arith.addi %add3A_244, %add3A_342 : i32
      %dma_start3A_344 = arith.constant 0 : i32
      %dma_start3A_345 = tpu.memref_slice %arg13[%add3A_343, %dma_start3A_344] : memref<512x64xf32, #tpu.memory_space<vmem>> -> memref<1x64xf32, #tpu.memory_space<vmem>>
      %dma_start3A_346 = arith.constant 0 : i32
      %dma_start3A_347 = tpu.memref_slice %arg5[%squeeze3A_341, %dma_start3A_346] : memref<1000000x64xf32, #tpu.memory_space<hbm>> -> memref<1x64xf32, #tpu.memory_space<hbm>>
      %dma_start3A_348 = arith.constant 0 : i32
      %dma_start3A_349 = tpu.memref_slice %arg13[%add3A_343, %dma_start3A_348] : memref<512x64xf32, #tpu.memory_space<vmem>> -> memref<1x64xf32, #tpu.memory_space<vmem>>
      %dma_start3A_350 = arith.constant 0 : i32
      %dma_start3A_351 = tpu.memref_slice %arg5[%squeeze3A_341, %dma_start3A_350] : memref<1000000x64xf32, #tpu.memory_space<hbm>> -> memref<1x64xf32, #tpu.memory_space<hbm>>
      tpu.enqueue_dma source(%dma_start3A_351 : memref<1x64xf32, #tpu.memory_space<hbm>>) target(%dma_start3A_349 : memref<1x64xf32, #tpu.memory_space<vmem>>) target_semaphore(%arg14 : memref<!tpu.dma_semaphore, #tpu.memory_space<semaphore_mem>>)
      %slice3A_352 = vector.extract_strided_slice %get3A_245 {offsets = [9], sizes = [1], strides = [1]} : vector<16xi32> to vector<1xi32>
      %squeeze3A_353 = vector.extract %slice3A_352[0] : i32 from vector<1xi32>
      %add3A_354 = arith.constant 9 : i32
      %add3A_355 = arith.addi %add3A_244, %add3A_354 : i32
      %dma_start3A_356 = arith.constant 0 : i32
      %dma_start3A_357 = tpu.memref_slice %arg13[%add3A_355, %dma_start3A_356] : memref<512x64xf32, #tpu.memory_space<vmem>> -> memref<1x64xf32, #tpu.memory_space<vmem>>
      %dma_start3A_358 = arith.constant 0 : i32
      %dma_start3A_359 = tpu.memref_slice %arg5[%squeeze3A_353, %dma_start3A_358] : memref<1000000x64xf32, #tpu.memory_space<hbm>> -> memref<1x64xf32, #tpu.memory_space<hbm>>
      %dma_start3A_360 = arith.constant 0 : i32
      %dma_start3A_361 = tpu.memref_slice %arg13[%add3A_355, %dma_start3A_360] : memref<512x64xf32, #tpu.memory_space<vmem>> -> memref<1x64xf32, #tpu.memory_space<vmem>>
      %dma_start3A_362 = arith.constant 0 : i32
      %dma_start3A_363 = tpu.memref_slice %arg5[%squeeze3A_353, %dma_start3A_362] : memref<1000000x64xf32, #tpu.memory_space<hbm>> -> memref<1x64xf32, #tpu.memory_space<hbm>>
      tpu.enqueue_dma source(%dma_start3A_363 : memref<1x64xf32, #tpu.memory_space<hbm>>) target(%dma_start3A_361 : memref<1x64xf32, #tpu.memory_space<vmem>>) target_semaphore(%arg14 : memref<!tpu.dma_semaphore, #tpu.memory_space<semaphore_mem>>)
      %slice3A_364 = vector.extract_strided_slice %get3A_245 {offsets = [10], sizes = [1], strides = [1]} : vector<16xi32> to vector<1xi32>
      %squeeze3A_365 = vector.extract %slice3A_364[0] : i32 from vector<1xi32>
      %add3A_366 = arith.constant 10 : i32
      %add3A_367 = arith.addi %add3A_244, %add3A_366 : i32
      %dma_start3A_368 = arith.constant 0 : i32
      %dma_start3A_369 = tpu.memref_slice %arg13[%add3A_367, %dma_start3A_368] : memref<512x64xf32, #tpu.memory_space<vmem>> -> memref<1x64xf32, #tpu.memory_space<vmem>>
      %dma_start3A_370 = arith.constant 0 : i32
      %dma_start3A_371 = tpu.memref_slice %arg5[%squeeze3A_365, %dma_start3A_370] : memref<1000000x64xf32, #tpu.memory_space<hbm>> -> memref<1x64xf32, #tpu.memory_space<hbm>>
      %dma_start3A_372 = arith.constant 0 : i32
      %dma_start3A_373 = tpu.memref_slice %arg13[%add3A_367, %dma_start3A_372] : memref<512x64xf32, #tpu.memory_space<vmem>> -> memref<1x64xf32, #tpu.memory_space<vmem>>
      %dma_start3A_374 = arith.constant 0 : i32
      %dma_start3A_375 = tpu.memref_slice %arg5[%squeeze3A_365, %dma_start3A_374] : memref<1000000x64xf32, #tpu.memory_space<hbm>> -> memref<1x64xf32, #tpu.memory_space<hbm>>
      tpu.enqueue_dma source(%dma_start3A_375 : memref<1x64xf32, #tpu.memory_space<hbm>>) target(%dma_start3A_373 : memref<1x64xf32, #tpu.memory_space<vmem>>) target_semaphore(%arg14 : memref<!tpu.dma_semaphore, #tpu.memory_space<semaphore_mem>>)
      %slice3A_376 = vector.extract_strided_slice %get3A_245 {offsets = [11], sizes = [1], strides = [1]} : vector<16xi32> to vector<1xi32>
      %squeeze3A_377 = vector.extract %slice3A_376[0] : i32 from vector<1xi32>
      %add3A_378 = arith.constant 11 : i32
      %add3A_379 = arith.addi %add3A_244, %add3A_378 : i32
      %dma_start3A_380 = arith.constant 0 : i32
      %dma_start3A_381 = tpu.memref_slice %arg13[%add3A_379, %dma_start3A_380] : memref<512x64xf32, #tpu.memory_space<vmem>> -> memref<1x64xf32, #tpu.memory_space<vmem>>
      %dma_start3A_382 = arith.constant 0 : i32
      %dma_start3A_383 = tpu.memref_slice %arg5[%squeeze3A_377, %dma_start3A_382] : memref<1000000x64xf32, #tpu.memory_space<hbm>> -> memref<1x64xf32, #tpu.memory_space<hbm>>
      %dma_start3A_384 = arith.constant 0 : i32
      %dma_start3A_385 = tpu.memref_slice %arg13[%add3A_379, %dma_start3A_384] : memref<512x64xf32, #tpu.memory_space<vmem>> -> memref<1x64xf32, #tpu.memory_space<vmem>>
      %dma_start3A_386 = arith.constant 0 : i32
      %dma_start3A_387 = tpu.memref_slice %arg5[%squeeze3A_377, %dma_start3A_386] : memref<1000000x64xf32, #tpu.memory_space<hbm>> -> memref<1x64xf32, #tpu.memory_space<hbm>>
      tpu.enqueue_dma source(%dma_start3A_387 : memref<1x64xf32, #tpu.memory_space<hbm>>) target(%dma_start3A_385 : memref<1x64xf32, #tpu.memory_space<vmem>>) target_semaphore(%arg14 : memref<!tpu.dma_semaphore, #tpu.memory_space<semaphore_mem>>)
      %slice3A_388 = vector.extract_strided_slice %get3A_245 {offsets = [12], sizes = [1], strides = [1]} : vector<16xi32> to vector<1xi32>
      %squeeze3A_389 = vector.extract %slice3A_388[0] : i32 from vector<1xi32>
      %add3A_390 = arith.constant 12 : i32
      %add3A_391 = arith.addi %add3A_244, %add3A_390 : i32
      %dma_start3A_392 = arith.constant 0 : i32
      %dma_start3A_393 = tpu.memref_slice %arg13[%add3A_391, %dma_start3A_392] : memref<512x64xf32, #tpu.memory_space<vmem>> -> memref<1x64xf32, #tpu.memory_space<vmem>>
      %dma_start3A_394 = arith.constant 0 : i32
      %dma_start3A_395 = tpu.memref_slice %arg5[%squeeze3A_389, %dma_start3A_394] : memref<1000000x64xf32, #tpu.memory_space<hbm>> -> memref<1x64xf32, #tpu.memory_space<hbm>>
      %dma_start3A_396 = arith.constant 0 : i32
      %dma_start3A_397 = tpu.memref_slice %arg13[%add3A_391, %dma_start3A_396] : memref<512x64xf32, #tpu.memory_space<vmem>> -> memref<1x64xf32, #tpu.memory_space<vmem>>
      %dma_start3A_398 = arith.constant 0 : i32
      %dma_start3A_399 = tpu.memref_slice %arg5[%squeeze3A_389, %dma_start3A_398] : memref<1000000x64xf32, #tpu.memory_space<hbm>> -> memref<1x64xf32, #tpu.memory_space<hbm>>
      tpu.enqueue_dma source(%dma_start3A_399 : memref<1x64xf32, #tpu.memory_space<hbm>>) target(%dma_start3A_397 : memref<1x64xf32, #tpu.memory_space<vmem>>) target_semaphore(%arg14 : memref<!tpu.dma_semaphore, #tpu.memory_space<semaphore_mem>>)
      %slice3A_400 = vector.extract_strided_slice %get3A_245 {offsets = [13], sizes = [1], strides = [1]} : vector<16xi32> to vector<1xi32>
      %squeeze3A_401 = vector.extract %slice3A_400[0] : i32 from vector<1xi32>
      %add3A_402 = arith.constant 13 : i32
      %add3A_403 = arith.addi %add3A_244, %add3A_402 : i32
      %dma_start3A_404 = arith.constant 0 : i32
      %dma_start3A_405 = tpu.memref_slice %arg13[%add3A_403, %dma_start3A_404] : memref<512x64xf32, #tpu.memory_space<vmem>> -> memref<1x64xf32, #tpu.memory_space<vmem>>
      %dma_start3A_406 = arith.constant 0 : i32
      %dma_start3A_407 = tpu.memref_slice %arg5[%squeeze3A_401, %dma_start3A_406] : memref<1000000x64xf32, #tpu.memory_space<hbm>> -> memref<1x64xf32, #tpu.memory_space<hbm>>
      %dma_start3A_408 = arith.constant 0 : i32
      %dma_start3A_409 = tpu.memref_slice %arg13[%add3A_403, %dma_start3A_408] : memref<512x64xf32, #tpu.memory_space<vmem>> -> memref<1x64xf32, #tpu.memory_space<vmem>>
      %dma_start3A_410 = arith.constant 0 : i32
      %dma_start3A_411 = tpu.memref_slice %arg5[%squeeze3A_401, %dma_start3A_410] : memref<1000000x64xf32, #tpu.memory_space<hbm>> -> memref<1x64xf32, #tpu.memory_space<hbm>>
      tpu.enqueue_dma source(%dma_start3A_411 : memref<1x64xf32, #tpu.memory_space<hbm>>) target(%dma_start3A_409 : memref<1x64xf32, #tpu.memory_space<vmem>>) target_semaphore(%arg14 : memref<!tpu.dma_semaphore, #tpu.memory_space<semaphore_mem>>)
      %slice3A_412 = vector.extract_strided_slice %get3A_245 {offsets = [14], sizes = [1], strides = [1]} : vector<16xi32> to vector<1xi32>
      %squeeze3A_413 = vector.extract %slice3A_412[0] : i32 from vector<1xi32>
      %add3A_414 = arith.constant 14 : i32
      %add3A_415 = arith.addi %add3A_244, %add3A_414 : i32
      %dma_start3A_416 = arith.constant 0 : i32
      %dma_start3A_417 = tpu.memref_slice %arg13[%add3A_415, %dma_start3A_416] : memref<512x64xf32, #tpu.memory_space<vmem>> -> memref<1x64xf32, #tpu.memory_space<vmem>>
      %dma_start3A_418 = arith.constant 0 : i32
      %dma_start3A_419 = tpu.memref_slice %arg5[%squeeze3A_413, %dma_start3A_418] : memref<1000000x64xf32, #tpu.memory_space<hbm>> -> memref<1x64xf32, #tpu.memory_space<hbm>>
      %dma_start3A_420 = arith.constant 0 : i32
      %dma_start3A_421 = tpu.memref_slice %arg13[%add3A_415, %dma_start3A_420] : memref<512x64xf32, #tpu.memory_space<vmem>> -> memref<1x64xf32, #tpu.memory_space<vmem>>
      %dma_start3A_422 = arith.constant 0 : i32
      %dma_start3A_423 = tpu.memref_slice %arg5[%squeeze3A_413, %dma_start3A_422] : memref<1000000x64xf32, #tpu.memory_space<hbm>> -> memref<1x64xf32, #tpu.memory_space<hbm>>
      tpu.enqueue_dma source(%dma_start3A_423 : memref<1x64xf32, #tpu.memory_space<hbm>>) target(%dma_start3A_421 : memref<1x64xf32, #tpu.memory_space<vmem>>) target_semaphore(%arg14 : memref<!tpu.dma_semaphore, #tpu.memory_space<semaphore_mem>>)
      %slice3A_424 = vector.extract_strided_slice %get3A_245 {offsets = [15], sizes = [1], strides = [1]} : vector<16xi32> to vector<1xi32>
      %squeeze3A_425 = vector.extract %slice3A_424[0] : i32 from vector<1xi32>
      %add3A_426 = arith.constant 15 : i32
      %add3A_427 = arith.addi %add3A_244, %add3A_426 : i32
      %dma_start3A_428 = arith.constant 0 : i32
      %dma_start3A_429 = tpu.memref_slice %arg13[%add3A_427, %dma_start3A_428] : memref<512x64xf32, #tpu.memory_space<vmem>> -> memref<1x64xf32, #tpu.memory_space<vmem>>
      %dma_start3A_430 = arith.constant 0 : i32
      %dma_start3A_431 = tpu.memref_slice %arg5[%squeeze3A_425, %dma_start3A_430] : memref<1000000x64xf32, #tpu.memory_space<hbm>> -> memref<1x64xf32, #tpu.memory_space<hbm>>
      %dma_start3A_432 = arith.constant 0 : i32
      %dma_start3A_433 = tpu.memref_slice %arg13[%add3A_427, %dma_start3A_432] : memref<512x64xf32, #tpu.memory_space<vmem>> -> memref<1x64xf32, #tpu.memory_space<vmem>>
      %dma_start3A_434 = arith.constant 0 : i32
      %dma_start3A_435 = tpu.memref_slice %arg5[%squeeze3A_425, %dma_start3A_434] : memref<1000000x64xf32, #tpu.memory_space<hbm>> -> memref<1x64xf32, #tpu.memory_space<hbm>>
      tpu.enqueue_dma source(%dma_start3A_435 : memref<1x64xf32, #tpu.memory_space<hbm>>) target(%dma_start3A_433 : memref<1x64xf32, #tpu.memory_space<vmem>>) target_semaphore(%arg14 : memref<!tpu.dma_semaphore, #tpu.memory_space<semaphore_mem>>)
    }
    %scan3A_7 = arith.constant 8 : i32
    %dma_wait3A = arith.constant 0 : i32
    %dma_wait3A_8 = arith.constant 0 : i32
    %dma_wait3A_9 = tpu.memref_slice %arg13[%dma_wait3A, %dma_wait3A_8] : memref<512x64xf32, #tpu.memory_space<vmem>> -> memref<128x64xf32, #tpu.memory_space<vmem>>
    %dma_wait3A_10 = arith.constant 0 : i32
    %dma_wait3A_11 = arith.constant 0 : i32
    %dma_wait3A_12 = tpu.memref_slice %arg5[%dma_wait3A_10, %dma_wait3A_11] : memref<1000000x64xf32, #tpu.memory_space<hbm>> -> memref<128x64xf32, #tpu.memory_space<hbm>>
    %dma_wait3A_13 = arith.constant 0 : i32
    %dma_wait3A_14 = arith.constant 0 : i32
    %dma_wait3A_15 = tpu.memref_slice %arg13[%dma_wait3A_13, %dma_wait3A_14] : memref<512x64xf32, #tpu.memory_space<vmem>> -> memref<128x64xf32, #tpu.memory_space<vmem>>
    %dma_wait3A_16 = arith.constant 0 : i32
    %dma_wait3A_17 = arith.constant 0 : i32
    %dma_wait3A_18 = tpu.memref_slice %arg5[%dma_wait3A_16, %dma_wait3A_17] : memref<1000000x64xf32, #tpu.memory_space<hbm>> -> memref<128x64xf32, #tpu.memory_space<hbm>>
    tpu.wait_dma2 semaphore(%arg14 : memref<!tpu.dma_semaphore, #tpu.memory_space<semaphore_mem>>) src(%dma_wait3A_18 : memref<128x64xf32, #tpu.memory_space<hbm>>) dst(%dma_wait3A_15 : memref<128x64xf32, #tpu.memory_space<vmem>>)
    %scan3A_19 = arith.constant 0 : i32
    %scan3A_20 = arith.constant 0 : i32
    %scan3A_21 = arith.constant 8 : i32
    %scan3A_22 = arith.addi %scan3A_20, %scan3A_21 : i32
    %scan3A_23 = arith.constant 1 : i32
    scf.for %scan3A_240 = %scan3A_20 to %scan3A_22 step %scan3A_23  : i32 {
      %mul3A_241 = arith.constant 16 : i32
      %mul3A_242 = arith.muli %scan3A_240, %mul3A_241 : i32
      %add3A_243 = arith.constant 128 : i32
      %add3A_244 = arith.addi %add3A_243, %mul3A_242 : i32
      %get3A = arith.index_cast %add3A_244 : i32 to index
      %get3A_245 = tpu.vector_load %arg10[%get3A] {strides = array<i32>} : memref<512xi32, #tpu.memory_space<vmem>>, vector<16xi32>,
      %slice3A = vector.extract_strided_slice %get3A_245 {offsets = [0], sizes = [1], strides = [1]} : vector<16xi32> to vector<1xi32>
      %squeeze3A = vector.extract %slice3A[0] : i32 from vector<1xi32>
      %add3A_246 = arith.constant 0 : i32
      %add3A_247 = arith.addi %add3A_244, %add3A_246 : i32
      %dma_start3A_248 = arith.constant 0 : i32
      %dma_start3A_249 = tpu.memref_slice %arg13[%add3A_247, %dma_start3A_248] : memref<512x64xf32, #tpu.memory_space<vmem>> -> memref<1x64xf32, #tpu.memory_space<vmem>>
      %dma_start3A_250 = arith.constant 0 : i32
      %dma_start3A_251 = tpu.memref_slice %arg5[%squeeze3A, %dma_start3A_250] : memref<1000000x64xf32, #tpu.memory_space<hbm>> -> memref<1x64xf32, #tpu.memory_space<hbm>>
      %dma_start3A_252 = arith.constant 0 : i32
      %dma_start3A_253 = tpu.memref_slice %arg13[%add3A_247, %dma_start3A_252] : memref<512x64xf32, #tpu.memory_space<vmem>> -> memref<1x64xf32, #tpu.memory_space<vmem>>
      %dma_start3A_254 = arith.constant 0 : i32
      %dma_start3A_255 = tpu.memref_slice %arg5[%squeeze3A, %dma_start3A_254] : memref<1000000x64xf32, #tpu.memory_space<hbm>> -> memref<1x64xf32, #tpu.memory_space<hbm>>
      tpu.enqueue_dma source(%dma_start3A_255 : memref<1x64xf32, #tpu.memory_space<hbm>>) target(%dma_start3A_253 : memref<1x64xf32, #tpu.memory_space<vmem>>) target_semaphore(%arg14 : memref<!tpu.dma_semaphore, #tpu.memory_space<semaphore_mem>>)
      %slice3A_256 = vector.extract_strided_slice %get3A_245 {offsets = [1], sizes = [1], strides = [1]} : vector<16xi32> to vector<1xi32>
      %squeeze3A_257 = vector.extract %slice3A_256[0] : i32 from vector<1xi32>
      %add3A_258 = arith.constant 1 : i32
      %add3A_259 = arith.addi %add3A_244, %add3A_258 : i32
      %dma_start3A_260 = arith.constant 0 : i32
      %dma_start3A_261 = tpu.memref_slice %arg13[%add3A_259, %dma_start3A_260] : memref<512x64xf32, #tpu.memory_space<vmem>> -> memref<1x64xf32, #tpu.memory_space<vmem>>
      %dma_start3A_262 = arith.constant 0 : i32
      %dma_start3A_263 = tpu.memref_slice %arg5[%squeeze3A_257, %dma_start3A_262] : memref<1000000x64xf32, #tpu.memory_space<hbm>> -> memref<1x64xf32, #tpu.memory_space<hbm>>
      %dma_start3A_264 = arith.constant 0 : i32
      %dma_start3A_265 = tpu.memref_slice %arg13[%add3A_259, %dma_start3A_264] : memref<512x64xf32, #tpu.memory_space<vmem>> -> memref<1x64xf32, #tpu.memory_space<vmem>>
      %dma_start3A_266 = arith.constant 0 : i32
      %dma_start3A_267 = tpu.memref_slice %arg5[%squeeze3A_257, %dma_start3A_266] : memref<1000000x64xf32, #tpu.memory_space<hbm>> -> memref<1x64xf32, #tpu.memory_space<hbm>>
      tpu.enqueue_dma source(%dma_start3A_267 : memref<1x64xf32, #tpu.memory_space<hbm>>) target(%dma_start3A_265 : memref<1x64xf32, #tpu.memory_space<vmem>>) target_semaphore(%arg14 : memref<!tpu.dma_semaphore, #tpu.memory_space<semaphore_mem>>)
      %slice3A_268 = vector.extract_strided_slice %get3A_245 {offsets = [2], sizes = [1], strides = [1]} : vector<16xi32> to vector<1xi32>
      %squeeze3A_269 = vector.extract %slice3A_268[0] : i32 from vector<1xi32>
      %add3A_270 = arith.constant 2 : i32
      %add3A_271 = arith.addi %add3A_244, %add3A_270 : i32
      %dma_start3A_272 = arith.constant 0 : i32
      %dma_start3A_273 = tpu.memref_slice %arg13[%add3A_271, %dma_start3A_272] : memref<512x64xf32, #tpu.memory_space<vmem>> -> memref<1x64xf32, #tpu.memory_space<vmem>>
      %dma_start3A_274 = arith.constant 0 : i32
      %dma_start3A_275 = tpu.memref_slice %arg5[%squeeze3A_269, %dma_start3A_274] : memref<1000000x64xf32, #tpu.memory_space<hbm>> -> memref<1x64xf32, #tpu.memory_space<hbm>>
      %dma_start3A_276 = arith.constant 0 : i32
      %dma_start3A_277 = tpu.memref_slice %arg13[%add3A_271, %dma_start3A_276] : memref<512x64xf32, #tpu.memory_space<vmem>> -> memref<1x64xf32, #tpu.memory_space<vmem>>
      %dma_start3A_278 = arith.constant 0 : i32
      %dma_start3A_279 = tpu.memref_slice %arg5[%squeeze3A_269, %dma_start3A_278] : memref<1000000x64xf32, #tpu.memory_space<hbm>> -> memref<1x64xf32, #tpu.memory_space<hbm>>
      tpu.enqueue_dma source(%dma_start3A_279 : memref<1x64xf32, #tpu.memory_space<hbm>>) target(%dma_start3A_277 : memref<1x64xf32, #tpu.memory_space<vmem>>) target_semaphore(%arg14 : memref<!tpu.dma_semaphore, #tpu.memory_space<semaphore_mem>>)
      %slice3A_280 = vector.extract_strided_slice %get3A_245 {offsets = [3], sizes = [1], strides = [1]} : vector<16xi32> to vector<1xi32>
      %squeeze3A_281 = vector.extract %slice3A_280[0] : i32 from vector<1xi32>
      %add3A_282 = arith.constant 3 : i32
      %add3A_283 = arith.addi %add3A_244, %add3A_282 : i32
      %dma_start3A_284 = arith.constant 0 : i32
      %dma_start3A_285 = tpu.memref_slice %arg13[%add3A_283, %dma_start3A_284] : memref<512x64xf32, #tpu.memory_space<vmem>> -> memref<1x64xf32, #tpu.memory_space<vmem>>
      %dma_start3A_286 = arith.constant 0 : i32
      %dma_start3A_287 = tpu.memref_slice %arg5[%squeeze3A_281, %dma_start3A_286] : memref<1000000x64xf32, #tpu.memory_space<hbm>> -> memref<1x64xf32, #tpu.memory_space<hbm>>
      %dma_start3A_288 = arith.constant 0 : i32
      %dma_start3A_289 = tpu.memref_slice %arg13[%add3A_283, %dma_start3A_288] : memref<512x64xf32, #tpu.memory_space<vmem>> -> memref<1x64xf32, #tpu.memory_space<vmem>>
      %dma_start3A_290 = arith.constant 0 : i32
      %dma_start3A_291 = tpu.memref_slice %arg5[%squeeze3A_281, %dma_start3A_290] : memref<1000000x64xf32, #tpu.memory_space<hbm>> -> memref<1x64xf32, #tpu.memory_space<hbm>>
      tpu.enqueue_dma source(%dma_start3A_291 : memref<1x64xf32, #tpu.memory_space<hbm>>) target(%dma_start3A_289 : memref<1x64xf32, #tpu.memory_space<vmem>>) target_semaphore(%arg14 : memref<!tpu.dma_semaphore, #tpu.memory_space<semaphore_mem>>)
      %slice3A_292 = vector.extract_strided_slice %get3A_245 {offsets = [4], sizes = [1], strides = [1]} : vector<16xi32> to vector<1xi32>
      %squeeze3A_293 = vector.extract %slice3A_292[0] : i32 from vector<1xi32>
      %add3A_294 = arith.constant 4 : i32
      %add3A_295 = arith.addi %add3A_244, %add3A_294 : i32
      %dma_start3A_296 = arith.constant 0 : i32
      %dma_start3A_297 = tpu.memref_slice %arg13[%add3A_295, %dma_start3A_296] : memref<512x64xf32, #tpu.memory_space<vmem>> -> memref<1x64xf32, #tpu.memory_space<vmem>>
      %dma_start3A_298 = arith.constant 0 : i32
      %dma_start3A_299 = tpu.memref_slice %arg5[%squeeze3A_293, %dma_start3A_298] : memref<1000000x64xf32, #tpu.memory_space<hbm>> -> memref<1x64xf32, #tpu.memory_space<hbm>>
      %dma_start3A_300 = arith.constant 0 : i32
      %dma_start3A_301 = tpu.memref_slice %arg13[%add3A_295, %dma_start3A_300] : memref<512x64xf32, #tpu.memory_space<vmem>> -> memref<1x64xf32, #tpu.memory_space<vmem>>
      %dma_start3A_302 = arith.constant 0 : i32
      %dma_start3A_303 = tpu.memref_slice %arg5[%squeeze3A_293, %dma_start3A_302] : memref<1000000x64xf32, #tpu.memory_space<hbm>> -> memref<1x64xf32, #tpu.memory_space<hbm>>
      tpu.enqueue_dma source(%dma_start3A_303 : memref<1x64xf32, #tpu.memory_space<hbm>>) target(%dma_start3A_301 : memref<1x64xf32, #tpu.memory_space<vmem>>) target_semaphore(%arg14 : memref<!tpu.dma_semaphore, #tpu.memory_space<semaphore_mem>>)
      %slice3A_304 = vector.extract_strided_slice %get3A_245 {offsets = [5], sizes = [1], strides = [1]} : vector<16xi32> to vector<1xi32>
      %squeeze3A_305 = vector.extract %slice3A_304[0] : i32 from vector<1xi32>
      %add3A_306 = arith.constant 5 : i32
      %add3A_307 = arith.addi %add3A_244, %add3A_306 : i32
      %dma_start3A_308 = arith.constant 0 : i32
      %dma_start3A_309 = tpu.memref_slice %arg13[%add3A_307, %dma_start3A_308] : memref<512x64xf32, #tpu.memory_space<vmem>> -> memref<1x64xf32, #tpu.memory_space<vmem>>
      %dma_start3A_310 = arith.constant 0 : i32
      %dma_start3A_311 = tpu.memref_slice %arg5[%squeeze3A_305, %dma_start3A_310] : memref<1000000x64xf32, #tpu.memory_space<hbm>> -> memref<1x64xf32, #tpu.memory_space<hbm>>
      %dma_start3A_312 = arith.constant 0 : i32
      %dma_start3A_313 = tpu.memref_slice %arg13[%add3A_307, %dma_start3A_312] : memref<512x64xf32, #tpu.memory_space<vmem>> -> memref<1x64xf32, #tpu.memory_space<vmem>>
      %dma_start3A_314 = arith.constant 0 : i32
      %dma_start3A_315 = tpu.memref_slice %arg5[%squeeze3A_305, %dma_start3A_314] : memref<1000000x64xf32, #tpu.memory_space<hbm>> -> memref<1x64xf32, #tpu.memory_space<hbm>>
      tpu.enqueue_dma source(%dma_start3A_315 : memref<1x64xf32, #tpu.memory_space<hbm>>) target(%dma_start3A_313 : memref<1x64xf32, #tpu.memory_space<vmem>>) target_semaphore(%arg14 : memref<!tpu.dma_semaphore, #tpu.memory_space<semaphore_mem>>)
      %slice3A_316 = vector.extract_strided_slice %get3A_245 {offsets = [6], sizes = [1], strides = [1]} : vector<16xi32> to vector<1xi32>
      %squeeze3A_317 = vector.extract %slice3A_316[0] : i32 from vector<1xi32>
      %add3A_318 = arith.constant 6 : i32
      %add3A_319 = arith.addi %add3A_244, %add3A_318 : i32
      %dma_start3A_320 = arith.constant 0 : i32
      %dma_start3A_321 = tpu.memref_slice %arg13[%add3A_319, %dma_start3A_320] : memref<512x64xf32, #tpu.memory_space<vmem>> -> memref<1x64xf32, #tpu.memory_space<vmem>>
      %dma_start3A_322 = arith.constant 0 : i32
      %dma_start3A_323 = tpu.memref_slice %arg5[%squeeze3A_317, %dma_start3A_322] : memref<1000000x64xf32, #tpu.memory_space<hbm>> -> memref<1x64xf32, #tpu.memory_space<hbm>>
      %dma_start3A_324 = arith.constant 0 : i32
      %dma_start3A_325 = tpu.memref_slice %arg13[%add3A_319, %dma_start3A_324] : memref<512x64xf32, #tpu.memory_space<vmem>> -> memref<1x64xf32, #tpu.memory_space<vmem>>
      %dma_start3A_326 = arith.constant 0 : i32
      %dma_start3A_327 = tpu.memref_slice %arg5[%squeeze3A_317, %dma_start3A_326] : memref<1000000x64xf32, #tpu.memory_space<hbm>> -> memref<1x64xf32, #tpu.memory_space<hbm>>
      tpu.enqueue_dma source(%dma_start3A_327 : memref<1x64xf32, #tpu.memory_space<hbm>>) target(%dma_start3A_325 : memref<1x64xf32, #tpu.memory_space<vmem>>) target_semaphore(%arg14 : memref<!tpu.dma_semaphore, #tpu.memory_space<semaphore_mem>>)
      %slice3A_328 = vector.extract_strided_slice %get3A_245 {offsets = [7], sizes = [1], strides = [1]} : vector<16xi32> to vector<1xi32>
      %squeeze3A_329 = vector.extract %slice3A_328[0] : i32 from vector<1xi32>
      %add3A_330 = arith.constant 7 : i32
      %add3A_331 = arith.addi %add3A_244, %add3A_330 : i32
      %dma_start3A_332 = arith.constant 0 : i32
      %dma_start3A_333 = tpu.memref_slice %arg13[%add3A_331, %dma_start3A_332] : memref<512x64xf32, #tpu.memory_space<vmem>> -> memref<1x64xf32, #tpu.memory_space<vmem>>
      %dma_start3A_334 = arith.constant 0 : i32
      %dma_start3A_335 = tpu.memref_slice %arg5[%squeeze3A_329, %dma_start3A_334] : memref<1000000x64xf32, #tpu.memory_space<hbm>> -> memref<1x64xf32, #tpu.memory_space<hbm>>
      %dma_start3A_336 = arith.constant 0 : i32
      %dma_start3A_337 = tpu.memref_slice %arg13[%add3A_331, %dma_start3A_336] : memref<512x64xf32, #tpu.memory_space<vmem>> -> memref<1x64xf32, #tpu.memory_space<vmem>>
      %dma_start3A_338 = arith.constant 0 : i32
      %dma_start3A_339 = tpu.memref_slice %arg5[%squeeze3A_329, %dma_start3A_338] : memref<1000000x64xf32, #tpu.memory_space<hbm>> -> memref<1x64xf32, #tpu.memory_space<hbm>>
      tpu.enqueue_dma source(%dma_start3A_339 : memref<1x64xf32, #tpu.memory_space<hbm>>) target(%dma_start3A_337 : memref<1x64xf32, #tpu.memory_space<vmem>>) target_semaphore(%arg14 : memref<!tpu.dma_semaphore, #tpu.memory_space<semaphore_mem>>)
      %slice3A_340 = vector.extract_strided_slice %get3A_245 {offsets = [8], sizes = [1], strides = [1]} : vector<16xi32> to vector<1xi32>
      %squeeze3A_341 = vector.extract %slice3A_340[0] : i32 from vector<1xi32>
      %add3A_342 = arith.constant 8 : i32
      %add3A_343 = arith.addi %add3A_244, %add3A_342 : i32
      %dma_start3A_344 = arith.constant 0 : i32
      %dma_start3A_345 = tpu.memref_slice %arg13[%add3A_343, %dma_start3A_344] : memref<512x64xf32, #tpu.memory_space<vmem>> -> memref<1x64xf32, #tpu.memory_space<vmem>>
      %dma_start3A_346 = arith.constant 0 : i32
      %dma_start3A_347 = tpu.memref_slice %arg5[%squeeze3A_341, %dma_start3A_346] : memref<1000000x64xf32, #tpu.memory_space<hbm>> -> memref<1x64xf32, #tpu.memory_space<hbm>>
      %dma_start3A_348 = arith.constant 0 : i32
      %dma_start3A_349 = tpu.memref_slice %arg13[%add3A_343, %dma_start3A_348] : memref<512x64xf32, #tpu.memory_space<vmem>> -> memref<1x64xf32, #tpu.memory_space<vmem>>
      %dma_start3A_350 = arith.constant 0 : i32
      %dma_start3A_351 = tpu.memref_slice %arg5[%squeeze3A_341, %dma_start3A_350] : memref<1000000x64xf32, #tpu.memory_space<hbm>> -> memref<1x64xf32, #tpu.memory_space<hbm>>
      tpu.enqueue_dma source(%dma_start3A_351 : memref<1x64xf32, #tpu.memory_space<hbm>>) target(%dma_start3A_349 : memref<1x64xf32, #tpu.memory_space<vmem>>) target_semaphore(%arg14 : memref<!tpu.dma_semaphore, #tpu.memory_space<semaphore_mem>>)
      %slice3A_352 = vector.extract_strided_slice %get3A_245 {offsets = [9], sizes = [1], strides = [1]} : vector<16xi32> to vector<1xi32>
      %squeeze3A_353 = vector.extract %slice3A_352[0] : i32 from vector<1xi32>
      %add3A_354 = arith.constant 9 : i32
      %add3A_355 = arith.addi %add3A_244, %add3A_354 : i32
      %dma_start3A_356 = arith.constant 0 : i32
      %dma_start3A_357 = tpu.memref_slice %arg13[%add3A_355, %dma_start3A_356] : memref<512x64xf32, #tpu.memory_space<vmem>> -> memref<1x64xf32, #tpu.memory_space<vmem>>
      %dma_start3A_358 = arith.constant 0 : i32
      %dma_start3A_359 = tpu.memref_slice %arg5[%squeeze3A_353, %dma_start3A_358] : memref<1000000x64xf32, #tpu.memory_space<hbm>> -> memref<1x64xf32, #tpu.memory_space<hbm>>
      %dma_start3A_360 = arith.constant 0 : i32
      %dma_start3A_361 = tpu.memref_slice %arg13[%add3A_355, %dma_start3A_360] : memref<512x64xf32, #tpu.memory_space<vmem>> -> memref<1x64xf32, #tpu.memory_space<vmem>>
      %dma_start3A_362 = arith.constant 0 : i32
      %dma_start3A_363 = tpu.memref_slice %arg5[%squeeze3A_353, %dma_start3A_362] : memref<1000000x64xf32, #tpu.memory_space<hbm>> -> memref<1x64xf32, #tpu.memory_space<hbm>>
      tpu.enqueue_dma source(%dma_start3A_363 : memref<1x64xf32, #tpu.memory_space<hbm>>) target(%dma_start3A_361 : memref<1x64xf32, #tpu.memory_space<vmem>>) target_semaphore(%arg14 : memref<!tpu.dma_semaphore, #tpu.memory_space<semaphore_mem>>)
      %slice3A_364 = vector.extract_strided_slice %get3A_245 {offsets = [10], sizes = [1], strides = [1]} : vector<16xi32> to vector<1xi32>
      %squeeze3A_365 = vector.extract %slice3A_364[0] : i32 from vector<1xi32>
      %add3A_366 = arith.constant 10 : i32
      %add3A_367 = arith.addi %add3A_244, %add3A_366 : i32
      %dma_start3A_368 = arith.constant 0 : i32
      %dma_start3A_369 = tpu.memref_slice %arg13[%add3A_367, %dma_start3A_368] : memref<512x64xf32, #tpu.memory_space<vmem>> -> memref<1x64xf32, #tpu.memory_space<vmem>>
      %dma_start3A_370 = arith.constant 0 : i32
      %dma_start3A_371 = tpu.memref_slice %arg5[%squeeze3A_365, %dma_start3A_370] : memref<1000000x64xf32, #tpu.memory_space<hbm>> -> memref<1x64xf32, #tpu.memory_space<hbm>>
      %dma_start3A_372 = arith.constant 0 : i32
      %dma_start3A_373 = tpu.memref_slice %arg13[%add3A_367, %dma_start3A_372] : memref<512x64xf32, #tpu.memory_space<vmem>> -> memref<1x64xf32, #tpu.memory_space<vmem>>
      %dma_start3A_374 = arith.constant 0 : i32
      %dma_start3A_375 = tpu.memref_slice %arg5[%squeeze3A_365, %dma_start3A_374] : memref<1000000x64xf32, #tpu.memory_space<hbm>> -> memref<1x64xf32, #tpu.memory_space<hbm>>
      tpu.enqueue_dma source(%dma_start3A_375 : memref<1x64xf32, #tpu.memory_space<hbm>>) target(%dma_start3A_373 : memref<1x64xf32, #tpu.memory_space<vmem>>) target_semaphore(%arg14 : memref<!tpu.dma_semaphore, #tpu.memory_space<semaphore_mem>>)
      %slice3A_376 = vector.extract_strided_slice %get3A_245 {offsets = [11], sizes = [1], strides = [1]} : vector<16xi32> to vector<1xi32>
      %squeeze3A_377 = vector.extract %slice3A_376[0] : i32 from vector<1xi32>
      %add3A_378 = arith.constant 11 : i32
      %add3A_379 = arith.addi %add3A_244, %add3A_378 : i32
      %dma_start3A_380 = arith.constant 0 : i32
      %dma_start3A_381 = tpu.memref_slice %arg13[%add3A_379, %dma_start3A_380] : memref<512x64xf32, #tpu.memory_space<vmem>> -> memref<1x64xf32, #tpu.memory_space<vmem>>
      %dma_start3A_382 = arith.constant 0 : i32
      %dma_start3A_383 = tpu.memref_slice %arg5[%squeeze3A_377, %dma_start3A_382] : memref<1000000x64xf32, #tpu.memory_space<hbm>> -> memref<1x64xf32, #tpu.memory_space<hbm>>
      %dma_start3A_384 = arith.constant 0 : i32
      %dma_start3A_385 = tpu.memref_slice %arg13[%add3A_379, %dma_start3A_384] : memref<512x64xf32, #tpu.memory_space<vmem>> -> memref<1x64xf32, #tpu.memory_space<vmem>>
      %dma_start3A_386 = arith.constant 0 : i32
      %dma_start3A_387 = tpu.memref_slice %arg5[%squeeze3A_377, %dma_start3A_386] : memref<1000000x64xf32, #tpu.memory_space<hbm>> -> memref<1x64xf32, #tpu.memory_space<hbm>>
      tpu.enqueue_dma source(%dma_start3A_387 : memref<1x64xf32, #tpu.memory_space<hbm>>) target(%dma_start3A_385 : memref<1x64xf32, #tpu.memory_space<vmem>>) target_semaphore(%arg14 : memref<!tpu.dma_semaphore, #tpu.memory_space<semaphore_mem>>)
      %slice3A_388 = vector.extract_strided_slice %get3A_245 {offsets = [12], sizes = [1], strides = [1]} : vector<16xi32> to vector<1xi32>
      %squeeze3A_389 = vector.extract %slice3A_388[0] : i32 from vector<1xi32>
      %add3A_390 = arith.constant 12 : i32
      %add3A_391 = arith.addi %add3A_244, %add3A_390 : i32
      %dma_start3A_392 = arith.constant 0 : i32
      %dma_start3A_393 = tpu.memref_slice %arg13[%add3A_391, %dma_start3A_392] : memref<512x64xf32, #tpu.memory_space<vmem>> -> memref<1x64xf32, #tpu.memory_space<vmem>>
      %dma_start3A_394 = arith.constant 0 : i32
      %dma_start3A_395 = tpu.memref_slice %arg5[%squeeze3A_389, %dma_start3A_394] : memref<1000000x64xf32, #tpu.memory_space<hbm>> -> memref<1x64xf32, #tpu.memory_space<hbm>>
      %dma_start3A_396 = arith.constant 0 : i32
      %dma_start3A_397 = tpu.memref_slice %arg13[%add3A_391, %dma_start3A_396] : memref<512x64xf32, #tpu.memory_space<vmem>> -> memref<1x64xf32, #tpu.memory_space<vmem>>
      %dma_start3A_398 = arith.constant 0 : i32
      %dma_start3A_399 = tpu.memref_slice %arg5[%squeeze3A_389, %dma_start3A_398] : memref<1000000x64xf32, #tpu.memory_space<hbm>> -> memref<1x64xf32, #tpu.memory_space<hbm>>
      tpu.enqueue_dma source(%dma_start3A_399 : memref<1x64xf32, #tpu.memory_space<hbm>>) target(%dma_start3A_397 : memref<1x64xf32, #tpu.memory_space<vmem>>) target_semaphore(%arg14 : memref<!tpu.dma_semaphore, #tpu.memory_space<semaphore_mem>>)
      %slice3A_400 = vector.extract_strided_slice %get3A_245 {offsets = [13], sizes = [1], strides = [1]} : vector<16xi32> to vector<1xi32>
      %squeeze3A_401 = vector.extract %slice3A_400[0] : i32 from vector<1xi32>
      %add3A_402 = arith.constant 13 : i32
      %add3A_403 = arith.addi %add3A_244, %add3A_402 : i32
      %dma_start3A_404 = arith.constant 0 : i32
      %dma_start3A_405 = tpu.memref_slice %arg13[%add3A_403, %dma_start3A_404] : memref<512x64xf32, #tpu.memory_space<vmem>> -> memref<1x64xf32, #tpu.memory_space<vmem>>
      %dma_start3A_406 = arith.constant 0 : i32
      %dma_start3A_407 = tpu.memref_slice %arg5[%squeeze3A_401, %dma_start3A_406] : memref<1000000x64xf32, #tpu.memory_space<hbm>> -> memref<1x64xf32, #tpu.memory_space<hbm>>
      %dma_start3A_408 = arith.constant 0 : i32
      %dma_start3A_409 = tpu.memref_slice %arg13[%add3A_403, %dma_start3A_408] : memref<512x64xf32, #tpu.memory_space<vmem>> -> memref<1x64xf32, #tpu.memory_space<vmem>>
      %dma_start3A_410 = arith.constant 0 : i32
      %dma_start3A_411 = tpu.memref_slice %arg5[%squeeze3A_401, %dma_start3A_410] : memref<1000000x64xf32, #tpu.memory_space<hbm>> -> memref<1x64xf32, #tpu.memory_space<hbm>>
      tpu.enqueue_dma source(%dma_start3A_411 : memref<1x64xf32, #tpu.memory_space<hbm>>) target(%dma_start3A_409 : memref<1x64xf32, #tpu.memory_space<vmem>>) target_semaphore(%arg14 : memref<!tpu.dma_semaphore, #tpu.memory_space<semaphore_mem>>)
      %slice3A_412 = vector.extract_strided_slice %get3A_245 {offsets = [14], sizes = [1], strides = [1]} : vector<16xi32> to vector<1xi32>
      %squeeze3A_413 = vector.extract %slice3A_412[0] : i32 from vector<1xi32>
      %add3A_414 = arith.constant 14 : i32
      %add3A_415 = arith.addi %add3A_244, %add3A_414 : i32
      %dma_start3A_416 = arith.constant 0 : i32
      %dma_start3A_417 = tpu.memref_slice %arg13[%add3A_415, %dma_start3A_416] : memref<512x64xf32, #tpu.memory_space<vmem>> -> memref<1x64xf32, #tpu.memory_space<vmem>>
      %dma_start3A_418 = arith.constant 0 : i32
      %dma_start3A_419 = tpu.memref_slice %arg5[%squeeze3A_413, %dma_start3A_418] : memref<1000000x64xf32, #tpu.memory_space<hbm>> -> memref<1x64xf32, #tpu.memory_space<hbm>>
      %dma_start3A_420 = arith.constant 0 : i32
      %dma_start3A_421 = tpu.memref_slice %arg13[%add3A_415, %dma_start3A_420] : memref<512x64xf32, #tpu.memory_space<vmem>> -> memref<1x64xf32, #tpu.memory_space<vmem>>
      %dma_start3A_422 = arith.constant 0 : i32
      %dma_start3A_423 = tpu.memref_slice %arg5[%squeeze3A_413, %dma_start3A_422] : memref<1000000x64xf32, #tpu.memory_space<hbm>> -> memref<1x64xf32, #tpu.memory_space<hbm>>
      tpu.enqueue_dma source(%dma_start3A_423 : memref<1x64xf32, #tpu.memory_space<hbm>>) target(%dma_start3A_421 : memref<1x64xf32, #tpu.memory_space<vmem>>) target_semaphore(%arg14 : memref<!tpu.dma_semaphore, #tpu.memory_space<semaphore_mem>>)
      %slice3A_424 = vector.extract_strided_slice %get3A_245 {offsets = [15], sizes = [1], strides = [1]} : vector<16xi32> to vector<1xi32>
      %squeeze3A_425 = vector.extract %slice3A_424[0] : i32 from vector<1xi32>
      %add3A_426 = arith.constant 15 : i32
      %add3A_427 = arith.addi %add3A_244, %add3A_426 : i32
      %dma_start3A_428 = arith.constant 0 : i32
      %dma_start3A_429 = tpu.memref_slice %arg13[%add3A_427, %dma_start3A_428] : memref<512x64xf32, #tpu.memory_space<vmem>> -> memref<1x64xf32, #tpu.memory_space<vmem>>
      %dma_start3A_430 = arith.constant 0 : i32
      %dma_start3A_431 = tpu.memref_slice %arg5[%squeeze3A_425, %dma_start3A_430] : memref<1000000x64xf32, #tpu.memory_space<hbm>> -> memref<1x64xf32, #tpu.memory_space<hbm>>
      %dma_start3A_432 = arith.constant 0 : i32
      %dma_start3A_433 = tpu.memref_slice %arg13[%add3A_427, %dma_start3A_432] : memref<512x64xf32, #tpu.memory_space<vmem>> -> memref<1x64xf32, #tpu.memory_space<vmem>>
      %dma_start3A_434 = arith.constant 0 : i32
      %dma_start3A_435 = tpu.memref_slice %arg5[%squeeze3A_425, %dma_start3A_434] : memref<1000000x64xf32, #tpu.memory_space<hbm>> -> memref<1x64xf32, #tpu.memory_space<hbm>>
      tpu.enqueue_dma source(%dma_start3A_435 : memref<1x64xf32, #tpu.memory_space<hbm>>) target(%dma_start3A_433 : memref<1x64xf32, #tpu.memory_space<vmem>>) target_semaphore(%arg14 : memref<!tpu.dma_semaphore, #tpu.memory_space<semaphore_mem>>)
    }
    %scan3A_24 = arith.constant 8 : i32
    %dma_wait3A_25 = arith.constant 128 : i32
    %dma_wait3A_26 = arith.constant 0 : i32
    %dma_wait3A_27 = tpu.memref_slice %arg13[%dma_wait3A_25, %dma_wait3A_26] : memref<512x64xf32, #tpu.memory_space<vmem>> -> memref<128x64xf32, #tpu.memory_space<vmem>>
    %dma_wait3A_28 = arith.constant 0 : i32
    %dma_wait3A_29 = arith.constant 0 : i32
    %dma_wait3A_30 = tpu.memref_slice %arg5[%dma_wait3A_28, %dma_wait3A_29] : memref<1000000x64xf32, #tpu.memory_space<hbm>> -> memref<128x64xf32, #tpu.memory_space<hbm>>
    %dma_wait3A_31 = arith.constant 128 : i32
    %dma_wait3A_32 = arith.constant 0 : i32
    %dma_wait3A_33 = tpu.memref_slice %arg13[%dma_wait3A_31, %dma_wait3A_32] : memref<512x64xf32, #tpu.memory_space<vmem>> -> memref<128x64xf32, #tpu.memory_space<vmem>>
    %dma_wait3A_34 = arith.constant 0 : i32
    %dma_wait3A_35 = arith.constant 0 : i32
    %dma_wait3A_36 = tpu.memref_slice %arg5[%dma_wait3A_34, %dma_wait3A_35] : memref<1000000x64xf32, #tpu.memory_space<hbm>> -> memref<128x64xf32, #tpu.memory_space<hbm>>
    tpu.wait_dma2 semaphore(%arg14 : memref<!tpu.dma_semaphore, #tpu.memory_space<semaphore_mem>>) src(%dma_wait3A_36 : memref<128x64xf32, #tpu.memory_space<hbm>>) dst(%dma_wait3A_33 : memref<128x64xf32, #tpu.memory_space<vmem>>)
    %scan3A_37 = arith.constant 0 : i32
    %scan3A_38 = arith.constant 0 : i32
    %scan3A_39 = arith.constant 8 : i32
    %scan3A_40 = arith.addi %scan3A_38, %scan3A_39 : i32
    %scan3A_41 = arith.constant 1 : i32
    scf.for %scan3A_240 = %scan3A_38 to %scan3A_40 step %scan3A_41  : i32 {
      %mul3A_241 = arith.constant 16 : i32
      %mul3A_242 = arith.muli %scan3A_240, %mul3A_241 : i32
      %add3A_243 = arith.constant 256 : i32
      %add3A_244 = arith.addi %add3A_243, %mul3A_242 : i32
      %get3A = arith.index_cast %add3A_244 : i32 to index
      %get3A_245 = tpu.vector_load %arg10[%get3A] {strides = array<i32>} : memref<512xi32, #tpu.memory_space<vmem>>, vector<16xi32>,
      %slice3A = vector.extract_strided_slice %get3A_245 {offsets = [0], sizes = [1], strides = [1]} : vector<16xi32> to vector<1xi32>
      %squeeze3A = vector.extract %slice3A[0] : i32 from vector<1xi32>
      %add3A_246 = arith.constant 0 : i32
      %add3A_247 = arith.addi %add3A_244, %add3A_246 : i32
      %dma_start3A_248 = arith.constant 0 : i32
      %dma_start3A_249 = tpu.memref_slice %arg13[%add3A_247, %dma_start3A_248] : memref<512x64xf32, #tpu.memory_space<vmem>> -> memref<1x64xf32, #tpu.memory_space<vmem>>
      %dma_start3A_250 = arith.constant 0 : i32
      %dma_start3A_251 = tpu.memref_slice %arg5[%squeeze3A, %dma_start3A_250] : memref<1000000x64xf32, #tpu.memory_space<hbm>> -> memref<1x64xf32, #tpu.memory_space<hbm>>
      %dma_start3A_252 = arith.constant 0 : i32
      %dma_start3A_253 = tpu.memref_slice %arg13[%add3A_247, %dma_start3A_252] : memref<512x64xf32, #tpu.memory_space<vmem>> -> memref<1x64xf32, #tpu.memory_space<vmem>>
      %dma_start3A_254 = arith.constant 0 : i32
      %dma_start3A_255 = tpu.memref_slice %arg5[%squeeze3A, %dma_start3A_254] : memref<1000000x64xf32, #tpu.memory_space<hbm>> -> memref<1x64xf32, #tpu.memory_space<hbm>>
      tpu.enqueue_dma source(%dma_start3A_255 : memref<1x64xf32, #tpu.memory_space<hbm>>) target(%dma_start3A_253 : memref<1x64xf32, #tpu.memory_space<vmem>>) target_semaphore(%arg14 : memref<!tpu.dma_semaphore, #tpu.memory_space<semaphore_mem>>)
      %slice3A_256 = vector.extract_strided_slice %get3A_245 {offsets = [1], sizes = [1], strides = [1]} : vector<16xi32> to vector<1xi32>
      %squeeze3A_257 = vector.extract %slice3A_256[0] : i32 from vector<1xi32>
      %add3A_258 = arith.constant 1 : i32
      %add3A_259 = arith.addi %add3A_244, %add3A_258 : i32
      %dma_start3A_260 = arith.constant 0 : i32
      %dma_start3A_261 = tpu.memref_slice %arg13[%add3A_259, %dma_start3A_260] : memref<512x64xf32, #tpu.memory_space<vmem>> -> memref<1x64xf32, #tpu.memory_space<vmem>>
      %dma_start3A_262 = arith.constant 0 : i32
      %dma_start3A_263 = tpu.memref_slice %arg5[%squeeze3A_257, %dma_start3A_262] : memref<1000000x64xf32, #tpu.memory_space<hbm>> -> memref<1x64xf32, #tpu.memory_space<hbm>>
      %dma_start3A_264 = arith.constant 0 : i32
      %dma_start3A_265 = tpu.memref_slice %arg13[%add3A_259, %dma_start3A_264] : memref<512x64xf32, #tpu.memory_space<vmem>> -> memref<1x64xf32, #tpu.memory_space<vmem>>
      %dma_start3A_266 = arith.constant 0 : i32
      %dma_start3A_267 = tpu.memref_slice %arg5[%squeeze3A_257, %dma_start3A_266] : memref<1000000x64xf32, #tpu.memory_space<hbm>> -> memref<1x64xf32, #tpu.memory_space<hbm>>
      tpu.enqueue_dma source(%dma_start3A_267 : memref<1x64xf32, #tpu.memory_space<hbm>>) target(%dma_start3A_265 : memref<1x64xf32, #tpu.memory_space<vmem>>) target_semaphore(%arg14 : memref<!tpu.dma_semaphore, #tpu.memory_space<semaphore_mem>>)
      %slice3A_268 = vector.extract_strided_slice %get3A_245 {offsets = [2], sizes = [1], strides = [1]} : vector<16xi32> to vector<1xi32>
      %squeeze3A_269 = vector.extract %slice3A_268[0] : i32 from vector<1xi32>
      %add3A_270 = arith.constant 2 : i32
      %add3A_271 = arith.addi %add3A_244, %add3A_270 : i32
      %dma_start3A_272 = arith.constant 0 : i32
      %dma_start3A_273 = tpu.memref_slice %arg13[%add3A_271, %dma_start3A_272] : memref<512x64xf32, #tpu.memory_space<vmem>> -> memref<1x64xf32, #tpu.memory_space<vmem>>
      %dma_start3A_274 = arith.constant 0 : i32
      %dma_start3A_275 = tpu.memref_slice %arg5[%squeeze3A_269, %dma_start3A_274] : memref<1000000x64xf32, #tpu.memory_space<hbm>> -> memref<1x64xf32, #tpu.memory_space<hbm>>
      %dma_start3A_276 = arith.constant 0 : i32
      %dma_start3A_277 = tpu.memref_slice %arg13[%add3A_271, %dma_start3A_276] : memref<512x64xf32, #tpu.memory_space<vmem>> -> memref<1x64xf32, #tpu.memory_space<vmem>>
      %dma_start3A_278 = arith.constant 0 : i32
      %dma_start3A_279 = tpu.memref_slice %arg5[%squeeze3A_269, %dma_start3A_278] : memref<1000000x64xf32, #tpu.memory_space<hbm>> -> memref<1x64xf32, #tpu.memory_space<hbm>>
      tpu.enqueue_dma source(%dma_start3A_279 : memref<1x64xf32, #tpu.memory_space<hbm>>) target(%dma_start3A_277 : memref<1x64xf32, #tpu.memory_space<vmem>>) target_semaphore(%arg14 : memref<!tpu.dma_semaphore, #tpu.memory_space<semaphore_mem>>)
      %slice3A_280 = vector.extract_strided_slice %get3A_245 {offsets = [3], sizes = [1], strides = [1]} : vector<16xi32> to vector<1xi32>
      %squeeze3A_281 = vector.extract %slice3A_280[0] : i32 from vector<1xi32>
      %add3A_282 = arith.constant 3 : i32
      %add3A_283 = arith.addi %add3A_244, %add3A_282 : i32
      %dma_start3A_284 = arith.constant 0 : i32
      %dma_start3A_285 = tpu.memref_slice %arg13[%add3A_283, %dma_start3A_284] : memref<512x64xf32, #tpu.memory_space<vmem>> -> memref<1x64xf32, #tpu.memory_space<vmem>>
      %dma_start3A_286 = arith.constant 0 : i32
      %dma_start3A_287 = tpu.memref_slice %arg5[%squeeze3A_281, %dma_start3A_286] : memref<1000000x64xf32, #tpu.memory_space<hbm>> -> memref<1x64xf32, #tpu.memory_space<hbm>>
      %dma_start3A_288 = arith.constant 0 : i32
      %dma_start3A_289 = tpu.memref_slice %arg13[%add3A_283, %dma_start3A_288] : memref<512x64xf32, #tpu.memory_space<vmem>> -> memref<1x64xf32, #tpu.memory_space<vmem>>
      %dma_start3A_290 = arith.constant 0 : i32
      %dma_start3A_291 = tpu.memref_slice %arg5[%squeeze3A_281, %dma_start3A_290] : memref<1000000x64xf32, #tpu.memory_space<hbm>> -> memref<1x64xf32, #tpu.memory_space<hbm>>
      tpu.enqueue_dma source(%dma_start3A_291 : memref<1x64xf32, #tpu.memory_space<hbm>>) target(%dma_start3A_289 : memref<1x64xf32, #tpu.memory_space<vmem>>) target_semaphore(%arg14 : memref<!tpu.dma_semaphore, #tpu.memory_space<semaphore_mem>>)
      %slice3A_292 = vector.extract_strided_slice %get3A_245 {offsets = [4], sizes = [1], strides = [1]} : vector<16xi32> to vector<1xi32>
      %squeeze3A_293 = vector.extract %slice3A_292[0] : i32 from vector<1xi32>
      %add3A_294 = arith.constant 4 : i32
      %add3A_295 = arith.addi %add3A_244, %add3A_294 : i32
      %dma_start3A_296 = arith.constant 0 : i32
      %dma_start3A_297 = tpu.memref_slice %arg13[%add3A_295, %dma_start3A_296] : memref<512x64xf32, #tpu.memory_space<vmem>> -> memref<1x64xf32, #tpu.memory_space<vmem>>
      %dma_start3A_298 = arith.constant 0 : i32
      %dma_start3A_299 = tpu.memref_slice %arg5[%squeeze3A_293, %dma_start3A_298] : memref<1000000x64xf32, #tpu.memory_space<hbm>> -> memref<1x64xf32, #tpu.memory_space<hbm>>
      %dma_start3A_300 = arith.constant 0 : i32
      %dma_start3A_301 = tpu.memref_slice %arg13[%add3A_295, %dma_start3A_300] : memref<512x64xf32, #tpu.memory_space<vmem>> -> memref<1x64xf32, #tpu.memory_space<vmem>>
      %dma_start3A_302 = arith.constant 0 : i32
      %dma_start3A_303 = tpu.memref_slice %arg5[%squeeze3A_293, %dma_start3A_302] : memref<1000000x64xf32, #tpu.memory_space<hbm>> -> memref<1x64xf32, #tpu.memory_space<hbm>>
      tpu.enqueue_dma source(%dma_start3A_303 : memref<1x64xf32, #tpu.memory_space<hbm>>) target(%dma_start3A_301 : memref<1x64xf32, #tpu.memory_space<vmem>>) target_semaphore(%arg14 : memref<!tpu.dma_semaphore, #tpu.memory_space<semaphore_mem>>)
      %slice3A_304 = vector.extract_strided_slice %get3A_245 {offsets = [5], sizes = [1], strides = [1]} : vector<16xi32> to vector<1xi32>
      %squeeze3A_305 = vector.extract %slice3A_304[0] : i32 from vector<1xi32>
      %add3A_306 = arith.constant 5 : i32
      %add3A_307 = arith.addi %add3A_244, %add3A_306 : i32
      %dma_start3A_308 = arith.constant 0 : i32
      %dma_start3A_309 = tpu.memref_slice %arg13[%add3A_307, %dma_start3A_308] : memref<512x64xf32, #tpu.memory_space<vmem>> -> memref<1x64xf32, #tpu.memory_space<vmem>>
      %dma_start3A_310 = arith.constant 0 : i32
      %dma_start3A_311 = tpu.memref_slice %arg5[%squeeze3A_305, %dma_start3A_310] : memref<1000000x64xf32, #tpu.memory_space<hbm>> -> memref<1x64xf32, #tpu.memory_space<hbm>>
      %dma_start3A_312 = arith.constant 0 : i32
      %dma_start3A_313 = tpu.memref_slice %arg13[%add3A_307, %dma_start3A_312] : memref<512x64xf32, #tpu.memory_space<vmem>> -> memref<1x64xf32, #tpu.memory_space<vmem>>
      %dma_start3A_314 = arith.constant 0 : i32
      %dma_start3A_315 = tpu.memref_slice %arg5[%squeeze3A_305, %dma_start3A_314] : memref<1000000x64xf32, #tpu.memory_space<hbm>> -> memref<1x64xf32, #tpu.memory_space<hbm>>
      tpu.enqueue_dma source(%dma_start3A_315 : memref<1x64xf32, #tpu.memory_space<hbm>>) target(%dma_start3A_313 : memref<1x64xf32, #tpu.memory_space<vmem>>) target_semaphore(%arg14 : memref<!tpu.dma_semaphore, #tpu.memory_space<semaphore_mem>>)
      %slice3A_316 = vector.extract_strided_slice %get3A_245 {offsets = [6], sizes = [1], strides = [1]} : vector<16xi32> to vector<1xi32>
      %squeeze3A_317 = vector.extract %slice3A_316[0] : i32 from vector<1xi32>
      %add3A_318 = arith.constant 6 : i32
      %add3A_319 = arith.addi %add3A_244, %add3A_318 : i32
      %dma_start3A_320 = arith.constant 0 : i32
      %dma_start3A_321 = tpu.memref_slice %arg13[%add3A_319, %dma_start3A_320] : memref<512x64xf32, #tpu.memory_space<vmem>> -> memref<1x64xf32, #tpu.memory_space<vmem>>
      %dma_start3A_322 = arith.constant 0 : i32
      %dma_start3A_323 = tpu.memref_slice %arg5[%squeeze3A_317, %dma_start3A_322] : memref<1000000x64xf32, #tpu.memory_space<hbm>> -> memref<1x64xf32, #tpu.memory_space<hbm>>
      %dma_start3A_324 = arith.constant 0 : i32
      %dma_start3A_325 = tpu.memref_slice %arg13[%add3A_319, %dma_start3A_324] : memref<512x64xf32, #tpu.memory_space<vmem>> -> memref<1x64xf32, #tpu.memory_space<vmem>>
      %dma_start3A_326 = arith.constant 0 : i32
      %dma_start3A_327 = tpu.memref_slice %arg5[%squeeze3A_317, %dma_start3A_326] : memref<1000000x64xf32, #tpu.memory_space<hbm>> -> memref<1x64xf32, #tpu.memory_space<hbm>>
      tpu.enqueue_dma source(%dma_start3A_327 : memref<1x64xf32, #tpu.memory_space<hbm>>) target(%dma_start3A_325 : memref<1x64xf32, #tpu.memory_space<vmem>>) target_semaphore(%arg14 : memref<!tpu.dma_semaphore, #tpu.memory_space<semaphore_mem>>)
      %slice3A_328 = vector.extract_strided_slice %get3A_245 {offsets = [7], sizes = [1], strides = [1]} : vector<16xi32> to vector<1xi32>
      %squeeze3A_329 = vector.extract %slice3A_328[0] : i32 from vector<1xi32>
      %add3A_330 = arith.constant 7 : i32
      %add3A_331 = arith.addi %add3A_244, %add3A_330 : i32
      %dma_start3A_332 = arith.constant 0 : i32
      %dma_start3A_333 = tpu.memref_slice %arg13[%add3A_331, %dma_start3A_332] : memref<512x64xf32, #tpu.memory_space<vmem>> -> memref<1x64xf32, #tpu.memory_space<vmem>>
      %dma_start3A_334 = arith.constant 0 : i32
      %dma_start3A_335 = tpu.memref_slice %arg5[%squeeze3A_329, %dma_start3A_334] : memref<1000000x64xf32, #tpu.memory_space<hbm>> -> memref<1x64xf32, #tpu.memory_space<hbm>>
      %dma_start3A_336 = arith.constant 0 : i32
      %dma_start3A_337 = tpu.memref_slice %arg13[%add3A_331, %dma_start3A_336] : memref<512x64xf32, #tpu.memory_space<vmem>> -> memref<1x64xf32, #tpu.memory_space<vmem>>
      %dma_start3A_338 = arith.constant 0 : i32
      %dma_start3A_339 = tpu.memref_slice %arg5[%squeeze3A_329, %dma_start3A_338] : memref<1000000x64xf32, #tpu.memory_space<hbm>> -> memref<1x64xf32, #tpu.memory_space<hbm>>
      tpu.enqueue_dma source(%dma_start3A_339 : memref<1x64xf32, #tpu.memory_space<hbm>>) target(%dma_start3A_337 : memref<1x64xf32, #tpu.memory_space<vmem>>) target_semaphore(%arg14 : memref<!tpu.dma_semaphore, #tpu.memory_space<semaphore_mem>>)
      %slice3A_340 = vector.extract_strided_slice %get3A_245 {offsets = [8], sizes = [1], strides = [1]} : vector<16xi32> to vector<1xi32>
      %squeeze3A_341 = vector.extract %slice3A_340[0] : i32 from vector<1xi32>
      %add3A_342 = arith.constant 8 : i32
      %add3A_343 = arith.addi %add3A_244, %add3A_342 : i32
      %dma_start3A_344 = arith.constant 0 : i32
      %dma_start3A_345 = tpu.memref_slice %arg13[%add3A_343, %dma_start3A_344] : memref<512x64xf32, #tpu.memory_space<vmem>> -> memref<1x64xf32, #tpu.memory_space<vmem>>
      %dma_start3A_346 = arith.constant 0 : i32
      %dma_start3A_347 = tpu.memref_slice %arg5[%squeeze3A_341, %dma_start3A_346] : memref<1000000x64xf32, #tpu.memory_space<hbm>> -> memref<1x64xf32, #tpu.memory_space<hbm>>
      %dma_start3A_348 = arith.constant 0 : i32
      %dma_start3A_349 = tpu.memref_slice %arg13[%add3A_343, %dma_start3A_348] : memref<512x64xf32, #tpu.memory_space<vmem>> -> memref<1x64xf32, #tpu.memory_space<vmem>>
      %dma_start3A_350 = arith.constant 0 : i32
      %dma_start3A_351 = tpu.memref_slice %arg5[%squeeze3A_341, %dma_start3A_350] : memref<1000000x64xf32, #tpu.memory_space<hbm>> -> memref<1x64xf32, #tpu.memory_space<hbm>>
      tpu.enqueue_dma source(%dma_start3A_351 : memref<1x64xf32, #tpu.memory_space<hbm>>) target(%dma_start3A_349 : memref<1x64xf32, #tpu.memory_space<vmem>>) target_semaphore(%arg14 : memref<!tpu.dma_semaphore, #tpu.memory_space<semaphore_mem>>)
      %slice3A_352 = vector.extract_strided_slice %get3A_245 {offsets = [9], sizes = [1], strides = [1]} : vector<16xi32> to vector<1xi32>
      %squeeze3A_353 = vector.extract %slice3A_352[0] : i32 from vector<1xi32>
      %add3A_354 = arith.constant 9 : i32
      %add3A_355 = arith.addi %add3A_244, %add3A_354 : i32
      %dma_start3A_356 = arith.constant 0 : i32
      %dma_start3A_357 = tpu.memref_slice %arg13[%add3A_355, %dma_start3A_356] : memref<512x64xf32, #tpu.memory_space<vmem>> -> memref<1x64xf32, #tpu.memory_space<vmem>>
      %dma_start3A_358 = arith.constant 0 : i32
      %dma_start3A_359 = tpu.memref_slice %arg5[%squeeze3A_353, %dma_start3A_358] : memref<1000000x64xf32, #tpu.memory_space<hbm>> -> memref<1x64xf32, #tpu.memory_space<hbm>>
      %dma_start3A_360 = arith.constant 0 : i32
      %dma_start3A_361 = tpu.memref_slice %arg13[%add3A_355, %dma_start3A_360] : memref<512x64xf32, #tpu.memory_space<vmem>> -> memref<1x64xf32, #tpu.memory_space<vmem>>
      %dma_start3A_362 = arith.constant 0 : i32
      %dma_start3A_363 = tpu.memref_slice %arg5[%squeeze3A_353, %dma_start3A_362] : memref<1000000x64xf32, #tpu.memory_space<hbm>> -> memref<1x64xf32, #tpu.memory_space<hbm>>
      tpu.enqueue_dma source(%dma_start3A_363 : memref<1x64xf32, #tpu.memory_space<hbm>>) target(%dma_start3A_361 : memref<1x64xf32, #tpu.memory_space<vmem>>) target_semaphore(%arg14 : memref<!tpu.dma_semaphore, #tpu.memory_space<semaphore_mem>>)
      %slice3A_364 = vector.extract_strided_slice %get3A_245 {offsets = [10], sizes = [1], strides = [1]} : vector<16xi32> to vector<1xi32>
      %squeeze3A_365 = vector.extract %slice3A_364[0] : i32 from vector<1xi32>
      %add3A_366 = arith.constant 10 : i32
      %add3A_367 = arith.addi %add3A_244, %add3A_366 : i32
      %dma_start3A_368 = arith.constant 0 : i32
      %dma_start3A_369 = tpu.memref_slice %arg13[%add3A_367, %dma_start3A_368] : memref<512x64xf32, #tpu.memory_space<vmem>> -> memref<1x64xf32, #tpu.memory_space<vmem>>
      %dma_start3A_370 = arith.constant 0 : i32
      %dma_start3A_371 = tpu.memref_slice %arg5[%squeeze3A_365, %dma_start3A_370] : memref<1000000x64xf32, #tpu.memory_space<hbm>> -> memref<1x64xf32, #tpu.memory_space<hbm>>
      %dma_start3A_372 = arith.constant 0 : i32
      %dma_start3A_373 = tpu.memref_slice %arg13[%add3A_367, %dma_start3A_372] : memref<512x64xf32, #tpu.memory_space<vmem>> -> memref<1x64xf32, #tpu.memory_space<vmem>>
      %dma_start3A_374 = arith.constant 0 : i32
      %dma_start3A_375 = tpu.memref_slice %arg5[%squeeze3A_365, %dma_start3A_374] : memref<1000000x64xf32, #tpu.memory_space<hbm>> -> memref<1x64xf32, #tpu.memory_space<hbm>>
      tpu.enqueue_dma source(%dma_start3A_375 : memref<1x64xf32, #tpu.memory_space<hbm>>) target(%dma_start3A_373 : memref<1x64xf32, #tpu.memory_space<vmem>>) target_semaphore(%arg14 : memref<!tpu.dma_semaphore, #tpu.memory_space<semaphore_mem>>)
      %slice3A_376 = vector.extract_strided_slice %get3A_245 {offsets = [11], sizes = [1], strides = [1]} : vector<16xi32> to vector<1xi32>
      %squeeze3A_377 = vector.extract %slice3A_376[0] : i32 from vector<1xi32>
      %add3A_378 = arith.constant 11 : i32
      %add3A_379 = arith.addi %add3A_244, %add3A_378 : i32
      %dma_start3A_380 = arith.constant 0 : i32
      %dma_start3A_381 = tpu.memref_slice %arg13[%add3A_379, %dma_start3A_380] : memref<512x64xf32, #tpu.memory_space<vmem>> -> memref<1x64xf32, #tpu.memory_space<vmem>>
      %dma_start3A_382 = arith.constant 0 : i32
      %dma_start3A_383 = tpu.memref_slice %arg5[%squeeze3A_377, %dma_start3A_382] : memref<1000000x64xf32, #tpu.memory_space<hbm>> -> memref<1x64xf32, #tpu.memory_space<hbm>>
      %dma_start3A_384 = arith.constant 0 : i32
      %dma_start3A_385 = tpu.memref_slice %arg13[%add3A_379, %dma_start3A_384] : memref<512x64xf32, #tpu.memory_space<vmem>> -> memref<1x64xf32, #tpu.memory_space<vmem>>
      %dma_start3A_386 = arith.constant 0 : i32
      %dma_start3A_387 = tpu.memref_slice %arg5[%squeeze3A_377, %dma_start3A_386] : memref<1000000x64xf32, #tpu.memory_space<hbm>> -> memref<1x64xf32, #tpu.memory_space<hbm>>
      tpu.enqueue_dma source(%dma_start3A_387 : memref<1x64xf32, #tpu.memory_space<hbm>>) target(%dma_start3A_385 : memref<1x64xf32, #tpu.memory_space<vmem>>) target_semaphore(%arg14 : memref<!tpu.dma_semaphore, #tpu.memory_space<semaphore_mem>>)
      %slice3A_388 = vector.extract_strided_slice %get3A_245 {offsets = [12], sizes = [1], strides = [1]} : vector<16xi32> to vector<1xi32>
      %squeeze3A_389 = vector.extract %slice3A_388[0] : i32 from vector<1xi32>
      %add3A_390 = arith.constant 12 : i32
      %add3A_391 = arith.addi %add3A_244, %add3A_390 : i32
      %dma_start3A_392 = arith.constant 0 : i32
      %dma_start3A_393 = tpu.memref_slice %arg13[%add3A_391, %dma_start3A_392] : memref<512x64xf32, #tpu.memory_space<vmem>> -> memref<1x64xf32, #tpu.memory_space<vmem>>
      %dma_start3A_394 = arith.constant 0 : i32
      %dma_start3A_395 = tpu.memref_slice %arg5[%squeeze3A_389, %dma_start3A_394] : memref<1000000x64xf32, #tpu.memory_space<hbm>> -> memref<1x64xf32, #tpu.memory_space<hbm>>
      %dma_start3A_396 = arith.constant 0 : i32
      %dma_start3A_397 = tpu.memref_slice %arg13[%add3A_391, %dma_start3A_396] : memref<512x64xf32, #tpu.memory_space<vmem>> -> memref<1x64xf32, #tpu.memory_space<vmem>>
      %dma_start3A_398 = arith.constant 0 : i32
      %dma_start3A_399 = tpu.memref_slice %arg5[%squeeze3A_389, %dma_start3A_398] : memref<1000000x64xf32, #tpu.memory_space<hbm>> -> memref<1x64xf32, #tpu.memory_space<hbm>>
      tpu.enqueue_dma source(%dma_start3A_399 : memref<1x64xf32, #tpu.memory_space<hbm>>) target(%dma_start3A_397 : memref<1x64xf32, #tpu.memory_space<vmem>>) target_semaphore(%arg14 : memref<!tpu.dma_semaphore, #tpu.memory_space<semaphore_mem>>)
      %slice3A_400 = vector.extract_strided_slice %get3A_245 {offsets = [13], sizes = [1], strides = [1]} : vector<16xi32> to vector<1xi32>
      %squeeze3A_401 = vector.extract %slice3A_400[0] : i32 from vector<1xi32>
      %add3A_402 = arith.constant 13 : i32
      %add3A_403 = arith.addi %add3A_244, %add3A_402 : i32
      %dma_start3A_404 = arith.constant 0 : i32
      %dma_start3A_405 = tpu.memref_slice %arg13[%add3A_403, %dma_start3A_404] : memref<512x64xf32, #tpu.memory_space<vmem>> -> memref<1x64xf32, #tpu.memory_space<vmem>>
      %dma_start3A_406 = arith.constant 0 : i32
      %dma_start3A_407 = tpu.memref_slice %arg5[%squeeze3A_401, %dma_start3A_406] : memref<1000000x64xf32, #tpu.memory_space<hbm>> -> memref<1x64xf32, #tpu.memory_space<hbm>>
      %dma_start3A_408 = arith.constant 0 : i32
      %dma_start3A_409 = tpu.memref_slice %arg13[%add3A_403, %dma_start3A_408] : memref<512x64xf32, #tpu.memory_space<vmem>> -> memref<1x64xf32, #tpu.memory_space<vmem>>
      %dma_start3A_410 = arith.constant 0 : i32
      %dma_start3A_411 = tpu.memref_slice %arg5[%squeeze3A_401, %dma_start3A_410] : memref<1000000x64xf32, #tpu.memory_space<hbm>> -> memref<1x64xf32, #tpu.memory_space<hbm>>
      tpu.enqueue_dma source(%dma_start3A_411 : memref<1x64xf32, #tpu.memory_space<hbm>>) target(%dma_start3A_409 : memref<1x64xf32, #tpu.memory_space<vmem>>) target_semaphore(%arg14 : memref<!tpu.dma_semaphore, #tpu.memory_space<semaphore_mem>>)
      %slice3A_412 = vector.extract_strided_slice %get3A_245 {offsets = [14], sizes = [1], strides = [1]} : vector<16xi32> to vector<1xi32>
      %squeeze3A_413 = vector.extract %slice3A_412[0] : i32 from vector<1xi32>
      %add3A_414 = arith.constant 14 : i32
      %add3A_415 = arith.addi %add3A_244, %add3A_414 : i32
      %dma_start3A_416 = arith.constant 0 : i32
      %dma_start3A_417 = tpu.memref_slice %arg13[%add3A_415, %dma_start3A_416] : memref<512x64xf32, #tpu.memory_space<vmem>> -> memref<1x64xf32, #tpu.memory_space<vmem>>
      %dma_start3A_418 = arith.constant 0 : i32
      %dma_start3A_419 = tpu.memref_slice %arg5[%squeeze3A_413, %dma_start3A_418] : memref<1000000x64xf32, #tpu.memory_space<hbm>> -> memref<1x64xf32, #tpu.memory_space<hbm>>
      %dma_start3A_420 = arith.constant 0 : i32
      %dma_start3A_421 = tpu.memref_slice %arg13[%add3A_415, %dma_start3A_420] : memref<512x64xf32, #tpu.memory_space<vmem>> -> memref<1x64xf32, #tpu.memory_space<vmem>>
      %dma_start3A_422 = arith.constant 0 : i32
      %dma_start3A_423 = tpu.memref_slice %arg5[%squeeze3A_413, %dma_start3A_422] : memref<1000000x64xf32, #tpu.memory_space<hbm>> -> memref<1x64xf32, #tpu.memory_space<hbm>>
      tpu.enqueue_dma source(%dma_start3A_423 : memref<1x64xf32, #tpu.memory_space<hbm>>) target(%dma_start3A_421 : memref<1x64xf32, #tpu.memory_space<vmem>>) target_semaphore(%arg14 : memref<!tpu.dma_semaphore, #tpu.memory_space<semaphore_mem>>)
      %slice3A_424 = vector.extract_strided_slice %get3A_245 {offsets = [15], sizes = [1], strides = [1]} : vector<16xi32> to vector<1xi32>
      %squeeze3A_425 = vector.extract %slice3A_424[0] : i32 from vector<1xi32>
      %add3A_426 = arith.constant 15 : i32
      %add3A_427 = arith.addi %add3A_244, %add3A_426 : i32
      %dma_start3A_428 = arith.constant 0 : i32
      %dma_start3A_429 = tpu.memref_slice %arg13[%add3A_427, %dma_start3A_428] : memref<512x64xf32, #tpu.memory_space<vmem>> -> memref<1x64xf32, #tpu.memory_space<vmem>>
      %dma_start3A_430 = arith.constant 0 : i32
      %dma_start3A_431 = tpu.memref_slice %arg5[%squeeze3A_425, %dma_start3A_430] : memref<1000000x64xf32, #tpu.memory_space<hbm>> -> memref<1x64xf32, #tpu.memory_space<hbm>>
      %dma_start3A_432 = arith.constant 0 : i32
      %dma_start3A_433 = tpu.memref_slice %arg13[%add3A_427, %dma_start3A_432] : memref<512x64xf32, #tpu.memory_space<vmem>> -> memref<1x64xf32, #tpu.memory_space<vmem>>
      %dma_start3A_434 = arith.constant 0 : i32
      %dma_start3A_435 = tpu.memref_slice %arg5[%squeeze3A_425, %dma_start3A_434] : memref<1000000x64xf32, #tpu.memory_space<hbm>> -> memref<1x64xf32, #tpu.memory_space<hbm>>
      tpu.enqueue_dma source(%dma_start3A_435 : memref<1x64xf32, #tpu.memory_space<hbm>>) target(%dma_start3A_433 : memref<1x64xf32, #tpu.memory_space<vmem>>) target_semaphore(%arg14 : memref<!tpu.dma_semaphore, #tpu.memory_space<semaphore_mem>>)
    }
    %scan3A_42 = arith.constant 8 : i32
    %dma_wait3A_43 = arith.constant 256 : i32
    %dma_wait3A_44 = arith.constant 0 : i32
    %dma_wait3A_45 = tpu.memref_slice %arg13[%dma_wait3A_43, %dma_wait3A_44] : memref<512x64xf32, #tpu.memory_space<vmem>> -> memref<128x64xf32, #tpu.memory_space<vmem>>
    %dma_wait3A_46 = arith.constant 0 : i32
    %dma_wait3A_47 = arith.constant 0 : i32
    %dma_wait3A_48 = tpu.memref_slice %arg5[%dma_wait3A_46, %dma_wait3A_47] : memref<1000000x64xf32, #tpu.memory_space<hbm>> -> memref<128x64xf32, #tpu.memory_space<hbm>>
    %dma_wait3A_49 = arith.constant 256 : i32
    %dma_wait3A_50 = arith.constant 0 : i32
    %dma_wait3A_51 = tpu.memref_slice %arg13[%dma_wait3A_49, %dma_wait3A_50] : memref<512x64xf32, #tpu.memory_space<vmem>> -> memref<128x64xf32, #tpu.memory_space<vmem>>
    %dma_wait3A_52 = arith.constant 0 : i32
    %dma_wait3A_53 = arith.constant 0 : i32
    %dma_wait3A_54 = tpu.memref_slice %arg5[%dma_wait3A_52, %dma_wait3A_53] : memref<1000000x64xf32, #tpu.memory_space<hbm>> -> memref<128x64xf32, #tpu.memory_space<hbm>>
    tpu.wait_dma2 semaphore(%arg14 : memref<!tpu.dma_semaphore, #tpu.memory_space<semaphore_mem>>) src(%dma_wait3A_54 : memref<128x64xf32, #tpu.memory_space<hbm>>) dst(%dma_wait3A_51 : memref<128x64xf32, #tpu.memory_space<vmem>>)
    %scan3A_55 = arith.constant 0 : i32
    %scan3A_56 = arith.constant 0 : i32
    %scan3A_57 = arith.constant 8 : i32
    %scan3A_58 = arith.addi %scan3A_56, %scan3A_57 : i32
    %scan3A_59 = arith.constant 1 : i32
    scf.for %scan3A_240 = %scan3A_56 to %scan3A_58 step %scan3A_59  : i32 {
      %mul3A_241 = arith.constant 16 : i32
      %mul3A_242 = arith.muli %scan3A_240, %mul3A_241 : i32
      %add3A_243 = arith.constant 384 : i32
      %add3A_244 = arith.addi %add3A_243, %mul3A_242 : i32
      %get3A = arith.index_cast %add3A_244 : i32 to index
      %get3A_245 = tpu.vector_load %arg10[%get3A] {strides = array<i32>} : memref<512xi32, #tpu.memory_space<vmem>>, vector<16xi32>,
      %slice3A = vector.extract_strided_slice %get3A_245 {offsets = [0], sizes = [1], strides = [1]} : vector<16xi32> to vector<1xi32>
      %squeeze3A = vector.extract %slice3A[0] : i32 from vector<1xi32>
      %add3A_246 = arith.constant 0 : i32
      %add3A_247 = arith.addi %add3A_244, %add3A_246 : i32
      %dma_start3A_248 = arith.constant 0 : i32
      %dma_start3A_249 = tpu.memref_slice %arg13[%add3A_247, %dma_start3A_248] : memref<512x64xf32, #tpu.memory_space<vmem>> -> memref<1x64xf32, #tpu.memory_space<vmem>>
      %dma_start3A_250 = arith.constant 0 : i32
      %dma_start3A_251 = tpu.memref_slice %arg5[%squeeze3A, %dma_start3A_250] : memref<1000000x64xf32, #tpu.memory_space<hbm>> -> memref<1x64xf32, #tpu.memory_space<hbm>>
      %dma_start3A_252 = arith.constant 0 : i32
      %dma_start3A_253 = tpu.memref_slice %arg13[%add3A_247, %dma_start3A_252] : memref<512x64xf32, #tpu.memory_space<vmem>> -> memref<1x64xf32, #tpu.memory_space<vmem>>
      %dma_start3A_254 = arith.constant 0 : i32
      %dma_start3A_255 = tpu.memref_slice %arg5[%squeeze3A, %dma_start3A_254] : memref<1000000x64xf32, #tpu.memory_space<hbm>> -> memref<1x64xf32, #tpu.memory_space<hbm>>
      tpu.enqueue_dma source(%dma_start3A_255 : memref<1x64xf32, #tpu.memory_space<hbm>>) target(%dma_start3A_253 : memref<1x64xf32, #tpu.memory_space<vmem>>) target_semaphore(%arg14 : memref<!tpu.dma_semaphore, #tpu.memory_space<semaphore_mem>>)
      %slice3A_256 = vector.extract_strided_slice %get3A_245 {offsets = [1], sizes = [1], strides = [1]} : vector<16xi32> to vector<1xi32>
      %squeeze3A_257 = vector.extract %slice3A_256[0] : i32 from vector<1xi32>
      %add3A_258 = arith.constant 1 : i32
      %add3A_259 = arith.addi %add3A_244, %add3A_258 : i32
      %dma_start3A_260 = arith.constant 0 : i32
      %dma_start3A_261 = tpu.memref_slice %arg13[%add3A_259, %dma_start3A_260] : memref<512x64xf32, #tpu.memory_space<vmem>> -> memref<1x64xf32, #tpu.memory_space<vmem>>
      %dma_start3A_262 = arith.constant 0 : i32
      %dma_start3A_263 = tpu.memref_slice %arg5[%squeeze3A_257, %dma_start3A_262] : memref<1000000x64xf32, #tpu.memory_space<hbm>> -> memref<1x64xf32, #tpu.memory_space<hbm>>
      %dma_start3A_264 = arith.constant 0 : i32
      %dma_start3A_265 = tpu.memref_slice %arg13[%add3A_259, %dma_start3A_264] : memref<512x64xf32, #tpu.memory_space<vmem>> -> memref<1x64xf32, #tpu.memory_space<vmem>>
      %dma_start3A_266 = arith.constant 0 : i32
      %dma_start3A_267 = tpu.memref_slice %arg5[%squeeze3A_257, %dma_start3A_266] : memref<1000000x64xf32, #tpu.memory_space<hbm>> -> memref<1x64xf32, #tpu.memory_space<hbm>>
      tpu.enqueue_dma source(%dma_start3A_267 : memref<1x64xf32, #tpu.memory_space<hbm>>) target(%dma_start3A_265 : memref<1x64xf32, #tpu.memory_space<vmem>>) target_semaphore(%arg14 : memref<!tpu.dma_semaphore, #tpu.memory_space<semaphore_mem>>)
      %slice3A_268 = vector.extract_strided_slice %get3A_245 {offsets = [2], sizes = [1], strides = [1]} : vector<16xi32> to vector<1xi32>
      %squeeze3A_269 = vector.extract %slice3A_268[0] : i32 from vector<1xi32>
      %add3A_270 = arith.constant 2 : i32
      %add3A_271 = arith.addi %add3A_244, %add3A_270 : i32
      %dma_start3A_272 = arith.constant 0 : i32
      %dma_start3A_273 = tpu.memref_slice %arg13[%add3A_271, %dma_start3A_272] : memref<512x64xf32, #tpu.memory_space<vmem>> -> memref<1x64xf32, #tpu.memory_space<vmem>>
      %dma_start3A_274 = arith.constant 0 : i32
      %dma_start3A_275 = tpu.memref_slice %arg5[%squeeze3A_269, %dma_start3A_274] : memref<1000000x64xf32, #tpu.memory_space<hbm>> -> memref<1x64xf32, #tpu.memory_space<hbm>>
      %dma_start3A_276 = arith.constant 0 : i32
      %dma_start3A_277 = tpu.memref_slice %arg13[%add3A_271, %dma_start3A_276] : memref<512x64xf32, #tpu.memory_space<vmem>> -> memref<1x64xf32, #tpu.memory_space<vmem>>
      %dma_start3A_278 = arith.constant 0 : i32
      %dma_start3A_279 = tpu.memref_slice %arg5[%squeeze3A_269, %dma_start3A_278] : memref<1000000x64xf32, #tpu.memory_space<hbm>> -> memref<1x64xf32, #tpu.memory_space<hbm>>
      tpu.enqueue_dma source(%dma_start3A_279 : memref<1x64xf32, #tpu.memory_space<hbm>>) target(%dma_start3A_277 : memref<1x64xf32, #tpu.memory_space<vmem>>) target_semaphore(%arg14 : memref<!tpu.dma_semaphore, #tpu.memory_space<semaphore_mem>>)
      %slice3A_280 = vector.extract_strided_slice %get3A_245 {offsets = [3], sizes = [1], strides = [1]} : vector<16xi32> to vector<1xi32>
      %squeeze3A_281 = vector.extract %slice3A_280[0] : i32 from vector<1xi32>
      %add3A_282 = arith.constant 3 : i32
      %add3A_283 = arith.addi %add3A_244, %add3A_282 : i32
      %dma_start3A_284 = arith.constant 0 : i32
      %dma_start3A_285 = tpu.memref_slice %arg13[%add3A_283, %dma_start3A_284] : memref<512x64xf32, #tpu.memory_space<vmem>> -> memref<1x64xf32, #tpu.memory_space<vmem>>
      %dma_start3A_286 = arith.constant 0 : i32
      %dma_start3A_287 = tpu.memref_slice %arg5[%squeeze3A_281, %dma_start3A_286] : memref<1000000x64xf32, #tpu.memory_space<hbm>> -> memref<1x64xf32, #tpu.memory_space<hbm>>
      %dma_start3A_288 = arith.constant 0 : i32
      %dma_start3A_289 = tpu.memref_slice %arg13[%add3A_283, %dma_start3A_288] : memref<512x64xf32, #tpu.memory_space<vmem>> -> memref<1x64xf32, #tpu.memory_space<vmem>>
      %dma_start3A_290 = arith.constant 0 : i32
      %dma_start3A_291 = tpu.memref_slice %arg5[%squeeze3A_281, %dma_start3A_290] : memref<1000000x64xf32, #tpu.memory_space<hbm>> -> memref<1x64xf32, #tpu.memory_space<hbm>>
      tpu.enqueue_dma source(%dma_start3A_291 : memref<1x64xf32, #tpu.memory_space<hbm>>) target(%dma_start3A_289 : memref<1x64xf32, #tpu.memory_space<vmem>>) target_semaphore(%arg14 : memref<!tpu.dma_semaphore, #tpu.memory_space<semaphore_mem>>)
      %slice3A_292 = vector.extract_strided_slice %get3A_245 {offsets = [4], sizes = [1], strides = [1]} : vector<16xi32> to vector<1xi32>
      %squeeze3A_293 = vector.extract %slice3A_292[0] : i32 from vector<1xi32>
      %add3A_294 = arith.constant 4 : i32
      %add3A_295 = arith.addi %add3A_244, %add3A_294 : i32
      %dma_start3A_296 = arith.constant 0 : i32
      %dma_start3A_297 = tpu.memref_slice %arg13[%add3A_295, %dma_start3A_296] : memref<512x64xf32, #tpu.memory_space<vmem>> -> memref<1x64xf32, #tpu.memory_space<vmem>>
      %dma_start3A_298 = arith.constant 0 : i32
      %dma_start3A_299 = tpu.memref_slice %arg5[%squeeze3A_293, %dma_start3A_298] : memref<1000000x64xf32, #tpu.memory_space<hbm>> -> memref<1x64xf32, #tpu.memory_space<hbm>>
      %dma_start3A_300 = arith.constant 0 : i32
      %dma_start3A_301 = tpu.memref_slice %arg13[%add3A_295, %dma_start3A_300] : memref<512x64xf32, #tpu.memory_space<vmem>> -> memref<1x64xf32, #tpu.memory_space<vmem>>
      %dma_start3A_302 = arith.constant 0 : i32
      %dma_start3A_303 = tpu.memref_slice %arg5[%squeeze3A_293, %dma_start3A_302] : memref<1000000x64xf32, #tpu.memory_space<hbm>> -> memref<1x64xf32, #tpu.memory_space<hbm>>
      tpu.enqueue_dma source(%dma_start3A_303 : memref<1x64xf32, #tpu.memory_space<hbm>>) target(%dma_start3A_301 : memref<1x64xf32, #tpu.memory_space<vmem>>) target_semaphore(%arg14 : memref<!tpu.dma_semaphore, #tpu.memory_space<semaphore_mem>>)
      %slice3A_304 = vector.extract_strided_slice %get3A_245 {offsets = [5], sizes = [1], strides = [1]} : vector<16xi32> to vector<1xi32>
      %squeeze3A_305 = vector.extract %slice3A_304[0] : i32 from vector<1xi32>
      %add3A_306 = arith.constant 5 : i32
      %add3A_307 = arith.addi %add3A_244, %add3A_306 : i32
      %dma_start3A_308 = arith.constant 0 : i32
      %dma_start3A_309 = tpu.memref_slice %arg13[%add3A_307, %dma_start3A_308] : memref<512x64xf32, #tpu.memory_space<vmem>> -> memref<1x64xf32, #tpu.memory_space<vmem>>
      %dma_start3A_310 = arith.constant 0 : i32
      %dma_start3A_311 = tpu.memref_slice %arg5[%squeeze3A_305, %dma_start3A_310] : memref<1000000x64xf32, #tpu.memory_space<hbm>> -> memref<1x64xf32, #tpu.memory_space<hbm>>
      %dma_start3A_312 = arith.constant 0 : i32
      %dma_start3A_313 = tpu.memref_slice %arg13[%add3A_307, %dma_start3A_312] : memref<512x64xf32, #tpu.memory_space<vmem>> -> memref<1x64xf32, #tpu.memory_space<vmem>>
      %dma_start3A_314 = arith.constant 0 : i32
      %dma_start3A_315 = tpu.memref_slice %arg5[%squeeze3A_305, %dma_start3A_314] : memref<1000000x64xf32, #tpu.memory_space<hbm>> -> memref<1x64xf32, #tpu.memory_space<hbm>>
      tpu.enqueue_dma source(%dma_start3A_315 : memref<1x64xf32, #tpu.memory_space<hbm>>) target(%dma_start3A_313 : memref<1x64xf32, #tpu.memory_space<vmem>>) target_semaphore(%arg14 : memref<!tpu.dma_semaphore, #tpu.memory_space<semaphore_mem>>)
      %slice3A_316 = vector.extract_strided_slice %get3A_245 {offsets = [6], sizes = [1], strides = [1]} : vector<16xi32> to vector<1xi32>
      %squeeze3A_317 = vector.extract %slice3A_316[0] : i32 from vector<1xi32>
      %add3A_318 = arith.constant 6 : i32
      %add3A_319 = arith.addi %add3A_244, %add3A_318 : i32
      %dma_start3A_320 = arith.constant 0 : i32
      %dma_start3A_321 = tpu.memref_slice %arg13[%add3A_319, %dma_start3A_320] : memref<512x64xf32, #tpu.memory_space<vmem>> -> memref<1x64xf32, #tpu.memory_space<vmem>>
      %dma_start3A_322 = arith.constant 0 : i32
      %dma_start3A_323 = tpu.memref_slice %arg5[%squeeze3A_317, %dma_start3A_322] : memref<1000000x64xf32, #tpu.memory_space<hbm>> -> memref<1x64xf32, #tpu.memory_space<hbm>>
      %dma_start3A_324 = arith.constant 0 : i32
      %dma_start3A_325 = tpu.memref_slice %arg13[%add3A_319, %dma_start3A_324] : memref<512x64xf32, #tpu.memory_space<vmem>> -> memref<1x64xf32, #tpu.memory_space<vmem>>
      %dma_start3A_326 = arith.constant 0 : i32
      %dma_start3A_327 = tpu.memref_slice %arg5[%squeeze3A_317, %dma_start3A_326] : memref<1000000x64xf32, #tpu.memory_space<hbm>> -> memref<1x64xf32, #tpu.memory_space<hbm>>
      tpu.enqueue_dma source(%dma_start3A_327 : memref<1x64xf32, #tpu.memory_space<hbm>>) target(%dma_start3A_325 : memref<1x64xf32, #tpu.memory_space<vmem>>) target_semaphore(%arg14 : memref<!tpu.dma_semaphore, #tpu.memory_space<semaphore_mem>>)
      %slice3A_328 = vector.extract_strided_slice %get3A_245 {offsets = [7], sizes = [1], strides = [1]} : vector<16xi32> to vector<1xi32>
      %squeeze3A_329 = vector.extract %slice3A_328[0] : i32 from vector<1xi32>
      %add3A_330 = arith.constant 7 : i32
      %add3A_331 = arith.addi %add3A_244, %add3A_330 : i32
      %dma_start3A_332 = arith.constant 0 : i32
      %dma_start3A_333 = tpu.memref_slice %arg13[%add3A_331, %dma_start3A_332] : memref<512x64xf32, #tpu.memory_space<vmem>> -> memref<1x64xf32, #tpu.memory_space<vmem>>
      %dma_start3A_334 = arith.constant 0 : i32
      %dma_start3A_335 = tpu.memref_slice %arg5[%squeeze3A_329, %dma_start3A_334] : memref<1000000x64xf32, #tpu.memory_space<hbm>> -> memref<1x64xf32, #tpu.memory_space<hbm>>
      %dma_start3A_336 = arith.constant 0 : i32
      %dma_start3A_337 = tpu.memref_slice %arg13[%add3A_331, %dma_start3A_336] : memref<512x64xf32, #tpu.memory_space<vmem>> -> memref<1x64xf32, #tpu.memory_space<vmem>>
      %dma_start3A_338 = arith.constant 0 : i32
      %dma_start3A_339 = tpu.memref_slice %arg5[%squeeze3A_329, %dma_start3A_338] : memref<1000000x64xf32, #tpu.memory_space<hbm>> -> memref<1x64xf32, #tpu.memory_space<hbm>>
      tpu.enqueue_dma source(%dma_start3A_339 : memref<1x64xf32, #tpu.memory_space<hbm>>) target(%dma_start3A_337 : memref<1x64xf32, #tpu.memory_space<vmem>>) target_semaphore(%arg14 : memref<!tpu.dma_semaphore, #tpu.memory_space<semaphore_mem>>)
      %slice3A_340 = vector.extract_strided_slice %get3A_245 {offsets = [8], sizes = [1], strides = [1]} : vector<16xi32> to vector<1xi32>
      %squeeze3A_341 = vector.extract %slice3A_340[0] : i32 from vector<1xi32>
      %add3A_342 = arith.constant 8 : i32
      %add3A_343 = arith.addi %add3A_244, %add3A_342 : i32
      %dma_start3A_344 = arith.constant 0 : i32
      %dma_start3A_345 = tpu.memref_slice %arg13[%add3A_343, %dma_start3A_344] : memref<512x64xf32, #tpu.memory_space<vmem>> -> memref<1x64xf32, #tpu.memory_space<vmem>>
      %dma_start3A_346 = arith.constant 0 : i32
      %dma_start3A_347 = tpu.memref_slice %arg5[%squeeze3A_341, %dma_start3A_346] : memref<1000000x64xf32, #tpu.memory_space<hbm>> -> memref<1x64xf32, #tpu.memory_space<hbm>>
      %dma_start3A_348 = arith.constant 0 : i32
      %dma_start3A_349 = tpu.memref_slice %arg13[%add3A_343, %dma_start3A_348] : memref<512x64xf32, #tpu.memory_space<vmem>> -> memref<1x64xf32, #tpu.memory_space<vmem>>
      %dma_start3A_350 = arith.constant 0 : i32
      %dma_start3A_351 = tpu.memref_slice %arg5[%squeeze3A_341, %dma_start3A_350] : memref<1000000x64xf32, #tpu.memory_space<hbm>> -> memref<1x64xf32, #tpu.memory_space<hbm>>
      tpu.enqueue_dma source(%dma_start3A_351 : memref<1x64xf32, #tpu.memory_space<hbm>>) target(%dma_start3A_349 : memref<1x64xf32, #tpu.memory_space<vmem>>) target_semaphore(%arg14 : memref<!tpu.dma_semaphore, #tpu.memory_space<semaphore_mem>>)
      %slice3A_352 = vector.extract_strided_slice %get3A_245 {offsets = [9], sizes = [1], strides = [1]} : vector<16xi32> to vector<1xi32>
      %squeeze3A_353 = vector.extract %slice3A_352[0] : i32 from vector<1xi32>
      %add3A_354 = arith.constant 9 : i32
      %add3A_355 = arith.addi %add3A_244, %add3A_354 : i32
      %dma_start3A_356 = arith.constant 0 : i32
      %dma_start3A_357 = tpu.memref_slice %arg13[%add3A_355, %dma_start3A_356] : memref<512x64xf32, #tpu.memory_space<vmem>> -> memref<1x64xf32, #tpu.memory_space<vmem>>
      %dma_start3A_358 = arith.constant 0 : i32
      %dma_start3A_359 = tpu.memref_slice %arg5[%squeeze3A_353, %dma_start3A_358] : memref<1000000x64xf32, #tpu.memory_space<hbm>> -> memref<1x64xf32, #tpu.memory_space<hbm>>
      %dma_start3A_360 = arith.constant 0 : i32
      %dma_start3A_361 = tpu.memref_slice %arg13[%add3A_355, %dma_start3A_360] : memref<512x64xf32, #tpu.memory_space<vmem>> -> memref<1x64xf32, #tpu.memory_space<vmem>>
      %dma_start3A_362 = arith.constant 0 : i32
      %dma_start3A_363 = tpu.memref_slice %arg5[%squeeze3A_353, %dma_start3A_362] : memref<1000000x64xf32, #tpu.memory_space<hbm>> -> memref<1x64xf32, #tpu.memory_space<hbm>>
      tpu.enqueue_dma source(%dma_start3A_363 : memref<1x64xf32, #tpu.memory_space<hbm>>) target(%dma_start3A_361 : memref<1x64xf32, #tpu.memory_space<vmem>>) target_semaphore(%arg14 : memref<!tpu.dma_semaphore, #tpu.memory_space<semaphore_mem>>)
      %slice3A_364 = vector.extract_strided_slice %get3A_245 {offsets = [10], sizes = [1], strides = [1]} : vector<16xi32> to vector<1xi32>
      %squeeze3A_365 = vector.extract %slice3A_364[0] : i32 from vector<1xi32>
      %add3A_366 = arith.constant 10 : i32
      %add3A_367 = arith.addi %add3A_244, %add3A_366 : i32
      %dma_start3A_368 = arith.constant 0 : i32
      %dma_start3A_369 = tpu.memref_slice %arg13[%add3A_367, %dma_start3A_368] : memref<512x64xf32, #tpu.memory_space<vmem>> -> memref<1x64xf32, #tpu.memory_space<vmem>>
      %dma_start3A_370 = arith.constant 0 : i32
      %dma_start3A_371 = tpu.memref_slice %arg5[%squeeze3A_365, %dma_start3A_370] : memref<1000000x64xf32, #tpu.memory_space<hbm>> -> memref<1x64xf32, #tpu.memory_space<hbm>>
      %dma_start3A_372 = arith.constant 0 : i32
      %dma_start3A_373 = tpu.memref_slice %arg13[%add3A_367, %dma_start3A_372] : memref<512x64xf32, #tpu.memory_space<vmem>> -> memref<1x64xf32, #tpu.memory_space<vmem>>
      %dma_start3A_374 = arith.constant 0 : i32
      %dma_start3A_375 = tpu.memref_slice %arg5[%squeeze3A_365, %dma_start3A_374] : memref<1000000x64xf32, #tpu.memory_space<hbm>> -> memref<1x64xf32, #tpu.memory_space<hbm>>
      tpu.enqueue_dma source(%dma_start3A_375 : memref<1x64xf32, #tpu.memory_space<hbm>>) target(%dma_start3A_373 : memref<1x64xf32, #tpu.memory_space<vmem>>) target_semaphore(%arg14 : memref<!tpu.dma_semaphore, #tpu.memory_space<semaphore_mem>>)
      %slice3A_376 = vector.extract_strided_slice %get3A_245 {offsets = [11], sizes = [1], strides = [1]} : vector<16xi32> to vector<1xi32>
      %squeeze3A_377 = vector.extract %slice3A_376[0] : i32 from vector<1xi32>
      %add3A_378 = arith.constant 11 : i32
      %add3A_379 = arith.addi %add3A_244, %add3A_378 : i32
      %dma_start3A_380 = arith.constant 0 : i32
      %dma_start3A_381 = tpu.memref_slice %arg13[%add3A_379, %dma_start3A_380] : memref<512x64xf32, #tpu.memory_space<vmem>> -> memref<1x64xf32, #tpu.memory_space<vmem>>
      %dma_start3A_382 = arith.constant 0 : i32
      %dma_start3A_383 = tpu.memref_slice %arg5[%squeeze3A_377, %dma_start3A_382] : memref<1000000x64xf32, #tpu.memory_space<hbm>> -> memref<1x64xf32, #tpu.memory_space<hbm>>
      %dma_start3A_384 = arith.constant 0 : i32
      %dma_start3A_385 = tpu.memref_slice %arg13[%add3A_379, %dma_start3A_384] : memref<512x64xf32, #tpu.memory_space<vmem>> -> memref<1x64xf32, #tpu.memory_space<vmem>>
      %dma_start3A_386 = arith.constant 0 : i32
      %dma_start3A_387 = tpu.memref_slice %arg5[%squeeze3A_377, %dma_start3A_386] : memref<1000000x64xf32, #tpu.memory_space<hbm>> -> memref<1x64xf32, #tpu.memory_space<hbm>>
      tpu.enqueue_dma source(%dma_start3A_387 : memref<1x64xf32, #tpu.memory_space<hbm>>) target(%dma_start3A_385 : memref<1x64xf32, #tpu.memory_space<vmem>>) target_semaphore(%arg14 : memref<!tpu.dma_semaphore, #tpu.memory_space<semaphore_mem>>)
      %slice3A_388 = vector.extract_strided_slice %get3A_245 {offsets = [12], sizes = [1], strides = [1]} : vector<16xi32> to vector<1xi32>
      %squeeze3A_389 = vector.extract %slice3A_388[0] : i32 from vector<1xi32>
      %add3A_390 = arith.constant 12 : i32
      %add3A_391 = arith.addi %add3A_244, %add3A_390 : i32
      %dma_start3A_392 = arith.constant 0 : i32
      %dma_start3A_393 = tpu.memref_slice %arg13[%add3A_391, %dma_start3A_392] : memref<512x64xf32, #tpu.memory_space<vmem>> -> memref<1x64xf32, #tpu.memory_space<vmem>>
      %dma_start3A_394 = arith.constant 0 : i32
      %dma_start3A_395 = tpu.memref_slice %arg5[%squeeze3A_389, %dma_start3A_394] : memref<1000000x64xf32, #tpu.memory_space<hbm>> -> memref<1x64xf32, #tpu.memory_space<hbm>>
      %dma_start3A_396 = arith.constant 0 : i32
      %dma_start3A_397 = tpu.memref_slice %arg13[%add3A_391, %dma_start3A_396] : memref<512x64xf32, #tpu.memory_space<vmem>> -> memref<1x64xf32, #tpu.memory_space<vmem>>
      %dma_start3A_398 = arith.constant 0 : i32
      %dma_start3A_399 = tpu.memref_slice %arg5[%squeeze3A_389, %dma_start3A_398] : memref<1000000x64xf32, #tpu.memory_space<hbm>> -> memref<1x64xf32, #tpu.memory_space<hbm>>
      tpu.enqueue_dma source(%dma_start3A_399 : memref<1x64xf32, #tpu.memory_space<hbm>>) target(%dma_start3A_397 : memref<1x64xf32, #tpu.memory_space<vmem>>) target_semaphore(%arg14 : memref<!tpu.dma_semaphore, #tpu.memory_space<semaphore_mem>>)
      %slice3A_400 = vector.extract_strided_slice %get3A_245 {offsets = [13], sizes = [1], strides = [1]} : vector<16xi32> to vector<1xi32>
      %squeeze3A_401 = vector.extract %slice3A_400[0] : i32 from vector<1xi32>
      %add3A_402 = arith.constant 13 : i32
      %add3A_403 = arith.addi %add3A_244, %add3A_402 : i32
      %dma_start3A_404 = arith.constant 0 : i32
      %dma_start3A_405 = tpu.memref_slice %arg13[%add3A_403, %dma_start3A_404] : memref<512x64xf32, #tpu.memory_space<vmem>> -> memref<1x64xf32, #tpu.memory_space<vmem>>
      %dma_start3A_406 = arith.constant 0 : i32
      %dma_start3A_407 = tpu.memref_slice %arg5[%squeeze3A_401, %dma_start3A_406] : memref<1000000x64xf32, #tpu.memory_space<hbm>> -> memref<1x64xf32, #tpu.memory_space<hbm>>
      %dma_start3A_408 = arith.constant 0 : i32
      %dma_start3A_409 = tpu.memref_slice %arg13[%add3A_403, %dma_start3A_408] : memref<512x64xf32, #tpu.memory_space<vmem>> -> memref<1x64xf32, #tpu.memory_space<vmem>>
      %dma_start3A_410 = arith.constant 0 : i32
      %dma_start3A_411 = tpu.memref_slice %arg5[%squeeze3A_401, %dma_start3A_410] : memref<1000000x64xf32, #tpu.memory_space<hbm>> -> memref<1x64xf32, #tpu.memory_space<hbm>>
      tpu.enqueue_dma source(%dma_start3A_411 : memref<1x64xf32, #tpu.memory_space<hbm>>) target(%dma_start3A_409 : memref<1x64xf32, #tpu.memory_space<vmem>>) target_semaphore(%arg14 : memref<!tpu.dma_semaphore, #tpu.memory_space<semaphore_mem>>)
      %slice3A_412 = vector.extract_strided_slice %get3A_245 {offsets = [14], sizes = [1], strides = [1]} : vector<16xi32> to vector<1xi32>
      %squeeze3A_413 = vector.extract %slice3A_412[0] : i32 from vector<1xi32>
      %add3A_414 = arith.constant 14 : i32
      %add3A_415 = arith.addi %add3A_244, %add3A_414 : i32
      %dma_start3A_416 = arith.constant 0 : i32
      %dma_start3A_417 = tpu.memref_slice %arg13[%add3A_415, %dma_start3A_416] : memref<512x64xf32, #tpu.memory_space<vmem>> -> memref<1x64xf32, #tpu.memory_space<vmem>>
      %dma_start3A_418 = arith.constant 0 : i32
      %dma_start3A_419 = tpu.memref_slice %arg5[%squeeze3A_413, %dma_start3A_418] : memref<1000000x64xf32, #tpu.memory_space<hbm>> -> memref<1x64xf32, #tpu.memory_space<hbm>>
      %dma_start3A_420 = arith.constant 0 : i32
      %dma_start3A_421 = tpu.memref_slice %arg13[%add3A_415, %dma_start3A_420] : memref<512x64xf32, #tpu.memory_space<vmem>> -> memref<1x64xf32, #tpu.memory_space<vmem>>
      %dma_start3A_422 = arith.constant 0 : i32
      %dma_start3A_423 = tpu.memref_slice %arg5[%squeeze3A_413, %dma_start3A_422] : memref<1000000x64xf32, #tpu.memory_space<hbm>> -> memref<1x64xf32, #tpu.memory_space<hbm>>
      tpu.enqueue_dma source(%dma_start3A_423 : memref<1x64xf32, #tpu.memory_space<hbm>>) target(%dma_start3A_421 : memref<1x64xf32, #tpu.memory_space<vmem>>) target_semaphore(%arg14 : memref<!tpu.dma_semaphore, #tpu.memory_space<semaphore_mem>>)
      %slice3A_424 = vector.extract_strided_slice %get3A_245 {offsets = [15], sizes = [1], strides = [1]} : vector<16xi32> to vector<1xi32>
      %squeeze3A_425 = vector.extract %slice3A_424[0] : i32 from vector<1xi32>
      %add3A_426 = arith.constant 15 : i32
      %add3A_427 = arith.addi %add3A_244, %add3A_426 : i32
      %dma_start3A_428 = arith.constant 0 : i32
      %dma_start3A_429 = tpu.memref_slice %arg13[%add3A_427, %dma_start3A_428] : memref<512x64xf32, #tpu.memory_space<vmem>> -> memref<1x64xf32, #tpu.memory_space<vmem>>
      %dma_start3A_430 = arith.constant 0 : i32
      %dma_start3A_431 = tpu.memref_slice %arg5[%squeeze3A_425, %dma_start3A_430] : memref<1000000x64xf32, #tpu.memory_space<hbm>> -> memref<1x64xf32, #tpu.memory_space<hbm>>
      %dma_start3A_432 = arith.constant 0 : i32
      %dma_start3A_433 = tpu.memref_slice %arg13[%add3A_427, %dma_start3A_432] : memref<512x64xf32, #tpu.memory_space<vmem>> -> memref<1x64xf32, #tpu.memory_space<vmem>>
      %dma_start3A_434 = arith.constant 0 : i32
      %dma_start3A_435 = tpu.memref_slice %arg5[%squeeze3A_425, %dma_start3A_434] : memref<1000000x64xf32, #tpu.memory_space<hbm>> -> memref<1x64xf32, #tpu.memory_space<hbm>>
      tpu.enqueue_dma source(%dma_start3A_435 : memref<1x64xf32, #tpu.memory_space<hbm>>) target(%dma_start3A_433 : memref<1x64xf32, #tpu.memory_space<vmem>>) target_semaphore(%arg14 : memref<!tpu.dma_semaphore, #tpu.memory_space<semaphore_mem>>)
    }
    %scan3A_60 = arith.constant 8 : i32
    %dma_wait3A_61 = arith.constant 384 : i32
    %dma_wait3A_62 = arith.constant 0 : i32
    %dma_wait3A_63 = tpu.memref_slice %arg13[%dma_wait3A_61, %dma_wait3A_62] : memref<512x64xf32, #tpu.memory_space<vmem>> -> memref<128x64xf32, #tpu.memory_space<vmem>>
    %dma_wait3A_64 = arith.constant 0 : i32
    %dma_wait3A_65 = arith.constant 0 : i32
    %dma_wait3A_66 = tpu.memref_slice %arg5[%dma_wait3A_64, %dma_wait3A_65] : memref<1000000x64xf32, #tpu.memory_space<hbm>> -> memref<128x64xf32, #tpu.memory_space<hbm>>
    %dma_wait3A_67 = arith.constant 384 : i32
    %dma_wait3A_68 = arith.constant 0 : i32
    %dma_wait3A_69 = tpu.memref_slice %arg13[%dma_wait3A_67, %dma_wait3A_68] : memref<512x64xf32, #tpu.memory_space<vmem>> -> memref<128x64xf32, #tpu.memory_space<vmem>>
    %dma_wait3A_70 = arith.constant 0 : i32
    %dma_wait3A_71 = arith.constant 0 : i32
    %dma_wait3A_72 = tpu.memref_slice %arg5[%dma_wait3A_70, %dma_wait3A_71] : memref<1000000x64xf32, #tpu.memory_space<hbm>> -> memref<128x64xf32, #tpu.memory_space<hbm>>
    tpu.wait_dma2 semaphore(%arg14 : memref<!tpu.dma_semaphore, #tpu.memory_space<semaphore_mem>>) src(%dma_wait3A_72 : memref<128x64xf32, #tpu.memory_space<hbm>>) dst(%dma_wait3A_69 : memref<128x64xf32, #tpu.memory_space<vmem>>)
    %dma_start3A = arith.constant 0 : i32
    %dma_start3A_73 = tpu.memref_slice %arg7[%mul3A_2, %dma_start3A] : memref<16384x64xf32, #tpu.memory_space<hbm>> -> memref<512x64xf32, #tpu.memory_space<hbm>>
    %dma_start3A_74 = arith.constant 0 : i32
    %dma_start3A_75 = tpu.memref_slice %arg7[%mul3A_2, %dma_start3A_74] : memref<16384x64xf32, #tpu.memory_space<hbm>> -> memref<512x64xf32, #tpu.memory_space<hbm>>
    tpu.enqueue_dma source(%arg13 : memref<512x64xf32, #tpu.memory_space<vmem>>) target(%dma_start3A_75 : memref<512x64xf32, #tpu.memory_space<hbm>>) target_semaphore(%arg15 : memref<!tpu.dma_semaphore, #tpu.memory_space<semaphore_mem>>)
    %dma_wait3A_76 = arith.constant 0 : i32
    %dma_wait3A_77 = tpu.memref_slice %arg7[%mul3A_2, %dma_wait3A_76] : memref<16384x64xf32, #tpu.memory_space<hbm>> -> memref<512x64xf32, #tpu.memory_space<hbm>>
    %dma_wait3A_78 = arith.constant 0 : i32
    %dma_wait3A_79 = tpu.memref_slice %arg7[%mul3A_2, %dma_wait3A_78] : memref<16384x64xf32, #tpu.memory_space<hbm>> -> memref<512x64xf32, #tpu.memory_space<hbm>>
    tpu.wait_dma2 semaphore(%arg15 : memref<!tpu.dma_semaphore, #tpu.memory_space<semaphore_mem>>) src(%arg13 : memref<512x64xf32, #tpu.memory_space<vmem>>) dst(%dma_wait3A_79 : memref<512x64xf32, #tpu.memory_space<hbm>>)
    %scan3A_80 = arith.constant 0 : i32
    %scan3A_81 = arith.constant 0 : i32
    %scan3A_82 = arith.constant 8 : i32
    %scan3A_83 = arith.addi %scan3A_81, %scan3A_82 : i32
    %scan3A_84 = arith.constant 1 : i32
    scf.for %scan3A_240 = %scan3A_81 to %scan3A_83 step %scan3A_84  : i32 {
      %mul3A_241 = arith.constant 16 : i32
      %mul3A_242 = arith.muli %scan3A_240, %mul3A_241 : i32
      %add3A_243 = arith.constant 0 : i32
      %add3A_244 = arith.addi %add3A_243, %mul3A_242 : i32
      %get3A = arith.index_cast %add3A_244 : i32 to index
      %get3A_245 = tpu.vector_load %arg11[%get3A] {strides = array<i32>} : memref<512xi32, #tpu.memory_space<vmem>>, vector<16xi32>,
      %slice3A = vector.extract_strided_slice %get3A_245 {offsets = [0], sizes = [1], strides = [1]} : vector<16xi32> to vector<1xi32>
      %squeeze3A = vector.extract %slice3A[0] : i32 from vector<1xi32>
      %add3A_246 = arith.constant 0 : i32
      %add3A_247 = arith.addi %add3A_244, %add3A_246 : i32
      %dma_start3A_248 = arith.constant 0 : i32
      %dma_start3A_249 = tpu.memref_slice %arg13[%add3A_247, %dma_start3A_248] : memref<512x64xf32, #tpu.memory_space<vmem>> -> memref<1x64xf32, #tpu.memory_space<vmem>>
      %dma_start3A_250 = arith.constant 0 : i32
      %dma_start3A_251 = tpu.memref_slice %arg6[%squeeze3A, %dma_start3A_250] : memref<1000000x64xf32, #tpu.memory_space<hbm>> -> memref<1x64xf32, #tpu.memory_space<hbm>>
      %dma_start3A_252 = arith.constant 0 : i32
      %dma_start3A_253 = tpu.memref_slice %arg13[%add3A_247, %dma_start3A_252] : memref<512x64xf32, #tpu.memory_space<vmem>> -> memref<1x64xf32, #tpu.memory_space<vmem>>
      %dma_start3A_254 = arith.constant 0 : i32
      %dma_start3A_255 = tpu.memref_slice %arg6[%squeeze3A, %dma_start3A_254] : memref<1000000x64xf32, #tpu.memory_space<hbm>> -> memref<1x64xf32, #tpu.memory_space<hbm>>
      tpu.enqueue_dma source(%dma_start3A_255 : memref<1x64xf32, #tpu.memory_space<hbm>>) target(%dma_start3A_253 : memref<1x64xf32, #tpu.memory_space<vmem>>) target_semaphore(%arg14 : memref<!tpu.dma_semaphore, #tpu.memory_space<semaphore_mem>>)
      %slice3A_256 = vector.extract_strided_slice %get3A_245 {offsets = [1], sizes = [1], strides = [1]} : vector<16xi32> to vector<1xi32>
      %squeeze3A_257 = vector.extract %slice3A_256[0] : i32 from vector<1xi32>
      %add3A_258 = arith.constant 1 : i32
      %add3A_259 = arith.addi %add3A_244, %add3A_258 : i32
      %dma_start3A_260 = arith.constant 0 : i32
      %dma_start3A_261 = tpu.memref_slice %arg13[%add3A_259, %dma_start3A_260] : memref<512x64xf32, #tpu.memory_space<vmem>> -> memref<1x64xf32, #tpu.memory_space<vmem>>
      %dma_start3A_262 = arith.constant 0 : i32
      %dma_start3A_263 = tpu.memref_slice %arg6[%squeeze3A_257, %dma_start3A_262] : memref<1000000x64xf32, #tpu.memory_space<hbm>> -> memref<1x64xf32, #tpu.memory_space<hbm>>
      %dma_start3A_264 = arith.constant 0 : i32
      %dma_start3A_265 = tpu.memref_slice %arg13[%add3A_259, %dma_start3A_264] : memref<512x64xf32, #tpu.memory_space<vmem>> -> memref<1x64xf32, #tpu.memory_space<vmem>>
      %dma_start3A_266 = arith.constant 0 : i32
      %dma_start3A_267 = tpu.memref_slice %arg6[%squeeze3A_257, %dma_start3A_266] : memref<1000000x64xf32, #tpu.memory_space<hbm>> -> memref<1x64xf32, #tpu.memory_space<hbm>>
      tpu.enqueue_dma source(%dma_start3A_267 : memref<1x64xf32, #tpu.memory_space<hbm>>) target(%dma_start3A_265 : memref<1x64xf32, #tpu.memory_space<vmem>>) target_semaphore(%arg14 : memref<!tpu.dma_semaphore, #tpu.memory_space<semaphore_mem>>)
      %slice3A_268 = vector.extract_strided_slice %get3A_245 {offsets = [2], sizes = [1], strides = [1]} : vector<16xi32> to vector<1xi32>
      %squeeze3A_269 = vector.extract %slice3A_268[0] : i32 from vector<1xi32>
      %add3A_270 = arith.constant 2 : i32
      %add3A_271 = arith.addi %add3A_244, %add3A_270 : i32
      %dma_start3A_272 = arith.constant 0 : i32
      %dma_start3A_273 = tpu.memref_slice %arg13[%add3A_271, %dma_start3A_272] : memref<512x64xf32, #tpu.memory_space<vmem>> -> memref<1x64xf32, #tpu.memory_space<vmem>>
      %dma_start3A_274 = arith.constant 0 : i32
      %dma_start3A_275 = tpu.memref_slice %arg6[%squeeze3A_269, %dma_start3A_274] : memref<1000000x64xf32, #tpu.memory_space<hbm>> -> memref<1x64xf32, #tpu.memory_space<hbm>>
      %dma_start3A_276 = arith.constant 0 : i32
      %dma_start3A_277 = tpu.memref_slice %arg13[%add3A_271, %dma_start3A_276] : memref<512x64xf32, #tpu.memory_space<vmem>> -> memref<1x64xf32, #tpu.memory_space<vmem>>
      %dma_start3A_278 = arith.constant 0 : i32
      %dma_start3A_279 = tpu.memref_slice %arg6[%squeeze3A_269, %dma_start3A_278] : memref<1000000x64xf32, #tpu.memory_space<hbm>> -> memref<1x64xf32, #tpu.memory_space<hbm>>
      tpu.enqueue_dma source(%dma_start3A_279 : memref<1x64xf32, #tpu.memory_space<hbm>>) target(%dma_start3A_277 : memref<1x64xf32, #tpu.memory_space<vmem>>) target_semaphore(%arg14 : memref<!tpu.dma_semaphore, #tpu.memory_space<semaphore_mem>>)
      %slice3A_280 = vector.extract_strided_slice %get3A_245 {offsets = [3], sizes = [1], strides = [1]} : vector<16xi32> to vector<1xi32>
      %squeeze3A_281 = vector.extract %slice3A_280[0] : i32 from vector<1xi32>
      %add3A_282 = arith.constant 3 : i32
      %add3A_283 = arith.addi %add3A_244, %add3A_282 : i32
      %dma_start3A_284 = arith.constant 0 : i32
      %dma_start3A_285 = tpu.memref_slice %arg13[%add3A_283, %dma_start3A_284] : memref<512x64xf32, #tpu.memory_space<vmem>> -> memref<1x64xf32, #tpu.memory_space<vmem>>
      %dma_start3A_286 = arith.constant 0 : i32
      %dma_start3A_287 = tpu.memref_slice %arg6[%squeeze3A_281, %dma_start3A_286] : memref<1000000x64xf32, #tpu.memory_space<hbm>> -> memref<1x64xf32, #tpu.memory_space<hbm>>
      %dma_start3A_288 = arith.constant 0 : i32
      %dma_start3A_289 = tpu.memref_slice %arg13[%add3A_283, %dma_start3A_288] : memref<512x64xf32, #tpu.memory_space<vmem>> -> memref<1x64xf32, #tpu.memory_space<vmem>>
      %dma_start3A_290 = arith.constant 0 : i32
      %dma_start3A_291 = tpu.memref_slice %arg6[%squeeze3A_281, %dma_start3A_290] : memref<1000000x64xf32, #tpu.memory_space<hbm>> -> memref<1x64xf32, #tpu.memory_space<hbm>>
      tpu.enqueue_dma source(%dma_start3A_291 : memref<1x64xf32, #tpu.memory_space<hbm>>) target(%dma_start3A_289 : memref<1x64xf32, #tpu.memory_space<vmem>>) target_semaphore(%arg14 : memref<!tpu.dma_semaphore, #tpu.memory_space<semaphore_mem>>)
      %slice3A_292 = vector.extract_strided_slice %get3A_245 {offsets = [4], sizes = [1], strides = [1]} : vector<16xi32> to vector<1xi32>
      %squeeze3A_293 = vector.extract %slice3A_292[0] : i32 from vector<1xi32>
      %add3A_294 = arith.constant 4 : i32
      %add3A_295 = arith.addi %add3A_244, %add3A_294 : i32
      %dma_start3A_296 = arith.constant 0 : i32
      %dma_start3A_297 = tpu.memref_slice %arg13[%add3A_295, %dma_start3A_296] : memref<512x64xf32, #tpu.memory_space<vmem>> -> memref<1x64xf32, #tpu.memory_space<vmem>>
      %dma_start3A_298 = arith.constant 0 : i32
      %dma_start3A_299 = tpu.memref_slice %arg6[%squeeze3A_293, %dma_start3A_298] : memref<1000000x64xf32, #tpu.memory_space<hbm>> -> memref<1x64xf32, #tpu.memory_space<hbm>>
      %dma_start3A_300 = arith.constant 0 : i32
      %dma_start3A_301 = tpu.memref_slice %arg13[%add3A_295, %dma_start3A_300] : memref<512x64xf32, #tpu.memory_space<vmem>> -> memref<1x64xf32, #tpu.memory_space<vmem>>
      %dma_start3A_302 = arith.constant 0 : i32
      %dma_start3A_303 = tpu.memref_slice %arg6[%squeeze3A_293, %dma_start3A_302] : memref<1000000x64xf32, #tpu.memory_space<hbm>> -> memref<1x64xf32, #tpu.memory_space<hbm>>
      tpu.enqueue_dma source(%dma_start3A_303 : memref<1x64xf32, #tpu.memory_space<hbm>>) target(%dma_start3A_301 : memref<1x64xf32, #tpu.memory_space<vmem>>) target_semaphore(%arg14 : memref<!tpu.dma_semaphore, #tpu.memory_space<semaphore_mem>>)
      %slice3A_304 = vector.extract_strided_slice %get3A_245 {offsets = [5], sizes = [1], strides = [1]} : vector<16xi32> to vector<1xi32>
      %squeeze3A_305 = vector.extract %slice3A_304[0] : i32 from vector<1xi32>
      %add3A_306 = arith.constant 5 : i32
      %add3A_307 = arith.addi %add3A_244, %add3A_306 : i32
      %dma_start3A_308 = arith.constant 0 : i32
      %dma_start3A_309 = tpu.memref_slice %arg13[%add3A_307, %dma_start3A_308] : memref<512x64xf32, #tpu.memory_space<vmem>> -> memref<1x64xf32, #tpu.memory_space<vmem>>
      %dma_start3A_310 = arith.constant 0 : i32
      %dma_start3A_311 = tpu.memref_slice %arg6[%squeeze3A_305, %dma_start3A_310] : memref<1000000x64xf32, #tpu.memory_space<hbm>> -> memref<1x64xf32, #tpu.memory_space<hbm>>
      %dma_start3A_312 = arith.constant 0 : i32
      %dma_start3A_313 = tpu.memref_slice %arg13[%add3A_307, %dma_start3A_312] : memref<512x64xf32, #tpu.memory_space<vmem>> -> memref<1x64xf32, #tpu.memory_space<vmem>>
      %dma_start3A_314 = arith.constant 0 : i32
      %dma_start3A_315 = tpu.memref_slice %arg6[%squeeze3A_305, %dma_start3A_314] : memref<1000000x64xf32, #tpu.memory_space<hbm>> -> memref<1x64xf32, #tpu.memory_space<hbm>>
      tpu.enqueue_dma source(%dma_start3A_315 : memref<1x64xf32, #tpu.memory_space<hbm>>) target(%dma_start3A_313 : memref<1x64xf32, #tpu.memory_space<vmem>>) target_semaphore(%arg14 : memref<!tpu.dma_semaphore, #tpu.memory_space<semaphore_mem>>)
      %slice3A_316 = vector.extract_strided_slice %get3A_245 {offsets = [6], sizes = [1], strides = [1]} : vector<16xi32> to vector<1xi32>
      %squeeze3A_317 = vector.extract %slice3A_316[0] : i32 from vector<1xi32>
      %add3A_318 = arith.constant 6 : i32
      %add3A_319 = arith.addi %add3A_244, %add3A_318 : i32
      %dma_start3A_320 = arith.constant 0 : i32
      %dma_start3A_321 = tpu.memref_slice %arg13[%add3A_319, %dma_start3A_320] : memref<512x64xf32, #tpu.memory_space<vmem>> -> memref<1x64xf32, #tpu.memory_space<vmem>>
      %dma_start3A_322 = arith.constant 0 : i32
      %dma_start3A_323 = tpu.memref_slice %arg6[%squeeze3A_317, %dma_start3A_322] : memref<1000000x64xf32, #tpu.memory_space<hbm>> -> memref<1x64xf32, #tpu.memory_space<hbm>>
      %dma_start3A_324 = arith.constant 0 : i32
      %dma_start3A_325 = tpu.memref_slice %arg13[%add3A_319, %dma_start3A_324] : memref<512x64xf32, #tpu.memory_space<vmem>> -> memref<1x64xf32, #tpu.memory_space<vmem>>
      %dma_start3A_326 = arith.constant 0 : i32
      %dma_start3A_327 = tpu.memref_slice %arg6[%squeeze3A_317, %dma_start3A_326] : memref<1000000x64xf32, #tpu.memory_space<hbm>> -> memref<1x64xf32, #tpu.memory_space<hbm>>
      tpu.enqueue_dma source(%dma_start3A_327 : memref<1x64xf32, #tpu.memory_space<hbm>>) target(%dma_start3A_325 : memref<1x64xf32, #tpu.memory_space<vmem>>) target_semaphore(%arg14 : memref<!tpu.dma_semaphore, #tpu.memory_space<semaphore_mem>>)
      %slice3A_328 = vector.extract_strided_slice %get3A_245 {offsets = [7], sizes = [1], strides = [1]} : vector<16xi32> to vector<1xi32>
      %squeeze3A_329 = vector.extract %slice3A_328[0] : i32 from vector<1xi32>
      %add3A_330 = arith.constant 7 : i32
      %add3A_331 = arith.addi %add3A_244, %add3A_330 : i32
      %dma_start3A_332 = arith.constant 0 : i32
      %dma_start3A_333 = tpu.memref_slice %arg13[%add3A_331, %dma_start3A_332] : memref<512x64xf32, #tpu.memory_space<vmem>> -> memref<1x64xf32, #tpu.memory_space<vmem>>
      %dma_start3A_334 = arith.constant 0 : i32
      %dma_start3A_335 = tpu.memref_slice %arg6[%squeeze3A_329, %dma_start3A_334] : memref<1000000x64xf32, #tpu.memory_space<hbm>> -> memref<1x64xf32, #tpu.memory_space<hbm>>
      %dma_start3A_336 = arith.constant 0 : i32
      %dma_start3A_337 = tpu.memref_slice %arg13[%add3A_331, %dma_start3A_336] : memref<512x64xf32, #tpu.memory_space<vmem>> -> memref<1x64xf32, #tpu.memory_space<vmem>>
      %dma_start3A_338 = arith.constant 0 : i32
      %dma_start3A_339 = tpu.memref_slice %arg6[%squeeze3A_329, %dma_start3A_338] : memref<1000000x64xf32, #tpu.memory_space<hbm>> -> memref<1x64xf32, #tpu.memory_space<hbm>>
      tpu.enqueue_dma source(%dma_start3A_339 : memref<1x64xf32, #tpu.memory_space<hbm>>) target(%dma_start3A_337 : memref<1x64xf32, #tpu.memory_space<vmem>>) target_semaphore(%arg14 : memref<!tpu.dma_semaphore, #tpu.memory_space<semaphore_mem>>)
      %slice3A_340 = vector.extract_strided_slice %get3A_245 {offsets = [8], sizes = [1], strides = [1]} : vector<16xi32> to vector<1xi32>
      %squeeze3A_341 = vector.extract %slice3A_340[0] : i32 from vector<1xi32>
      %add3A_342 = arith.constant 8 : i32
      %add3A_343 = arith.addi %add3A_244, %add3A_342 : i32
      %dma_start3A_344 = arith.constant 0 : i32
      %dma_start3A_345 = tpu.memref_slice %arg13[%add3A_343, %dma_start3A_344] : memref<512x64xf32, #tpu.memory_space<vmem>> -> memref<1x64xf32, #tpu.memory_space<vmem>>
      %dma_start3A_346 = arith.constant 0 : i32
      %dma_start3A_347 = tpu.memref_slice %arg6[%squeeze3A_341, %dma_start3A_346] : memref<1000000x64xf32, #tpu.memory_space<hbm>> -> memref<1x64xf32, #tpu.memory_space<hbm>>
      %dma_start3A_348 = arith.constant 0 : i32
      %dma_start3A_349 = tpu.memref_slice %arg13[%add3A_343, %dma_start3A_348] : memref<512x64xf32, #tpu.memory_space<vmem>> -> memref<1x64xf32, #tpu.memory_space<vmem>>
      %dma_start3A_350 = arith.constant 0 : i32
      %dma_start3A_351 = tpu.memref_slice %arg6[%squeeze3A_341, %dma_start3A_350] : memref<1000000x64xf32, #tpu.memory_space<hbm>> -> memref<1x64xf32, #tpu.memory_space<hbm>>
      tpu.enqueue_dma source(%dma_start3A_351 : memref<1x64xf32, #tpu.memory_space<hbm>>) target(%dma_start3A_349 : memref<1x64xf32, #tpu.memory_space<vmem>>) target_semaphore(%arg14 : memref<!tpu.dma_semaphore, #tpu.memory_space<semaphore_mem>>)
      %slice3A_352 = vector.extract_strided_slice %get3A_245 {offsets = [9], sizes = [1], strides = [1]} : vector<16xi32> to vector<1xi32>
      %squeeze3A_353 = vector.extract %slice3A_352[0] : i32 from vector<1xi32>
      %add3A_354 = arith.constant 9 : i32
      %add3A_355 = arith.addi %add3A_244, %add3A_354 : i32
      %dma_start3A_356 = arith.constant 0 : i32
      %dma_start3A_357 = tpu.memref_slice %arg13[%add3A_355, %dma_start3A_356] : memref<512x64xf32, #tpu.memory_space<vmem>> -> memref<1x64xf32, #tpu.memory_space<vmem>>
      %dma_start3A_358 = arith.constant 0 : i32
      %dma_start3A_359 = tpu.memref_slice %arg6[%squeeze3A_353, %dma_start3A_358] : memref<1000000x64xf32, #tpu.memory_space<hbm>> -> memref<1x64xf32, #tpu.memory_space<hbm>>
      %dma_start3A_360 = arith.constant 0 : i32
      %dma_start3A_361 = tpu.memref_slice %arg13[%add3A_355, %dma_start3A_360] : memref<512x64xf32, #tpu.memory_space<vmem>> -> memref<1x64xf32, #tpu.memory_space<vmem>>
      %dma_start3A_362 = arith.constant 0 : i32
      %dma_start3A_363 = tpu.memref_slice %arg6[%squeeze3A_353, %dma_start3A_362] : memref<1000000x64xf32, #tpu.memory_space<hbm>> -> memref<1x64xf32, #tpu.memory_space<hbm>>
      tpu.enqueue_dma source(%dma_start3A_363 : memref<1x64xf32, #tpu.memory_space<hbm>>) target(%dma_start3A_361 : memref<1x64xf32, #tpu.memory_space<vmem>>) target_semaphore(%arg14 : memref<!tpu.dma_semaphore, #tpu.memory_space<semaphore_mem>>)
      %slice3A_364 = vector.extract_strided_slice %get3A_245 {offsets = [10], sizes = [1], strides = [1]} : vector<16xi32> to vector<1xi32>
      %squeeze3A_365 = vector.extract %slice3A_364[0] : i32 from vector<1xi32>
      %add3A_366 = arith.constant 10 : i32
      %add3A_367 = arith.addi %add3A_244, %add3A_366 : i32
      %dma_start3A_368 = arith.constant 0 : i32
      %dma_start3A_369 = tpu.memref_slice %arg13[%add3A_367, %dma_start3A_368] : memref<512x64xf32, #tpu.memory_space<vmem>> -> memref<1x64xf32, #tpu.memory_space<vmem>>
      %dma_start3A_370 = arith.constant 0 : i32
      %dma_start3A_371 = tpu.memref_slice %arg6[%squeeze3A_365, %dma_start3A_370] : memref<1000000x64xf32, #tpu.memory_space<hbm>> -> memref<1x64xf32, #tpu.memory_space<hbm>>
      %dma_start3A_372 = arith.constant 0 : i32
      %dma_start3A_373 = tpu.memref_slice %arg13[%add3A_367, %dma_start3A_372] : memref<512x64xf32, #tpu.memory_space<vmem>> -> memref<1x64xf32, #tpu.memory_space<vmem>>
      %dma_start3A_374 = arith.constant 0 : i32
      %dma_start3A_375 = tpu.memref_slice %arg6[%squeeze3A_365, %dma_start3A_374] : memref<1000000x64xf32, #tpu.memory_space<hbm>> -> memref<1x64xf32, #tpu.memory_space<hbm>>
      tpu.enqueue_dma source(%dma_start3A_375 : memref<1x64xf32, #tpu.memory_space<hbm>>) target(%dma_start3A_373 : memref<1x64xf32, #tpu.memory_space<vmem>>) target_semaphore(%arg14 : memref<!tpu.dma_semaphore, #tpu.memory_space<semaphore_mem>>)
      %slice3A_376 = vector.extract_strided_slice %get3A_245 {offsets = [11], sizes = [1], strides = [1]} : vector<16xi32> to vector<1xi32>
      %squeeze3A_377 = vector.extract %slice3A_376[0] : i32 from vector<1xi32>
      %add3A_378 = arith.constant 11 : i32
      %add3A_379 = arith.addi %add3A_244, %add3A_378 : i32
      %dma_start3A_380 = arith.constant 0 : i32
      %dma_start3A_381 = tpu.memref_slice %arg13[%add3A_379, %dma_start3A_380] : memref<512x64xf32, #tpu.memory_space<vmem>> -> memref<1x64xf32, #tpu.memory_space<vmem>>
      %dma_start3A_382 = arith.constant 0 : i32
      %dma_start3A_383 = tpu.memref_slice %arg6[%squeeze3A_377, %dma_start3A_382] : memref<1000000x64xf32, #tpu.memory_space<hbm>> -> memref<1x64xf32, #tpu.memory_space<hbm>>
      %dma_start3A_384 = arith.constant 0 : i32
      %dma_start3A_385 = tpu.memref_slice %arg13[%add3A_379, %dma_start3A_384] : memref<512x64xf32, #tpu.memory_space<vmem>> -> memref<1x64xf32, #tpu.memory_space<vmem>>
      %dma_start3A_386 = arith.constant 0 : i32
      %dma_start3A_387 = tpu.memref_slice %arg6[%squeeze3A_377, %dma_start3A_386] : memref<1000000x64xf32, #tpu.memory_space<hbm>> -> memref<1x64xf32, #tpu.memory_space<hbm>>
      tpu.enqueue_dma source(%dma_start3A_387 : memref<1x64xf32, #tpu.memory_space<hbm>>) target(%dma_start3A_385 : memref<1x64xf32, #tpu.memory_space<vmem>>) target_semaphore(%arg14 : memref<!tpu.dma_semaphore, #tpu.memory_space<semaphore_mem>>)
      %slice3A_388 = vector.extract_strided_slice %get3A_245 {offsets = [12], sizes = [1], strides = [1]} : vector<16xi32> to vector<1xi32>
      %squeeze3A_389 = vector.extract %slice3A_388[0] : i32 from vector<1xi32>
      %add3A_390 = arith.constant 12 : i32
      %add3A_391 = arith.addi %add3A_244, %add3A_390 : i32
      %dma_start3A_392 = arith.constant 0 : i32
      %dma_start3A_393 = tpu.memref_slice %arg13[%add3A_391, %dma_start3A_392] : memref<512x64xf32, #tpu.memory_space<vmem>> -> memref<1x64xf32, #tpu.memory_space<vmem>>
      %dma_start3A_394 = arith.constant 0 : i32
      %dma_start3A_395 = tpu.memref_slice %arg6[%squeeze3A_389, %dma_start3A_394] : memref<1000000x64xf32, #tpu.memory_space<hbm>> -> memref<1x64xf32, #tpu.memory_space<hbm>>
      %dma_start3A_396 = arith.constant 0 : i32
      %dma_start3A_397 = tpu.memref_slice %arg13[%add3A_391, %dma_start3A_396] : memref<512x64xf32, #tpu.memory_space<vmem>> -> memref<1x64xf32, #tpu.memory_space<vmem>>
      %dma_start3A_398 = arith.constant 0 : i32
      %dma_start3A_399 = tpu.memref_slice %arg6[%squeeze3A_389, %dma_start3A_398] : memref<1000000x64xf32, #tpu.memory_space<hbm>> -> memref<1x64xf32, #tpu.memory_space<hbm>>
      tpu.enqueue_dma source(%dma_start3A_399 : memref<1x64xf32, #tpu.memory_space<hbm>>) target(%dma_start3A_397 : memref<1x64xf32, #tpu.memory_space<vmem>>) target_semaphore(%arg14 : memref<!tpu.dma_semaphore, #tpu.memory_space<semaphore_mem>>)
      %slice3A_400 = vector.extract_strided_slice %get3A_245 {offsets = [13], sizes = [1], strides = [1]} : vector<16xi32> to vector<1xi32>
      %squeeze3A_401 = vector.extract %slice3A_400[0] : i32 from vector<1xi32>
      %add3A_402 = arith.constant 13 : i32
      %add3A_403 = arith.addi %add3A_244, %add3A_402 : i32
      %dma_start3A_404 = arith.constant 0 : i32
      %dma_start3A_405 = tpu.memref_slice %arg13[%add3A_403, %dma_start3A_404] : memref<512x64xf32, #tpu.memory_space<vmem>> -> memref<1x64xf32, #tpu.memory_space<vmem>>
      %dma_start3A_406 = arith.constant 0 : i32
      %dma_start3A_407 = tpu.memref_slice %arg6[%squeeze3A_401, %dma_start3A_406] : memref<1000000x64xf32, #tpu.memory_space<hbm>> -> memref<1x64xf32, #tpu.memory_space<hbm>>
      %dma_start3A_408 = arith.constant 0 : i32
      %dma_start3A_409 = tpu.memref_slice %arg13[%add3A_403, %dma_start3A_408] : memref<512x64xf32, #tpu.memory_space<vmem>> -> memref<1x64xf32, #tpu.memory_space<vmem>>
      %dma_start3A_410 = arith.constant 0 : i32
      %dma_start3A_411 = tpu.memref_slice %arg6[%squeeze3A_401, %dma_start3A_410] : memref<1000000x64xf32, #tpu.memory_space<hbm>> -> memref<1x64xf32, #tpu.memory_space<hbm>>
      tpu.enqueue_dma source(%dma_start3A_411 : memref<1x64xf32, #tpu.memory_space<hbm>>) target(%dma_start3A_409 : memref<1x64xf32, #tpu.memory_space<vmem>>) target_semaphore(%arg14 : memref<!tpu.dma_semaphore, #tpu.memory_space<semaphore_mem>>)
      %slice3A_412 = vector.extract_strided_slice %get3A_245 {offsets = [14], sizes = [1], strides = [1]} : vector<16xi32> to vector<1xi32>
      %squeeze3A_413 = vector.extract %slice3A_412[0] : i32 from vector<1xi32>
      %add3A_414 = arith.constant 14 : i32
      %add3A_415 = arith.addi %add3A_244, %add3A_414 : i32
      %dma_start3A_416 = arith.constant 0 : i32
      %dma_start3A_417 = tpu.memref_slice %arg13[%add3A_415, %dma_start3A_416] : memref<512x64xf32, #tpu.memory_space<vmem>> -> memref<1x64xf32, #tpu.memory_space<vmem>>
      %dma_start3A_418 = arith.constant 0 : i32
      %dma_start3A_419 = tpu.memref_slice %arg6[%squeeze3A_413, %dma_start3A_418] : memref<1000000x64xf32, #tpu.memory_space<hbm>> -> memref<1x64xf32, #tpu.memory_space<hbm>>
      %dma_start3A_420 = arith.constant 0 : i32
      %dma_start3A_421 = tpu.memref_slice %arg13[%add3A_415, %dma_start3A_420] : memref<512x64xf32, #tpu.memory_space<vmem>> -> memref<1x64xf32, #tpu.memory_space<vmem>>
      %dma_start3A_422 = arith.constant 0 : i32
      %dma_start3A_423 = tpu.memref_slice %arg6[%squeeze3A_413, %dma_start3A_422] : memref<1000000x64xf32, #tpu.memory_space<hbm>> -> memref<1x64xf32, #tpu.memory_space<hbm>>
      tpu.enqueue_dma source(%dma_start3A_423 : memref<1x64xf32, #tpu.memory_space<hbm>>) target(%dma_start3A_421 : memref<1x64xf32, #tpu.memory_space<vmem>>) target_semaphore(%arg14 : memref<!tpu.dma_semaphore, #tpu.memory_space<semaphore_mem>>)
      %slice3A_424 = vector.extract_strided_slice %get3A_245 {offsets = [15], sizes = [1], strides = [1]} : vector<16xi32> to vector<1xi32>
      %squeeze3A_425 = vector.extract %slice3A_424[0] : i32 from vector<1xi32>
      %add3A_426 = arith.constant 15 : i32
      %add3A_427 = arith.addi %add3A_244, %add3A_426 : i32
      %dma_start3A_428 = arith.constant 0 : i32
      %dma_start3A_429 = tpu.memref_slice %arg13[%add3A_427, %dma_start3A_428] : memref<512x64xf32, #tpu.memory_space<vmem>> -> memref<1x64xf32, #tpu.memory_space<vmem>>
      %dma_start3A_430 = arith.constant 0 : i32
      %dma_start3A_431 = tpu.memref_slice %arg6[%squeeze3A_425, %dma_start3A_430] : memref<1000000x64xf32, #tpu.memory_space<hbm>> -> memref<1x64xf32, #tpu.memory_space<hbm>>
      %dma_start3A_432 = arith.constant 0 : i32
      %dma_start3A_433 = tpu.memref_slice %arg13[%add3A_427, %dma_start3A_432] : memref<512x64xf32, #tpu.memory_space<vmem>> -> memref<1x64xf32, #tpu.memory_space<vmem>>
      %dma_start3A_434 = arith.constant 0 : i32
      %dma_start3A_435 = tpu.memref_slice %arg6[%squeeze3A_425, %dma_start3A_434] : memref<1000000x64xf32, #tpu.memory_space<hbm>> -> memref<1x64xf32, #tpu.memory_space<hbm>>
      tpu.enqueue_dma source(%dma_start3A_435 : memref<1x64xf32, #tpu.memory_space<hbm>>) target(%dma_start3A_433 : memref<1x64xf32, #tpu.memory_space<vmem>>) target_semaphore(%arg14 : memref<!tpu.dma_semaphore, #tpu.memory_space<semaphore_mem>>)
    }
    %scan3A_85 = arith.constant 8 : i32
    %dma_wait3A_86 = arith.constant 0 : i32
    %dma_wait3A_87 = arith.constant 0 : i32
    %dma_wait3A_88 = tpu.memref_slice %arg13[%dma_wait3A_86, %dma_wait3A_87] : memref<512x64xf32, #tpu.memory_space<vmem>> -> memref<128x64xf32, #tpu.memory_space<vmem>>
    %dma_wait3A_89 = arith.constant 0 : i32
    %dma_wait3A_90 = arith.constant 0 : i32
    %dma_wait3A_91 = tpu.memref_slice %arg6[%dma_wait3A_89, %dma_wait3A_90] : memref<1000000x64xf32, #tpu.memory_space<hbm>> -> memref<128x64xf32, #tpu.memory_space<hbm>>
    %dma_wait3A_92 = arith.constant 0 : i32
    %dma_wait3A_93 = arith.constant 0 : i32
    %dma_wait3A_94 = tpu.memref_slice %arg13[%dma_wait3A_92, %dma_wait3A_93] : memref<512x64xf32, #tpu.memory_space<vmem>> -> memref<128x64xf32, #tpu.memory_space<vmem>>
    %dma_wait3A_95 = arith.constant 0 : i32
    %dma_wait3A_96 = arith.constant 0 : i32
    %dma_wait3A_97 = tpu.memref_slice %arg6[%dma_wait3A_95, %dma_wait3A_96] : memref<1000000x64xf32, #tpu.memory_space<hbm>> -> memref<128x64xf32, #tpu.memory_space<hbm>>
    tpu.wait_dma2 semaphore(%arg14 : memref<!tpu.dma_semaphore, #tpu.memory_space<semaphore_mem>>) src(%dma_wait3A_97 : memref<128x64xf32, #tpu.memory_space<hbm>>) dst(%dma_wait3A_94 : memref<128x64xf32, #tpu.memory_space<vmem>>)
    %scan3A_98 = arith.constant 0 : i32
    %scan3A_99 = arith.constant 0 : i32
    %scan3A_100 = arith.constant 8 : i32
    %scan3A_101 = arith.addi %scan3A_99, %scan3A_100 : i32
    %scan3A_102 = arith.constant 1 : i32
    scf.for %scan3A_240 = %scan3A_99 to %scan3A_101 step %scan3A_102  : i32 {
      %mul3A_241 = arith.constant 16 : i32
      %mul3A_242 = arith.muli %scan3A_240, %mul3A_241 : i32
      %add3A_243 = arith.constant 128 : i32
      %add3A_244 = arith.addi %add3A_243, %mul3A_242 : i32
      %get3A = arith.index_cast %add3A_244 : i32 to index
      %get3A_245 = tpu.vector_load %arg11[%get3A] {strides = array<i32>} : memref<512xi32, #tpu.memory_space<vmem>>, vector<16xi32>,
      %slice3A = vector.extract_strided_slice %get3A_245 {offsets = [0], sizes = [1], strides = [1]} : vector<16xi32> to vector<1xi32>
      %squeeze3A = vector.extract %slice3A[0] : i32 from vector<1xi32>
      %add3A_246 = arith.constant 0 : i32
      %add3A_247 = arith.addi %add3A_244, %add3A_246 : i32
      %dma_start3A_248 = arith.constant 0 : i32
      %dma_start3A_249 = tpu.memref_slice %arg13[%add3A_247, %dma_start3A_248] : memref<512x64xf32, #tpu.memory_space<vmem>> -> memref<1x64xf32, #tpu.memory_space<vmem>>
      %dma_start3A_250 = arith.constant 0 : i32
      %dma_start3A_251 = tpu.memref_slice %arg6[%squeeze3A, %dma_start3A_250] : memref<1000000x64xf32, #tpu.memory_space<hbm>> -> memref<1x64xf32, #tpu.memory_space<hbm>>
      %dma_start3A_252 = arith.constant 0 : i32
      %dma_start3A_253 = tpu.memref_slice %arg13[%add3A_247, %dma_start3A_252] : memref<512x64xf32, #tpu.memory_space<vmem>> -> memref<1x64xf32, #tpu.memory_space<vmem>>
      %dma_start3A_254 = arith.constant 0 : i32
      %dma_start3A_255 = tpu.memref_slice %arg6[%squeeze3A, %dma_start3A_254] : memref<1000000x64xf32, #tpu.memory_space<hbm>> -> memref<1x64xf32, #tpu.memory_space<hbm>>
      tpu.enqueue_dma source(%dma_start3A_255 : memref<1x64xf32, #tpu.memory_space<hbm>>) target(%dma_start3A_253 : memref<1x64xf32, #tpu.memory_space<vmem>>) target_semaphore(%arg14 : memref<!tpu.dma_semaphore, #tpu.memory_space<semaphore_mem>>)
      %slice3A_256 = vector.extract_strided_slice %get3A_245 {offsets = [1], sizes = [1], strides = [1]} : vector<16xi32> to vector<1xi32>
      %squeeze3A_257 = vector.extract %slice3A_256[0] : i32 from vector<1xi32>
      %add3A_258 = arith.constant 1 : i32
      %add3A_259 = arith.addi %add3A_244, %add3A_258 : i32
      %dma_start3A_260 = arith.constant 0 : i32
      %dma_start3A_261 = tpu.memref_slice %arg13[%add3A_259, %dma_start3A_260] : memref<512x64xf32, #tpu.memory_space<vmem>> -> memref<1x64xf32, #tpu.memory_space<vmem>>
      %dma_start3A_262 = arith.constant 0 : i32
      %dma_start3A_263 = tpu.memref_slice %arg6[%squeeze3A_257, %dma_start3A_262] : memref<1000000x64xf32, #tpu.memory_space<hbm>> -> memref<1x64xf32, #tpu.memory_space<hbm>>
      %dma_start3A_264 = arith.constant 0 : i32
      %dma_start3A_265 = tpu.memref_slice %arg13[%add3A_259, %dma_start3A_264] : memref<512x64xf32, #tpu.memory_space<vmem>> -> memref<1x64xf32, #tpu.memory_space<vmem>>
      %dma_start3A_266 = arith.constant 0 : i32
      %dma_start3A_267 = tpu.memref_slice %arg6[%squeeze3A_257, %dma_start3A_266] : memref<1000000x64xf32, #tpu.memory_space<hbm>> -> memref<1x64xf32, #tpu.memory_space<hbm>>
      tpu.enqueue_dma source(%dma_start3A_267 : memref<1x64xf32, #tpu.memory_space<hbm>>) target(%dma_start3A_265 : memref<1x64xf32, #tpu.memory_space<vmem>>) target_semaphore(%arg14 : memref<!tpu.dma_semaphore, #tpu.memory_space<semaphore_mem>>)
      %slice3A_268 = vector.extract_strided_slice %get3A_245 {offsets = [2], sizes = [1], strides = [1]} : vector<16xi32> to vector<1xi32>
      %squeeze3A_269 = vector.extract %slice3A_268[0] : i32 from vector<1xi32>
      %add3A_270 = arith.constant 2 : i32
      %add3A_271 = arith.addi %add3A_244, %add3A_270 : i32
      %dma_start3A_272 = arith.constant 0 : i32
      %dma_start3A_273 = tpu.memref_slice %arg13[%add3A_271, %dma_start3A_272] : memref<512x64xf32, #tpu.memory_space<vmem>> -> memref<1x64xf32, #tpu.memory_space<vmem>>
      %dma_start3A_274 = arith.constant 0 : i32
      %dma_start3A_275 = tpu.memref_slice %arg6[%squeeze3A_269, %dma_start3A_274] : memref<1000000x64xf32, #tpu.memory_space<hbm>> -> memref<1x64xf32, #tpu.memory_space<hbm>>
      %dma_start3A_276 = arith.constant 0 : i32
      %dma_start3A_277 = tpu.memref_slice %arg13[%add3A_271, %dma_start3A_276] : memref<512x64xf32, #tpu.memory_space<vmem>> -> memref<1x64xf32, #tpu.memory_space<vmem>>
      %dma_start3A_278 = arith.constant 0 : i32
      %dma_start3A_279 = tpu.memref_slice %arg6[%squeeze3A_269, %dma_start3A_278] : memref<1000000x64xf32, #tpu.memory_space<hbm>> -> memref<1x64xf32, #tpu.memory_space<hbm>>
      tpu.enqueue_dma source(%dma_start3A_279 : memref<1x64xf32, #tpu.memory_space<hbm>>) target(%dma_start3A_277 : memref<1x64xf32, #tpu.memory_space<vmem>>) target_semaphore(%arg14 : memref<!tpu.dma_semaphore, #tpu.memory_space<semaphore_mem>>)
      %slice3A_280 = vector.extract_strided_slice %get3A_245 {offsets = [3], sizes = [1], strides = [1]} : vector<16xi32> to vector<1xi32>
      %squeeze3A_281 = vector.extract %slice3A_280[0] : i32 from vector<1xi32>
      %add3A_282 = arith.constant 3 : i32
      %add3A_283 = arith.addi %add3A_244, %add3A_282 : i32
      %dma_start3A_284 = arith.constant 0 : i32
      %dma_start3A_285 = tpu.memref_slice %arg13[%add3A_283, %dma_start3A_284] : memref<512x64xf32, #tpu.memory_space<vmem>> -> memref<1x64xf32, #tpu.memory_space<vmem>>
      %dma_start3A_286 = arith.constant 0 : i32
      %dma_start3A_287 = tpu.memref_slice %arg6[%squeeze3A_281, %dma_start3A_286] : memref<1000000x64xf32, #tpu.memory_space<hbm>> -> memref<1x64xf32, #tpu.memory_space<hbm>>
      %dma_start3A_288 = arith.constant 0 : i32
      %dma_start3A_289 = tpu.memref_slice %arg13[%add3A_283, %dma_start3A_288] : memref<512x64xf32, #tpu.memory_space<vmem>> -> memref<1x64xf32, #tpu.memory_space<vmem>>
      %dma_start3A_290 = arith.constant 0 : i32
      %dma_start3A_291 = tpu.memref_slice %arg6[%squeeze3A_281, %dma_start3A_290] : memref<1000000x64xf32, #tpu.memory_space<hbm>> -> memref<1x64xf32, #tpu.memory_space<hbm>>
      tpu.enqueue_dma source(%dma_start3A_291 : memref<1x64xf32, #tpu.memory_space<hbm>>) target(%dma_start3A_289 : memref<1x64xf32, #tpu.memory_space<vmem>>) target_semaphore(%arg14 : memref<!tpu.dma_semaphore, #tpu.memory_space<semaphore_mem>>)
      %slice3A_292 = vector.extract_strided_slice %get3A_245 {offsets = [4], sizes = [1], strides = [1]} : vector<16xi32> to vector<1xi32>
      %squeeze3A_293 = vector.extract %slice3A_292[0] : i32 from vector<1xi32>
      %add3A_294 = arith.constant 4 : i32
      %add3A_295 = arith.addi %add3A_244, %add3A_294 : i32
      %dma_start3A_296 = arith.constant 0 : i32
      %dma_start3A_297 = tpu.memref_slice %arg13[%add3A_295, %dma_start3A_296] : memref<512x64xf32, #tpu.memory_space<vmem>> -> memref<1x64xf32, #tpu.memory_space<vmem>>
      %dma_start3A_298 = arith.constant 0 : i32
      %dma_start3A_299 = tpu.memref_slice %arg6[%squeeze3A_293, %dma_start3A_298] : memref<1000000x64xf32, #tpu.memory_space<hbm>> -> memref<1x64xf32, #tpu.memory_space<hbm>>
      %dma_start3A_300 = arith.constant 0 : i32
      %dma_start3A_301 = tpu.memref_slice %arg13[%add3A_295, %dma_start3A_300] : memref<512x64xf32, #tpu.memory_space<vmem>> -> memref<1x64xf32, #tpu.memory_space<vmem>>
      %dma_start3A_302 = arith.constant 0 : i32
      %dma_start3A_303 = tpu.memref_slice %arg6[%squeeze3A_293, %dma_start3A_302] : memref<1000000x64xf32, #tpu.memory_space<hbm>> -> memref<1x64xf32, #tpu.memory_space<hbm>>
      tpu.enqueue_dma source(%dma_start3A_303 : memref<1x64xf32, #tpu.memory_space<hbm>>) target(%dma_start3A_301 : memref<1x64xf32, #tpu.memory_space<vmem>>) target_semaphore(%arg14 : memref<!tpu.dma_semaphore, #tpu.memory_space<semaphore_mem>>)
      %slice3A_304 = vector.extract_strided_slice %get3A_245 {offsets = [5], sizes = [1], strides = [1]} : vector<16xi32> to vector<1xi32>
      %squeeze3A_305 = vector.extract %slice3A_304[0] : i32 from vector<1xi32>
      %add3A_306 = arith.constant 5 : i32
      %add3A_307 = arith.addi %add3A_244, %add3A_306 : i32
      %dma_start3A_308 = arith.constant 0 : i32
      %dma_start3A_309 = tpu.memref_slice %arg13[%add3A_307, %dma_start3A_308] : memref<512x64xf32, #tpu.memory_space<vmem>> -> memref<1x64xf32, #tpu.memory_space<vmem>>
      %dma_start3A_310 = arith.constant 0 : i32
      %dma_start3A_311 = tpu.memref_slice %arg6[%squeeze3A_305, %dma_start3A_310] : memref<1000000x64xf32, #tpu.memory_space<hbm>> -> memref<1x64xf32, #tpu.memory_space<hbm>>
      %dma_start3A_312 = arith.constant 0 : i32
      %dma_start3A_313 = tpu.memref_slice %arg13[%add3A_307, %dma_start3A_312] : memref<512x64xf32, #tpu.memory_space<vmem>> -> memref<1x64xf32, #tpu.memory_space<vmem>>
      %dma_start3A_314 = arith.constant 0 : i32
      %dma_start3A_315 = tpu.memref_slice %arg6[%squeeze3A_305, %dma_start3A_314] : memref<1000000x64xf32, #tpu.memory_space<hbm>> -> memref<1x64xf32, #tpu.memory_space<hbm>>
      tpu.enqueue_dma source(%dma_start3A_315 : memref<1x64xf32, #tpu.memory_space<hbm>>) target(%dma_start3A_313 : memref<1x64xf32, #tpu.memory_space<vmem>>) target_semaphore(%arg14 : memref<!tpu.dma_semaphore, #tpu.memory_space<semaphore_mem>>)
      %slice3A_316 = vector.extract_strided_slice %get3A_245 {offsets = [6], sizes = [1], strides = [1]} : vector<16xi32> to vector<1xi32>
      %squeeze3A_317 = vector.extract %slice3A_316[0] : i32 from vector<1xi32>
      %add3A_318 = arith.constant 6 : i32
      %add3A_319 = arith.addi %add3A_244, %add3A_318 : i32
      %dma_start3A_320 = arith.constant 0 : i32
      %dma_start3A_321 = tpu.memref_slice %arg13[%add3A_319, %dma_start3A_320] : memref<512x64xf32, #tpu.memory_space<vmem>> -> memref<1x64xf32, #tpu.memory_space<vmem>>
      %dma_start3A_322 = arith.constant 0 : i32
      %dma_start3A_323 = tpu.memref_slice %arg6[%squeeze3A_317, %dma_start3A_322] : memref<1000000x64xf32, #tpu.memory_space<hbm>> -> memref<1x64xf32, #tpu.memory_space<hbm>>
      %dma_start3A_324 = arith.constant 0 : i32
      %dma_start3A_325 = tpu.memref_slice %arg13[%add3A_319, %dma_start3A_324] : memref<512x64xf32, #tpu.memory_space<vmem>> -> memref<1x64xf32, #tpu.memory_space<vmem>>
      %dma_start3A_326 = arith.constant 0 : i32
      %dma_start3A_327 = tpu.memref_slice %arg6[%squeeze3A_317, %dma_start3A_326] : memref<1000000x64xf32, #tpu.memory_space<hbm>> -> memref<1x64xf32, #tpu.memory_space<hbm>>
      tpu.enqueue_dma source(%dma_start3A_327 : memref<1x64xf32, #tpu.memory_space<hbm>>) target(%dma_start3A_325 : memref<1x64xf32, #tpu.memory_space<vmem>>) target_semaphore(%arg14 : memref<!tpu.dma_semaphore, #tpu.memory_space<semaphore_mem>>)
      %slice3A_328 = vector.extract_strided_slice %get3A_245 {offsets = [7], sizes = [1], strides = [1]} : vector<16xi32> to vector<1xi32>
      %squeeze3A_329 = vector.extract %slice3A_328[0] : i32 from vector<1xi32>
      %add3A_330 = arith.constant 7 : i32
      %add3A_331 = arith.addi %add3A_244, %add3A_330 : i32
      %dma_start3A_332 = arith.constant 0 : i32
      %dma_start3A_333 = tpu.memref_slice %arg13[%add3A_331, %dma_start3A_332] : memref<512x64xf32, #tpu.memory_space<vmem>> -> memref<1x64xf32, #tpu.memory_space<vmem>>
      %dma_start3A_334 = arith.constant 0 : i32
      %dma_start3A_335 = tpu.memref_slice %arg6[%squeeze3A_329, %dma_start3A_334] : memref<1000000x64xf32, #tpu.memory_space<hbm>> -> memref<1x64xf32, #tpu.memory_space<hbm>>
      %dma_start3A_336 = arith.constant 0 : i32
      %dma_start3A_337 = tpu.memref_slice %arg13[%add3A_331, %dma_start3A_336] : memref<512x64xf32, #tpu.memory_space<vmem>> -> memref<1x64xf32, #tpu.memory_space<vmem>>
      %dma_start3A_338 = arith.constant 0 : i32
      %dma_start3A_339 = tpu.memref_slice %arg6[%squeeze3A_329, %dma_start3A_338] : memref<1000000x64xf32, #tpu.memory_space<hbm>> -> memref<1x64xf32, #tpu.memory_space<hbm>>
      tpu.enqueue_dma source(%dma_start3A_339 : memref<1x64xf32, #tpu.memory_space<hbm>>) target(%dma_start3A_337 : memref<1x64xf32, #tpu.memory_space<vmem>>) target_semaphore(%arg14 : memref<!tpu.dma_semaphore, #tpu.memory_space<semaphore_mem>>)
      %slice3A_340 = vector.extract_strided_slice %get3A_245 {offsets = [8], sizes = [1], strides = [1]} : vector<16xi32> to vector<1xi32>
      %squeeze3A_341 = vector.extract %slice3A_340[0] : i32 from vector<1xi32>
      %add3A_342 = arith.constant 8 : i32
      %add3A_343 = arith.addi %add3A_244, %add3A_342 : i32
      %dma_start3A_344 = arith.constant 0 : i32
      %dma_start3A_345 = tpu.memref_slice %arg13[%add3A_343, %dma_start3A_344] : memref<512x64xf32, #tpu.memory_space<vmem>> -> memref<1x64xf32, #tpu.memory_space<vmem>>
      %dma_start3A_346 = arith.constant 0 : i32
      %dma_start3A_347 = tpu.memref_slice %arg6[%squeeze3A_341, %dma_start3A_346] : memref<1000000x64xf32, #tpu.memory_space<hbm>> -> memref<1x64xf32, #tpu.memory_space<hbm>>
      %dma_start3A_348 = arith.constant 0 : i32
      %dma_start3A_349 = tpu.memref_slice %arg13[%add3A_343, %dma_start3A_348] : memref<512x64xf32, #tpu.memory_space<vmem>> -> memref<1x64xf32, #tpu.memory_space<vmem>>
      %dma_start3A_350 = arith.constant 0 : i32
      %dma_start3A_351 = tpu.memref_slice %arg6[%squeeze3A_341, %dma_start3A_350] : memref<1000000x64xf32, #tpu.memory_space<hbm>> -> memref<1x64xf32, #tpu.memory_space<hbm>>
      tpu.enqueue_dma source(%dma_start3A_351 : memref<1x64xf32, #tpu.memory_space<hbm>>) target(%dma_start3A_349 : memref<1x64xf32, #tpu.memory_space<vmem>>) target_semaphore(%arg14 : memref<!tpu.dma_semaphore, #tpu.memory_space<semaphore_mem>>)
      %slice3A_352 = vector.extract_strided_slice %get3A_245 {offsets = [9], sizes = [1], strides = [1]} : vector<16xi32> to vector<1xi32>
      %squeeze3A_353 = vector.extract %slice3A_352[0] : i32 from vector<1xi32>
      %add3A_354 = arith.constant 9 : i32
      %add3A_355 = arith.addi %add3A_244, %add3A_354 : i32
      %dma_start3A_356 = arith.constant 0 : i32
      %dma_start3A_357 = tpu.memref_slice %arg13[%add3A_355, %dma_start3A_356] : memref<512x64xf32, #tpu.memory_space<vmem>> -> memref<1x64xf32, #tpu.memory_space<vmem>>
      %dma_start3A_358 = arith.constant 0 : i32
      %dma_start3A_359 = tpu.memref_slice %arg6[%squeeze3A_353, %dma_start3A_358] : memref<1000000x64xf32, #tpu.memory_space<hbm>> -> memref<1x64xf32, #tpu.memory_space<hbm>>
      %dma_start3A_360 = arith.constant 0 : i32
      %dma_start3A_361 = tpu.memref_slice %arg13[%add3A_355, %dma_start3A_360] : memref<512x64xf32, #tpu.memory_space<vmem>> -> memref<1x64xf32, #tpu.memory_space<vmem>>
      %dma_start3A_362 = arith.constant 0 : i32
      %dma_start3A_363 = tpu.memref_slice %arg6[%squeeze3A_353, %dma_start3A_362] : memref<1000000x64xf32, #tpu.memory_space<hbm>> -> memref<1x64xf32, #tpu.memory_space<hbm>>
      tpu.enqueue_dma source(%dma_start3A_363 : memref<1x64xf32, #tpu.memory_space<hbm>>) target(%dma_start3A_361 : memref<1x64xf32, #tpu.memory_space<vmem>>) target_semaphore(%arg14 : memref<!tpu.dma_semaphore, #tpu.memory_space<semaphore_mem>>)
      %slice3A_364 = vector.extract_strided_slice %get3A_245 {offsets = [10], sizes = [1], strides = [1]} : vector<16xi32> to vector<1xi32>
      %squeeze3A_365 = vector.extract %slice3A_364[0] : i32 from vector<1xi32>
      %add3A_366 = arith.constant 10 : i32
      %add3A_367 = arith.addi %add3A_244, %add3A_366 : i32
      %dma_start3A_368 = arith.constant 0 : i32
      %dma_start3A_369 = tpu.memref_slice %arg13[%add3A_367, %dma_start3A_368] : memref<512x64xf32, #tpu.memory_space<vmem>> -> memref<1x64xf32, #tpu.memory_space<vmem>>
      %dma_start3A_370 = arith.constant 0 : i32
      %dma_start3A_371 = tpu.memref_slice %arg6[%squeeze3A_365, %dma_start3A_370] : memref<1000000x64xf32, #tpu.memory_space<hbm>> -> memref<1x64xf32, #tpu.memory_space<hbm>>
      %dma_start3A_372 = arith.constant 0 : i32
      %dma_start3A_373 = tpu.memref_slice %arg13[%add3A_367, %dma_start3A_372] : memref<512x64xf32, #tpu.memory_space<vmem>> -> memref<1x64xf32, #tpu.memory_space<vmem>>
      %dma_start3A_374 = arith.constant 0 : i32
      %dma_start3A_375 = tpu.memref_slice %arg6[%squeeze3A_365, %dma_start3A_374] : memref<1000000x64xf32, #tpu.memory_space<hbm>> -> memref<1x64xf32, #tpu.memory_space<hbm>>
      tpu.enqueue_dma source(%dma_start3A_375 : memref<1x64xf32, #tpu.memory_space<hbm>>) target(%dma_start3A_373 : memref<1x64xf32, #tpu.memory_space<vmem>>) target_semaphore(%arg14 : memref<!tpu.dma_semaphore, #tpu.memory_space<semaphore_mem>>)
      %slice3A_376 = vector.extract_strided_slice %get3A_245 {offsets = [11], sizes = [1], strides = [1]} : vector<16xi32> to vector<1xi32>
      %squeeze3A_377 = vector.extract %slice3A_376[0] : i32 from vector<1xi32>
      %add3A_378 = arith.constant 11 : i32
      %add3A_379 = arith.addi %add3A_244, %add3A_378 : i32
      %dma_start3A_380 = arith.constant 0 : i32
      %dma_start3A_381 = tpu.memref_slice %arg13[%add3A_379, %dma_start3A_380] : memref<512x64xf32, #tpu.memory_space<vmem>> -> memref<1x64xf32, #tpu.memory_space<vmem>>
      %dma_start3A_382 = arith.constant 0 : i32
      %dma_start3A_383 = tpu.memref_slice %arg6[%squeeze3A_377, %dma_start3A_382] : memref<1000000x64xf32, #tpu.memory_space<hbm>> -> memref<1x64xf32, #tpu.memory_space<hbm>>
      %dma_start3A_384 = arith.constant 0 : i32
      %dma_start3A_385 = tpu.memref_slice %arg13[%add3A_379, %dma_start3A_384] : memref<512x64xf32, #tpu.memory_space<vmem>> -> memref<1x64xf32, #tpu.memory_space<vmem>>
      %dma_start3A_386 = arith.constant 0 : i32
      %dma_start3A_387 = tpu.memref_slice %arg6[%squeeze3A_377, %dma_start3A_386] : memref<1000000x64xf32, #tpu.memory_space<hbm>> -> memref<1x64xf32, #tpu.memory_space<hbm>>
      tpu.enqueue_dma source(%dma_start3A_387 : memref<1x64xf32, #tpu.memory_space<hbm>>) target(%dma_start3A_385 : memref<1x64xf32, #tpu.memory_space<vmem>>) target_semaphore(%arg14 : memref<!tpu.dma_semaphore, #tpu.memory_space<semaphore_mem>>)
      %slice3A_388 = vector.extract_strided_slice %get3A_245 {offsets = [12], sizes = [1], strides = [1]} : vector<16xi32> to vector<1xi32>
      %squeeze3A_389 = vector.extract %slice3A_388[0] : i32 from vector<1xi32>
      %add3A_390 = arith.constant 12 : i32
      %add3A_391 = arith.addi %add3A_244, %add3A_390 : i32
      %dma_start3A_392 = arith.constant 0 : i32
      %dma_start3A_393 = tpu.memref_slice %arg13[%add3A_391, %dma_start3A_392] : memref<512x64xf32, #tpu.memory_space<vmem>> -> memref<1x64xf32, #tpu.memory_space<vmem>>
      %dma_start3A_394 = arith.constant 0 : i32
      %dma_start3A_395 = tpu.memref_slice %arg6[%squeeze3A_389, %dma_start3A_394] : memref<1000000x64xf32, #tpu.memory_space<hbm>> -> memref<1x64xf32, #tpu.memory_space<hbm>>
      %dma_start3A_396 = arith.constant 0 : i32
      %dma_start3A_397 = tpu.memref_slice %arg13[%add3A_391, %dma_start3A_396] : memref<512x64xf32, #tpu.memory_space<vmem>> -> memref<1x64xf32, #tpu.memory_space<vmem>>
      %dma_start3A_398 = arith.constant 0 : i32
      %dma_start3A_399 = tpu.memref_slice %arg6[%squeeze3A_389, %dma_start3A_398] : memref<1000000x64xf32, #tpu.memory_space<hbm>> -> memref<1x64xf32, #tpu.memory_space<hbm>>
      tpu.enqueue_dma source(%dma_start3A_399 : memref<1x64xf32, #tpu.memory_space<hbm>>) target(%dma_start3A_397 : memref<1x64xf32, #tpu.memory_space<vmem>>) target_semaphore(%arg14 : memref<!tpu.dma_semaphore, #tpu.memory_space<semaphore_mem>>)
      %slice3A_400 = vector.extract_strided_slice %get3A_245 {offsets = [13], sizes = [1], strides = [1]} : vector<16xi32> to vector<1xi32>
      %squeeze3A_401 = vector.extract %slice3A_400[0] : i32 from vector<1xi32>
      %add3A_402 = arith.constant 13 : i32
      %add3A_403 = arith.addi %add3A_244, %add3A_402 : i32
      %dma_start3A_404 = arith.constant 0 : i32
      %dma_start3A_405 = tpu.memref_slice %arg13[%add3A_403, %dma_start3A_404] : memref<512x64xf32, #tpu.memory_space<vmem>> -> memref<1x64xf32, #tpu.memory_space<vmem>>
      %dma_start3A_406 = arith.constant 0 : i32
      %dma_start3A_407 = tpu.memref_slice %arg6[%squeeze3A_401, %dma_start3A_406] : memref<1000000x64xf32, #tpu.memory_space<hbm>> -> memref<1x64xf32, #tpu.memory_space<hbm>>
      %dma_start3A_408 = arith.constant 0 : i32
      %dma_start3A_409 = tpu.memref_slice %arg13[%add3A_403, %dma_start3A_408] : memref<512x64xf32, #tpu.memory_space<vmem>> -> memref<1x64xf32, #tpu.memory_space<vmem>>
      %dma_start3A_410 = arith.constant 0 : i32
      %dma_start3A_411 = tpu.memref_slice %arg6[%squeeze3A_401, %dma_start3A_410] : memref<1000000x64xf32, #tpu.memory_space<hbm>> -> memref<1x64xf32, #tpu.memory_space<hbm>>
      tpu.enqueue_dma source(%dma_start3A_411 : memref<1x64xf32, #tpu.memory_space<hbm>>) target(%dma_start3A_409 : memref<1x64xf32, #tpu.memory_space<vmem>>) target_semaphore(%arg14 : memref<!tpu.dma_semaphore, #tpu.memory_space<semaphore_mem>>)
      %slice3A_412 = vector.extract_strided_slice %get3A_245 {offsets = [14], sizes = [1], strides = [1]} : vector<16xi32> to vector<1xi32>
      %squeeze3A_413 = vector.extract %slice3A_412[0] : i32 from vector<1xi32>
      %add3A_414 = arith.constant 14 : i32
      %add3A_415 = arith.addi %add3A_244, %add3A_414 : i32
      %dma_start3A_416 = arith.constant 0 : i32
      %dma_start3A_417 = tpu.memref_slice %arg13[%add3A_415, %dma_start3A_416] : memref<512x64xf32, #tpu.memory_space<vmem>> -> memref<1x64xf32, #tpu.memory_space<vmem>>
      %dma_start3A_418 = arith.constant 0 : i32
      %dma_start3A_419 = tpu.memref_slice %arg6[%squeeze3A_413, %dma_start3A_418] : memref<1000000x64xf32, #tpu.memory_space<hbm>> -> memref<1x64xf32, #tpu.memory_space<hbm>>
      %dma_start3A_420 = arith.constant 0 : i32
      %dma_start3A_421 = tpu.memref_slice %arg13[%add3A_415, %dma_start3A_420] : memref<512x64xf32, #tpu.memory_space<vmem>> -> memref<1x64xf32, #tpu.memory_space<vmem>>
      %dma_start3A_422 = arith.constant 0 : i32
      %dma_start3A_423 = tpu.memref_slice %arg6[%squeeze3A_413, %dma_start3A_422] : memref<1000000x64xf32, #tpu.memory_space<hbm>> -> memref<1x64xf32, #tpu.memory_space<hbm>>
      tpu.enqueue_dma source(%dma_start3A_423 : memref<1x64xf32, #tpu.memory_space<hbm>>) target(%dma_start3A_421 : memref<1x64xf32, #tpu.memory_space<vmem>>) target_semaphore(%arg14 : memref<!tpu.dma_semaphore, #tpu.memory_space<semaphore_mem>>)
      %slice3A_424 = vector.extract_strided_slice %get3A_245 {offsets = [15], sizes = [1], strides = [1]} : vector<16xi32> to vector<1xi32>
      %squeeze3A_425 = vector.extract %slice3A_424[0] : i32 from vector<1xi32>
      %add3A_426 = arith.constant 15 : i32
      %add3A_427 = arith.addi %add3A_244, %add3A_426 : i32
      %dma_start3A_428 = arith.constant 0 : i32
      %dma_start3A_429 = tpu.memref_slice %arg13[%add3A_427, %dma_start3A_428] : memref<512x64xf32, #tpu.memory_space<vmem>> -> memref<1x64xf32, #tpu.memory_space<vmem>>
      %dma_start3A_430 = arith.constant 0 : i32
      %dma_start3A_431 = tpu.memref_slice %arg6[%squeeze3A_425, %dma_start3A_430] : memref<1000000x64xf32, #tpu.memory_space<hbm>> -> memref<1x64xf32, #tpu.memory_space<hbm>>
      %dma_start3A_432 = arith.constant 0 : i32
      %dma_start3A_433 = tpu.memref_slice %arg13[%add3A_427, %dma_start3A_432] : memref<512x64xf32, #tpu.memory_space<vmem>> -> memref<1x64xf32, #tpu.memory_space<vmem>>
      %dma_start3A_434 = arith.constant 0 : i32
      %dma_start3A_435 = tpu.memref_slice %arg6[%squeeze3A_425, %dma_start3A_434] : memref<1000000x64xf32, #tpu.memory_space<hbm>> -> memref<1x64xf32, #tpu.memory_space<hbm>>
      tpu.enqueue_dma source(%dma_start3A_435 : memref<1x64xf32, #tpu.memory_space<hbm>>) target(%dma_start3A_433 : memref<1x64xf32, #tpu.memory_space<vmem>>) target_semaphore(%arg14 : memref<!tpu.dma_semaphore, #tpu.memory_space<semaphore_mem>>)
    }
    %scan3A_103 = arith.constant 8 : i32
    %dma_wait3A_104 = arith.constant 128 : i32
    %dma_wait3A_105 = arith.constant 0 : i32
    %dma_wait3A_106 = tpu.memref_slice %arg13[%dma_wait3A_104, %dma_wait3A_105] : memref<512x64xf32, #tpu.memory_space<vmem>> -> memref<128x64xf32, #tpu.memory_space<vmem>>
    %dma_wait3A_107 = arith.constant 0 : i32
    %dma_wait3A_108 = arith.constant 0 : i32
    %dma_wait3A_109 = tpu.memref_slice %arg6[%dma_wait3A_107, %dma_wait3A_108] : memref<1000000x64xf32, #tpu.memory_space<hbm>> -> memref<128x64xf32, #tpu.memory_space<hbm>>
    %dma_wait3A_110 = arith.constant 128 : i32
    %dma_wait3A_111 = arith.constant 0 : i32
    %dma_wait3A_112 = tpu.memref_slice %arg13[%dma_wait3A_110, %dma_wait3A_111] : memref<512x64xf32, #tpu.memory_space<vmem>> -> memref<128x64xf32, #tpu.memory_space<vmem>>
    %dma_wait3A_113 = arith.constant 0 : i32
    %dma_wait3A_114 = arith.constant 0 : i32
    %dma_wait3A_115 = tpu.memref_slice %arg6[%dma_wait3A_113, %dma_wait3A_114] : memref<1000000x64xf32, #tpu.memory_space<hbm>> -> memref<128x64xf32, #tpu.memory_space<hbm>>
    tpu.wait_dma2 semaphore(%arg14 : memref<!tpu.dma_semaphore, #tpu.memory_space<semaphore_mem>>) src(%dma_wait3A_115 : memref<128x64xf32, #tpu.memory_space<hbm>>) dst(%dma_wait3A_112 : memref<128x64xf32, #tpu.memory_space<vmem>>)
    %scan3A_116 = arith.constant 0 : i32
    %scan3A_117 = arith.constant 0 : i32
    %scan3A_118 = arith.constant 8 : i32
    %scan3A_119 = arith.addi %scan3A_117, %scan3A_118 : i32
    %scan3A_120 = arith.constant 1 : i32
    scf.for %scan3A_240 = %scan3A_117 to %scan3A_119 step %scan3A_120  : i32 {
      %mul3A_241 = arith.constant 16 : i32
      %mul3A_242 = arith.muli %scan3A_240, %mul3A_241 : i32
      %add3A_243 = arith.constant 256 : i32
      %add3A_244 = arith.addi %add3A_243, %mul3A_242 : i32
      %get3A = arith.index_cast %add3A_244 : i32 to index
      %get3A_245 = tpu.vector_load %arg11[%get3A] {strides = array<i32>} : memref<512xi32, #tpu.memory_space<vmem>>, vector<16xi32>,
      %slice3A = vector.extract_strided_slice %get3A_245 {offsets = [0], sizes = [1], strides = [1]} : vector<16xi32> to vector<1xi32>
      %squeeze3A = vector.extract %slice3A[0] : i32 from vector<1xi32>
      %add3A_246 = arith.constant 0 : i32
      %add3A_247 = arith.addi %add3A_244, %add3A_246 : i32
      %dma_start3A_248 = arith.constant 0 : i32
      %dma_start3A_249 = tpu.memref_slice %arg13[%add3A_247, %dma_start3A_248] : memref<512x64xf32, #tpu.memory_space<vmem>> -> memref<1x64xf32, #tpu.memory_space<vmem>>
      %dma_start3A_250 = arith.constant 0 : i32
      %dma_start3A_251 = tpu.memref_slice %arg6[%squeeze3A, %dma_start3A_250] : memref<1000000x64xf32, #tpu.memory_space<hbm>> -> memref<1x64xf32, #tpu.memory_space<hbm>>
      %dma_start3A_252 = arith.constant 0 : i32
      %dma_start3A_253 = tpu.memref_slice %arg13[%add3A_247, %dma_start3A_252] : memref<512x64xf32, #tpu.memory_space<vmem>> -> memref<1x64xf32, #tpu.memory_space<vmem>>
      %dma_start3A_254 = arith.constant 0 : i32
      %dma_start3A_255 = tpu.memref_slice %arg6[%squeeze3A, %dma_start3A_254] : memref<1000000x64xf32, #tpu.memory_space<hbm>> -> memref<1x64xf32, #tpu.memory_space<hbm>>
      tpu.enqueue_dma source(%dma_start3A_255 : memref<1x64xf32, #tpu.memory_space<hbm>>) target(%dma_start3A_253 : memref<1x64xf32, #tpu.memory_space<vmem>>) target_semaphore(%arg14 : memref<!tpu.dma_semaphore, #tpu.memory_space<semaphore_mem>>)
      %slice3A_256 = vector.extract_strided_slice %get3A_245 {offsets = [1], sizes = [1], strides = [1]} : vector<16xi32> to vector<1xi32>
      %squeeze3A_257 = vector.extract %slice3A_256[0] : i32 from vector<1xi32>
      %add3A_258 = arith.constant 1 : i32
      %add3A_259 = arith.addi %add3A_244, %add3A_258 : i32
      %dma_start3A_260 = arith.constant 0 : i32
      %dma_start3A_261 = tpu.memref_slice %arg13[%add3A_259, %dma_start3A_260] : memref<512x64xf32, #tpu.memory_space<vmem>> -> memref<1x64xf32, #tpu.memory_space<vmem>>
      %dma_start3A_262 = arith.constant 0 : i32
      %dma_start3A_263 = tpu.memref_slice %arg6[%squeeze3A_257, %dma_start3A_262] : memref<1000000x64xf32, #tpu.memory_space<hbm>> -> memref<1x64xf32, #tpu.memory_space<hbm>>
      %dma_start3A_264 = arith.constant 0 : i32
      %dma_start3A_265 = tpu.memref_slice %arg13[%add3A_259, %dma_start3A_264] : memref<512x64xf32, #tpu.memory_space<vmem>> -> memref<1x64xf32, #tpu.memory_space<vmem>>
      %dma_start3A_266 = arith.constant 0 : i32
      %dma_start3A_267 = tpu.memref_slice %arg6[%squeeze3A_257, %dma_start3A_266] : memref<1000000x64xf32, #tpu.memory_space<hbm>> -> memref<1x64xf32, #tpu.memory_space<hbm>>
      tpu.enqueue_dma source(%dma_start3A_267 : memref<1x64xf32, #tpu.memory_space<hbm>>) target(%dma_start3A_265 : memref<1x64xf32, #tpu.memory_space<vmem>>) target_semaphore(%arg14 : memref<!tpu.dma_semaphore, #tpu.memory_space<semaphore_mem>>)
      %slice3A_268 = vector.extract_strided_slice %get3A_245 {offsets = [2], sizes = [1], strides = [1]} : vector<16xi32> to vector<1xi32>
      %squeeze3A_269 = vector.extract %slice3A_268[0] : i32 from vector<1xi32>
      %add3A_270 = arith.constant 2 : i32
      %add3A_271 = arith.addi %add3A_244, %add3A_270 : i32
      %dma_start3A_272 = arith.constant 0 : i32
      %dma_start3A_273 = tpu.memref_slice %arg13[%add3A_271, %dma_start3A_272] : memref<512x64xf32, #tpu.memory_space<vmem>> -> memref<1x64xf32, #tpu.memory_space<vmem>>
      %dma_start3A_274 = arith.constant 0 : i32
      %dma_start3A_275 = tpu.memref_slice %arg6[%squeeze3A_269, %dma_start3A_274] : memref<1000000x64xf32, #tpu.memory_space<hbm>> -> memref<1x64xf32, #tpu.memory_space<hbm>>
      %dma_start3A_276 = arith.constant 0 : i32
      %dma_start3A_277 = tpu.memref_slice %arg13[%add3A_271, %dma_start3A_276] : memref<512x64xf32, #tpu.memory_space<vmem>> -> memref<1x64xf32, #tpu.memory_space<vmem>>
      %dma_start3A_278 = arith.constant 0 : i32
      %dma_start3A_279 = tpu.memref_slice %arg6[%squeeze3A_269, %dma_start3A_278] : memref<1000000x64xf32, #tpu.memory_space<hbm>> -> memref<1x64xf32, #tpu.memory_space<hbm>>
      tpu.enqueue_dma source(%dma_start3A_279 : memref<1x64xf32, #tpu.memory_space<hbm>>) target(%dma_start3A_277 : memref<1x64xf32, #tpu.memory_space<vmem>>) target_semaphore(%arg14 : memref<!tpu.dma_semaphore, #tpu.memory_space<semaphore_mem>>)
      %slice3A_280 = vector.extract_strided_slice %get3A_245 {offsets = [3], sizes = [1], strides = [1]} : vector<16xi32> to vector<1xi32>
      %squeeze3A_281 = vector.extract %slice3A_280[0] : i32 from vector<1xi32>
      %add3A_282 = arith.constant 3 : i32
      %add3A_283 = arith.addi %add3A_244, %add3A_282 : i32
      %dma_start3A_284 = arith.constant 0 : i32
      %dma_start3A_285 = tpu.memref_slice %arg13[%add3A_283, %dma_start3A_284] : memref<512x64xf32, #tpu.memory_space<vmem>> -> memref<1x64xf32, #tpu.memory_space<vmem>>
      %dma_start3A_286 = arith.constant 0 : i32
      %dma_start3A_287 = tpu.memref_slice %arg6[%squeeze3A_281, %dma_start3A_286] : memref<1000000x64xf32, #tpu.memory_space<hbm>> -> memref<1x64xf32, #tpu.memory_space<hbm>>
      %dma_start3A_288 = arith.constant 0 : i32
      %dma_start3A_289 = tpu.memref_slice %arg13[%add3A_283, %dma_start3A_288] : memref<512x64xf32, #tpu.memory_space<vmem>> -> memref<1x64xf32, #tpu.memory_space<vmem>>
      %dma_start3A_290 = arith.constant 0 : i32
      %dma_start3A_291 = tpu.memref_slice %arg6[%squeeze3A_281, %dma_start3A_290] : memref<1000000x64xf32, #tpu.memory_space<hbm>> -> memref<1x64xf32, #tpu.memory_space<hbm>>
      tpu.enqueue_dma source(%dma_start3A_291 : memref<1x64xf32, #tpu.memory_space<hbm>>) target(%dma_start3A_289 : memref<1x64xf32, #tpu.memory_space<vmem>>) target_semaphore(%arg14 : memref<!tpu.dma_semaphore, #tpu.memory_space<semaphore_mem>>)
      %slice3A_292 = vector.extract_strided_slice %get3A_245 {offsets = [4], sizes = [1], strides = [1]} : vector<16xi32> to vector<1xi32>
      %squeeze3A_293 = vector.extract %slice3A_292[0] : i32 from vector<1xi32>
      %add3A_294 = arith.constant 4 : i32
      %add3A_295 = arith.addi %add3A_244, %add3A_294 : i32
      %dma_start3A_296 = arith.constant 0 : i32
      %dma_start3A_297 = tpu.memref_slice %arg13[%add3A_295, %dma_start3A_296] : memref<512x64xf32, #tpu.memory_space<vmem>> -> memref<1x64xf32, #tpu.memory_space<vmem>>
      %dma_start3A_298 = arith.constant 0 : i32
      %dma_start3A_299 = tpu.memref_slice %arg6[%squeeze3A_293, %dma_start3A_298] : memref<1000000x64xf32, #tpu.memory_space<hbm>> -> memref<1x64xf32, #tpu.memory_space<hbm>>
      %dma_start3A_300 = arith.constant 0 : i32
      %dma_start3A_301 = tpu.memref_slice %arg13[%add3A_295, %dma_start3A_300] : memref<512x64xf32, #tpu.memory_space<vmem>> -> memref<1x64xf32, #tpu.memory_space<vmem>>
      %dma_start3A_302 = arith.constant 0 : i32
      %dma_start3A_303 = tpu.memref_slice %arg6[%squeeze3A_293, %dma_start3A_302] : memref<1000000x64xf32, #tpu.memory_space<hbm>> -> memref<1x64xf32, #tpu.memory_space<hbm>>
      tpu.enqueue_dma source(%dma_start3A_303 : memref<1x64xf32, #tpu.memory_space<hbm>>) target(%dma_start3A_301 : memref<1x64xf32, #tpu.memory_space<vmem>>) target_semaphore(%arg14 : memref<!tpu.dma_semaphore, #tpu.memory_space<semaphore_mem>>)
      %slice3A_304 = vector.extract_strided_slice %get3A_245 {offsets = [5], sizes = [1], strides = [1]} : vector<16xi32> to vector<1xi32>
      %squeeze3A_305 = vector.extract %slice3A_304[0] : i32 from vector<1xi32>
      %add3A_306 = arith.constant 5 : i32
      %add3A_307 = arith.addi %add3A_244, %add3A_306 : i32
      %dma_start3A_308 = arith.constant 0 : i32
      %dma_start3A_309 = tpu.memref_slice %arg13[%add3A_307, %dma_start3A_308] : memref<512x64xf32, #tpu.memory_space<vmem>> -> memref<1x64xf32, #tpu.memory_space<vmem>>
      %dma_start3A_310 = arith.constant 0 : i32
      %dma_start3A_311 = tpu.memref_slice %arg6[%squeeze3A_305, %dma_start3A_310] : memref<1000000x64xf32, #tpu.memory_space<hbm>> -> memref<1x64xf32, #tpu.memory_space<hbm>>
      %dma_start3A_312 = arith.constant 0 : i32
      %dma_start3A_313 = tpu.memref_slice %arg13[%add3A_307, %dma_start3A_312] : memref<512x64xf32, #tpu.memory_space<vmem>> -> memref<1x64xf32, #tpu.memory_space<vmem>>
      %dma_start3A_314 = arith.constant 0 : i32
      %dma_start3A_315 = tpu.memref_slice %arg6[%squeeze3A_305, %dma_start3A_314] : memref<1000000x64xf32, #tpu.memory_space<hbm>> -> memref<1x64xf32, #tpu.memory_space<hbm>>
      tpu.enqueue_dma source(%dma_start3A_315 : memref<1x64xf32, #tpu.memory_space<hbm>>) target(%dma_start3A_313 : memref<1x64xf32, #tpu.memory_space<vmem>>) target_semaphore(%arg14 : memref<!tpu.dma_semaphore, #tpu.memory_space<semaphore_mem>>)
      %slice3A_316 = vector.extract_strided_slice %get3A_245 {offsets = [6], sizes = [1], strides = [1]} : vector<16xi32> to vector<1xi32>
      %squeeze3A_317 = vector.extract %slice3A_316[0] : i32 from vector<1xi32>
      %add3A_318 = arith.constant 6 : i32
      %add3A_319 = arith.addi %add3A_244, %add3A_318 : i32
      %dma_start3A_320 = arith.constant 0 : i32
      %dma_start3A_321 = tpu.memref_slice %arg13[%add3A_319, %dma_start3A_320] : memref<512x64xf32, #tpu.memory_space<vmem>> -> memref<1x64xf32, #tpu.memory_space<vmem>>
      %dma_start3A_322 = arith.constant 0 : i32
      %dma_start3A_323 = tpu.memref_slice %arg6[%squeeze3A_317, %dma_start3A_322] : memref<1000000x64xf32, #tpu.memory_space<hbm>> -> memref<1x64xf32, #tpu.memory_space<hbm>>
      %dma_start3A_324 = arith.constant 0 : i32
      %dma_start3A_325 = tpu.memref_slice %arg13[%add3A_319, %dma_start3A_324] : memref<512x64xf32, #tpu.memory_space<vmem>> -> memref<1x64xf32, #tpu.memory_space<vmem>>
      %dma_start3A_326 = arith.constant 0 : i32
      %dma_start3A_327 = tpu.memref_slice %arg6[%squeeze3A_317, %dma_start3A_326] : memref<1000000x64xf32, #tpu.memory_space<hbm>> -> memref<1x64xf32, #tpu.memory_space<hbm>>
      tpu.enqueue_dma source(%dma_start3A_327 : memref<1x64xf32, #tpu.memory_space<hbm>>) target(%dma_start3A_325 : memref<1x64xf32, #tpu.memory_space<vmem>>) target_semaphore(%arg14 : memref<!tpu.dma_semaphore, #tpu.memory_space<semaphore_mem>>)
      %slice3A_328 = vector.extract_strided_slice %get3A_245 {offsets = [7], sizes = [1], strides = [1]} : vector<16xi32> to vector<1xi32>
      %squeeze3A_329 = vector.extract %slice3A_328[0] : i32 from vector<1xi32>
      %add3A_330 = arith.constant 7 : i32
      %add3A_331 = arith.addi %add3A_244, %add3A_330 : i32
      %dma_start3A_332 = arith.constant 0 : i32
      %dma_start3A_333 = tpu.memref_slice %arg13[%add3A_331, %dma_start3A_332] : memref<512x64xf32, #tpu.memory_space<vmem>> -> memref<1x64xf32, #tpu.memory_space<vmem>>
      %dma_start3A_334 = arith.constant 0 : i32
      %dma_start3A_335 = tpu.memref_slice %arg6[%squeeze3A_329, %dma_start3A_334] : memref<1000000x64xf32, #tpu.memory_space<hbm>> -> memref<1x64xf32, #tpu.memory_space<hbm>>
      %dma_start3A_336 = arith.constant 0 : i32
      %dma_start3A_337 = tpu.memref_slice %arg13[%add3A_331, %dma_start3A_336] : memref<512x64xf32, #tpu.memory_space<vmem>> -> memref<1x64xf32, #tpu.memory_space<vmem>>
      %dma_start3A_338 = arith.constant 0 : i32
      %dma_start3A_339 = tpu.memref_slice %arg6[%squeeze3A_329, %dma_start3A_338] : memref<1000000x64xf32, #tpu.memory_space<hbm>> -> memref<1x64xf32, #tpu.memory_space<hbm>>
      tpu.enqueue_dma source(%dma_start3A_339 : memref<1x64xf32, #tpu.memory_space<hbm>>) target(%dma_start3A_337 : memref<1x64xf32, #tpu.memory_space<vmem>>) target_semaphore(%arg14 : memref<!tpu.dma_semaphore, #tpu.memory_space<semaphore_mem>>)
      %slice3A_340 = vector.extract_strided_slice %get3A_245 {offsets = [8], sizes = [1], strides = [1]} : vector<16xi32> to vector<1xi32>
      %squeeze3A_341 = vector.extract %slice3A_340[0] : i32 from vector<1xi32>
      %add3A_342 = arith.constant 8 : i32
      %add3A_343 = arith.addi %add3A_244, %add3A_342 : i32
      %dma_start3A_344 = arith.constant 0 : i32
      %dma_start3A_345 = tpu.memref_slice %arg13[%add3A_343, %dma_start3A_344] : memref<512x64xf32, #tpu.memory_space<vmem>> -> memref<1x64xf32, #tpu.memory_space<vmem>>
      %dma_start3A_346 = arith.constant 0 : i32
      %dma_start3A_347 = tpu.memref_slice %arg6[%squeeze3A_341, %dma_start3A_346] : memref<1000000x64xf32, #tpu.memory_space<hbm>> -> memref<1x64xf32, #tpu.memory_space<hbm>>
      %dma_start3A_348 = arith.constant 0 : i32
      %dma_start3A_349 = tpu.memref_slice %arg13[%add3A_343, %dma_start3A_348] : memref<512x64xf32, #tpu.memory_space<vmem>> -> memref<1x64xf32, #tpu.memory_space<vmem>>
      %dma_start3A_350 = arith.constant 0 : i32
      %dma_start3A_351 = tpu.memref_slice %arg6[%squeeze3A_341, %dma_start3A_350] : memref<1000000x64xf32, #tpu.memory_space<hbm>> -> memref<1x64xf32, #tpu.memory_space<hbm>>
      tpu.enqueue_dma source(%dma_start3A_351 : memref<1x64xf32, #tpu.memory_space<hbm>>) target(%dma_start3A_349 : memref<1x64xf32, #tpu.memory_space<vmem>>) target_semaphore(%arg14 : memref<!tpu.dma_semaphore, #tpu.memory_space<semaphore_mem>>)
      %slice3A_352 = vector.extract_strided_slice %get3A_245 {offsets = [9], sizes = [1], strides = [1]} : vector<16xi32> to vector<1xi32>
      %squeeze3A_353 = vector.extract %slice3A_352[0] : i32 from vector<1xi32>
      %add3A_354 = arith.constant 9 : i32
      %add3A_355 = arith.addi %add3A_244, %add3A_354 : i32
      %dma_start3A_356 = arith.constant 0 : i32
      %dma_start3A_357 = tpu.memref_slice %arg13[%add3A_355, %dma_start3A_356] : memref<512x64xf32, #tpu.memory_space<vmem>> -> memref<1x64xf32, #tpu.memory_space<vmem>>
      %dma_start3A_358 = arith.constant 0 : i32
      %dma_start3A_359 = tpu.memref_slice %arg6[%squeeze3A_353, %dma_start3A_358] : memref<1000000x64xf32, #tpu.memory_space<hbm>> -> memref<1x64xf32, #tpu.memory_space<hbm>>
      %dma_start3A_360 = arith.constant 0 : i32
      %dma_start3A_361 = tpu.memref_slice %arg13[%add3A_355, %dma_start3A_360] : memref<512x64xf32, #tpu.memory_space<vmem>> -> memref<1x64xf32, #tpu.memory_space<vmem>>
      %dma_start3A_362 = arith.constant 0 : i32
      %dma_start3A_363 = tpu.memref_slice %arg6[%squeeze3A_353, %dma_start3A_362] : memref<1000000x64xf32, #tpu.memory_space<hbm>> -> memref<1x64xf32, #tpu.memory_space<hbm>>
      tpu.enqueue_dma source(%dma_start3A_363 : memref<1x64xf32, #tpu.memory_space<hbm>>) target(%dma_start3A_361 : memref<1x64xf32, #tpu.memory_space<vmem>>) target_semaphore(%arg14 : memref<!tpu.dma_semaphore, #tpu.memory_space<semaphore_mem>>)
      %slice3A_364 = vector.extract_strided_slice %get3A_245 {offsets = [10], sizes = [1], strides = [1]} : vector<16xi32> to vector<1xi32>
      %squeeze3A_365 = vector.extract %slice3A_364[0] : i32 from vector<1xi32>
      %add3A_366 = arith.constant 10 : i32
      %add3A_367 = arith.addi %add3A_244, %add3A_366 : i32
      %dma_start3A_368 = arith.constant 0 : i32
      %dma_start3A_369 = tpu.memref_slice %arg13[%add3A_367, %dma_start3A_368] : memref<512x64xf32, #tpu.memory_space<vmem>> -> memref<1x64xf32, #tpu.memory_space<vmem>>
      %dma_start3A_370 = arith.constant 0 : i32
      %dma_start3A_371 = tpu.memref_slice %arg6[%squeeze3A_365, %dma_start3A_370] : memref<1000000x64xf32, #tpu.memory_space<hbm>> -> memref<1x64xf32, #tpu.memory_space<hbm>>
      %dma_start3A_372 = arith.constant 0 : i32
      %dma_start3A_373 = tpu.memref_slice %arg13[%add3A_367, %dma_start3A_372] : memref<512x64xf32, #tpu.memory_space<vmem>> -> memref<1x64xf32, #tpu.memory_space<vmem>>
      %dma_start3A_374 = arith.constant 0 : i32
      %dma_start3A_375 = tpu.memref_slice %arg6[%squeeze3A_365, %dma_start3A_374] : memref<1000000x64xf32, #tpu.memory_space<hbm>> -> memref<1x64xf32, #tpu.memory_space<hbm>>
      tpu.enqueue_dma source(%dma_start3A_375 : memref<1x64xf32, #tpu.memory_space<hbm>>) target(%dma_start3A_373 : memref<1x64xf32, #tpu.memory_space<vmem>>) target_semaphore(%arg14 : memref<!tpu.dma_semaphore, #tpu.memory_space<semaphore_mem>>)
      %slice3A_376 = vector.extract_strided_slice %get3A_245 {offsets = [11], sizes = [1], strides = [1]} : vector<16xi32> to vector<1xi32>
      %squeeze3A_377 = vector.extract %slice3A_376[0] : i32 from vector<1xi32>
      %add3A_378 = arith.constant 11 : i32
      %add3A_379 = arith.addi %add3A_244, %add3A_378 : i32
      %dma_start3A_380 = arith.constant 0 : i32
      %dma_start3A_381 = tpu.memref_slice %arg13[%add3A_379, %dma_start3A_380] : memref<512x64xf32, #tpu.memory_space<vmem>> -> memref<1x64xf32, #tpu.memory_space<vmem>>
      %dma_start3A_382 = arith.constant 0 : i32
      %dma_start3A_383 = tpu.memref_slice %arg6[%squeeze3A_377, %dma_start3A_382] : memref<1000000x64xf32, #tpu.memory_space<hbm>> -> memref<1x64xf32, #tpu.memory_space<hbm>>
      %dma_start3A_384 = arith.constant 0 : i32
      %dma_start3A_385 = tpu.memref_slice %arg13[%add3A_379, %dma_start3A_384] : memref<512x64xf32, #tpu.memory_space<vmem>> -> memref<1x64xf32, #tpu.memory_space<vmem>>
      %dma_start3A_386 = arith.constant 0 : i32
      %dma_start3A_387 = tpu.memref_slice %arg6[%squeeze3A_377, %dma_start3A_386] : memref<1000000x64xf32, #tpu.memory_space<hbm>> -> memref<1x64xf32, #tpu.memory_space<hbm>>
      tpu.enqueue_dma source(%dma_start3A_387 : memref<1x64xf32, #tpu.memory_space<hbm>>) target(%dma_start3A_385 : memref<1x64xf32, #tpu.memory_space<vmem>>) target_semaphore(%arg14 : memref<!tpu.dma_semaphore, #tpu.memory_space<semaphore_mem>>)
      %slice3A_388 = vector.extract_strided_slice %get3A_245 {offsets = [12], sizes = [1], strides = [1]} : vector<16xi32> to vector<1xi32>
      %squeeze3A_389 = vector.extract %slice3A_388[0] : i32 from vector<1xi32>
      %add3A_390 = arith.constant 12 : i32
      %add3A_391 = arith.addi %add3A_244, %add3A_390 : i32
      %dma_start3A_392 = arith.constant 0 : i32
      %dma_start3A_393 = tpu.memref_slice %arg13[%add3A_391, %dma_start3A_392] : memref<512x64xf32, #tpu.memory_space<vmem>> -> memref<1x64xf32, #tpu.memory_space<vmem>>
      %dma_start3A_394 = arith.constant 0 : i32
      %dma_start3A_395 = tpu.memref_slice %arg6[%squeeze3A_389, %dma_start3A_394] : memref<1000000x64xf32, #tpu.memory_space<hbm>> -> memref<1x64xf32, #tpu.memory_space<hbm>>
      %dma_start3A_396 = arith.constant 0 : i32
      %dma_start3A_397 = tpu.memref_slice %arg13[%add3A_391, %dma_start3A_396] : memref<512x64xf32, #tpu.memory_space<vmem>> -> memref<1x64xf32, #tpu.memory_space<vmem>>
      %dma_start3A_398 = arith.constant 0 : i32
      %dma_start3A_399 = tpu.memref_slice %arg6[%squeeze3A_389, %dma_start3A_398] : memref<1000000x64xf32, #tpu.memory_space<hbm>> -> memref<1x64xf32, #tpu.memory_space<hbm>>
      tpu.enqueue_dma source(%dma_start3A_399 : memref<1x64xf32, #tpu.memory_space<hbm>>) target(%dma_start3A_397 : memref<1x64xf32, #tpu.memory_space<vmem>>) target_semaphore(%arg14 : memref<!tpu.dma_semaphore, #tpu.memory_space<semaphore_mem>>)
      %slice3A_400 = vector.extract_strided_slice %get3A_245 {offsets = [13], sizes = [1], strides = [1]} : vector<16xi32> to vector<1xi32>
      %squeeze3A_401 = vector.extract %slice3A_400[0] : i32 from vector<1xi32>
      %add3A_402 = arith.constant 13 : i32
      %add3A_403 = arith.addi %add3A_244, %add3A_402 : i32
      %dma_start3A_404 = arith.constant 0 : i32
      %dma_start3A_405 = tpu.memref_slice %arg13[%add3A_403, %dma_start3A_404] : memref<512x64xf32, #tpu.memory_space<vmem>> -> memref<1x64xf32, #tpu.memory_space<vmem>>
      %dma_start3A_406 = arith.constant 0 : i32
      %dma_start3A_407 = tpu.memref_slice %arg6[%squeeze3A_401, %dma_start3A_406] : memref<1000000x64xf32, #tpu.memory_space<hbm>> -> memref<1x64xf32, #tpu.memory_space<hbm>>
      %dma_start3A_408 = arith.constant 0 : i32
      %dma_start3A_409 = tpu.memref_slice %arg13[%add3A_403, %dma_start3A_408] : memref<512x64xf32, #tpu.memory_space<vmem>> -> memref<1x64xf32, #tpu.memory_space<vmem>>
      %dma_start3A_410 = arith.constant 0 : i32
      %dma_start3A_411 = tpu.memref_slice %arg6[%squeeze3A_401, %dma_start3A_410] : memref<1000000x64xf32, #tpu.memory_space<hbm>> -> memref<1x64xf32, #tpu.memory_space<hbm>>
      tpu.enqueue_dma source(%dma_start3A_411 : memref<1x64xf32, #tpu.memory_space<hbm>>) target(%dma_start3A_409 : memref<1x64xf32, #tpu.memory_space<vmem>>) target_semaphore(%arg14 : memref<!tpu.dma_semaphore, #tpu.memory_space<semaphore_mem>>)
      %slice3A_412 = vector.extract_strided_slice %get3A_245 {offsets = [14], sizes = [1], strides = [1]} : vector<16xi32> to vector<1xi32>
      %squeeze3A_413 = vector.extract %slice3A_412[0] : i32 from vector<1xi32>
      %add3A_414 = arith.constant 14 : i32
      %add3A_415 = arith.addi %add3A_244, %add3A_414 : i32
      %dma_start3A_416 = arith.constant 0 : i32
      %dma_start3A_417 = tpu.memref_slice %arg13[%add3A_415, %dma_start3A_416] : memref<512x64xf32, #tpu.memory_space<vmem>> -> memref<1x64xf32, #tpu.memory_space<vmem>>
      %dma_start3A_418 = arith.constant 0 : i32
      %dma_start3A_419 = tpu.memref_slice %arg6[%squeeze3A_413, %dma_start3A_418] : memref<1000000x64xf32, #tpu.memory_space<hbm>> -> memref<1x64xf32, #tpu.memory_space<hbm>>
      %dma_start3A_420 = arith.constant 0 : i32
      %dma_start3A_421 = tpu.memref_slice %arg13[%add3A_415, %dma_start3A_420] : memref<512x64xf32, #tpu.memory_space<vmem>> -> memref<1x64xf32, #tpu.memory_space<vmem>>
      %dma_start3A_422 = arith.constant 0 : i32
      %dma_start3A_423 = tpu.memref_slice %arg6[%squeeze3A_413, %dma_start3A_422] : memref<1000000x64xf32, #tpu.memory_space<hbm>> -> memref<1x64xf32, #tpu.memory_space<hbm>>
      tpu.enqueue_dma source(%dma_start3A_423 : memref<1x64xf32, #tpu.memory_space<hbm>>) target(%dma_start3A_421 : memref<1x64xf32, #tpu.memory_space<vmem>>) target_semaphore(%arg14 : memref<!tpu.dma_semaphore, #tpu.memory_space<semaphore_mem>>)
      %slice3A_424 = vector.extract_strided_slice %get3A_245 {offsets = [15], sizes = [1], strides = [1]} : vector<16xi32> to vector<1xi32>
      %squeeze3A_425 = vector.extract %slice3A_424[0] : i32 from vector<1xi32>
      %add3A_426 = arith.constant 15 : i32
      %add3A_427 = arith.addi %add3A_244, %add3A_426 : i32
      %dma_start3A_428 = arith.constant 0 : i32
      %dma_start3A_429 = tpu.memref_slice %arg13[%add3A_427, %dma_start3A_428] : memref<512x64xf32, #tpu.memory_space<vmem>> -> memref<1x64xf32, #tpu.memory_space<vmem>>
      %dma_start3A_430 = arith.constant 0 : i32
      %dma_start3A_431 = tpu.memref_slice %arg6[%squeeze3A_425, %dma_start3A_430] : memref<1000000x64xf32, #tpu.memory_space<hbm>> -> memref<1x64xf32, #tpu.memory_space<hbm>>
      %dma_start3A_432 = arith.constant 0 : i32
      %dma_start3A_433 = tpu.memref_slice %arg13[%add3A_427, %dma_start3A_432] : memref<512x64xf32, #tpu.memory_space<vmem>> -> memref<1x64xf32, #tpu.memory_space<vmem>>
      %dma_start3A_434 = arith.constant 0 : i32
      %dma_start3A_435 = tpu.memref_slice %arg6[%squeeze3A_425, %dma_start3A_434] : memref<1000000x64xf32, #tpu.memory_space<hbm>> -> memref<1x64xf32, #tpu.memory_space<hbm>>
      tpu.enqueue_dma source(%dma_start3A_435 : memref<1x64xf32, #tpu.memory_space<hbm>>) target(%dma_start3A_433 : memref<1x64xf32, #tpu.memory_space<vmem>>) target_semaphore(%arg14 : memref<!tpu.dma_semaphore, #tpu.memory_space<semaphore_mem>>)
    }
    %scan3A_121 = arith.constant 8 : i32
    %dma_wait3A_122 = arith.constant 256 : i32
    %dma_wait3A_123 = arith.constant 0 : i32
    %dma_wait3A_124 = tpu.memref_slice %arg13[%dma_wait3A_122, %dma_wait3A_123] : memref<512x64xf32, #tpu.memory_space<vmem>> -> memref<128x64xf32, #tpu.memory_space<vmem>>
    %dma_wait3A_125 = arith.constant 0 : i32
    %dma_wait3A_126 = arith.constant 0 : i32
    %dma_wait3A_127 = tpu.memref_slice %arg6[%dma_wait3A_125, %dma_wait3A_126] : memref<1000000x64xf32, #tpu.memory_space<hbm>> -> memref<128x64xf32, #tpu.memory_space<hbm>>
    %dma_wait3A_128 = arith.constant 256 : i32
    %dma_wait3A_129 = arith.constant 0 : i32
    %dma_wait3A_130 = tpu.memref_slice %arg13[%dma_wait3A_128, %dma_wait3A_129] : memref<512x64xf32, #tpu.memory_space<vmem>> -> memref<128x64xf32, #tpu.memory_space<vmem>>
    %dma_wait3A_131 = arith.constant 0 : i32
    %dma_wait3A_132 = arith.constant 0 : i32
    %dma_wait3A_133 = tpu.memref_slice %arg6[%dma_wait3A_131, %dma_wait3A_132] : memref<1000000x64xf32, #tpu.memory_space<hbm>> -> memref<128x64xf32, #tpu.memory_space<hbm>>
    tpu.wait_dma2 semaphore(%arg14 : memref<!tpu.dma_semaphore, #tpu.memory_space<semaphore_mem>>) src(%dma_wait3A_133 : memref<128x64xf32, #tpu.memory_space<hbm>>) dst(%dma_wait3A_130 : memref<128x64xf32, #tpu.memory_space<vmem>>)
    %scan3A_134 = arith.constant 0 : i32
    %scan3A_135 = arith.constant 0 : i32
    %scan3A_136 = arith.constant 8 : i32
    %scan3A_137 = arith.addi %scan3A_135, %scan3A_136 : i32
    %scan3A_138 = arith.constant 1 : i32
    scf.for %scan3A_240 = %scan3A_135 to %scan3A_137 step %scan3A_138  : i32 {
      %mul3A_241 = arith.constant 16 : i32
      %mul3A_242 = arith.muli %scan3A_240, %mul3A_241 : i32
      %add3A_243 = arith.constant 384 : i32
      %add3A_244 = arith.addi %add3A_243, %mul3A_242 : i32
      %get3A = arith.index_cast %add3A_244 : i32 to index
      %get3A_245 = tpu.vector_load %arg11[%get3A] {strides = array<i32>} : memref<512xi32, #tpu.memory_space<vmem>>, vector<16xi32>,
      %slice3A = vector.extract_strided_slice %get3A_245 {offsets = [0], sizes = [1], strides = [1]} : vector<16xi32> to vector<1xi32>
      %squeeze3A = vector.extract %slice3A[0] : i32 from vector<1xi32>
      %add3A_246 = arith.constant 0 : i32
      %add3A_247 = arith.addi %add3A_244, %add3A_246 : i32
      %dma_start3A_248 = arith.constant 0 : i32
      %dma_start3A_249 = tpu.memref_slice %arg13[%add3A_247, %dma_start3A_248] : memref<512x64xf32, #tpu.memory_space<vmem>> -> memref<1x64xf32, #tpu.memory_space<vmem>>
      %dma_start3A_250 = arith.constant 0 : i32
      %dma_start3A_251 = tpu.memref_slice %arg6[%squeeze3A, %dma_start3A_250] : memref<1000000x64xf32, #tpu.memory_space<hbm>> -> memref<1x64xf32, #tpu.memory_space<hbm>>
      %dma_start3A_252 = arith.constant 0 : i32
      %dma_start3A_253 = tpu.memref_slice %arg13[%add3A_247, %dma_start3A_252] : memref<512x64xf32, #tpu.memory_space<vmem>> -> memref<1x64xf32, #tpu.memory_space<vmem>>
      %dma_start3A_254 = arith.constant 0 : i32
      %dma_start3A_255 = tpu.memref_slice %arg6[%squeeze3A, %dma_start3A_254] : memref<1000000x64xf32, #tpu.memory_space<hbm>> -> memref<1x64xf32, #tpu.memory_space<hbm>>
      tpu.enqueue_dma source(%dma_start3A_255 : memref<1x64xf32, #tpu.memory_space<hbm>>) target(%dma_start3A_253 : memref<1x64xf32, #tpu.memory_space<vmem>>) target_semaphore(%arg14 : memref<!tpu.dma_semaphore, #tpu.memory_space<semaphore_mem>>)
      %slice3A_256 = vector.extract_strided_slice %get3A_245 {offsets = [1], sizes = [1], strides = [1]} : vector<16xi32> to vector<1xi32>
      %squeeze3A_257 = vector.extract %slice3A_256[0] : i32 from vector<1xi32>
      %add3A_258 = arith.constant 1 : i32
      %add3A_259 = arith.addi %add3A_244, %add3A_258 : i32
      %dma_start3A_260 = arith.constant 0 : i32
      %dma_start3A_261 = tpu.memref_slice %arg13[%add3A_259, %dma_start3A_260] : memref<512x64xf32, #tpu.memory_space<vmem>> -> memref<1x64xf32, #tpu.memory_space<vmem>>
      %dma_start3A_262 = arith.constant 0 : i32
      %dma_start3A_263 = tpu.memref_slice %arg6[%squeeze3A_257, %dma_start3A_262] : memref<1000000x64xf32, #tpu.memory_space<hbm>> -> memref<1x64xf32, #tpu.memory_space<hbm>>
      %dma_start3A_264 = arith.constant 0 : i32
      %dma_start3A_265 = tpu.memref_slice %arg13[%add3A_259, %dma_start3A_264] : memref<512x64xf32, #tpu.memory_space<vmem>> -> memref<1x64xf32, #tpu.memory_space<vmem>>
      %dma_start3A_266 = arith.constant 0 : i32
      %dma_start3A_267 = tpu.memref_slice %arg6[%squeeze3A_257, %dma_start3A_266] : memref<1000000x64xf32, #tpu.memory_space<hbm>> -> memref<1x64xf32, #tpu.memory_space<hbm>>
      tpu.enqueue_dma source(%dma_start3A_267 : memref<1x64xf32, #tpu.memory_space<hbm>>) target(%dma_start3A_265 : memref<1x64xf32, #tpu.memory_space<vmem>>) target_semaphore(%arg14 : memref<!tpu.dma_semaphore, #tpu.memory_space<semaphore_mem>>)
      %slice3A_268 = vector.extract_strided_slice %get3A_245 {offsets = [2], sizes = [1], strides = [1]} : vector<16xi32> to vector<1xi32>
      %squeeze3A_269 = vector.extract %slice3A_268[0] : i32 from vector<1xi32>
      %add3A_270 = arith.constant 2 : i32
      %add3A_271 = arith.addi %add3A_244, %add3A_270 : i32
      %dma_start3A_272 = arith.constant 0 : i32
      %dma_start3A_273 = tpu.memref_slice %arg13[%add3A_271, %dma_start3A_272] : memref<512x64xf32, #tpu.memory_space<vmem>> -> memref<1x64xf32, #tpu.memory_space<vmem>>
      %dma_start3A_274 = arith.constant 0 : i32
      %dma_start3A_275 = tpu.memref_slice %arg6[%squeeze3A_269, %dma_start3A_274] : memref<1000000x64xf32, #tpu.memory_space<hbm>> -> memref<1x64xf32, #tpu.memory_space<hbm>>
      %dma_start3A_276 = arith.constant 0 : i32
      %dma_start3A_277 = tpu.memref_slice %arg13[%add3A_271, %dma_start3A_276] : memref<512x64xf32, #tpu.memory_space<vmem>> -> memref<1x64xf32, #tpu.memory_space<vmem>>
      %dma_start3A_278 = arith.constant 0 : i32
      %dma_start3A_279 = tpu.memref_slice %arg6[%squeeze3A_269, %dma_start3A_278] : memref<1000000x64xf32, #tpu.memory_space<hbm>> -> memref<1x64xf32, #tpu.memory_space<hbm>>
      tpu.enqueue_dma source(%dma_start3A_279 : memref<1x64xf32, #tpu.memory_space<hbm>>) target(%dma_start3A_277 : memref<1x64xf32, #tpu.memory_space<vmem>>) target_semaphore(%arg14 : memref<!tpu.dma_semaphore, #tpu.memory_space<semaphore_mem>>)
      %slice3A_280 = vector.extract_strided_slice %get3A_245 {offsets = [3], sizes = [1], strides = [1]} : vector<16xi32> to vector<1xi32>
      %squeeze3A_281 = vector.extract %slice3A_280[0] : i32 from vector<1xi32>
      %add3A_282 = arith.constant 3 : i32
      %add3A_283 = arith.addi %add3A_244, %add3A_282 : i32
      %dma_start3A_284 = arith.constant 0 : i32
      %dma_start3A_285 = tpu.memref_slice %arg13[%add3A_283, %dma_start3A_284] : memref<512x64xf32, #tpu.memory_space<vmem>> -> memref<1x64xf32, #tpu.memory_space<vmem>>
      %dma_start3A_286 = arith.constant 0 : i32
      %dma_start3A_287 = tpu.memref_slice %arg6[%squeeze3A_281, %dma_start3A_286] : memref<1000000x64xf32, #tpu.memory_space<hbm>> -> memref<1x64xf32, #tpu.memory_space<hbm>>
      %dma_start3A_288 = arith.constant 0 : i32
      %dma_start3A_289 = tpu.memref_slice %arg13[%add3A_283, %dma_start3A_288] : memref<512x64xf32, #tpu.memory_space<vmem>> -> memref<1x64xf32, #tpu.memory_space<vmem>>
      %dma_start3A_290 = arith.constant 0 : i32
      %dma_start3A_291 = tpu.memref_slice %arg6[%squeeze3A_281, %dma_start3A_290] : memref<1000000x64xf32, #tpu.memory_space<hbm>> -> memref<1x64xf32, #tpu.memory_space<hbm>>
      tpu.enqueue_dma source(%dma_start3A_291 : memref<1x64xf32, #tpu.memory_space<hbm>>) target(%dma_start3A_289 : memref<1x64xf32, #tpu.memory_space<vmem>>) target_semaphore(%arg14 : memref<!tpu.dma_semaphore, #tpu.memory_space<semaphore_mem>>)
      %slice3A_292 = vector.extract_strided_slice %get3A_245 {offsets = [4], sizes = [1], strides = [1]} : vector<16xi32> to vector<1xi32>
      %squeeze3A_293 = vector.extract %slice3A_292[0] : i32 from vector<1xi32>
      %add3A_294 = arith.constant 4 : i32
      %add3A_295 = arith.addi %add3A_244, %add3A_294 : i32
      %dma_start3A_296 = arith.constant 0 : i32
      %dma_start3A_297 = tpu.memref_slice %arg13[%add3A_295, %dma_start3A_296] : memref<512x64xf32, #tpu.memory_space<vmem>> -> memref<1x64xf32, #tpu.memory_space<vmem>>
      %dma_start3A_298 = arith.constant 0 : i32
      %dma_start3A_299 = tpu.memref_slice %arg6[%squeeze3A_293, %dma_start3A_298] : memref<1000000x64xf32, #tpu.memory_space<hbm>> -> memref<1x64xf32, #tpu.memory_space<hbm>>
      %dma_start3A_300 = arith.constant 0 : i32
      %dma_start3A_301 = tpu.memref_slice %arg13[%add3A_295, %dma_start3A_300] : memref<512x64xf32, #tpu.memory_space<vmem>> -> memref<1x64xf32, #tpu.memory_space<vmem>>
      %dma_start3A_302 = arith.constant 0 : i32
      %dma_start3A_303 = tpu.memref_slice %arg6[%squeeze3A_293, %dma_start3A_302] : memref<1000000x64xf32, #tpu.memory_space<hbm>> -> memref<1x64xf32, #tpu.memory_space<hbm>>
      tpu.enqueue_dma source(%dma_start3A_303 : memref<1x64xf32, #tpu.memory_space<hbm>>) target(%dma_start3A_301 : memref<1x64xf32, #tpu.memory_space<vmem>>) target_semaphore(%arg14 : memref<!tpu.dma_semaphore, #tpu.memory_space<semaphore_mem>>)
      %slice3A_304 = vector.extract_strided_slice %get3A_245 {offsets = [5], sizes = [1], strides = [1]} : vector<16xi32> to vector<1xi32>
      %squeeze3A_305 = vector.extract %slice3A_304[0] : i32 from vector<1xi32>
      %add3A_306 = arith.constant 5 : i32
      %add3A_307 = arith.addi %add3A_244, %add3A_306 : i32
      %dma_start3A_308 = arith.constant 0 : i32
      %dma_start3A_309 = tpu.memref_slice %arg13[%add3A_307, %dma_start3A_308] : memref<512x64xf32, #tpu.memory_space<vmem>> -> memref<1x64xf32, #tpu.memory_space<vmem>>
      %dma_start3A_310 = arith.constant 0 : i32
      %dma_start3A_311 = tpu.memref_slice %arg6[%squeeze3A_305, %dma_start3A_310] : memref<1000000x64xf32, #tpu.memory_space<hbm>> -> memref<1x64xf32, #tpu.memory_space<hbm>>
      %dma_start3A_312 = arith.constant 0 : i32
      %dma_start3A_313 = tpu.memref_slice %arg13[%add3A_307, %dma_start3A_312] : memref<512x64xf32, #tpu.memory_space<vmem>> -> memref<1x64xf32, #tpu.memory_space<vmem>>
      %dma_start3A_314 = arith.constant 0 : i32
      %dma_start3A_315 = tpu.memref_slice %arg6[%squeeze3A_305, %dma_start3A_314] : memref<1000000x64xf32, #tpu.memory_space<hbm>> -> memref<1x64xf32, #tpu.memory_space<hbm>>
      tpu.enqueue_dma source(%dma_start3A_315 : memref<1x64xf32, #tpu.memory_space<hbm>>) target(%dma_start3A_313 : memref<1x64xf32, #tpu.memory_space<vmem>>) target_semaphore(%arg14 : memref<!tpu.dma_semaphore, #tpu.memory_space<semaphore_mem>>)
      %slice3A_316 = vector.extract_strided_slice %get3A_245 {offsets = [6], sizes = [1], strides = [1]} : vector<16xi32> to vector<1xi32>
      %squeeze3A_317 = vector.extract %slice3A_316[0] : i32 from vector<1xi32>
      %add3A_318 = arith.constant 6 : i32
      %add3A_319 = arith.addi %add3A_244, %add3A_318 : i32
      %dma_start3A_320 = arith.constant 0 : i32
      %dma_start3A_321 = tpu.memref_slice %arg13[%add3A_319, %dma_start3A_320] : memref<512x64xf32, #tpu.memory_space<vmem>> -> memref<1x64xf32, #tpu.memory_space<vmem>>
      %dma_start3A_322 = arith.constant 0 : i32
      %dma_start3A_323 = tpu.memref_slice %arg6[%squeeze3A_317, %dma_start3A_322] : memref<1000000x64xf32, #tpu.memory_space<hbm>> -> memref<1x64xf32, #tpu.memory_space<hbm>>
      %dma_start3A_324 = arith.constant 0 : i32
      %dma_start3A_325 = tpu.memref_slice %arg13[%add3A_319, %dma_start3A_324] : memref<512x64xf32, #tpu.memory_space<vmem>> -> memref<1x64xf32, #tpu.memory_space<vmem>>
      %dma_start3A_326 = arith.constant 0 : i32
      %dma_start3A_327 = tpu.memref_slice %arg6[%squeeze3A_317, %dma_start3A_326] : memref<1000000x64xf32, #tpu.memory_space<hbm>> -> memref<1x64xf32, #tpu.memory_space<hbm>>
      tpu.enqueue_dma source(%dma_start3A_327 : memref<1x64xf32, #tpu.memory_space<hbm>>) target(%dma_start3A_325 : memref<1x64xf32, #tpu.memory_space<vmem>>) target_semaphore(%arg14 : memref<!tpu.dma_semaphore, #tpu.memory_space<semaphore_mem>>)
      %slice3A_328 = vector.extract_strided_slice %get3A_245 {offsets = [7], sizes = [1], strides = [1]} : vector<16xi32> to vector<1xi32>
      %squeeze3A_329 = vector.extract %slice3A_328[0] : i32 from vector<1xi32>
      %add3A_330 = arith.constant 7 : i32
      %add3A_331 = arith.addi %add3A_244, %add3A_330 : i32
      %dma_start3A_332 = arith.constant 0 : i32
      %dma_start3A_333 = tpu.memref_slice %arg13[%add3A_331, %dma_start3A_332] : memref<512x64xf32, #tpu.memory_space<vmem>> -> memref<1x64xf32, #tpu.memory_space<vmem>>
      %dma_start3A_334 = arith.constant 0 : i32
      %dma_start3A_335 = tpu.memref_slice %arg6[%squeeze3A_329, %dma_start3A_334] : memref<1000000x64xf32, #tpu.memory_space<hbm>> -> memref<1x64xf32, #tpu.memory_space<hbm>>
      %dma_start3A_336 = arith.constant 0 : i32
      %dma_start3A_337 = tpu.memref_slice %arg13[%add3A_331, %dma_start3A_336] : memref<512x64xf32, #tpu.memory_space<vmem>> -> memref<1x64xf32, #tpu.memory_space<vmem>>
      %dma_start3A_338 = arith.constant 0 : i32
      %dma_start3A_339 = tpu.memref_slice %arg6[%squeeze3A_329, %dma_start3A_338] : memref<1000000x64xf32, #tpu.memory_space<hbm>> -> memref<1x64xf32, #tpu.memory_space<hbm>>
      tpu.enqueue_dma source(%dma_start3A_339 : memref<1x64xf32, #tpu.memory_space<hbm>>) target(%dma_start3A_337 : memref<1x64xf32, #tpu.memory_space<vmem>>) target_semaphore(%arg14 : memref<!tpu.dma_semaphore, #tpu.memory_space<semaphore_mem>>)
      %slice3A_340 = vector.extract_strided_slice %get3A_245 {offsets = [8], sizes = [1], strides = [1]} : vector<16xi32> to vector<1xi32>
      %squeeze3A_341 = vector.extract %slice3A_340[0] : i32 from vector<1xi32>
      %add3A_342 = arith.constant 8 : i32
      %add3A_343 = arith.addi %add3A_244, %add3A_342 : i32
      %dma_start3A_344 = arith.constant 0 : i32
      %dma_start3A_345 = tpu.memref_slice %arg13[%add3A_343, %dma_start3A_344] : memref<512x64xf32, #tpu.memory_space<vmem>> -> memref<1x64xf32, #tpu.memory_space<vmem>>
      %dma_start3A_346 = arith.constant 0 : i32
      %dma_start3A_347 = tpu.memref_slice %arg6[%squeeze3A_341, %dma_start3A_346] : memref<1000000x64xf32, #tpu.memory_space<hbm>> -> memref<1x64xf32, #tpu.memory_space<hbm>>
      %dma_start3A_348 = arith.constant 0 : i32
      %dma_start3A_349 = tpu.memref_slice %arg13[%add3A_343, %dma_start3A_348] : memref<512x64xf32, #tpu.memory_space<vmem>> -> memref<1x64xf32, #tpu.memory_space<vmem>>
      %dma_start3A_350 = arith.constant 0 : i32
      %dma_start3A_351 = tpu.memref_slice %arg6[%squeeze3A_341, %dma_start3A_350] : memref<1000000x64xf32, #tpu.memory_space<hbm>> -> memref<1x64xf32, #tpu.memory_space<hbm>>
      tpu.enqueue_dma source(%dma_start3A_351 : memref<1x64xf32, #tpu.memory_space<hbm>>) target(%dma_start3A_349 : memref<1x64xf32, #tpu.memory_space<vmem>>) target_semaphore(%arg14 : memref<!tpu.dma_semaphore, #tpu.memory_space<semaphore_mem>>)
      %slice3A_352 = vector.extract_strided_slice %get3A_245 {offsets = [9], sizes = [1], strides = [1]} : vector<16xi32> to vector<1xi32>
      %squeeze3A_353 = vector.extract %slice3A_352[0] : i32 from vector<1xi32>
      %add3A_354 = arith.constant 9 : i32
      %add3A_355 = arith.addi %add3A_244, %add3A_354 : i32
      %dma_start3A_356 = arith.constant 0 : i32
      %dma_start3A_357 = tpu.memref_slice %arg13[%add3A_355, %dma_start3A_356] : memref<512x64xf32, #tpu.memory_space<vmem>> -> memref<1x64xf32, #tpu.memory_space<vmem>>
      %dma_start3A_358 = arith.constant 0 : i32
      %dma_start3A_359 = tpu.memref_slice %arg6[%squeeze3A_353, %dma_start3A_358] : memref<1000000x64xf32, #tpu.memory_space<hbm>> -> memref<1x64xf32, #tpu.memory_space<hbm>>
      %dma_start3A_360 = arith.constant 0 : i32
      %dma_start3A_361 = tpu.memref_slice %arg13[%add3A_355, %dma_start3A_360] : memref<512x64xf32, #tpu.memory_space<vmem>> -> memref<1x64xf32, #tpu.memory_space<vmem>>
      %dma_start3A_362 = arith.constant 0 : i32
      %dma_start3A_363 = tpu.memref_slice %arg6[%squeeze3A_353, %dma_start3A_362] : memref<1000000x64xf32, #tpu.memory_space<hbm>> -> memref<1x64xf32, #tpu.memory_space<hbm>>
      tpu.enqueue_dma source(%dma_start3A_363 : memref<1x64xf32, #tpu.memory_space<hbm>>) target(%dma_start3A_361 : memref<1x64xf32, #tpu.memory_space<vmem>>) target_semaphore(%arg14 : memref<!tpu.dma_semaphore, #tpu.memory_space<semaphore_mem>>)
      %slice3A_364 = vector.extract_strided_slice %get3A_245 {offsets = [10], sizes = [1], strides = [1]} : vector<16xi32> to vector<1xi32>
      %squeeze3A_365 = vector.extract %slice3A_364[0] : i32 from vector<1xi32>
      %add3A_366 = arith.constant 10 : i32
      %add3A_367 = arith.addi %add3A_244, %add3A_366 : i32
      %dma_start3A_368 = arith.constant 0 : i32
      %dma_start3A_369 = tpu.memref_slice %arg13[%add3A_367, %dma_start3A_368] : memref<512x64xf32, #tpu.memory_space<vmem>> -> memref<1x64xf32, #tpu.memory_space<vmem>>
      %dma_start3A_370 = arith.constant 0 : i32
      %dma_start3A_371 = tpu.memref_slice %arg6[%squeeze3A_365, %dma_start3A_370] : memref<1000000x64xf32, #tpu.memory_space<hbm>> -> memref<1x64xf32, #tpu.memory_space<hbm>>
      %dma_start3A_372 = arith.constant 0 : i32
      %dma_start3A_373 = tpu.memref_slice %arg13[%add3A_367, %dma_start3A_372] : memref<512x64xf32, #tpu.memory_space<vmem>> -> memref<1x64xf32, #tpu.memory_space<vmem>>
      %dma_start3A_374 = arith.constant 0 : i32
      %dma_start3A_375 = tpu.memref_slice %arg6[%squeeze3A_365, %dma_start3A_374] : memref<1000000x64xf32, #tpu.memory_space<hbm>> -> memref<1x64xf32, #tpu.memory_space<hbm>>
      tpu.enqueue_dma source(%dma_start3A_375 : memref<1x64xf32, #tpu.memory_space<hbm>>) target(%dma_start3A_373 : memref<1x64xf32, #tpu.memory_space<vmem>>) target_semaphore(%arg14 : memref<!tpu.dma_semaphore, #tpu.memory_space<semaphore_mem>>)
      %slice3A_376 = vector.extract_strided_slice %get3A_245 {offsets = [11], sizes = [1], strides = [1]} : vector<16xi32> to vector<1xi32>
      %squeeze3A_377 = vector.extract %slice3A_376[0] : i32 from vector<1xi32>
      %add3A_378 = arith.constant 11 : i32
      %add3A_379 = arith.addi %add3A_244, %add3A_378 : i32
      %dma_start3A_380 = arith.constant 0 : i32
      %dma_start3A_381 = tpu.memref_slice %arg13[%add3A_379, %dma_start3A_380] : memref<512x64xf32, #tpu.memory_space<vmem>> -> memref<1x64xf32, #tpu.memory_space<vmem>>
      %dma_start3A_382 = arith.constant 0 : i32
      %dma_start3A_383 = tpu.memref_slice %arg6[%squeeze3A_377, %dma_start3A_382] : memref<1000000x64xf32, #tpu.memory_space<hbm>> -> memref<1x64xf32, #tpu.memory_space<hbm>>
      %dma_start3A_384 = arith.constant 0 : i32
      %dma_start3A_385 = tpu.memref_slice %arg13[%add3A_379, %dma_start3A_384] : memref<512x64xf32, #tpu.memory_space<vmem>> -> memref<1x64xf32, #tpu.memory_space<vmem>>
      %dma_start3A_386 = arith.constant 0 : i32
      %dma_start3A_387 = tpu.memref_slice %arg6[%squeeze3A_377, %dma_start3A_386] : memref<1000000x64xf32, #tpu.memory_space<hbm>> -> memref<1x64xf32, #tpu.memory_space<hbm>>
      tpu.enqueue_dma source(%dma_start3A_387 : memref<1x64xf32, #tpu.memory_space<hbm>>) target(%dma_start3A_385 : memref<1x64xf32, #tpu.memory_space<vmem>>) target_semaphore(%arg14 : memref<!tpu.dma_semaphore, #tpu.memory_space<semaphore_mem>>)
      %slice3A_388 = vector.extract_strided_slice %get3A_245 {offsets = [12], sizes = [1], strides = [1]} : vector<16xi32> to vector<1xi32>
      %squeeze3A_389 = vector.extract %slice3A_388[0] : i32 from vector<1xi32>
      %add3A_390 = arith.constant 12 : i32
      %add3A_391 = arith.addi %add3A_244, %add3A_390 : i32
      %dma_start3A_392 = arith.constant 0 : i32
      %dma_start3A_393 = tpu.memref_slice %arg13[%add3A_391, %dma_start3A_392] : memref<512x64xf32, #tpu.memory_space<vmem>> -> memref<1x64xf32, #tpu.memory_space<vmem>>
      %dma_start3A_394 = arith.constant 0 : i32
      %dma_start3A_395 = tpu.memref_slice %arg6[%squeeze3A_389, %dma_start3A_394] : memref<1000000x64xf32, #tpu.memory_space<hbm>> -> memref<1x64xf32, #tpu.memory_space<hbm>>
      %dma_start3A_396 = arith.constant 0 : i32
      %dma_start3A_397 = tpu.memref_slice %arg13[%add3A_391, %dma_start3A_396] : memref<512x64xf32, #tpu.memory_space<vmem>> -> memref<1x64xf32, #tpu.memory_space<vmem>>
      %dma_start3A_398 = arith.constant 0 : i32
      %dma_start3A_399 = tpu.memref_slice %arg6[%squeeze3A_389, %dma_start3A_398] : memref<1000000x64xf32, #tpu.memory_space<hbm>> -> memref<1x64xf32, #tpu.memory_space<hbm>>
      tpu.enqueue_dma source(%dma_start3A_399 : memref<1x64xf32, #tpu.memory_space<hbm>>) target(%dma_start3A_397 : memref<1x64xf32, #tpu.memory_space<vmem>>) target_semaphore(%arg14 : memref<!tpu.dma_semaphore, #tpu.memory_space<semaphore_mem>>)
      %slice3A_400 = vector.extract_strided_slice %get3A_245 {offsets = [13], sizes = [1], strides = [1]} : vector<16xi32> to vector<1xi32>
      %squeeze3A_401 = vector.extract %slice3A_400[0] : i32 from vector<1xi32>
      %add3A_402 = arith.constant 13 : i32
      %add3A_403 = arith.addi %add3A_244, %add3A_402 : i32
      %dma_start3A_404 = arith.constant 0 : i32
      %dma_start3A_405 = tpu.memref_slice %arg13[%add3A_403, %dma_start3A_404] : memref<512x64xf32, #tpu.memory_space<vmem>> -> memref<1x64xf32, #tpu.memory_space<vmem>>
      %dma_start3A_406 = arith.constant 0 : i32
      %dma_start3A_407 = tpu.memref_slice %arg6[%squeeze3A_401, %dma_start3A_406] : memref<1000000x64xf32, #tpu.memory_space<hbm>> -> memref<1x64xf32, #tpu.memory_space<hbm>>
      %dma_start3A_408 = arith.constant 0 : i32
      %dma_start3A_409 = tpu.memref_slice %arg13[%add3A_403, %dma_start3A_408] : memref<512x64xf32, #tpu.memory_space<vmem>> -> memref<1x64xf32, #tpu.memory_space<vmem>>
      %dma_start3A_410 = arith.constant 0 : i32
      %dma_start3A_411 = tpu.memref_slice %arg6[%squeeze3A_401, %dma_start3A_410] : memref<1000000x64xf32, #tpu.memory_space<hbm>> -> memref<1x64xf32, #tpu.memory_space<hbm>>
      tpu.enqueue_dma source(%dma_start3A_411 : memref<1x64xf32, #tpu.memory_space<hbm>>) target(%dma_start3A_409 : memref<1x64xf32, #tpu.memory_space<vmem>>) target_semaphore(%arg14 : memref<!tpu.dma_semaphore, #tpu.memory_space<semaphore_mem>>)
      %slice3A_412 = vector.extract_strided_slice %get3A_245 {offsets = [14], sizes = [1], strides = [1]} : vector<16xi32> to vector<1xi32>
      %squeeze3A_413 = vector.extract %slice3A_412[0] : i32 from vector<1xi32>
      %add3A_414 = arith.constant 14 : i32
      %add3A_415 = arith.addi %add3A_244, %add3A_414 : i32
      %dma_start3A_416 = arith.constant 0 : i32
      %dma_start3A_417 = tpu.memref_slice %arg13[%add3A_415, %dma_start3A_416] : memref<512x64xf32, #tpu.memory_space<vmem>> -> memref<1x64xf32, #tpu.memory_space<vmem>>
      %dma_start3A_418 = arith.constant 0 : i32
      %dma_start3A_419 = tpu.memref_slice %arg6[%squeeze3A_413, %dma_start3A_418] : memref<1000000x64xf32, #tpu.memory_space<hbm>> -> memref<1x64xf32, #tpu.memory_space<hbm>>
      %dma_start3A_420 = arith.constant 0 : i32
      %dma_start3A_421 = tpu.memref_slice %arg13[%add3A_415, %dma_start3A_420] : memref<512x64xf32, #tpu.memory_space<vmem>> -> memref<1x64xf32, #tpu.memory_space<vmem>>
      %dma_start3A_422 = arith.constant 0 : i32
      %dma_start3A_423 = tpu.memref_slice %arg6[%squeeze3A_413, %dma_start3A_422] : memref<1000000x64xf32, #tpu.memory_space<hbm>> -> memref<1x64xf32, #tpu.memory_space<hbm>>
      tpu.enqueue_dma source(%dma_start3A_423 : memref<1x64xf32, #tpu.memory_space<hbm>>) target(%dma_start3A_421 : memref<1x64xf32, #tpu.memory_space<vmem>>) target_semaphore(%arg14 : memref<!tpu.dma_semaphore, #tpu.memory_space<semaphore_mem>>)
      %slice3A_424 = vector.extract_strided_slice %get3A_245 {offsets = [15], sizes = [1], strides = [1]} : vector<16xi32> to vector<1xi32>
      %squeeze3A_425 = vector.extract %slice3A_424[0] : i32 from vector<1xi32>
      %add3A_426 = arith.constant 15 : i32
      %add3A_427 = arith.addi %add3A_244, %add3A_426 : i32
      %dma_start3A_428 = arith.constant 0 : i32
      %dma_start3A_429 = tpu.memref_slice %arg13[%add3A_427, %dma_start3A_428] : memref<512x64xf32, #tpu.memory_space<vmem>> -> memref<1x64xf32, #tpu.memory_space<vmem>>
      %dma_start3A_430 = arith.constant 0 : i32
      %dma_start3A_431 = tpu.memref_slice %arg6[%squeeze3A_425, %dma_start3A_430] : memref<1000000x64xf32, #tpu.memory_space<hbm>> -> memref<1x64xf32, #tpu.memory_space<hbm>>
      %dma_start3A_432 = arith.constant 0 : i32
      %dma_start3A_433 = tpu.memref_slice %arg13[%add3A_427, %dma_start3A_432] : memref<512x64xf32, #tpu.memory_space<vmem>> -> memref<1x64xf32, #tpu.memory_space<vmem>>
      %dma_start3A_434 = arith.constant 0 : i32
      %dma_start3A_435 = tpu.memref_slice %arg6[%squeeze3A_425, %dma_start3A_434] : memref<1000000x64xf32, #tpu.memory_space<hbm>> -> memref<1x64xf32, #tpu.memory_space<hbm>>
      tpu.enqueue_dma source(%dma_start3A_435 : memref<1x64xf32, #tpu.memory_space<hbm>>) target(%dma_start3A_433 : memref<1x64xf32, #tpu.memory_space<vmem>>) target_semaphore(%arg14 : memref<!tpu.dma_semaphore, #tpu.memory_space<semaphore_mem>>)
    }
    %scan3A_139 = arith.constant 8 : i32
    %dma_wait3A_140 = arith.constant 384 : i32
    %dma_wait3A_141 = arith.constant 0 : i32
    %dma_wait3A_142 = tpu.memref_slice %arg13[%dma_wait3A_140, %dma_wait3A_141] : memref<512x64xf32, #tpu.memory_space<vmem>> -> memref<128x64xf32, #tpu.memory_space<vmem>>
    %dma_wait3A_143 = arith.constant 0 : i32
    %dma_wait3A_144 = arith.constant 0 : i32
    %dma_wait3A_145 = tpu.memref_slice %arg6[%dma_wait3A_143, %dma_wait3A_144] : memref<1000000x64xf32, #tpu.memory_space<hbm>> -> memref<128x64xf32, #tpu.memory_space<hbm>>
    %dma_wait3A_146 = arith.constant 384 : i32
    %dma_wait3A_147 = arith.constant 0 : i32
    %dma_wait3A_148 = tpu.memref_slice %arg13[%dma_wait3A_146, %dma_wait3A_147] : memref<512x64xf32, #tpu.memory_space<vmem>> -> memref<128x64xf32, #tpu.memory_space<vmem>>
    %dma_wait3A_149 = arith.constant 0 : i32
    %dma_wait3A_150 = arith.constant 0 : i32
    %dma_wait3A_151 = tpu.memref_slice %arg6[%dma_wait3A_149, %dma_wait3A_150] : memref<1000000x64xf32, #tpu.memory_space<hbm>> -> memref<128x64xf32, #tpu.memory_space<hbm>>
    tpu.wait_dma2 semaphore(%arg14 : memref<!tpu.dma_semaphore, #tpu.memory_space<semaphore_mem>>) src(%dma_wait3A_151 : memref<128x64xf32, #tpu.memory_space<hbm>>) dst(%dma_wait3A_148 : memref<128x64xf32, #tpu.memory_space<vmem>>)
    %dma_start3A_152 = arith.constant 0 : i32
    %dma_start3A_153 = tpu.memref_slice %arg8[%mul3A_2, %dma_start3A_152] : memref<16384x64xf32, #tpu.memory_space<hbm>> -> memref<512x64xf32, #tpu.memory_space<hbm>>
    %dma_start3A_154 = arith.constant 0 : i32
    %dma_start3A_155 = tpu.memref_slice %arg8[%mul3A_2, %dma_start3A_154] : memref<16384x64xf32, #tpu.memory_space<hbm>> -> memref<512x64xf32, #tpu.memory_space<hbm>>
    tpu.enqueue_dma source(%arg13 : memref<512x64xf32, #tpu.memory_space<vmem>>) target(%dma_start3A_155 : memref<512x64xf32, #tpu.memory_space<hbm>>) target_semaphore(%arg15 : memref<!tpu.dma_semaphore, #tpu.memory_space<semaphore_mem>>)
    %dma_wait3A_156 = arith.constant 0 : i32
    %dma_wait3A_157 = tpu.memref_slice %arg8[%mul3A_2, %dma_wait3A_156] : memref<16384x64xf32, #tpu.memory_space<hbm>> -> memref<512x64xf32, #tpu.memory_space<hbm>>
    %dma_wait3A_158 = arith.constant 0 : i32
    %dma_wait3A_159 = tpu.memref_slice %arg8[%mul3A_2, %dma_wait3A_158] : memref<16384x64xf32, #tpu.memory_space<hbm>> -> memref<512x64xf32, #tpu.memory_space<hbm>>
    tpu.wait_dma2 semaphore(%arg15 : memref<!tpu.dma_semaphore, #tpu.memory_space<semaphore_mem>>) src(%arg13 : memref<512x64xf32, #tpu.memory_space<vmem>>) dst(%dma_wait3A_159 : memref<512x64xf32, #tpu.memory_space<hbm>>)
    %scan3A_160 = arith.constant 0 : i32
    %scan3A_161 = arith.constant 0 : i32
    %scan3A_162 = arith.constant 8 : i32
    %scan3A_163 = arith.addi %scan3A_161, %scan3A_162 : i32
    %scan3A_164 = arith.constant 1 : i32
    scf.for %scan3A_240 = %scan3A_161 to %scan3A_163 step %scan3A_164  : i32 {
      %mul3A_241 = arith.constant 16 : i32
      %mul3A_242 = arith.muli %scan3A_240, %mul3A_241 : i32
      %add3A_243 = arith.constant 0 : i32
      %add3A_244 = arith.addi %add3A_243, %mul3A_242 : i32
      %get3A = arith.index_cast %add3A_244 : i32 to index
      %get3A_245 = tpu.vector_load %arg12[%get3A] {strides = array<i32>} : memref<512xi32, #tpu.memory_space<vmem>>, vector<16xi32>,
      %slice3A = vector.extract_strided_slice %get3A_245 {offsets = [0], sizes = [1], strides = [1]} : vector<16xi32> to vector<1xi32>
      %squeeze3A = vector.extract %slice3A[0] : i32 from vector<1xi32>
      %add3A_246 = arith.constant 0 : i32
      %add3A_247 = arith.addi %add3A_244, %add3A_246 : i32
      %dma_start3A_248 = arith.constant 0 : i32
      %dma_start3A_249 = tpu.memref_slice %arg13[%add3A_247, %dma_start3A_248] : memref<512x64xf32, #tpu.memory_space<vmem>> -> memref<1x64xf32, #tpu.memory_space<vmem>>
      %dma_start3A_250 = arith.constant 0 : i32
      %dma_start3A_251 = tpu.memref_slice %arg6[%squeeze3A, %dma_start3A_250] : memref<1000000x64xf32, #tpu.memory_space<hbm>> -> memref<1x64xf32, #tpu.memory_space<hbm>>
      %dma_start3A_252 = arith.constant 0 : i32
      %dma_start3A_253 = tpu.memref_slice %arg13[%add3A_247, %dma_start3A_252] : memref<512x64xf32, #tpu.memory_space<vmem>> -> memref<1x64xf32, #tpu.memory_space<vmem>>
      %dma_start3A_254 = arith.constant 0 : i32
      %dma_start3A_255 = tpu.memref_slice %arg6[%squeeze3A, %dma_start3A_254] : memref<1000000x64xf32, #tpu.memory_space<hbm>> -> memref<1x64xf32, #tpu.memory_space<hbm>>
      tpu.enqueue_dma source(%dma_start3A_255 : memref<1x64xf32, #tpu.memory_space<hbm>>) target(%dma_start3A_253 : memref<1x64xf32, #tpu.memory_space<vmem>>) target_semaphore(%arg14 : memref<!tpu.dma_semaphore, #tpu.memory_space<semaphore_mem>>)
      %slice3A_256 = vector.extract_strided_slice %get3A_245 {offsets = [1], sizes = [1], strides = [1]} : vector<16xi32> to vector<1xi32>
      %squeeze3A_257 = vector.extract %slice3A_256[0] : i32 from vector<1xi32>
      %add3A_258 = arith.constant 1 : i32
      %add3A_259 = arith.addi %add3A_244, %add3A_258 : i32
      %dma_start3A_260 = arith.constant 0 : i32
      %dma_start3A_261 = tpu.memref_slice %arg13[%add3A_259, %dma_start3A_260] : memref<512x64xf32, #tpu.memory_space<vmem>> -> memref<1x64xf32, #tpu.memory_space<vmem>>
      %dma_start3A_262 = arith.constant 0 : i32
      %dma_start3A_263 = tpu.memref_slice %arg6[%squeeze3A_257, %dma_start3A_262] : memref<1000000x64xf32, #tpu.memory_space<hbm>> -> memref<1x64xf32, #tpu.memory_space<hbm>>
      %dma_start3A_264 = arith.constant 0 : i32
      %dma_start3A_265 = tpu.memref_slice %arg13[%add3A_259, %dma_start3A_264] : memref<512x64xf32, #tpu.memory_space<vmem>> -> memref<1x64xf32, #tpu.memory_space<vmem>>
      %dma_start3A_266 = arith.constant 0 : i32
      %dma_start3A_267 = tpu.memref_slice %arg6[%squeeze3A_257, %dma_start3A_266] : memref<1000000x64xf32, #tpu.memory_space<hbm>> -> memref<1x64xf32, #tpu.memory_space<hbm>>
      tpu.enqueue_dma source(%dma_start3A_267 : memref<1x64xf32, #tpu.memory_space<hbm>>) target(%dma_start3A_265 : memref<1x64xf32, #tpu.memory_space<vmem>>) target_semaphore(%arg14 : memref<!tpu.dma_semaphore, #tpu.memory_space<semaphore_mem>>)
      %slice3A_268 = vector.extract_strided_slice %get3A_245 {offsets = [2], sizes = [1], strides = [1]} : vector<16xi32> to vector<1xi32>
      %squeeze3A_269 = vector.extract %slice3A_268[0] : i32 from vector<1xi32>
      %add3A_270 = arith.constant 2 : i32
      %add3A_271 = arith.addi %add3A_244, %add3A_270 : i32
      %dma_start3A_272 = arith.constant 0 : i32
      %dma_start3A_273 = tpu.memref_slice %arg13[%add3A_271, %dma_start3A_272] : memref<512x64xf32, #tpu.memory_space<vmem>> -> memref<1x64xf32, #tpu.memory_space<vmem>>
      %dma_start3A_274 = arith.constant 0 : i32
      %dma_start3A_275 = tpu.memref_slice %arg6[%squeeze3A_269, %dma_start3A_274] : memref<1000000x64xf32, #tpu.memory_space<hbm>> -> memref<1x64xf32, #tpu.memory_space<hbm>>
      %dma_start3A_276 = arith.constant 0 : i32
      %dma_start3A_277 = tpu.memref_slice %arg13[%add3A_271, %dma_start3A_276] : memref<512x64xf32, #tpu.memory_space<vmem>> -> memref<1x64xf32, #tpu.memory_space<vmem>>
      %dma_start3A_278 = arith.constant 0 : i32
      %dma_start3A_279 = tpu.memref_slice %arg6[%squeeze3A_269, %dma_start3A_278] : memref<1000000x64xf32, #tpu.memory_space<hbm>> -> memref<1x64xf32, #tpu.memory_space<hbm>>
      tpu.enqueue_dma source(%dma_start3A_279 : memref<1x64xf32, #tpu.memory_space<hbm>>) target(%dma_start3A_277 : memref<1x64xf32, #tpu.memory_space<vmem>>) target_semaphore(%arg14 : memref<!tpu.dma_semaphore, #tpu.memory_space<semaphore_mem>>)
      %slice3A_280 = vector.extract_strided_slice %get3A_245 {offsets = [3], sizes = [1], strides = [1]} : vector<16xi32> to vector<1xi32>
      %squeeze3A_281 = vector.extract %slice3A_280[0] : i32 from vector<1xi32>
      %add3A_282 = arith.constant 3 : i32
      %add3A_283 = arith.addi %add3A_244, %add3A_282 : i32
      %dma_start3A_284 = arith.constant 0 : i32
      %dma_start3A_285 = tpu.memref_slice %arg13[%add3A_283, %dma_start3A_284] : memref<512x64xf32, #tpu.memory_space<vmem>> -> memref<1x64xf32, #tpu.memory_space<vmem>>
      %dma_start3A_286 = arith.constant 0 : i32
      %dma_start3A_287 = tpu.memref_slice %arg6[%squeeze3A_281, %dma_start3A_286] : memref<1000000x64xf32, #tpu.memory_space<hbm>> -> memref<1x64xf32, #tpu.memory_space<hbm>>
      %dma_start3A_288 = arith.constant 0 : i32
      %dma_start3A_289 = tpu.memref_slice %arg13[%add3A_283, %dma_start3A_288] : memref<512x64xf32, #tpu.memory_space<vmem>> -> memref<1x64xf32, #tpu.memory_space<vmem>>
      %dma_start3A_290 = arith.constant 0 : i32
      %dma_start3A_291 = tpu.memref_slice %arg6[%squeeze3A_281, %dma_start3A_290] : memref<1000000x64xf32, #tpu.memory_space<hbm>> -> memref<1x64xf32, #tpu.memory_space<hbm>>
      tpu.enqueue_dma source(%dma_start3A_291 : memref<1x64xf32, #tpu.memory_space<hbm>>) target(%dma_start3A_289 : memref<1x64xf32, #tpu.memory_space<vmem>>) target_semaphore(%arg14 : memref<!tpu.dma_semaphore, #tpu.memory_space<semaphore_mem>>)
      %slice3A_292 = vector.extract_strided_slice %get3A_245 {offsets = [4], sizes = [1], strides = [1]} : vector<16xi32> to vector<1xi32>
      %squeeze3A_293 = vector.extract %slice3A_292[0] : i32 from vector<1xi32>
      %add3A_294 = arith.constant 4 : i32
      %add3A_295 = arith.addi %add3A_244, %add3A_294 : i32
      %dma_start3A_296 = arith.constant 0 : i32
      %dma_start3A_297 = tpu.memref_slice %arg13[%add3A_295, %dma_start3A_296] : memref<512x64xf32, #tpu.memory_space<vmem>> -> memref<1x64xf32, #tpu.memory_space<vmem>>
      %dma_start3A_298 = arith.constant 0 : i32
      %dma_start3A_299 = tpu.memref_slice %arg6[%squeeze3A_293, %dma_start3A_298] : memref<1000000x64xf32, #tpu.memory_space<hbm>> -> memref<1x64xf32, #tpu.memory_space<hbm>>
      %dma_start3A_300 = arith.constant 0 : i32
      %dma_start3A_301 = tpu.memref_slice %arg13[%add3A_295, %dma_start3A_300] : memref<512x64xf32, #tpu.memory_space<vmem>> -> memref<1x64xf32, #tpu.memory_space<vmem>>
      %dma_start3A_302 = arith.constant 0 : i32
      %dma_start3A_303 = tpu.memref_slice %arg6[%squeeze3A_293, %dma_start3A_302] : memref<1000000x64xf32, #tpu.memory_space<hbm>> -> memref<1x64xf32, #tpu.memory_space<hbm>>
      tpu.enqueue_dma source(%dma_start3A_303 : memref<1x64xf32, #tpu.memory_space<hbm>>) target(%dma_start3A_301 : memref<1x64xf32, #tpu.memory_space<vmem>>) target_semaphore(%arg14 : memref<!tpu.dma_semaphore, #tpu.memory_space<semaphore_mem>>)
      %slice3A_304 = vector.extract_strided_slice %get3A_245 {offsets = [5], sizes = [1], strides = [1]} : vector<16xi32> to vector<1xi32>
      %squeeze3A_305 = vector.extract %slice3A_304[0] : i32 from vector<1xi32>
      %add3A_306 = arith.constant 5 : i32
      %add3A_307 = arith.addi %add3A_244, %add3A_306 : i32
      %dma_start3A_308 = arith.constant 0 : i32
      %dma_start3A_309 = tpu.memref_slice %arg13[%add3A_307, %dma_start3A_308] : memref<512x64xf32, #tpu.memory_space<vmem>> -> memref<1x64xf32, #tpu.memory_space<vmem>>
      %dma_start3A_310 = arith.constant 0 : i32
      %dma_start3A_311 = tpu.memref_slice %arg6[%squeeze3A_305, %dma_start3A_310] : memref<1000000x64xf32, #tpu.memory_space<hbm>> -> memref<1x64xf32, #tpu.memory_space<hbm>>
      %dma_start3A_312 = arith.constant 0 : i32
      %dma_start3A_313 = tpu.memref_slice %arg13[%add3A_307, %dma_start3A_312] : memref<512x64xf32, #tpu.memory_space<vmem>> -> memref<1x64xf32, #tpu.memory_space<vmem>>
      %dma_start3A_314 = arith.constant 0 : i32
      %dma_start3A_315 = tpu.memref_slice %arg6[%squeeze3A_305, %dma_start3A_314] : memref<1000000x64xf32, #tpu.memory_space<hbm>> -> memref<1x64xf32, #tpu.memory_space<hbm>>
      tpu.enqueue_dma source(%dma_start3A_315 : memref<1x64xf32, #tpu.memory_space<hbm>>) target(%dma_start3A_313 : memref<1x64xf32, #tpu.memory_space<vmem>>) target_semaphore(%arg14 : memref<!tpu.dma_semaphore, #tpu.memory_space<semaphore_mem>>)
      %slice3A_316 = vector.extract_strided_slice %get3A_245 {offsets = [6], sizes = [1], strides = [1]} : vector<16xi32> to vector<1xi32>
      %squeeze3A_317 = vector.extract %slice3A_316[0] : i32 from vector<1xi32>
      %add3A_318 = arith.constant 6 : i32
      %add3A_319 = arith.addi %add3A_244, %add3A_318 : i32
      %dma_start3A_320 = arith.constant 0 : i32
      %dma_start3A_321 = tpu.memref_slice %arg13[%add3A_319, %dma_start3A_320] : memref<512x64xf32, #tpu.memory_space<vmem>> -> memref<1x64xf32, #tpu.memory_space<vmem>>
      %dma_start3A_322 = arith.constant 0 : i32
      %dma_start3A_323 = tpu.memref_slice %arg6[%squeeze3A_317, %dma_start3A_322] : memref<1000000x64xf32, #tpu.memory_space<hbm>> -> memref<1x64xf32, #tpu.memory_space<hbm>>
      %dma_start3A_324 = arith.constant 0 : i32
      %dma_start3A_325 = tpu.memref_slice %arg13[%add3A_319, %dma_start3A_324] : memref<512x64xf32, #tpu.memory_space<vmem>> -> memref<1x64xf32, #tpu.memory_space<vmem>>
      %dma_start3A_326 = arith.constant 0 : i32
      %dma_start3A_327 = tpu.memref_slice %arg6[%squeeze3A_317, %dma_start3A_326] : memref<1000000x64xf32, #tpu.memory_space<hbm>> -> memref<1x64xf32, #tpu.memory_space<hbm>>
      tpu.enqueue_dma source(%dma_start3A_327 : memref<1x64xf32, #tpu.memory_space<hbm>>) target(%dma_start3A_325 : memref<1x64xf32, #tpu.memory_space<vmem>>) target_semaphore(%arg14 : memref<!tpu.dma_semaphore, #tpu.memory_space<semaphore_mem>>)
      %slice3A_328 = vector.extract_strided_slice %get3A_245 {offsets = [7], sizes = [1], strides = [1]} : vector<16xi32> to vector<1xi32>
      %squeeze3A_329 = vector.extract %slice3A_328[0] : i32 from vector<1xi32>
      %add3A_330 = arith.constant 7 : i32
      %add3A_331 = arith.addi %add3A_244, %add3A_330 : i32
      %dma_start3A_332 = arith.constant 0 : i32
      %dma_start3A_333 = tpu.memref_slice %arg13[%add3A_331, %dma_start3A_332] : memref<512x64xf32, #tpu.memory_space<vmem>> -> memref<1x64xf32, #tpu.memory_space<vmem>>
      %dma_start3A_334 = arith.constant 0 : i32
      %dma_start3A_335 = tpu.memref_slice %arg6[%squeeze3A_329, %dma_start3A_334] : memref<1000000x64xf32, #tpu.memory_space<hbm>> -> memref<1x64xf32, #tpu.memory_space<hbm>>
      %dma_start3A_336 = arith.constant 0 : i32
      %dma_start3A_337 = tpu.memref_slice %arg13[%add3A_331, %dma_start3A_336] : memref<512x64xf32, #tpu.memory_space<vmem>> -> memref<1x64xf32, #tpu.memory_space<vmem>>
      %dma_start3A_338 = arith.constant 0 : i32
      %dma_start3A_339 = tpu.memref_slice %arg6[%squeeze3A_329, %dma_start3A_338] : memref<1000000x64xf32, #tpu.memory_space<hbm>> -> memref<1x64xf32, #tpu.memory_space<hbm>>
      tpu.enqueue_dma source(%dma_start3A_339 : memref<1x64xf32, #tpu.memory_space<hbm>>) target(%dma_start3A_337 : memref<1x64xf32, #tpu.memory_space<vmem>>) target_semaphore(%arg14 : memref<!tpu.dma_semaphore, #tpu.memory_space<semaphore_mem>>)
      %slice3A_340 = vector.extract_strided_slice %get3A_245 {offsets = [8], sizes = [1], strides = [1]} : vector<16xi32> to vector<1xi32>
      %squeeze3A_341 = vector.extract %slice3A_340[0] : i32 from vector<1xi32>
      %add3A_342 = arith.constant 8 : i32
      %add3A_343 = arith.addi %add3A_244, %add3A_342 : i32
      %dma_start3A_344 = arith.constant 0 : i32
      %dma_start3A_345 = tpu.memref_slice %arg13[%add3A_343, %dma_start3A_344] : memref<512x64xf32, #tpu.memory_space<vmem>> -> memref<1x64xf32, #tpu.memory_space<vmem>>
      %dma_start3A_346 = arith.constant 0 : i32
      %dma_start3A_347 = tpu.memref_slice %arg6[%squeeze3A_341, %dma_start3A_346] : memref<1000000x64xf32, #tpu.memory_space<hbm>> -> memref<1x64xf32, #tpu.memory_space<hbm>>
      %dma_start3A_348 = arith.constant 0 : i32
      %dma_start3A_349 = tpu.memref_slice %arg13[%add3A_343, %dma_start3A_348] : memref<512x64xf32, #tpu.memory_space<vmem>> -> memref<1x64xf32, #tpu.memory_space<vmem>>
      %dma_start3A_350 = arith.constant 0 : i32
      %dma_start3A_351 = tpu.memref_slice %arg6[%squeeze3A_341, %dma_start3A_350] : memref<1000000x64xf32, #tpu.memory_space<hbm>> -> memref<1x64xf32, #tpu.memory_space<hbm>>
      tpu.enqueue_dma source(%dma_start3A_351 : memref<1x64xf32, #tpu.memory_space<hbm>>) target(%dma_start3A_349 : memref<1x64xf32, #tpu.memory_space<vmem>>) target_semaphore(%arg14 : memref<!tpu.dma_semaphore, #tpu.memory_space<semaphore_mem>>)
      %slice3A_352 = vector.extract_strided_slice %get3A_245 {offsets = [9], sizes = [1], strides = [1]} : vector<16xi32> to vector<1xi32>
      %squeeze3A_353 = vector.extract %slice3A_352[0] : i32 from vector<1xi32>
      %add3A_354 = arith.constant 9 : i32
      %add3A_355 = arith.addi %add3A_244, %add3A_354 : i32
      %dma_start3A_356 = arith.constant 0 : i32
      %dma_start3A_357 = tpu.memref_slice %arg13[%add3A_355, %dma_start3A_356] : memref<512x64xf32, #tpu.memory_space<vmem>> -> memref<1x64xf32, #tpu.memory_space<vmem>>
      %dma_start3A_358 = arith.constant 0 : i32
      %dma_start3A_359 = tpu.memref_slice %arg6[%squeeze3A_353, %dma_start3A_358] : memref<1000000x64xf32, #tpu.memory_space<hbm>> -> memref<1x64xf32, #tpu.memory_space<hbm>>
      %dma_start3A_360 = arith.constant 0 : i32
      %dma_start3A_361 = tpu.memref_slice %arg13[%add3A_355, %dma_start3A_360] : memref<512x64xf32, #tpu.memory_space<vmem>> -> memref<1x64xf32, #tpu.memory_space<vmem>>
      %dma_start3A_362 = arith.constant 0 : i32
      %dma_start3A_363 = tpu.memref_slice %arg6[%squeeze3A_353, %dma_start3A_362] : memref<1000000x64xf32, #tpu.memory_space<hbm>> -> memref<1x64xf32, #tpu.memory_space<hbm>>
      tpu.enqueue_dma source(%dma_start3A_363 : memref<1x64xf32, #tpu.memory_space<hbm>>) target(%dma_start3A_361 : memref<1x64xf32, #tpu.memory_space<vmem>>) target_semaphore(%arg14 : memref<!tpu.dma_semaphore, #tpu.memory_space<semaphore_mem>>)
      %slice3A_364 = vector.extract_strided_slice %get3A_245 {offsets = [10], sizes = [1], strides = [1]} : vector<16xi32> to vector<1xi32>
      %squeeze3A_365 = vector.extract %slice3A_364[0] : i32 from vector<1xi32>
      %add3A_366 = arith.constant 10 : i32
      %add3A_367 = arith.addi %add3A_244, %add3A_366 : i32
      %dma_start3A_368 = arith.constant 0 : i32
      %dma_start3A_369 = tpu.memref_slice %arg13[%add3A_367, %dma_start3A_368] : memref<512x64xf32, #tpu.memory_space<vmem>> -> memref<1x64xf32, #tpu.memory_space<vmem>>
      %dma_start3A_370 = arith.constant 0 : i32
      %dma_start3A_371 = tpu.memref_slice %arg6[%squeeze3A_365, %dma_start3A_370] : memref<1000000x64xf32, #tpu.memory_space<hbm>> -> memref<1x64xf32, #tpu.memory_space<hbm>>
      %dma_start3A_372 = arith.constant 0 : i32
      %dma_start3A_373 = tpu.memref_slice %arg13[%add3A_367, %dma_start3A_372] : memref<512x64xf32, #tpu.memory_space<vmem>> -> memref<1x64xf32, #tpu.memory_space<vmem>>
      %dma_start3A_374 = arith.constant 0 : i32
      %dma_start3A_375 = tpu.memref_slice %arg6[%squeeze3A_365, %dma_start3A_374] : memref<1000000x64xf32, #tpu.memory_space<hbm>> -> memref<1x64xf32, #tpu.memory_space<hbm>>
      tpu.enqueue_dma source(%dma_start3A_375 : memref<1x64xf32, #tpu.memory_space<hbm>>) target(%dma_start3A_373 : memref<1x64xf32, #tpu.memory_space<vmem>>) target_semaphore(%arg14 : memref<!tpu.dma_semaphore, #tpu.memory_space<semaphore_mem>>)
      %slice3A_376 = vector.extract_strided_slice %get3A_245 {offsets = [11], sizes = [1], strides = [1]} : vector<16xi32> to vector<1xi32>
      %squeeze3A_377 = vector.extract %slice3A_376[0] : i32 from vector<1xi32>
      %add3A_378 = arith.constant 11 : i32
      %add3A_379 = arith.addi %add3A_244, %add3A_378 : i32
      %dma_start3A_380 = arith.constant 0 : i32
      %dma_start3A_381 = tpu.memref_slice %arg13[%add3A_379, %dma_start3A_380] : memref<512x64xf32, #tpu.memory_space<vmem>> -> memref<1x64xf32, #tpu.memory_space<vmem>>
      %dma_start3A_382 = arith.constant 0 : i32
      %dma_start3A_383 = tpu.memref_slice %arg6[%squeeze3A_377, %dma_start3A_382] : memref<1000000x64xf32, #tpu.memory_space<hbm>> -> memref<1x64xf32, #tpu.memory_space<hbm>>
      %dma_start3A_384 = arith.constant 0 : i32
      %dma_start3A_385 = tpu.memref_slice %arg13[%add3A_379, %dma_start3A_384] : memref<512x64xf32, #tpu.memory_space<vmem>> -> memref<1x64xf32, #tpu.memory_space<vmem>>
      %dma_start3A_386 = arith.constant 0 : i32
      %dma_start3A_387 = tpu.memref_slice %arg6[%squeeze3A_377, %dma_start3A_386] : memref<1000000x64xf32, #tpu.memory_space<hbm>> -> memref<1x64xf32, #tpu.memory_space<hbm>>
      tpu.enqueue_dma source(%dma_start3A_387 : memref<1x64xf32, #tpu.memory_space<hbm>>) target(%dma_start3A_385 : memref<1x64xf32, #tpu.memory_space<vmem>>) target_semaphore(%arg14 : memref<!tpu.dma_semaphore, #tpu.memory_space<semaphore_mem>>)
      %slice3A_388 = vector.extract_strided_slice %get3A_245 {offsets = [12], sizes = [1], strides = [1]} : vector<16xi32> to vector<1xi32>
      %squeeze3A_389 = vector.extract %slice3A_388[0] : i32 from vector<1xi32>
      %add3A_390 = arith.constant 12 : i32
      %add3A_391 = arith.addi %add3A_244, %add3A_390 : i32
      %dma_start3A_392 = arith.constant 0 : i32
      %dma_start3A_393 = tpu.memref_slice %arg13[%add3A_391, %dma_start3A_392] : memref<512x64xf32, #tpu.memory_space<vmem>> -> memref<1x64xf32, #tpu.memory_space<vmem>>
      %dma_start3A_394 = arith.constant 0 : i32
      %dma_start3A_395 = tpu.memref_slice %arg6[%squeeze3A_389, %dma_start3A_394] : memref<1000000x64xf32, #tpu.memory_space<hbm>> -> memref<1x64xf32, #tpu.memory_space<hbm>>
      %dma_start3A_396 = arith.constant 0 : i32
      %dma_start3A_397 = tpu.memref_slice %arg13[%add3A_391, %dma_start3A_396] : memref<512x64xf32, #tpu.memory_space<vmem>> -> memref<1x64xf32, #tpu.memory_space<vmem>>
      %dma_start3A_398 = arith.constant 0 : i32
      %dma_start3A_399 = tpu.memref_slice %arg6[%squeeze3A_389, %dma_start3A_398] : memref<1000000x64xf32, #tpu.memory_space<hbm>> -> memref<1x64xf32, #tpu.memory_space<hbm>>
      tpu.enqueue_dma source(%dma_start3A_399 : memref<1x64xf32, #tpu.memory_space<hbm>>) target(%dma_start3A_397 : memref<1x64xf32, #tpu.memory_space<vmem>>) target_semaphore(%arg14 : memref<!tpu.dma_semaphore, #tpu.memory_space<semaphore_mem>>)
      %slice3A_400 = vector.extract_strided_slice %get3A_245 {offsets = [13], sizes = [1], strides = [1]} : vector<16xi32> to vector<1xi32>
      %squeeze3A_401 = vector.extract %slice3A_400[0] : i32 from vector<1xi32>
      %add3A_402 = arith.constant 13 : i32
      %add3A_403 = arith.addi %add3A_244, %add3A_402 : i32
      %dma_start3A_404 = arith.constant 0 : i32
      %dma_start3A_405 = tpu.memref_slice %arg13[%add3A_403, %dma_start3A_404] : memref<512x64xf32, #tpu.memory_space<vmem>> -> memref<1x64xf32, #tpu.memory_space<vmem>>
      %dma_start3A_406 = arith.constant 0 : i32
      %dma_start3A_407 = tpu.memref_slice %arg6[%squeeze3A_401, %dma_start3A_406] : memref<1000000x64xf32, #tpu.memory_space<hbm>> -> memref<1x64xf32, #tpu.memory_space<hbm>>
      %dma_start3A_408 = arith.constant 0 : i32
      %dma_start3A_409 = tpu.memref_slice %arg13[%add3A_403, %dma_start3A_408] : memref<512x64xf32, #tpu.memory_space<vmem>> -> memref<1x64xf32, #tpu.memory_space<vmem>>
      %dma_start3A_410 = arith.constant 0 : i32
      %dma_start3A_411 = tpu.memref_slice %arg6[%squeeze3A_401, %dma_start3A_410] : memref<1000000x64xf32, #tpu.memory_space<hbm>> -> memref<1x64xf32, #tpu.memory_space<hbm>>
      tpu.enqueue_dma source(%dma_start3A_411 : memref<1x64xf32, #tpu.memory_space<hbm>>) target(%dma_start3A_409 : memref<1x64xf32, #tpu.memory_space<vmem>>) target_semaphore(%arg14 : memref<!tpu.dma_semaphore, #tpu.memory_space<semaphore_mem>>)
      %slice3A_412 = vector.extract_strided_slice %get3A_245 {offsets = [14], sizes = [1], strides = [1]} : vector<16xi32> to vector<1xi32>
      %squeeze3A_413 = vector.extract %slice3A_412[0] : i32 from vector<1xi32>
      %add3A_414 = arith.constant 14 : i32
      %add3A_415 = arith.addi %add3A_244, %add3A_414 : i32
      %dma_start3A_416 = arith.constant 0 : i32
      %dma_start3A_417 = tpu.memref_slice %arg13[%add3A_415, %dma_start3A_416] : memref<512x64xf32, #tpu.memory_space<vmem>> -> memref<1x64xf32, #tpu.memory_space<vmem>>
      %dma_start3A_418 = arith.constant 0 : i32
      %dma_start3A_419 = tpu.memref_slice %arg6[%squeeze3A_413, %dma_start3A_418] : memref<1000000x64xf32, #tpu.memory_space<hbm>> -> memref<1x64xf32, #tpu.memory_space<hbm>>
      %dma_start3A_420 = arith.constant 0 : i32
      %dma_start3A_421 = tpu.memref_slice %arg13[%add3A_415, %dma_start3A_420] : memref<512x64xf32, #tpu.memory_space<vmem>> -> memref<1x64xf32, #tpu.memory_space<vmem>>
      %dma_start3A_422 = arith.constant 0 : i32
      %dma_start3A_423 = tpu.memref_slice %arg6[%squeeze3A_413, %dma_start3A_422] : memref<1000000x64xf32, #tpu.memory_space<hbm>> -> memref<1x64xf32, #tpu.memory_space<hbm>>
      tpu.enqueue_dma source(%dma_start3A_423 : memref<1x64xf32, #tpu.memory_space<hbm>>) target(%dma_start3A_421 : memref<1x64xf32, #tpu.memory_space<vmem>>) target_semaphore(%arg14 : memref<!tpu.dma_semaphore, #tpu.memory_space<semaphore_mem>>)
      %slice3A_424 = vector.extract_strided_slice %get3A_245 {offsets = [15], sizes = [1], strides = [1]} : vector<16xi32> to vector<1xi32>
      %squeeze3A_425 = vector.extract %slice3A_424[0] : i32 from vector<1xi32>
      %add3A_426 = arith.constant 15 : i32
      %add3A_427 = arith.addi %add3A_244, %add3A_426 : i32
      %dma_start3A_428 = arith.constant 0 : i32
      %dma_start3A_429 = tpu.memref_slice %arg13[%add3A_427, %dma_start3A_428] : memref<512x64xf32, #tpu.memory_space<vmem>> -> memref<1x64xf32, #tpu.memory_space<vmem>>
      %dma_start3A_430 = arith.constant 0 : i32
      %dma_start3A_431 = tpu.memref_slice %arg6[%squeeze3A_425, %dma_start3A_430] : memref<1000000x64xf32, #tpu.memory_space<hbm>> -> memref<1x64xf32, #tpu.memory_space<hbm>>
      %dma_start3A_432 = arith.constant 0 : i32
      %dma_start3A_433 = tpu.memref_slice %arg13[%add3A_427, %dma_start3A_432] : memref<512x64xf32, #tpu.memory_space<vmem>> -> memref<1x64xf32, #tpu.memory_space<vmem>>
      %dma_start3A_434 = arith.constant 0 : i32
      %dma_start3A_435 = tpu.memref_slice %arg6[%squeeze3A_425, %dma_start3A_434] : memref<1000000x64xf32, #tpu.memory_space<hbm>> -> memref<1x64xf32, #tpu.memory_space<hbm>>
      tpu.enqueue_dma source(%dma_start3A_435 : memref<1x64xf32, #tpu.memory_space<hbm>>) target(%dma_start3A_433 : memref<1x64xf32, #tpu.memory_space<vmem>>) target_semaphore(%arg14 : memref<!tpu.dma_semaphore, #tpu.memory_space<semaphore_mem>>)
    }
    %scan3A_165 = arith.constant 8 : i32
    %dma_wait3A_166 = arith.constant 0 : i32
    %dma_wait3A_167 = arith.constant 0 : i32
    %dma_wait3A_168 = tpu.memref_slice %arg13[%dma_wait3A_166, %dma_wait3A_167] : memref<512x64xf32, #tpu.memory_space<vmem>> -> memref<128x64xf32, #tpu.memory_space<vmem>>
    %dma_wait3A_169 = arith.constant 0 : i32
    %dma_wait3A_170 = arith.constant 0 : i32
    %dma_wait3A_171 = tpu.memref_slice %arg6[%dma_wait3A_169, %dma_wait3A_170] : memref<1000000x64xf32, #tpu.memory_space<hbm>> -> memref<128x64xf32, #tpu.memory_space<hbm>>
    %dma_wait3A_172 = arith.constant 0 : i32
    %dma_wait3A_173 = arith.constant 0 : i32
    %dma_wait3A_174 = tpu.memref_slice %arg13[%dma_wait3A_172, %dma_wait3A_173] : memref<512x64xf32, #tpu.memory_space<vmem>> -> memref<128x64xf32, #tpu.memory_space<vmem>>
    %dma_wait3A_175 = arith.constant 0 : i32
    %dma_wait3A_176 = arith.constant 0 : i32
    %dma_wait3A_177 = tpu.memref_slice %arg6[%dma_wait3A_175, %dma_wait3A_176] : memref<1000000x64xf32, #tpu.memory_space<hbm>> -> memref<128x64xf32, #tpu.memory_space<hbm>>
    tpu.wait_dma2 semaphore(%arg14 : memref<!tpu.dma_semaphore, #tpu.memory_space<semaphore_mem>>) src(%dma_wait3A_177 : memref<128x64xf32, #tpu.memory_space<hbm>>) dst(%dma_wait3A_174 : memref<128x64xf32, #tpu.memory_space<vmem>>)
    %scan3A_178 = arith.constant 0 : i32
    %scan3A_179 = arith.constant 0 : i32
    %scan3A_180 = arith.constant 8 : i32
    %scan3A_181 = arith.addi %scan3A_179, %scan3A_180 : i32
    %scan3A_182 = arith.constant 1 : i32
    scf.for %scan3A_240 = %scan3A_179 to %scan3A_181 step %scan3A_182  : i32 {
      %mul3A_241 = arith.constant 16 : i32
      %mul3A_242 = arith.muli %scan3A_240, %mul3A_241 : i32
      %add3A_243 = arith.constant 128 : i32
      %add3A_244 = arith.addi %add3A_243, %mul3A_242 : i32
      %get3A = arith.index_cast %add3A_244 : i32 to index
      %get3A_245 = tpu.vector_load %arg12[%get3A] {strides = array<i32>} : memref<512xi32, #tpu.memory_space<vmem>>, vector<16xi32>,
      %slice3A = vector.extract_strided_slice %get3A_245 {offsets = [0], sizes = [1], strides = [1]} : vector<16xi32> to vector<1xi32>
      %squeeze3A = vector.extract %slice3A[0] : i32 from vector<1xi32>
      %add3A_246 = arith.constant 0 : i32
      %add3A_247 = arith.addi %add3A_244, %add3A_246 : i32
      %dma_start3A_248 = arith.constant 0 : i32
      %dma_start3A_249 = tpu.memref_slice %arg13[%add3A_247, %dma_start3A_248] : memref<512x64xf32, #tpu.memory_space<vmem>> -> memref<1x64xf32, #tpu.memory_space<vmem>>
      %dma_start3A_250 = arith.constant 0 : i32
      %dma_start3A_251 = tpu.memref_slice %arg6[%squeeze3A, %dma_start3A_250] : memref<1000000x64xf32, #tpu.memory_space<hbm>> -> memref<1x64xf32, #tpu.memory_space<hbm>>
      %dma_start3A_252 = arith.constant 0 : i32
      %dma_start3A_253 = tpu.memref_slice %arg13[%add3A_247, %dma_start3A_252] : memref<512x64xf32, #tpu.memory_space<vmem>> -> memref<1x64xf32, #tpu.memory_space<vmem>>
      %dma_start3A_254 = arith.constant 0 : i32
      %dma_start3A_255 = tpu.memref_slice %arg6[%squeeze3A, %dma_start3A_254] : memref<1000000x64xf32, #tpu.memory_space<hbm>> -> memref<1x64xf32, #tpu.memory_space<hbm>>
      tpu.enqueue_dma source(%dma_start3A_255 : memref<1x64xf32, #tpu.memory_space<hbm>>) target(%dma_start3A_253 : memref<1x64xf32, #tpu.memory_space<vmem>>) target_semaphore(%arg14 : memref<!tpu.dma_semaphore, #tpu.memory_space<semaphore_mem>>)
      %slice3A_256 = vector.extract_strided_slice %get3A_245 {offsets = [1], sizes = [1], strides = [1]} : vector<16xi32> to vector<1xi32>
      %squeeze3A_257 = vector.extract %slice3A_256[0] : i32 from vector<1xi32>
      %add3A_258 = arith.constant 1 : i32
      %add3A_259 = arith.addi %add3A_244, %add3A_258 : i32
      %dma_start3A_260 = arith.constant 0 : i32
      %dma_start3A_261 = tpu.memref_slice %arg13[%add3A_259, %dma_start3A_260] : memref<512x64xf32, #tpu.memory_space<vmem>> -> memref<1x64xf32, #tpu.memory_space<vmem>>
      %dma_start3A_262 = arith.constant 0 : i32
      %dma_start3A_263 = tpu.memref_slice %arg6[%squeeze3A_257, %dma_start3A_262] : memref<1000000x64xf32, #tpu.memory_space<hbm>> -> memref<1x64xf32, #tpu.memory_space<hbm>>
      %dma_start3A_264 = arith.constant 0 : i32
      %dma_start3A_265 = tpu.memref_slice %arg13[%add3A_259, %dma_start3A_264] : memref<512x64xf32, #tpu.memory_space<vmem>> -> memref<1x64xf32, #tpu.memory_space<vmem>>
      %dma_start3A_266 = arith.constant 0 : i32
      %dma_start3A_267 = tpu.memref_slice %arg6[%squeeze3A_257, %dma_start3A_266] : memref<1000000x64xf32, #tpu.memory_space<hbm>> -> memref<1x64xf32, #tpu.memory_space<hbm>>
      tpu.enqueue_dma source(%dma_start3A_267 : memref<1x64xf32, #tpu.memory_space<hbm>>) target(%dma_start3A_265 : memref<1x64xf32, #tpu.memory_space<vmem>>) target_semaphore(%arg14 : memref<!tpu.dma_semaphore, #tpu.memory_space<semaphore_mem>>)
      %slice3A_268 = vector.extract_strided_slice %get3A_245 {offsets = [2], sizes = [1], strides = [1]} : vector<16xi32> to vector<1xi32>
      %squeeze3A_269 = vector.extract %slice3A_268[0] : i32 from vector<1xi32>
      %add3A_270 = arith.constant 2 : i32
      %add3A_271 = arith.addi %add3A_244, %add3A_270 : i32
      %dma_start3A_272 = arith.constant 0 : i32
      %dma_start3A_273 = tpu.memref_slice %arg13[%add3A_271, %dma_start3A_272] : memref<512x64xf32, #tpu.memory_space<vmem>> -> memref<1x64xf32, #tpu.memory_space<vmem>>
      %dma_start3A_274 = arith.constant 0 : i32
      %dma_start3A_275 = tpu.memref_slice %arg6[%squeeze3A_269, %dma_start3A_274] : memref<1000000x64xf32, #tpu.memory_space<hbm>> -> memref<1x64xf32, #tpu.memory_space<hbm>>
      %dma_start3A_276 = arith.constant 0 : i32
      %dma_start3A_277 = tpu.memref_slice %arg13[%add3A_271, %dma_start3A_276] : memref<512x64xf32, #tpu.memory_space<vmem>> -> memref<1x64xf32, #tpu.memory_space<vmem>>
      %dma_start3A_278 = arith.constant 0 : i32
      %dma_start3A_279 = tpu.memref_slice %arg6[%squeeze3A_269, %dma_start3A_278] : memref<1000000x64xf32, #tpu.memory_space<hbm>> -> memref<1x64xf32, #tpu.memory_space<hbm>>
      tpu.enqueue_dma source(%dma_start3A_279 : memref<1x64xf32, #tpu.memory_space<hbm>>) target(%dma_start3A_277 : memref<1x64xf32, #tpu.memory_space<vmem>>) target_semaphore(%arg14 : memref<!tpu.dma_semaphore, #tpu.memory_space<semaphore_mem>>)
      %slice3A_280 = vector.extract_strided_slice %get3A_245 {offsets = [3], sizes = [1], strides = [1]} : vector<16xi32> to vector<1xi32>
      %squeeze3A_281 = vector.extract %slice3A_280[0] : i32 from vector<1xi32>
      %add3A_282 = arith.constant 3 : i32
      %add3A_283 = arith.addi %add3A_244, %add3A_282 : i32
      %dma_start3A_284 = arith.constant 0 : i32
      %dma_start3A_285 = tpu.memref_slice %arg13[%add3A_283, %dma_start3A_284] : memref<512x64xf32, #tpu.memory_space<vmem>> -> memref<1x64xf32, #tpu.memory_space<vmem>>
      %dma_start3A_286 = arith.constant 0 : i32
      %dma_start3A_287 = tpu.memref_slice %arg6[%squeeze3A_281, %dma_start3A_286] : memref<1000000x64xf32, #tpu.memory_space<hbm>> -> memref<1x64xf32, #tpu.memory_space<hbm>>
      %dma_start3A_288 = arith.constant 0 : i32
      %dma_start3A_289 = tpu.memref_slice %arg13[%add3A_283, %dma_start3A_288] : memref<512x64xf32, #tpu.memory_space<vmem>> -> memref<1x64xf32, #tpu.memory_space<vmem>>
      %dma_start3A_290 = arith.constant 0 : i32
      %dma_start3A_291 = tpu.memref_slice %arg6[%squeeze3A_281, %dma_start3A_290] : memref<1000000x64xf32, #tpu.memory_space<hbm>> -> memref<1x64xf32, #tpu.memory_space<hbm>>
      tpu.enqueue_dma source(%dma_start3A_291 : memref<1x64xf32, #tpu.memory_space<hbm>>) target(%dma_start3A_289 : memref<1x64xf32, #tpu.memory_space<vmem>>) target_semaphore(%arg14 : memref<!tpu.dma_semaphore, #tpu.memory_space<semaphore_mem>>)
      %slice3A_292 = vector.extract_strided_slice %get3A_245 {offsets = [4], sizes = [1], strides = [1]} : vector<16xi32> to vector<1xi32>
      %squeeze3A_293 = vector.extract %slice3A_292[0] : i32 from vector<1xi32>
      %add3A_294 = arith.constant 4 : i32
      %add3A_295 = arith.addi %add3A_244, %add3A_294 : i32
      %dma_start3A_296 = arith.constant 0 : i32
      %dma_start3A_297 = tpu.memref_slice %arg13[%add3A_295, %dma_start3A_296] : memref<512x64xf32, #tpu.memory_space<vmem>> -> memref<1x64xf32, #tpu.memory_space<vmem>>
      %dma_start3A_298 = arith.constant 0 : i32
      %dma_start3A_299 = tpu.memref_slice %arg6[%squeeze3A_293, %dma_start3A_298] : memref<1000000x64xf32, #tpu.memory_space<hbm>> -> memref<1x64xf32, #tpu.memory_space<hbm>>
      %dma_start3A_300 = arith.constant 0 : i32
      %dma_start3A_301 = tpu.memref_slice %arg13[%add3A_295, %dma_start3A_300] : memref<512x64xf32, #tpu.memory_space<vmem>> -> memref<1x64xf32, #tpu.memory_space<vmem>>
      %dma_start3A_302 = arith.constant 0 : i32
      %dma_start3A_303 = tpu.memref_slice %arg6[%squeeze3A_293, %dma_start3A_302] : memref<1000000x64xf32, #tpu.memory_space<hbm>> -> memref<1x64xf32, #tpu.memory_space<hbm>>
      tpu.enqueue_dma source(%dma_start3A_303 : memref<1x64xf32, #tpu.memory_space<hbm>>) target(%dma_start3A_301 : memref<1x64xf32, #tpu.memory_space<vmem>>) target_semaphore(%arg14 : memref<!tpu.dma_semaphore, #tpu.memory_space<semaphore_mem>>)
      %slice3A_304 = vector.extract_strided_slice %get3A_245 {offsets = [5], sizes = [1], strides = [1]} : vector<16xi32> to vector<1xi32>
      %squeeze3A_305 = vector.extract %slice3A_304[0] : i32 from vector<1xi32>
      %add3A_306 = arith.constant 5 : i32
      %add3A_307 = arith.addi %add3A_244, %add3A_306 : i32
      %dma_start3A_308 = arith.constant 0 : i32
      %dma_start3A_309 = tpu.memref_slice %arg13[%add3A_307, %dma_start3A_308] : memref<512x64xf32, #tpu.memory_space<vmem>> -> memref<1x64xf32, #tpu.memory_space<vmem>>
      %dma_start3A_310 = arith.constant 0 : i32
      %dma_start3A_311 = tpu.memref_slice %arg6[%squeeze3A_305, %dma_start3A_310] : memref<1000000x64xf32, #tpu.memory_space<hbm>> -> memref<1x64xf32, #tpu.memory_space<hbm>>
      %dma_start3A_312 = arith.constant 0 : i32
      %dma_start3A_313 = tpu.memref_slice %arg13[%add3A_307, %dma_start3A_312] : memref<512x64xf32, #tpu.memory_space<vmem>> -> memref<1x64xf32, #tpu.memory_space<vmem>>
      %dma_start3A_314 = arith.constant 0 : i32
      %dma_start3A_315 = tpu.memref_slice %arg6[%squeeze3A_305, %dma_start3A_314] : memref<1000000x64xf32, #tpu.memory_space<hbm>> -> memref<1x64xf32, #tpu.memory_space<hbm>>
      tpu.enqueue_dma source(%dma_start3A_315 : memref<1x64xf32, #tpu.memory_space<hbm>>) target(%dma_start3A_313 : memref<1x64xf32, #tpu.memory_space<vmem>>) target_semaphore(%arg14 : memref<!tpu.dma_semaphore, #tpu.memory_space<semaphore_mem>>)
      %slice3A_316 = vector.extract_strided_slice %get3A_245 {offsets = [6], sizes = [1], strides = [1]} : vector<16xi32> to vector<1xi32>
      %squeeze3A_317 = vector.extract %slice3A_316[0] : i32 from vector<1xi32>
      %add3A_318 = arith.constant 6 : i32
      %add3A_319 = arith.addi %add3A_244, %add3A_318 : i32
      %dma_start3A_320 = arith.constant 0 : i32
      %dma_start3A_321 = tpu.memref_slice %arg13[%add3A_319, %dma_start3A_320] : memref<512x64xf32, #tpu.memory_space<vmem>> -> memref<1x64xf32, #tpu.memory_space<vmem>>
      %dma_start3A_322 = arith.constant 0 : i32
      %dma_start3A_323 = tpu.memref_slice %arg6[%squeeze3A_317, %dma_start3A_322] : memref<1000000x64xf32, #tpu.memory_space<hbm>> -> memref<1x64xf32, #tpu.memory_space<hbm>>
      %dma_start3A_324 = arith.constant 0 : i32
      %dma_start3A_325 = tpu.memref_slice %arg13[%add3A_319, %dma_start3A_324] : memref<512x64xf32, #tpu.memory_space<vmem>> -> memref<1x64xf32, #tpu.memory_space<vmem>>
      %dma_start3A_326 = arith.constant 0 : i32
      %dma_start3A_327 = tpu.memref_slice %arg6[%squeeze3A_317, %dma_start3A_326] : memref<1000000x64xf32, #tpu.memory_space<hbm>> -> memref<1x64xf32, #tpu.memory_space<hbm>>
      tpu.enqueue_dma source(%dma_start3A_327 : memref<1x64xf32, #tpu.memory_space<hbm>>) target(%dma_start3A_325 : memref<1x64xf32, #tpu.memory_space<vmem>>) target_semaphore(%arg14 : memref<!tpu.dma_semaphore, #tpu.memory_space<semaphore_mem>>)
      %slice3A_328 = vector.extract_strided_slice %get3A_245 {offsets = [7], sizes = [1], strides = [1]} : vector<16xi32> to vector<1xi32>
      %squeeze3A_329 = vector.extract %slice3A_328[0] : i32 from vector<1xi32>
      %add3A_330 = arith.constant 7 : i32
      %add3A_331 = arith.addi %add3A_244, %add3A_330 : i32
      %dma_start3A_332 = arith.constant 0 : i32
      %dma_start3A_333 = tpu.memref_slice %arg13[%add3A_331, %dma_start3A_332] : memref<512x64xf32, #tpu.memory_space<vmem>> -> memref<1x64xf32, #tpu.memory_space<vmem>>
      %dma_start3A_334 = arith.constant 0 : i32
      %dma_start3A_335 = tpu.memref_slice %arg6[%squeeze3A_329, %dma_start3A_334] : memref<1000000x64xf32, #tpu.memory_space<hbm>> -> memref<1x64xf32, #tpu.memory_space<hbm>>
      %dma_start3A_336 = arith.constant 0 : i32
      %dma_start3A_337 = tpu.memref_slice %arg13[%add3A_331, %dma_start3A_336] : memref<512x64xf32, #tpu.memory_space<vmem>> -> memref<1x64xf32, #tpu.memory_space<vmem>>
      %dma_start3A_338 = arith.constant 0 : i32
      %dma_start3A_339 = tpu.memref_slice %arg6[%squeeze3A_329, %dma_start3A_338] : memref<1000000x64xf32, #tpu.memory_space<hbm>> -> memref<1x64xf32, #tpu.memory_space<hbm>>
      tpu.enqueue_dma source(%dma_start3A_339 : memref<1x64xf32, #tpu.memory_space<hbm>>) target(%dma_start3A_337 : memref<1x64xf32, #tpu.memory_space<vmem>>) target_semaphore(%arg14 : memref<!tpu.dma_semaphore, #tpu.memory_space<semaphore_mem>>)
      %slice3A_340 = vector.extract_strided_slice %get3A_245 {offsets = [8], sizes = [1], strides = [1]} : vector<16xi32> to vector<1xi32>
      %squeeze3A_341 = vector.extract %slice3A_340[0] : i32 from vector<1xi32>
      %add3A_342 = arith.constant 8 : i32
      %add3A_343 = arith.addi %add3A_244, %add3A_342 : i32
      %dma_start3A_344 = arith.constant 0 : i32
      %dma_start3A_345 = tpu.memref_slice %arg13[%add3A_343, %dma_start3A_344] : memref<512x64xf32, #tpu.memory_space<vmem>> -> memref<1x64xf32, #tpu.memory_space<vmem>>
      %dma_start3A_346 = arith.constant 0 : i32
      %dma_start3A_347 = tpu.memref_slice %arg6[%squeeze3A_341, %dma_start3A_346] : memref<1000000x64xf32, #tpu.memory_space<hbm>> -> memref<1x64xf32, #tpu.memory_space<hbm>>
      %dma_start3A_348 = arith.constant 0 : i32
      %dma_start3A_349 = tpu.memref_slice %arg13[%add3A_343, %dma_start3A_348] : memref<512x64xf32, #tpu.memory_space<vmem>> -> memref<1x64xf32, #tpu.memory_space<vmem>>
      %dma_start3A_350 = arith.constant 0 : i32
      %dma_start3A_351 = tpu.memref_slice %arg6[%squeeze3A_341, %dma_start3A_350] : memref<1000000x64xf32, #tpu.memory_space<hbm>> -> memref<1x64xf32, #tpu.memory_space<hbm>>
      tpu.enqueue_dma source(%dma_start3A_351 : memref<1x64xf32, #tpu.memory_space<hbm>>) target(%dma_start3A_349 : memref<1x64xf32, #tpu.memory_space<vmem>>) target_semaphore(%arg14 : memref<!tpu.dma_semaphore, #tpu.memory_space<semaphore_mem>>)
      %slice3A_352 = vector.extract_strided_slice %get3A_245 {offsets = [9], sizes = [1], strides = [1]} : vector<16xi32> to vector<1xi32>
      %squeeze3A_353 = vector.extract %slice3A_352[0] : i32 from vector<1xi32>
      %add3A_354 = arith.constant 9 : i32
      %add3A_355 = arith.addi %add3A_244, %add3A_354 : i32
      %dma_start3A_356 = arith.constant 0 : i32
      %dma_start3A_357 = tpu.memref_slice %arg13[%add3A_355, %dma_start3A_356] : memref<512x64xf32, #tpu.memory_space<vmem>> -> memref<1x64xf32, #tpu.memory_space<vmem>>
      %dma_start3A_358 = arith.constant 0 : i32
      %dma_start3A_359 = tpu.memref_slice %arg6[%squeeze3A_353, %dma_start3A_358] : memref<1000000x64xf32, #tpu.memory_space<hbm>> -> memref<1x64xf32, #tpu.memory_space<hbm>>
      %dma_start3A_360 = arith.constant 0 : i32
      %dma_start3A_361 = tpu.memref_slice %arg13[%add3A_355, %dma_start3A_360] : memref<512x64xf32, #tpu.memory_space<vmem>> -> memref<1x64xf32, #tpu.memory_space<vmem>>
      %dma_start3A_362 = arith.constant 0 : i32
      %dma_start3A_363 = tpu.memref_slice %arg6[%squeeze3A_353, %dma_start3A_362] : memref<1000000x64xf32, #tpu.memory_space<hbm>> -> memref<1x64xf32, #tpu.memory_space<hbm>>
      tpu.enqueue_dma source(%dma_start3A_363 : memref<1x64xf32, #tpu.memory_space<hbm>>) target(%dma_start3A_361 : memref<1x64xf32, #tpu.memory_space<vmem>>) target_semaphore(%arg14 : memref<!tpu.dma_semaphore, #tpu.memory_space<semaphore_mem>>)
      %slice3A_364 = vector.extract_strided_slice %get3A_245 {offsets = [10], sizes = [1], strides = [1]} : vector<16xi32> to vector<1xi32>
      %squeeze3A_365 = vector.extract %slice3A_364[0] : i32 from vector<1xi32>
      %add3A_366 = arith.constant 10 : i32
      %add3A_367 = arith.addi %add3A_244, %add3A_366 : i32
      %dma_start3A_368 = arith.constant 0 : i32
      %dma_start3A_369 = tpu.memref_slice %arg13[%add3A_367, %dma_start3A_368] : memref<512x64xf32, #tpu.memory_space<vmem>> -> memref<1x64xf32, #tpu.memory_space<vmem>>
      %dma_start3A_370 = arith.constant 0 : i32
      %dma_start3A_371 = tpu.memref_slice %arg6[%squeeze3A_365, %dma_start3A_370] : memref<1000000x64xf32, #tpu.memory_space<hbm>> -> memref<1x64xf32, #tpu.memory_space<hbm>>
      %dma_start3A_372 = arith.constant 0 : i32
      %dma_start3A_373 = tpu.memref_slice %arg13[%add3A_367, %dma_start3A_372] : memref<512x64xf32, #tpu.memory_space<vmem>> -> memref<1x64xf32, #tpu.memory_space<vmem>>
      %dma_start3A_374 = arith.constant 0 : i32
      %dma_start3A_375 = tpu.memref_slice %arg6[%squeeze3A_365, %dma_start3A_374] : memref<1000000x64xf32, #tpu.memory_space<hbm>> -> memref<1x64xf32, #tpu.memory_space<hbm>>
      tpu.enqueue_dma source(%dma_start3A_375 : memref<1x64xf32, #tpu.memory_space<hbm>>) target(%dma_start3A_373 : memref<1x64xf32, #tpu.memory_space<vmem>>) target_semaphore(%arg14 : memref<!tpu.dma_semaphore, #tpu.memory_space<semaphore_mem>>)
      %slice3A_376 = vector.extract_strided_slice %get3A_245 {offsets = [11], sizes = [1], strides = [1]} : vector<16xi32> to vector<1xi32>
      %squeeze3A_377 = vector.extract %slice3A_376[0] : i32 from vector<1xi32>
      %add3A_378 = arith.constant 11 : i32
      %add3A_379 = arith.addi %add3A_244, %add3A_378 : i32
      %dma_start3A_380 = arith.constant 0 : i32
      %dma_start3A_381 = tpu.memref_slice %arg13[%add3A_379, %dma_start3A_380] : memref<512x64xf32, #tpu.memory_space<vmem>> -> memref<1x64xf32, #tpu.memory_space<vmem>>
      %dma_start3A_382 = arith.constant 0 : i32
      %dma_start3A_383 = tpu.memref_slice %arg6[%squeeze3A_377, %dma_start3A_382] : memref<1000000x64xf32, #tpu.memory_space<hbm>> -> memref<1x64xf32, #tpu.memory_space<hbm>>
      %dma_start3A_384 = arith.constant 0 : i32
      %dma_start3A_385 = tpu.memref_slice %arg13[%add3A_379, %dma_start3A_384] : memref<512x64xf32, #tpu.memory_space<vmem>> -> memref<1x64xf32, #tpu.memory_space<vmem>>
      %dma_start3A_386 = arith.constant 0 : i32
      %dma_start3A_387 = tpu.memref_slice %arg6[%squeeze3A_377, %dma_start3A_386] : memref<1000000x64xf32, #tpu.memory_space<hbm>> -> memref<1x64xf32, #tpu.memory_space<hbm>>
      tpu.enqueue_dma source(%dma_start3A_387 : memref<1x64xf32, #tpu.memory_space<hbm>>) target(%dma_start3A_385 : memref<1x64xf32, #tpu.memory_space<vmem>>) target_semaphore(%arg14 : memref<!tpu.dma_semaphore, #tpu.memory_space<semaphore_mem>>)
      %slice3A_388 = vector.extract_strided_slice %get3A_245 {offsets = [12], sizes = [1], strides = [1]} : vector<16xi32> to vector<1xi32>
      %squeeze3A_389 = vector.extract %slice3A_388[0] : i32 from vector<1xi32>
      %add3A_390 = arith.constant 12 : i32
      %add3A_391 = arith.addi %add3A_244, %add3A_390 : i32
      %dma_start3A_392 = arith.constant 0 : i32
      %dma_start3A_393 = tpu.memref_slice %arg13[%add3A_391, %dma_start3A_392] : memref<512x64xf32, #tpu.memory_space<vmem>> -> memref<1x64xf32, #tpu.memory_space<vmem>>
      %dma_start3A_394 = arith.constant 0 : i32
      %dma_start3A_395 = tpu.memref_slice %arg6[%squeeze3A_389, %dma_start3A_394] : memref<1000000x64xf32, #tpu.memory_space<hbm>> -> memref<1x64xf32, #tpu.memory_space<hbm>>
      %dma_start3A_396 = arith.constant 0 : i32
      %dma_start3A_397 = tpu.memref_slice %arg13[%add3A_391, %dma_start3A_396] : memref<512x64xf32, #tpu.memory_space<vmem>> -> memref<1x64xf32, #tpu.memory_space<vmem>>
      %dma_start3A_398 = arith.constant 0 : i32
      %dma_start3A_399 = tpu.memref_slice %arg6[%squeeze3A_389, %dma_start3A_398] : memref<1000000x64xf32, #tpu.memory_space<hbm>> -> memref<1x64xf32, #tpu.memory_space<hbm>>
      tpu.enqueue_dma source(%dma_start3A_399 : memref<1x64xf32, #tpu.memory_space<hbm>>) target(%dma_start3A_397 : memref<1x64xf32, #tpu.memory_space<vmem>>) target_semaphore(%arg14 : memref<!tpu.dma_semaphore, #tpu.memory_space<semaphore_mem>>)
      %slice3A_400 = vector.extract_strided_slice %get3A_245 {offsets = [13], sizes = [1], strides = [1]} : vector<16xi32> to vector<1xi32>
      %squeeze3A_401 = vector.extract %slice3A_400[0] : i32 from vector<1xi32>
      %add3A_402 = arith.constant 13 : i32
      %add3A_403 = arith.addi %add3A_244, %add3A_402 : i32
      %dma_start3A_404 = arith.constant 0 : i32
      %dma_start3A_405 = tpu.memref_slice %arg13[%add3A_403, %dma_start3A_404] : memref<512x64xf32, #tpu.memory_space<vmem>> -> memref<1x64xf32, #tpu.memory_space<vmem>>
      %dma_start3A_406 = arith.constant 0 : i32
      %dma_start3A_407 = tpu.memref_slice %arg6[%squeeze3A_401, %dma_start3A_406] : memref<1000000x64xf32, #tpu.memory_space<hbm>> -> memref<1x64xf32, #tpu.memory_space<hbm>>
      %dma_start3A_408 = arith.constant 0 : i32
      %dma_start3A_409 = tpu.memref_slice %arg13[%add3A_403, %dma_start3A_408] : memref<512x64xf32, #tpu.memory_space<vmem>> -> memref<1x64xf32, #tpu.memory_space<vmem>>
      %dma_start3A_410 = arith.constant 0 : i32
      %dma_start3A_411 = tpu.memref_slice %arg6[%squeeze3A_401, %dma_start3A_410] : memref<1000000x64xf32, #tpu.memory_space<hbm>> -> memref<1x64xf32, #tpu.memory_space<hbm>>
      tpu.enqueue_dma source(%dma_start3A_411 : memref<1x64xf32, #tpu.memory_space<hbm>>) target(%dma_start3A_409 : memref<1x64xf32, #tpu.memory_space<vmem>>) target_semaphore(%arg14 : memref<!tpu.dma_semaphore, #tpu.memory_space<semaphore_mem>>)
      %slice3A_412 = vector.extract_strided_slice %get3A_245 {offsets = [14], sizes = [1], strides = [1]} : vector<16xi32> to vector<1xi32>
      %squeeze3A_413 = vector.extract %slice3A_412[0] : i32 from vector<1xi32>
      %add3A_414 = arith.constant 14 : i32
      %add3A_415 = arith.addi %add3A_244, %add3A_414 : i32
      %dma_start3A_416 = arith.constant 0 : i32
      %dma_start3A_417 = tpu.memref_slice %arg13[%add3A_415, %dma_start3A_416] : memref<512x64xf32, #tpu.memory_space<vmem>> -> memref<1x64xf32, #tpu.memory_space<vmem>>
      %dma_start3A_418 = arith.constant 0 : i32
      %dma_start3A_419 = tpu.memref_slice %arg6[%squeeze3A_413, %dma_start3A_418] : memref<1000000x64xf32, #tpu.memory_space<hbm>> -> memref<1x64xf32, #tpu.memory_space<hbm>>
      %dma_start3A_420 = arith.constant 0 : i32
      %dma_start3A_421 = tpu.memref_slice %arg13[%add3A_415, %dma_start3A_420] : memref<512x64xf32, #tpu.memory_space<vmem>> -> memref<1x64xf32, #tpu.memory_space<vmem>>
      %dma_start3A_422 = arith.constant 0 : i32
      %dma_start3A_423 = tpu.memref_slice %arg6[%squeeze3A_413, %dma_start3A_422] : memref<1000000x64xf32, #tpu.memory_space<hbm>> -> memref<1x64xf32, #tpu.memory_space<hbm>>
      tpu.enqueue_dma source(%dma_start3A_423 : memref<1x64xf32, #tpu.memory_space<hbm>>) target(%dma_start3A_421 : memref<1x64xf32, #tpu.memory_space<vmem>>) target_semaphore(%arg14 : memref<!tpu.dma_semaphore, #tpu.memory_space<semaphore_mem>>)
      %slice3A_424 = vector.extract_strided_slice %get3A_245 {offsets = [15], sizes = [1], strides = [1]} : vector<16xi32> to vector<1xi32>
      %squeeze3A_425 = vector.extract %slice3A_424[0] : i32 from vector<1xi32>
      %add3A_426 = arith.constant 15 : i32
      %add3A_427 = arith.addi %add3A_244, %add3A_426 : i32
      %dma_start3A_428 = arith.constant 0 : i32
      %dma_start3A_429 = tpu.memref_slice %arg13[%add3A_427, %dma_start3A_428] : memref<512x64xf32, #tpu.memory_space<vmem>> -> memref<1x64xf32, #tpu.memory_space<vmem>>
      %dma_start3A_430 = arith.constant 0 : i32
      %dma_start3A_431 = tpu.memref_slice %arg6[%squeeze3A_425, %dma_start3A_430] : memref<1000000x64xf32, #tpu.memory_space<hbm>> -> memref<1x64xf32, #tpu.memory_space<hbm>>
      %dma_start3A_432 = arith.constant 0 : i32
      %dma_start3A_433 = tpu.memref_slice %arg13[%add3A_427, %dma_start3A_432] : memref<512x64xf32, #tpu.memory_space<vmem>> -> memref<1x64xf32, #tpu.memory_space<vmem>>
      %dma_start3A_434 = arith.constant 0 : i32
      %dma_start3A_435 = tpu.memref_slice %arg6[%squeeze3A_425, %dma_start3A_434] : memref<1000000x64xf32, #tpu.memory_space<hbm>> -> memref<1x64xf32, #tpu.memory_space<hbm>>
      tpu.enqueue_dma source(%dma_start3A_435 : memref<1x64xf32, #tpu.memory_space<hbm>>) target(%dma_start3A_433 : memref<1x64xf32, #tpu.memory_space<vmem>>) target_semaphore(%arg14 : memref<!tpu.dma_semaphore, #tpu.memory_space<semaphore_mem>>)
    }
    %scan3A_183 = arith.constant 8 : i32
    %dma_wait3A_184 = arith.constant 128 : i32
    %dma_wait3A_185 = arith.constant 0 : i32
    %dma_wait3A_186 = tpu.memref_slice %arg13[%dma_wait3A_184, %dma_wait3A_185] : memref<512x64xf32, #tpu.memory_space<vmem>> -> memref<128x64xf32, #tpu.memory_space<vmem>>
    %dma_wait3A_187 = arith.constant 0 : i32
    %dma_wait3A_188 = arith.constant 0 : i32
    %dma_wait3A_189 = tpu.memref_slice %arg6[%dma_wait3A_187, %dma_wait3A_188] : memref<1000000x64xf32, #tpu.memory_space<hbm>> -> memref<128x64xf32, #tpu.memory_space<hbm>>
    %dma_wait3A_190 = arith.constant 128 : i32
    %dma_wait3A_191 = arith.constant 0 : i32
    %dma_wait3A_192 = tpu.memref_slice %arg13[%dma_wait3A_190, %dma_wait3A_191] : memref<512x64xf32, #tpu.memory_space<vmem>> -> memref<128x64xf32, #tpu.memory_space<vmem>>
    %dma_wait3A_193 = arith.constant 0 : i32
    %dma_wait3A_194 = arith.constant 0 : i32
    %dma_wait3A_195 = tpu.memref_slice %arg6[%dma_wait3A_193, %dma_wait3A_194] : memref<1000000x64xf32, #tpu.memory_space<hbm>> -> memref<128x64xf32, #tpu.memory_space<hbm>>
    tpu.wait_dma2 semaphore(%arg14 : memref<!tpu.dma_semaphore, #tpu.memory_space<semaphore_mem>>) src(%dma_wait3A_195 : memref<128x64xf32, #tpu.memory_space<hbm>>) dst(%dma_wait3A_192 : memref<128x64xf32, #tpu.memory_space<vmem>>)
    %scan3A_196 = arith.constant 0 : i32
    %scan3A_197 = arith.constant 0 : i32
    %scan3A_198 = arith.constant 8 : i32
    %scan3A_199 = arith.addi %scan3A_197, %scan3A_198 : i32
    %scan3A_200 = arith.constant 1 : i32
    scf.for %scan3A_240 = %scan3A_197 to %scan3A_199 step %scan3A_200  : i32 {
      %mul3A_241 = arith.constant 16 : i32
      %mul3A_242 = arith.muli %scan3A_240, %mul3A_241 : i32
      %add3A_243 = arith.constant 256 : i32
      %add3A_244 = arith.addi %add3A_243, %mul3A_242 : i32
      %get3A = arith.index_cast %add3A_244 : i32 to index
      %get3A_245 = tpu.vector_load %arg12[%get3A] {strides = array<i32>} : memref<512xi32, #tpu.memory_space<vmem>>, vector<16xi32>,
      %slice3A = vector.extract_strided_slice %get3A_245 {offsets = [0], sizes = [1], strides = [1]} : vector<16xi32> to vector<1xi32>
      %squeeze3A = vector.extract %slice3A[0] : i32 from vector<1xi32>
      %add3A_246 = arith.constant 0 : i32
      %add3A_247 = arith.addi %add3A_244, %add3A_246 : i32
      %dma_start3A_248 = arith.constant 0 : i32
      %dma_start3A_249 = tpu.memref_slice %arg13[%add3A_247, %dma_start3A_248] : memref<512x64xf32, #tpu.memory_space<vmem>> -> memref<1x64xf32, #tpu.memory_space<vmem>>
      %dma_start3A_250 = arith.constant 0 : i32
      %dma_start3A_251 = tpu.memref_slice %arg6[%squeeze3A, %dma_start3A_250] : memref<1000000x64xf32, #tpu.memory_space<hbm>> -> memref<1x64xf32, #tpu.memory_space<hbm>>
      %dma_start3A_252 = arith.constant 0 : i32
      %dma_start3A_253 = tpu.memref_slice %arg13[%add3A_247, %dma_start3A_252] : memref<512x64xf32, #tpu.memory_space<vmem>> -> memref<1x64xf32, #tpu.memory_space<vmem>>
      %dma_start3A_254 = arith.constant 0 : i32
      %dma_start3A_255 = tpu.memref_slice %arg6[%squeeze3A, %dma_start3A_254] : memref<1000000x64xf32, #tpu.memory_space<hbm>> -> memref<1x64xf32, #tpu.memory_space<hbm>>
      tpu.enqueue_dma source(%dma_start3A_255 : memref<1x64xf32, #tpu.memory_space<hbm>>) target(%dma_start3A_253 : memref<1x64xf32, #tpu.memory_space<vmem>>) target_semaphore(%arg14 : memref<!tpu.dma_semaphore, #tpu.memory_space<semaphore_mem>>)
      %slice3A_256 = vector.extract_strided_slice %get3A_245 {offsets = [1], sizes = [1], strides = [1]} : vector<16xi32> to vector<1xi32>
      %squeeze3A_257 = vector.extract %slice3A_256[0] : i32 from vector<1xi32>
      %add3A_258 = arith.constant 1 : i32
      %add3A_259 = arith.addi %add3A_244, %add3A_258 : i32
      %dma_start3A_260 = arith.constant 0 : i32
      %dma_start3A_261 = tpu.memref_slice %arg13[%add3A_259, %dma_start3A_260] : memref<512x64xf32, #tpu.memory_space<vmem>> -> memref<1x64xf32, #tpu.memory_space<vmem>>
      %dma_start3A_262 = arith.constant 0 : i32
      %dma_start3A_263 = tpu.memref_slice %arg6[%squeeze3A_257, %dma_start3A_262] : memref<1000000x64xf32, #tpu.memory_space<hbm>> -> memref<1x64xf32, #tpu.memory_space<hbm>>
      %dma_start3A_264 = arith.constant 0 : i32
      %dma_start3A_265 = tpu.memref_slice %arg13[%add3A_259, %dma_start3A_264] : memref<512x64xf32, #tpu.memory_space<vmem>> -> memref<1x64xf32, #tpu.memory_space<vmem>>
      %dma_start3A_266 = arith.constant 0 : i32
      %dma_start3A_267 = tpu.memref_slice %arg6[%squeeze3A_257, %dma_start3A_266] : memref<1000000x64xf32, #tpu.memory_space<hbm>> -> memref<1x64xf32, #tpu.memory_space<hbm>>
      tpu.enqueue_dma source(%dma_start3A_267 : memref<1x64xf32, #tpu.memory_space<hbm>>) target(%dma_start3A_265 : memref<1x64xf32, #tpu.memory_space<vmem>>) target_semaphore(%arg14 : memref<!tpu.dma_semaphore, #tpu.memory_space<semaphore_mem>>)
      %slice3A_268 = vector.extract_strided_slice %get3A_245 {offsets = [2], sizes = [1], strides = [1]} : vector<16xi32> to vector<1xi32>
      %squeeze3A_269 = vector.extract %slice3A_268[0] : i32 from vector<1xi32>
      %add3A_270 = arith.constant 2 : i32
      %add3A_271 = arith.addi %add3A_244, %add3A_270 : i32
      %dma_start3A_272 = arith.constant 0 : i32
      %dma_start3A_273 = tpu.memref_slice %arg13[%add3A_271, %dma_start3A_272] : memref<512x64xf32, #tpu.memory_space<vmem>> -> memref<1x64xf32, #tpu.memory_space<vmem>>
      %dma_start3A_274 = arith.constant 0 : i32
      %dma_start3A_275 = tpu.memref_slice %arg6[%squeeze3A_269, %dma_start3A_274] : memref<1000000x64xf32, #tpu.memory_space<hbm>> -> memref<1x64xf32, #tpu.memory_space<hbm>>
      %dma_start3A_276 = arith.constant 0 : i32
      %dma_start3A_277 = tpu.memref_slice %arg13[%add3A_271, %dma_start3A_276] : memref<512x64xf32, #tpu.memory_space<vmem>> -> memref<1x64xf32, #tpu.memory_space<vmem>>
      %dma_start3A_278 = arith.constant 0 : i32
      %dma_start3A_279 = tpu.memref_slice %arg6[%squeeze3A_269, %dma_start3A_278] : memref<1000000x64xf32, #tpu.memory_space<hbm>> -> memref<1x64xf32, #tpu.memory_space<hbm>>
      tpu.enqueue_dma source(%dma_start3A_279 : memref<1x64xf32, #tpu.memory_space<hbm>>) target(%dma_start3A_277 : memref<1x64xf32, #tpu.memory_space<vmem>>) target_semaphore(%arg14 : memref<!tpu.dma_semaphore, #tpu.memory_space<semaphore_mem>>)
      %slice3A_280 = vector.extract_strided_slice %get3A_245 {offsets = [3], sizes = [1], strides = [1]} : vector<16xi32> to vector<1xi32>
      %squeeze3A_281 = vector.extract %slice3A_280[0] : i32 from vector<1xi32>
      %add3A_282 = arith.constant 3 : i32
      %add3A_283 = arith.addi %add3A_244, %add3A_282 : i32
      %dma_start3A_284 = arith.constant 0 : i32
      %dma_start3A_285 = tpu.memref_slice %arg13[%add3A_283, %dma_start3A_284] : memref<512x64xf32, #tpu.memory_space<vmem>> -> memref<1x64xf32, #tpu.memory_space<vmem>>
      %dma_start3A_286 = arith.constant 0 : i32
      %dma_start3A_287 = tpu.memref_slice %arg6[%squeeze3A_281, %dma_start3A_286] : memref<1000000x64xf32, #tpu.memory_space<hbm>> -> memref<1x64xf32, #tpu.memory_space<hbm>>
      %dma_start3A_288 = arith.constant 0 : i32
      %dma_start3A_289 = tpu.memref_slice %arg13[%add3A_283, %dma_start3A_288] : memref<512x64xf32, #tpu.memory_space<vmem>> -> memref<1x64xf32, #tpu.memory_space<vmem>>
      %dma_start3A_290 = arith.constant 0 : i32
      %dma_start3A_291 = tpu.memref_slice %arg6[%squeeze3A_281, %dma_start3A_290] : memref<1000000x64xf32, #tpu.memory_space<hbm>> -> memref<1x64xf32, #tpu.memory_space<hbm>>
      tpu.enqueue_dma source(%dma_start3A_291 : memref<1x64xf32, #tpu.memory_space<hbm>>) target(%dma_start3A_289 : memref<1x64xf32, #tpu.memory_space<vmem>>) target_semaphore(%arg14 : memref<!tpu.dma_semaphore, #tpu.memory_space<semaphore_mem>>)
      %slice3A_292 = vector.extract_strided_slice %get3A_245 {offsets = [4], sizes = [1], strides = [1]} : vector<16xi32> to vector<1xi32>
      %squeeze3A_293 = vector.extract %slice3A_292[0] : i32 from vector<1xi32>
      %add3A_294 = arith.constant 4 : i32
      %add3A_295 = arith.addi %add3A_244, %add3A_294 : i32
      %dma_start3A_296 = arith.constant 0 : i32
      %dma_start3A_297 = tpu.memref_slice %arg13[%add3A_295, %dma_start3A_296] : memref<512x64xf32, #tpu.memory_space<vmem>> -> memref<1x64xf32, #tpu.memory_space<vmem>>
      %dma_start3A_298 = arith.constant 0 : i32
      %dma_start3A_299 = tpu.memref_slice %arg6[%squeeze3A_293, %dma_start3A_298] : memref<1000000x64xf32, #tpu.memory_space<hbm>> -> memref<1x64xf32, #tpu.memory_space<hbm>>
      %dma_start3A_300 = arith.constant 0 : i32
      %dma_start3A_301 = tpu.memref_slice %arg13[%add3A_295, %dma_start3A_300] : memref<512x64xf32, #tpu.memory_space<vmem>> -> memref<1x64xf32, #tpu.memory_space<vmem>>
      %dma_start3A_302 = arith.constant 0 : i32
      %dma_start3A_303 = tpu.memref_slice %arg6[%squeeze3A_293, %dma_start3A_302] : memref<1000000x64xf32, #tpu.memory_space<hbm>> -> memref<1x64xf32, #tpu.memory_space<hbm>>
      tpu.enqueue_dma source(%dma_start3A_303 : memref<1x64xf32, #tpu.memory_space<hbm>>) target(%dma_start3A_301 : memref<1x64xf32, #tpu.memory_space<vmem>>) target_semaphore(%arg14 : memref<!tpu.dma_semaphore, #tpu.memory_space<semaphore_mem>>)
      %slice3A_304 = vector.extract_strided_slice %get3A_245 {offsets = [5], sizes = [1], strides = [1]} : vector<16xi32> to vector<1xi32>
      %squeeze3A_305 = vector.extract %slice3A_304[0] : i32 from vector<1xi32>
      %add3A_306 = arith.constant 5 : i32
      %add3A_307 = arith.addi %add3A_244, %add3A_306 : i32
      %dma_start3A_308 = arith.constant 0 : i32
      %dma_start3A_309 = tpu.memref_slice %arg13[%add3A_307, %dma_start3A_308] : memref<512x64xf32, #tpu.memory_space<vmem>> -> memref<1x64xf32, #tpu.memory_space<vmem>>
      %dma_start3A_310 = arith.constant 0 : i32
      %dma_start3A_311 = tpu.memref_slice %arg6[%squeeze3A_305, %dma_start3A_310] : memref<1000000x64xf32, #tpu.memory_space<hbm>> -> memref<1x64xf32, #tpu.memory_space<hbm>>
      %dma_start3A_312 = arith.constant 0 : i32
      %dma_start3A_313 = tpu.memref_slice %arg13[%add3A_307, %dma_start3A_312] : memref<512x64xf32, #tpu.memory_space<vmem>> -> memref<1x64xf32, #tpu.memory_space<vmem>>
      %dma_start3A_314 = arith.constant 0 : i32
      %dma_start3A_315 = tpu.memref_slice %arg6[%squeeze3A_305, %dma_start3A_314] : memref<1000000x64xf32, #tpu.memory_space<hbm>> -> memref<1x64xf32, #tpu.memory_space<hbm>>
      tpu.enqueue_dma source(%dma_start3A_315 : memref<1x64xf32, #tpu.memory_space<hbm>>) target(%dma_start3A_313 : memref<1x64xf32, #tpu.memory_space<vmem>>) target_semaphore(%arg14 : memref<!tpu.dma_semaphore, #tpu.memory_space<semaphore_mem>>)
      %slice3A_316 = vector.extract_strided_slice %get3A_245 {offsets = [6], sizes = [1], strides = [1]} : vector<16xi32> to vector<1xi32>
      %squeeze3A_317 = vector.extract %slice3A_316[0] : i32 from vector<1xi32>
      %add3A_318 = arith.constant 6 : i32
      %add3A_319 = arith.addi %add3A_244, %add3A_318 : i32
      %dma_start3A_320 = arith.constant 0 : i32
      %dma_start3A_321 = tpu.memref_slice %arg13[%add3A_319, %dma_start3A_320] : memref<512x64xf32, #tpu.memory_space<vmem>> -> memref<1x64xf32, #tpu.memory_space<vmem>>
      %dma_start3A_322 = arith.constant 0 : i32
      %dma_start3A_323 = tpu.memref_slice %arg6[%squeeze3A_317, %dma_start3A_322] : memref<1000000x64xf32, #tpu.memory_space<hbm>> -> memref<1x64xf32, #tpu.memory_space<hbm>>
      %dma_start3A_324 = arith.constant 0 : i32
      %dma_start3A_325 = tpu.memref_slice %arg13[%add3A_319, %dma_start3A_324] : memref<512x64xf32, #tpu.memory_space<vmem>> -> memref<1x64xf32, #tpu.memory_space<vmem>>
      %dma_start3A_326 = arith.constant 0 : i32
      %dma_start3A_327 = tpu.memref_slice %arg6[%squeeze3A_317, %dma_start3A_326] : memref<1000000x64xf32, #tpu.memory_space<hbm>> -> memref<1x64xf32, #tpu.memory_space<hbm>>
      tpu.enqueue_dma source(%dma_start3A_327 : memref<1x64xf32, #tpu.memory_space<hbm>>) target(%dma_start3A_325 : memref<1x64xf32, #tpu.memory_space<vmem>>) target_semaphore(%arg14 : memref<!tpu.dma_semaphore, #tpu.memory_space<semaphore_mem>>)
      %slice3A_328 = vector.extract_strided_slice %get3A_245 {offsets = [7], sizes = [1], strides = [1]} : vector<16xi32> to vector<1xi32>
      %squeeze3A_329 = vector.extract %slice3A_328[0] : i32 from vector<1xi32>
      %add3A_330 = arith.constant 7 : i32
      %add3A_331 = arith.addi %add3A_244, %add3A_330 : i32
      %dma_start3A_332 = arith.constant 0 : i32
      %dma_start3A_333 = tpu.memref_slice %arg13[%add3A_331, %dma_start3A_332] : memref<512x64xf32, #tpu.memory_space<vmem>> -> memref<1x64xf32, #tpu.memory_space<vmem>>
      %dma_start3A_334 = arith.constant 0 : i32
      %dma_start3A_335 = tpu.memref_slice %arg6[%squeeze3A_329, %dma_start3A_334] : memref<1000000x64xf32, #tpu.memory_space<hbm>> -> memref<1x64xf32, #tpu.memory_space<hbm>>
      %dma_start3A_336 = arith.constant 0 : i32
      %dma_start3A_337 = tpu.memref_slice %arg13[%add3A_331, %dma_start3A_336] : memref<512x64xf32, #tpu.memory_space<vmem>> -> memref<1x64xf32, #tpu.memory_space<vmem>>
      %dma_start3A_338 = arith.constant 0 : i32
      %dma_start3A_339 = tpu.memref_slice %arg6[%squeeze3A_329, %dma_start3A_338] : memref<1000000x64xf32, #tpu.memory_space<hbm>> -> memref<1x64xf32, #tpu.memory_space<hbm>>
      tpu.enqueue_dma source(%dma_start3A_339 : memref<1x64xf32, #tpu.memory_space<hbm>>) target(%dma_start3A_337 : memref<1x64xf32, #tpu.memory_space<vmem>>) target_semaphore(%arg14 : memref<!tpu.dma_semaphore, #tpu.memory_space<semaphore_mem>>)
      %slice3A_340 = vector.extract_strided_slice %get3A_245 {offsets = [8], sizes = [1], strides = [1]} : vector<16xi32> to vector<1xi32>
      %squeeze3A_341 = vector.extract %slice3A_340[0] : i32 from vector<1xi32>
      %add3A_342 = arith.constant 8 : i32
      %add3A_343 = arith.addi %add3A_244, %add3A_342 : i32
      %dma_start3A_344 = arith.constant 0 : i32
      %dma_start3A_345 = tpu.memref_slice %arg13[%add3A_343, %dma_start3A_344] : memref<512x64xf32, #tpu.memory_space<vmem>> -> memref<1x64xf32, #tpu.memory_space<vmem>>
      %dma_start3A_346 = arith.constant 0 : i32
      %dma_start3A_347 = tpu.memref_slice %arg6[%squeeze3A_341, %dma_start3A_346] : memref<1000000x64xf32, #tpu.memory_space<hbm>> -> memref<1x64xf32, #tpu.memory_space<hbm>>
      %dma_start3A_348 = arith.constant 0 : i32
      %dma_start3A_349 = tpu.memref_slice %arg13[%add3A_343, %dma_start3A_348] : memref<512x64xf32, #tpu.memory_space<vmem>> -> memref<1x64xf32, #tpu.memory_space<vmem>>
      %dma_start3A_350 = arith.constant 0 : i32
      %dma_start3A_351 = tpu.memref_slice %arg6[%squeeze3A_341, %dma_start3A_350] : memref<1000000x64xf32, #tpu.memory_space<hbm>> -> memref<1x64xf32, #tpu.memory_space<hbm>>
      tpu.enqueue_dma source(%dma_start3A_351 : memref<1x64xf32, #tpu.memory_space<hbm>>) target(%dma_start3A_349 : memref<1x64xf32, #tpu.memory_space<vmem>>) target_semaphore(%arg14 : memref<!tpu.dma_semaphore, #tpu.memory_space<semaphore_mem>>)
      %slice3A_352 = vector.extract_strided_slice %get3A_245 {offsets = [9], sizes = [1], strides = [1]} : vector<16xi32> to vector<1xi32>
      %squeeze3A_353 = vector.extract %slice3A_352[0] : i32 from vector<1xi32>
      %add3A_354 = arith.constant 9 : i32
      %add3A_355 = arith.addi %add3A_244, %add3A_354 : i32
      %dma_start3A_356 = arith.constant 0 : i32
      %dma_start3A_357 = tpu.memref_slice %arg13[%add3A_355, %dma_start3A_356] : memref<512x64xf32, #tpu.memory_space<vmem>> -> memref<1x64xf32, #tpu.memory_space<vmem>>
      %dma_start3A_358 = arith.constant 0 : i32
      %dma_start3A_359 = tpu.memref_slice %arg6[%squeeze3A_353, %dma_start3A_358] : memref<1000000x64xf32, #tpu.memory_space<hbm>> -> memref<1x64xf32, #tpu.memory_space<hbm>>
      %dma_start3A_360 = arith.constant 0 : i32
      %dma_start3A_361 = tpu.memref_slice %arg13[%add3A_355, %dma_start3A_360] : memref<512x64xf32, #tpu.memory_space<vmem>> -> memref<1x64xf32, #tpu.memory_space<vmem>>
      %dma_start3A_362 = arith.constant 0 : i32
      %dma_start3A_363 = tpu.memref_slice %arg6[%squeeze3A_353, %dma_start3A_362] : memref<1000000x64xf32, #tpu.memory_space<hbm>> -> memref<1x64xf32, #tpu.memory_space<hbm>>
      tpu.enqueue_dma source(%dma_start3A_363 : memref<1x64xf32, #tpu.memory_space<hbm>>) target(%dma_start3A_361 : memref<1x64xf32, #tpu.memory_space<vmem>>) target_semaphore(%arg14 : memref<!tpu.dma_semaphore, #tpu.memory_space<semaphore_mem>>)
      %slice3A_364 = vector.extract_strided_slice %get3A_245 {offsets = [10], sizes = [1], strides = [1]} : vector<16xi32> to vector<1xi32>
      %squeeze3A_365 = vector.extract %slice3A_364[0] : i32 from vector<1xi32>
      %add3A_366 = arith.constant 10 : i32
      %add3A_367 = arith.addi %add3A_244, %add3A_366 : i32
      %dma_start3A_368 = arith.constant 0 : i32
      %dma_start3A_369 = tpu.memref_slice %arg13[%add3A_367, %dma_start3A_368] : memref<512x64xf32, #tpu.memory_space<vmem>> -> memref<1x64xf32, #tpu.memory_space<vmem>>
      %dma_start3A_370 = arith.constant 0 : i32
      %dma_start3A_371 = tpu.memref_slice %arg6[%squeeze3A_365, %dma_start3A_370] : memref<1000000x64xf32, #tpu.memory_space<hbm>> -> memref<1x64xf32, #tpu.memory_space<hbm>>
      %dma_start3A_372 = arith.constant 0 : i32
      %dma_start3A_373 = tpu.memref_slice %arg13[%add3A_367, %dma_start3A_372] : memref<512x64xf32, #tpu.memory_space<vmem>> -> memref<1x64xf32, #tpu.memory_space<vmem>>
      %dma_start3A_374 = arith.constant 0 : i32
      %dma_start3A_375 = tpu.memref_slice %arg6[%squeeze3A_365, %dma_start3A_374] : memref<1000000x64xf32, #tpu.memory_space<hbm>> -> memref<1x64xf32, #tpu.memory_space<hbm>>
      tpu.enqueue_dma source(%dma_start3A_375 : memref<1x64xf32, #tpu.memory_space<hbm>>) target(%dma_start3A_373 : memref<1x64xf32, #tpu.memory_space<vmem>>) target_semaphore(%arg14 : memref<!tpu.dma_semaphore, #tpu.memory_space<semaphore_mem>>)
      %slice3A_376 = vector.extract_strided_slice %get3A_245 {offsets = [11], sizes = [1], strides = [1]} : vector<16xi32> to vector<1xi32>
      %squeeze3A_377 = vector.extract %slice3A_376[0] : i32 from vector<1xi32>
      %add3A_378 = arith.constant 11 : i32
      %add3A_379 = arith.addi %add3A_244, %add3A_378 : i32
      %dma_start3A_380 = arith.constant 0 : i32
      %dma_start3A_381 = tpu.memref_slice %arg13[%add3A_379, %dma_start3A_380] : memref<512x64xf32, #tpu.memory_space<vmem>> -> memref<1x64xf32, #tpu.memory_space<vmem>>
      %dma_start3A_382 = arith.constant 0 : i32
      %dma_start3A_383 = tpu.memref_slice %arg6[%squeeze3A_377, %dma_start3A_382] : memref<1000000x64xf32, #tpu.memory_space<hbm>> -> memref<1x64xf32, #tpu.memory_space<hbm>>
      %dma_start3A_384 = arith.constant 0 : i32
      %dma_start3A_385 = tpu.memref_slice %arg13[%add3A_379, %dma_start3A_384] : memref<512x64xf32, #tpu.memory_space<vmem>> -> memref<1x64xf32, #tpu.memory_space<vmem>>
      %dma_start3A_386 = arith.constant 0 : i32
      %dma_start3A_387 = tpu.memref_slice %arg6[%squeeze3A_377, %dma_start3A_386] : memref<1000000x64xf32, #tpu.memory_space<hbm>> -> memref<1x64xf32, #tpu.memory_space<hbm>>
      tpu.enqueue_dma source(%dma_start3A_387 : memref<1x64xf32, #tpu.memory_space<hbm>>) target(%dma_start3A_385 : memref<1x64xf32, #tpu.memory_space<vmem>>) target_semaphore(%arg14 : memref<!tpu.dma_semaphore, #tpu.memory_space<semaphore_mem>>)
      %slice3A_388 = vector.extract_strided_slice %get3A_245 {offsets = [12], sizes = [1], strides = [1]} : vector<16xi32> to vector<1xi32>
      %squeeze3A_389 = vector.extract %slice3A_388[0] : i32 from vector<1xi32>
      %add3A_390 = arith.constant 12 : i32
      %add3A_391 = arith.addi %add3A_244, %add3A_390 : i32
      %dma_start3A_392 = arith.constant 0 : i32
      %dma_start3A_393 = tpu.memref_slice %arg13[%add3A_391, %dma_start3A_392] : memref<512x64xf32, #tpu.memory_space<vmem>> -> memref<1x64xf32, #tpu.memory_space<vmem>>
      %dma_start3A_394 = arith.constant 0 : i32
      %dma_start3A_395 = tpu.memref_slice %arg6[%squeeze3A_389, %dma_start3A_394] : memref<1000000x64xf32, #tpu.memory_space<hbm>> -> memref<1x64xf32, #tpu.memory_space<hbm>>
      %dma_start3A_396 = arith.constant 0 : i32
      %dma_start3A_397 = tpu.memref_slice %arg13[%add3A_391, %dma_start3A_396] : memref<512x64xf32, #tpu.memory_space<vmem>> -> memref<1x64xf32, #tpu.memory_space<vmem>>
      %dma_start3A_398 = arith.constant 0 : i32
      %dma_start3A_399 = tpu.memref_slice %arg6[%squeeze3A_389, %dma_start3A_398] : memref<1000000x64xf32, #tpu.memory_space<hbm>> -> memref<1x64xf32, #tpu.memory_space<hbm>>
      tpu.enqueue_dma source(%dma_start3A_399 : memref<1x64xf32, #tpu.memory_space<hbm>>) target(%dma_start3A_397 : memref<1x64xf32, #tpu.memory_space<vmem>>) target_semaphore(%arg14 : memref<!tpu.dma_semaphore, #tpu.memory_space<semaphore_mem>>)
      %slice3A_400 = vector.extract_strided_slice %get3A_245 {offsets = [13], sizes = [1], strides = [1]} : vector<16xi32> to vector<1xi32>
      %squeeze3A_401 = vector.extract %slice3A_400[0] : i32 from vector<1xi32>
      %add3A_402 = arith.constant 13 : i32
      %add3A_403 = arith.addi %add3A_244, %add3A_402 : i32
      %dma_start3A_404 = arith.constant 0 : i32
      %dma_start3A_405 = tpu.memref_slice %arg13[%add3A_403, %dma_start3A_404] : memref<512x64xf32, #tpu.memory_space<vmem>> -> memref<1x64xf32, #tpu.memory_space<vmem>>
      %dma_start3A_406 = arith.constant 0 : i32
      %dma_start3A_407 = tpu.memref_slice %arg6[%squeeze3A_401, %dma_start3A_406] : memref<1000000x64xf32, #tpu.memory_space<hbm>> -> memref<1x64xf32, #tpu.memory_space<hbm>>
      %dma_start3A_408 = arith.constant 0 : i32
      %dma_start3A_409 = tpu.memref_slice %arg13[%add3A_403, %dma_start3A_408] : memref<512x64xf32, #tpu.memory_space<vmem>> -> memref<1x64xf32, #tpu.memory_space<vmem>>
      %dma_start3A_410 = arith.constant 0 : i32
      %dma_start3A_411 = tpu.memref_slice %arg6[%squeeze3A_401, %dma_start3A_410] : memref<1000000x64xf32, #tpu.memory_space<hbm>> -> memref<1x64xf32, #tpu.memory_space<hbm>>
      tpu.enqueue_dma source(%dma_start3A_411 : memref<1x64xf32, #tpu.memory_space<hbm>>) target(%dma_start3A_409 : memref<1x64xf32, #tpu.memory_space<vmem>>) target_semaphore(%arg14 : memref<!tpu.dma_semaphore, #tpu.memory_space<semaphore_mem>>)
      %slice3A_412 = vector.extract_strided_slice %get3A_245 {offsets = [14], sizes = [1], strides = [1]} : vector<16xi32> to vector<1xi32>
      %squeeze3A_413 = vector.extract %slice3A_412[0] : i32 from vector<1xi32>
      %add3A_414 = arith.constant 14 : i32
      %add3A_415 = arith.addi %add3A_244, %add3A_414 : i32
      %dma_start3A_416 = arith.constant 0 : i32
      %dma_start3A_417 = tpu.memref_slice %arg13[%add3A_415, %dma_start3A_416] : memref<512x64xf32, #tpu.memory_space<vmem>> -> memref<1x64xf32, #tpu.memory_space<vmem>>
      %dma_start3A_418 = arith.constant 0 : i32
      %dma_start3A_419 = tpu.memref_slice %arg6[%squeeze3A_413, %dma_start3A_418] : memref<1000000x64xf32, #tpu.memory_space<hbm>> -> memref<1x64xf32, #tpu.memory_space<hbm>>
      %dma_start3A_420 = arith.constant 0 : i32
      %dma_start3A_421 = tpu.memref_slice %arg13[%add3A_415, %dma_start3A_420] : memref<512x64xf32, #tpu.memory_space<vmem>> -> memref<1x64xf32, #tpu.memory_space<vmem>>
      %dma_start3A_422 = arith.constant 0 : i32
      %dma_start3A_423 = tpu.memref_slice %arg6[%squeeze3A_413, %dma_start3A_422] : memref<1000000x64xf32, #tpu.memory_space<hbm>> -> memref<1x64xf32, #tpu.memory_space<hbm>>
      tpu.enqueue_dma source(%dma_start3A_423 : memref<1x64xf32, #tpu.memory_space<hbm>>) target(%dma_start3A_421 : memref<1x64xf32, #tpu.memory_space<vmem>>) target_semaphore(%arg14 : memref<!tpu.dma_semaphore, #tpu.memory_space<semaphore_mem>>)
      %slice3A_424 = vector.extract_strided_slice %get3A_245 {offsets = [15], sizes = [1], strides = [1]} : vector<16xi32> to vector<1xi32>
      %squeeze3A_425 = vector.extract %slice3A_424[0] : i32 from vector<1xi32>
      %add3A_426 = arith.constant 15 : i32
      %add3A_427 = arith.addi %add3A_244, %add3A_426 : i32
      %dma_start3A_428 = arith.constant 0 : i32
      %dma_start3A_429 = tpu.memref_slice %arg13[%add3A_427, %dma_start3A_428] : memref<512x64xf32, #tpu.memory_space<vmem>> -> memref<1x64xf32, #tpu.memory_space<vmem>>
      %dma_start3A_430 = arith.constant 0 : i32
      %dma_start3A_431 = tpu.memref_slice %arg6[%squeeze3A_425, %dma_start3A_430] : memref<1000000x64xf32, #tpu.memory_space<hbm>> -> memref<1x64xf32, #tpu.memory_space<hbm>>
      %dma_start3A_432 = arith.constant 0 : i32
      %dma_start3A_433 = tpu.memref_slice %arg13[%add3A_427, %dma_start3A_432] : memref<512x64xf32, #tpu.memory_space<vmem>> -> memref<1x64xf32, #tpu.memory_space<vmem>>
      %dma_start3A_434 = arith.constant 0 : i32
      %dma_start3A_435 = tpu.memref_slice %arg6[%squeeze3A_425, %dma_start3A_434] : memref<1000000x64xf32, #tpu.memory_space<hbm>> -> memref<1x64xf32, #tpu.memory_space<hbm>>
      tpu.enqueue_dma source(%dma_start3A_435 : memref<1x64xf32, #tpu.memory_space<hbm>>) target(%dma_start3A_433 : memref<1x64xf32, #tpu.memory_space<vmem>>) target_semaphore(%arg14 : memref<!tpu.dma_semaphore, #tpu.memory_space<semaphore_mem>>)
    }
    %scan3A_201 = arith.constant 8 : i32
    %dma_wait3A_202 = arith.constant 256 : i32
    %dma_wait3A_203 = arith.constant 0 : i32
    %dma_wait3A_204 = tpu.memref_slice %arg13[%dma_wait3A_202, %dma_wait3A_203] : memref<512x64xf32, #tpu.memory_space<vmem>> -> memref<128x64xf32, #tpu.memory_space<vmem>>
    %dma_wait3A_205 = arith.constant 0 : i32
    %dma_wait3A_206 = arith.constant 0 : i32
    %dma_wait3A_207 = tpu.memref_slice %arg6[%dma_wait3A_205, %dma_wait3A_206] : memref<1000000x64xf32, #tpu.memory_space<hbm>> -> memref<128x64xf32, #tpu.memory_space<hbm>>
    %dma_wait3A_208 = arith.constant 256 : i32
    %dma_wait3A_209 = arith.constant 0 : i32
    %dma_wait3A_210 = tpu.memref_slice %arg13[%dma_wait3A_208, %dma_wait3A_209] : memref<512x64xf32, #tpu.memory_space<vmem>> -> memref<128x64xf32, #tpu.memory_space<vmem>>
    %dma_wait3A_211 = arith.constant 0 : i32
    %dma_wait3A_212 = arith.constant 0 : i32
    %dma_wait3A_213 = tpu.memref_slice %arg6[%dma_wait3A_211, %dma_wait3A_212] : memref<1000000x64xf32, #tpu.memory_space<hbm>> -> memref<128x64xf32, #tpu.memory_space<hbm>>
    tpu.wait_dma2 semaphore(%arg14 : memref<!tpu.dma_semaphore, #tpu.memory_space<semaphore_mem>>) src(%dma_wait3A_213 : memref<128x64xf32, #tpu.memory_space<hbm>>) dst(%dma_wait3A_210 : memref<128x64xf32, #tpu.memory_space<vmem>>)
    %scan3A_214 = arith.constant 0 : i32
    %scan3A_215 = arith.constant 0 : i32
    %scan3A_216 = arith.constant 8 : i32
    %scan3A_217 = arith.addi %scan3A_215, %scan3A_216 : i32
    %scan3A_218 = arith.constant 1 : i32
    scf.for %scan3A_240 = %scan3A_215 to %scan3A_217 step %scan3A_218  : i32 {
      %mul3A_241 = arith.constant 16 : i32
      %mul3A_242 = arith.muli %scan3A_240, %mul3A_241 : i32
      %add3A_243 = arith.constant 384 : i32
      %add3A_244 = arith.addi %add3A_243, %mul3A_242 : i32
      %get3A = arith.index_cast %add3A_244 : i32 to index
      %get3A_245 = tpu.vector_load %arg12[%get3A] {strides = array<i32>} : memref<512xi32, #tpu.memory_space<vmem>>, vector<16xi32>,
      %slice3A = vector.extract_strided_slice %get3A_245 {offsets = [0], sizes = [1], strides = [1]} : vector<16xi32> to vector<1xi32>
      %squeeze3A = vector.extract %slice3A[0] : i32 from vector<1xi32>
      %add3A_246 = arith.constant 0 : i32
      %add3A_247 = arith.addi %add3A_244, %add3A_246 : i32
      %dma_start3A_248 = arith.constant 0 : i32
      %dma_start3A_249 = tpu.memref_slice %arg13[%add3A_247, %dma_start3A_248] : memref<512x64xf32, #tpu.memory_space<vmem>> -> memref<1x64xf32, #tpu.memory_space<vmem>>
      %dma_start3A_250 = arith.constant 0 : i32
      %dma_start3A_251 = tpu.memref_slice %arg6[%squeeze3A, %dma_start3A_250] : memref<1000000x64xf32, #tpu.memory_space<hbm>> -> memref<1x64xf32, #tpu.memory_space<hbm>>
      %dma_start3A_252 = arith.constant 0 : i32
      %dma_start3A_253 = tpu.memref_slice %arg13[%add3A_247, %dma_start3A_252] : memref<512x64xf32, #tpu.memory_space<vmem>> -> memref<1x64xf32, #tpu.memory_space<vmem>>
      %dma_start3A_254 = arith.constant 0 : i32
      %dma_start3A_255 = tpu.memref_slice %arg6[%squeeze3A, %dma_start3A_254] : memref<1000000x64xf32, #tpu.memory_space<hbm>> -> memref<1x64xf32, #tpu.memory_space<hbm>>
      tpu.enqueue_dma source(%dma_start3A_255 : memref<1x64xf32, #tpu.memory_space<hbm>>) target(%dma_start3A_253 : memref<1x64xf32, #tpu.memory_space<vmem>>) target_semaphore(%arg14 : memref<!tpu.dma_semaphore, #tpu.memory_space<semaphore_mem>>)
      %slice3A_256 = vector.extract_strided_slice %get3A_245 {offsets = [1], sizes = [1], strides = [1]} : vector<16xi32> to vector<1xi32>
      %squeeze3A_257 = vector.extract %slice3A_256[0] : i32 from vector<1xi32>
      %add3A_258 = arith.constant 1 : i32
      %add3A_259 = arith.addi %add3A_244, %add3A_258 : i32
      %dma_start3A_260 = arith.constant 0 : i32
      %dma_start3A_261 = tpu.memref_slice %arg13[%add3A_259, %dma_start3A_260] : memref<512x64xf32, #tpu.memory_space<vmem>> -> memref<1x64xf32, #tpu.memory_space<vmem>>
      %dma_start3A_262 = arith.constant 0 : i32
      %dma_start3A_263 = tpu.memref_slice %arg6[%squeeze3A_257, %dma_start3A_262] : memref<1000000x64xf32, #tpu.memory_space<hbm>> -> memref<1x64xf32, #tpu.memory_space<hbm>>
      %dma_start3A_264 = arith.constant 0 : i32
      %dma_start3A_265 = tpu.memref_slice %arg13[%add3A_259, %dma_start3A_264] : memref<512x64xf32, #tpu.memory_space<vmem>> -> memref<1x64xf32, #tpu.memory_space<vmem>>
      %dma_start3A_266 = arith.constant 0 : i32
      %dma_start3A_267 = tpu.memref_slice %arg6[%squeeze3A_257, %dma_start3A_266] : memref<1000000x64xf32, #tpu.memory_space<hbm>> -> memref<1x64xf32, #tpu.memory_space<hbm>>
      tpu.enqueue_dma source(%dma_start3A_267 : memref<1x64xf32, #tpu.memory_space<hbm>>) target(%dma_start3A_265 : memref<1x64xf32, #tpu.memory_space<vmem>>) target_semaphore(%arg14 : memref<!tpu.dma_semaphore, #tpu.memory_space<semaphore_mem>>)
      %slice3A_268 = vector.extract_strided_slice %get3A_245 {offsets = [2], sizes = [1], strides = [1]} : vector<16xi32> to vector<1xi32>
      %squeeze3A_269 = vector.extract %slice3A_268[0] : i32 from vector<1xi32>
      %add3A_270 = arith.constant 2 : i32
      %add3A_271 = arith.addi %add3A_244, %add3A_270 : i32
      %dma_start3A_272 = arith.constant 0 : i32
      %dma_start3A_273 = tpu.memref_slice %arg13[%add3A_271, %dma_start3A_272] : memref<512x64xf32, #tpu.memory_space<vmem>> -> memref<1x64xf32, #tpu.memory_space<vmem>>
      %dma_start3A_274 = arith.constant 0 : i32
      %dma_start3A_275 = tpu.memref_slice %arg6[%squeeze3A_269, %dma_start3A_274] : memref<1000000x64xf32, #tpu.memory_space<hbm>> -> memref<1x64xf32, #tpu.memory_space<hbm>>
      %dma_start3A_276 = arith.constant 0 : i32
      %dma_start3A_277 = tpu.memref_slice %arg13[%add3A_271, %dma_start3A_276] : memref<512x64xf32, #tpu.memory_space<vmem>> -> memref<1x64xf32, #tpu.memory_space<vmem>>
      %dma_start3A_278 = arith.constant 0 : i32
      %dma_start3A_279 = tpu.memref_slice %arg6[%squeeze3A_269, %dma_start3A_278] : memref<1000000x64xf32, #tpu.memory_space<hbm>> -> memref<1x64xf32, #tpu.memory_space<hbm>>
      tpu.enqueue_dma source(%dma_start3A_279 : memref<1x64xf32, #tpu.memory_space<hbm>>) target(%dma_start3A_277 : memref<1x64xf32, #tpu.memory_space<vmem>>) target_semaphore(%arg14 : memref<!tpu.dma_semaphore, #tpu.memory_space<semaphore_mem>>)
      %slice3A_280 = vector.extract_strided_slice %get3A_245 {offsets = [3], sizes = [1], strides = [1]} : vector<16xi32> to vector<1xi32>
      %squeeze3A_281 = vector.extract %slice3A_280[0] : i32 from vector<1xi32>
      %add3A_282 = arith.constant 3 : i32
      %add3A_283 = arith.addi %add3A_244, %add3A_282 : i32
      %dma_start3A_284 = arith.constant 0 : i32
      %dma_start3A_285 = tpu.memref_slice %arg13[%add3A_283, %dma_start3A_284] : memref<512x64xf32, #tpu.memory_space<vmem>> -> memref<1x64xf32, #tpu.memory_space<vmem>>
      %dma_start3A_286 = arith.constant 0 : i32
      %dma_start3A_287 = tpu.memref_slice %arg6[%squeeze3A_281, %dma_start3A_286] : memref<1000000x64xf32, #tpu.memory_space<hbm>> -> memref<1x64xf32, #tpu.memory_space<hbm>>
      %dma_start3A_288 = arith.constant 0 : i32
      %dma_start3A_289 = tpu.memref_slice %arg13[%add3A_283, %dma_start3A_288] : memref<512x64xf32, #tpu.memory_space<vmem>> -> memref<1x64xf32, #tpu.memory_space<vmem>>
      %dma_start3A_290 = arith.constant 0 : i32
      %dma_start3A_291 = tpu.memref_slice %arg6[%squeeze3A_281, %dma_start3A_290] : memref<1000000x64xf32, #tpu.memory_space<hbm>> -> memref<1x64xf32, #tpu.memory_space<hbm>>
      tpu.enqueue_dma source(%dma_start3A_291 : memref<1x64xf32, #tpu.memory_space<hbm>>) target(%dma_start3A_289 : memref<1x64xf32, #tpu.memory_space<vmem>>) target_semaphore(%arg14 : memref<!tpu.dma_semaphore, #tpu.memory_space<semaphore_mem>>)
      %slice3A_292 = vector.extract_strided_slice %get3A_245 {offsets = [4], sizes = [1], strides = [1]} : vector<16xi32> to vector<1xi32>
      %squeeze3A_293 = vector.extract %slice3A_292[0] : i32 from vector<1xi32>
      %add3A_294 = arith.constant 4 : i32
      %add3A_295 = arith.addi %add3A_244, %add3A_294 : i32
      %dma_start3A_296 = arith.constant 0 : i32
      %dma_start3A_297 = tpu.memref_slice %arg13[%add3A_295, %dma_start3A_296] : memref<512x64xf32, #tpu.memory_space<vmem>> -> memref<1x64xf32, #tpu.memory_space<vmem>>
      %dma_start3A_298 = arith.constant 0 : i32
      %dma_start3A_299 = tpu.memref_slice %arg6[%squeeze3A_293, %dma_start3A_298] : memref<1000000x64xf32, #tpu.memory_space<hbm>> -> memref<1x64xf32, #tpu.memory_space<hbm>>
      %dma_start3A_300 = arith.constant 0 : i32
      %dma_start3A_301 = tpu.memref_slice %arg13[%add3A_295, %dma_start3A_300] : memref<512x64xf32, #tpu.memory_space<vmem>> -> memref<1x64xf32, #tpu.memory_space<vmem>>
      %dma_start3A_302 = arith.constant 0 : i32
      %dma_start3A_303 = tpu.memref_slice %arg6[%squeeze3A_293, %dma_start3A_302] : memref<1000000x64xf32, #tpu.memory_space<hbm>> -> memref<1x64xf32, #tpu.memory_space<hbm>>
      tpu.enqueue_dma source(%dma_start3A_303 : memref<1x64xf32, #tpu.memory_space<hbm>>) target(%dma_start3A_301 : memref<1x64xf32, #tpu.memory_space<vmem>>) target_semaphore(%arg14 : memref<!tpu.dma_semaphore, #tpu.memory_space<semaphore_mem>>)
      %slice3A_304 = vector.extract_strided_slice %get3A_245 {offsets = [5], sizes = [1], strides = [1]} : vector<16xi32> to vector<1xi32>
      %squeeze3A_305 = vector.extract %slice3A_304[0] : i32 from vector<1xi32>
      %add3A_306 = arith.constant 5 : i32
      %add3A_307 = arith.addi %add3A_244, %add3A_306 : i32
      %dma_start3A_308 = arith.constant 0 : i32
      %dma_start3A_309 = tpu.memref_slice %arg13[%add3A_307, %dma_start3A_308] : memref<512x64xf32, #tpu.memory_space<vmem>> -> memref<1x64xf32, #tpu.memory_space<vmem>>
      %dma_start3A_310 = arith.constant 0 : i32
      %dma_start3A_311 = tpu.memref_slice %arg6[%squeeze3A_305, %dma_start3A_310] : memref<1000000x64xf32, #tpu.memory_space<hbm>> -> memref<1x64xf32, #tpu.memory_space<hbm>>
      %dma_start3A_312 = arith.constant 0 : i32
      %dma_start3A_313 = tpu.memref_slice %arg13[%add3A_307, %dma_start3A_312] : memref<512x64xf32, #tpu.memory_space<vmem>> -> memref<1x64xf32, #tpu.memory_space<vmem>>
      %dma_start3A_314 = arith.constant 0 : i32
      %dma_start3A_315 = tpu.memref_slice %arg6[%squeeze3A_305, %dma_start3A_314] : memref<1000000x64xf32, #tpu.memory_space<hbm>> -> memref<1x64xf32, #tpu.memory_space<hbm>>
      tpu.enqueue_dma source(%dma_start3A_315 : memref<1x64xf32, #tpu.memory_space<hbm>>) target(%dma_start3A_313 : memref<1x64xf32, #tpu.memory_space<vmem>>) target_semaphore(%arg14 : memref<!tpu.dma_semaphore, #tpu.memory_space<semaphore_mem>>)
      %slice3A_316 = vector.extract_strided_slice %get3A_245 {offsets = [6], sizes = [1], strides = [1]} : vector<16xi32> to vector<1xi32>
      %squeeze3A_317 = vector.extract %slice3A_316[0] : i32 from vector<1xi32>
      %add3A_318 = arith.constant 6 : i32
      %add3A_319 = arith.addi %add3A_244, %add3A_318 : i32
      %dma_start3A_320 = arith.constant 0 : i32
      %dma_start3A_321 = tpu.memref_slice %arg13[%add3A_319, %dma_start3A_320] : memref<512x64xf32, #tpu.memory_space<vmem>> -> memref<1x64xf32, #tpu.memory_space<vmem>>
      %dma_start3A_322 = arith.constant 0 : i32
      %dma_start3A_323 = tpu.memref_slice %arg6[%squeeze3A_317, %dma_start3A_322] : memref<1000000x64xf32, #tpu.memory_space<hbm>> -> memref<1x64xf32, #tpu.memory_space<hbm>>
      %dma_start3A_324 = arith.constant 0 : i32
      %dma_start3A_325 = tpu.memref_slice %arg13[%add3A_319, %dma_start3A_324] : memref<512x64xf32, #tpu.memory_space<vmem>> -> memref<1x64xf32, #tpu.memory_space<vmem>>
      %dma_start3A_326 = arith.constant 0 : i32
      %dma_start3A_327 = tpu.memref_slice %arg6[%squeeze3A_317, %dma_start3A_326] : memref<1000000x64xf32, #tpu.memory_space<hbm>> -> memref<1x64xf32, #tpu.memory_space<hbm>>
      tpu.enqueue_dma source(%dma_start3A_327 : memref<1x64xf32, #tpu.memory_space<hbm>>) target(%dma_start3A_325 : memref<1x64xf32, #tpu.memory_space<vmem>>) target_semaphore(%arg14 : memref<!tpu.dma_semaphore, #tpu.memory_space<semaphore_mem>>)
      %slice3A_328 = vector.extract_strided_slice %get3A_245 {offsets = [7], sizes = [1], strides = [1]} : vector<16xi32> to vector<1xi32>
      %squeeze3A_329 = vector.extract %slice3A_328[0] : i32 from vector<1xi32>
      %add3A_330 = arith.constant 7 : i32
      %add3A_331 = arith.addi %add3A_244, %add3A_330 : i32
      %dma_start3A_332 = arith.constant 0 : i32
      %dma_start3A_333 = tpu.memref_slice %arg13[%add3A_331, %dma_start3A_332] : memref<512x64xf32, #tpu.memory_space<vmem>> -> memref<1x64xf32, #tpu.memory_space<vmem>>
      %dma_start3A_334 = arith.constant 0 : i32
      %dma_start3A_335 = tpu.memref_slice %arg6[%squeeze3A_329, %dma_start3A_334] : memref<1000000x64xf32, #tpu.memory_space<hbm>> -> memref<1x64xf32, #tpu.memory_space<hbm>>
      %dma_start3A_336 = arith.constant 0 : i32
      %dma_start3A_337 = tpu.memref_slice %arg13[%add3A_331, %dma_start3A_336] : memref<512x64xf32, #tpu.memory_space<vmem>> -> memref<1x64xf32, #tpu.memory_space<vmem>>
      %dma_start3A_338 = arith.constant 0 : i32
      %dma_start3A_339 = tpu.memref_slice %arg6[%squeeze3A_329, %dma_start3A_338] : memref<1000000x64xf32, #tpu.memory_space<hbm>> -> memref<1x64xf32, #tpu.memory_space<hbm>>
      tpu.enqueue_dma source(%dma_start3A_339 : memref<1x64xf32, #tpu.memory_space<hbm>>) target(%dma_start3A_337 : memref<1x64xf32, #tpu.memory_space<vmem>>) target_semaphore(%arg14 : memref<!tpu.dma_semaphore, #tpu.memory_space<semaphore_mem>>)
      %slice3A_340 = vector.extract_strided_slice %get3A_245 {offsets = [8], sizes = [1], strides = [1]} : vector<16xi32> to vector<1xi32>
      %squeeze3A_341 = vector.extract %slice3A_340[0] : i32 from vector<1xi32>
      %add3A_342 = arith.constant 8 : i32
      %add3A_343 = arith.addi %add3A_244, %add3A_342 : i32
      %dma_start3A_344 = arith.constant 0 : i32
      %dma_start3A_345 = tpu.memref_slice %arg13[%add3A_343, %dma_start3A_344] : memref<512x64xf32, #tpu.memory_space<vmem>> -> memref<1x64xf32, #tpu.memory_space<vmem>>
      %dma_start3A_346 = arith.constant 0 : i32
      %dma_start3A_347 = tpu.memref_slice %arg6[%squeeze3A_341, %dma_start3A_346] : memref<1000000x64xf32, #tpu.memory_space<hbm>> -> memref<1x64xf32, #tpu.memory_space<hbm>>
      %dma_start3A_348 = arith.constant 0 : i32
      %dma_start3A_349 = tpu.memref_slice %arg13[%add3A_343, %dma_start3A_348] : memref<512x64xf32, #tpu.memory_space<vmem>> -> memref<1x64xf32, #tpu.memory_space<vmem>>
      %dma_start3A_350 = arith.constant 0 : i32
      %dma_start3A_351 = tpu.memref_slice %arg6[%squeeze3A_341, %dma_start3A_350] : memref<1000000x64xf32, #tpu.memory_space<hbm>> -> memref<1x64xf32, #tpu.memory_space<hbm>>
      tpu.enqueue_dma source(%dma_start3A_351 : memref<1x64xf32, #tpu.memory_space<hbm>>) target(%dma_start3A_349 : memref<1x64xf32, #tpu.memory_space<vmem>>) target_semaphore(%arg14 : memref<!tpu.dma_semaphore, #tpu.memory_space<semaphore_mem>>)
      %slice3A_352 = vector.extract_strided_slice %get3A_245 {offsets = [9], sizes = [1], strides = [1]} : vector<16xi32> to vector<1xi32>
      %squeeze3A_353 = vector.extract %slice3A_352[0] : i32 from vector<1xi32>
      %add3A_354 = arith.constant 9 : i32
      %add3A_355 = arith.addi %add3A_244, %add3A_354 : i32
      %dma_start3A_356 = arith.constant 0 : i32
      %dma_start3A_357 = tpu.memref_slice %arg13[%add3A_355, %dma_start3A_356] : memref<512x64xf32, #tpu.memory_space<vmem>> -> memref<1x64xf32, #tpu.memory_space<vmem>>
      %dma_start3A_358 = arith.constant 0 : i32
      %dma_start3A_359 = tpu.memref_slice %arg6[%squeeze3A_353, %dma_start3A_358] : memref<1000000x64xf32, #tpu.memory_space<hbm>> -> memref<1x64xf32, #tpu.memory_space<hbm>>
      %dma_start3A_360 = arith.constant 0 : i32
      %dma_start3A_361 = tpu.memref_slice %arg13[%add3A_355, %dma_start3A_360] : memref<512x64xf32, #tpu.memory_space<vmem>> -> memref<1x64xf32, #tpu.memory_space<vmem>>
      %dma_start3A_362 = arith.constant 0 : i32
      %dma_start3A_363 = tpu.memref_slice %arg6[%squeeze3A_353, %dma_start3A_362] : memref<1000000x64xf32, #tpu.memory_space<hbm>> -> memref<1x64xf32, #tpu.memory_space<hbm>>
      tpu.enqueue_dma source(%dma_start3A_363 : memref<1x64xf32, #tpu.memory_space<hbm>>) target(%dma_start3A_361 : memref<1x64xf32, #tpu.memory_space<vmem>>) target_semaphore(%arg14 : memref<!tpu.dma_semaphore, #tpu.memory_space<semaphore_mem>>)
      %slice3A_364 = vector.extract_strided_slice %get3A_245 {offsets = [10], sizes = [1], strides = [1]} : vector<16xi32> to vector<1xi32>
      %squeeze3A_365 = vector.extract %slice3A_364[0] : i32 from vector<1xi32>
      %add3A_366 = arith.constant 10 : i32
      %add3A_367 = arith.addi %add3A_244, %add3A_366 : i32
      %dma_start3A_368 = arith.constant 0 : i32
      %dma_start3A_369 = tpu.memref_slice %arg13[%add3A_367, %dma_start3A_368] : memref<512x64xf32, #tpu.memory_space<vmem>> -> memref<1x64xf32, #tpu.memory_space<vmem>>
      %dma_start3A_370 = arith.constant 0 : i32
      %dma_start3A_371 = tpu.memref_slice %arg6[%squeeze3A_365, %dma_start3A_370] : memref<1000000x64xf32, #tpu.memory_space<hbm>> -> memref<1x64xf32, #tpu.memory_space<hbm>>
      %dma_start3A_372 = arith.constant 0 : i32
      %dma_start3A_373 = tpu.memref_slice %arg13[%add3A_367, %dma_start3A_372] : memref<512x64xf32, #tpu.memory_space<vmem>> -> memref<1x64xf32, #tpu.memory_space<vmem>>
      %dma_start3A_374 = arith.constant 0 : i32
      %dma_start3A_375 = tpu.memref_slice %arg6[%squeeze3A_365, %dma_start3A_374] : memref<1000000x64xf32, #tpu.memory_space<hbm>> -> memref<1x64xf32, #tpu.memory_space<hbm>>
      tpu.enqueue_dma source(%dma_start3A_375 : memref<1x64xf32, #tpu.memory_space<hbm>>) target(%dma_start3A_373 : memref<1x64xf32, #tpu.memory_space<vmem>>) target_semaphore(%arg14 : memref<!tpu.dma_semaphore, #tpu.memory_space<semaphore_mem>>)
      %slice3A_376 = vector.extract_strided_slice %get3A_245 {offsets = [11], sizes = [1], strides = [1]} : vector<16xi32> to vector<1xi32>
      %squeeze3A_377 = vector.extract %slice3A_376[0] : i32 from vector<1xi32>
      %add3A_378 = arith.constant 11 : i32
      %add3A_379 = arith.addi %add3A_244, %add3A_378 : i32
      %dma_start3A_380 = arith.constant 0 : i32
      %dma_start3A_381 = tpu.memref_slice %arg13[%add3A_379, %dma_start3A_380] : memref<512x64xf32, #tpu.memory_space<vmem>> -> memref<1x64xf32, #tpu.memory_space<vmem>>
      %dma_start3A_382 = arith.constant 0 : i32
      %dma_start3A_383 = tpu.memref_slice %arg6[%squeeze3A_377, %dma_start3A_382] : memref<1000000x64xf32, #tpu.memory_space<hbm>> -> memref<1x64xf32, #tpu.memory_space<hbm>>
      %dma_start3A_384 = arith.constant 0 : i32
      %dma_start3A_385 = tpu.memref_slice %arg13[%add3A_379, %dma_start3A_384] : memref<512x64xf32, #tpu.memory_space<vmem>> -> memref<1x64xf32, #tpu.memory_space<vmem>>
      %dma_start3A_386 = arith.constant 0 : i32
      %dma_start3A_387 = tpu.memref_slice %arg6[%squeeze3A_377, %dma_start3A_386] : memref<1000000x64xf32, #tpu.memory_space<hbm>> -> memref<1x64xf32, #tpu.memory_space<hbm>>
      tpu.enqueue_dma source(%dma_start3A_387 : memref<1x64xf32, #tpu.memory_space<hbm>>) target(%dma_start3A_385 : memref<1x64xf32, #tpu.memory_space<vmem>>) target_semaphore(%arg14 : memref<!tpu.dma_semaphore, #tpu.memory_space<semaphore_mem>>)
      %slice3A_388 = vector.extract_strided_slice %get3A_245 {offsets = [12], sizes = [1], strides = [1]} : vector<16xi32> to vector<1xi32>
      %squeeze3A_389 = vector.extract %slice3A_388[0] : i32 from vector<1xi32>
      %add3A_390 = arith.constant 12 : i32
      %add3A_391 = arith.addi %add3A_244, %add3A_390 : i32
      %dma_start3A_392 = arith.constant 0 : i32
      %dma_start3A_393 = tpu.memref_slice %arg13[%add3A_391, %dma_start3A_392] : memref<512x64xf32, #tpu.memory_space<vmem>> -> memref<1x64xf32, #tpu.memory_space<vmem>>
      %dma_start3A_394 = arith.constant 0 : i32
      %dma_start3A_395 = tpu.memref_slice %arg6[%squeeze3A_389, %dma_start3A_394] : memref<1000000x64xf32, #tpu.memory_space<hbm>> -> memref<1x64xf32, #tpu.memory_space<hbm>>
      %dma_start3A_396 = arith.constant 0 : i32
      %dma_start3A_397 = tpu.memref_slice %arg13[%add3A_391, %dma_start3A_396] : memref<512x64xf32, #tpu.memory_space<vmem>> -> memref<1x64xf32, #tpu.memory_space<vmem>>
      %dma_start3A_398 = arith.constant 0 : i32
      %dma_start3A_399 = tpu.memref_slice %arg6[%squeeze3A_389, %dma_start3A_398] : memref<1000000x64xf32, #tpu.memory_space<hbm>> -> memref<1x64xf32, #tpu.memory_space<hbm>>
      tpu.enqueue_dma source(%dma_start3A_399 : memref<1x64xf32, #tpu.memory_space<hbm>>) target(%dma_start3A_397 : memref<1x64xf32, #tpu.memory_space<vmem>>) target_semaphore(%arg14 : memref<!tpu.dma_semaphore, #tpu.memory_space<semaphore_mem>>)
      %slice3A_400 = vector.extract_strided_slice %get3A_245 {offsets = [13], sizes = [1], strides = [1]} : vector<16xi32> to vector<1xi32>
      %squeeze3A_401 = vector.extract %slice3A_400[0] : i32 from vector<1xi32>
      %add3A_402 = arith.constant 13 : i32
      %add3A_403 = arith.addi %add3A_244, %add3A_402 : i32
      %dma_start3A_404 = arith.constant 0 : i32
      %dma_start3A_405 = tpu.memref_slice %arg13[%add3A_403, %dma_start3A_404] : memref<512x64xf32, #tpu.memory_space<vmem>> -> memref<1x64xf32, #tpu.memory_space<vmem>>
      %dma_start3A_406 = arith.constant 0 : i32
      %dma_start3A_407 = tpu.memref_slice %arg6[%squeeze3A_401, %dma_start3A_406] : memref<1000000x64xf32, #tpu.memory_space<hbm>> -> memref<1x64xf32, #tpu.memory_space<hbm>>
      %dma_start3A_408 = arith.constant 0 : i32
      %dma_start3A_409 = tpu.memref_slice %arg13[%add3A_403, %dma_start3A_408] : memref<512x64xf32, #tpu.memory_space<vmem>> -> memref<1x64xf32, #tpu.memory_space<vmem>>
      %dma_start3A_410 = arith.constant 0 : i32
      %dma_start3A_411 = tpu.memref_slice %arg6[%squeeze3A_401, %dma_start3A_410] : memref<1000000x64xf32, #tpu.memory_space<hbm>> -> memref<1x64xf32, #tpu.memory_space<hbm>>
      tpu.enqueue_dma source(%dma_start3A_411 : memref<1x64xf32, #tpu.memory_space<hbm>>) target(%dma_start3A_409 : memref<1x64xf32, #tpu.memory_space<vmem>>) target_semaphore(%arg14 : memref<!tpu.dma_semaphore, #tpu.memory_space<semaphore_mem>>)
      %slice3A_412 = vector.extract_strided_slice %get3A_245 {offsets = [14], sizes = [1], strides = [1]} : vector<16xi32> to vector<1xi32>
      %squeeze3A_413 = vector.extract %slice3A_412[0] : i32 from vector<1xi32>
      %add3A_414 = arith.constant 14 : i32
      %add3A_415 = arith.addi %add3A_244, %add3A_414 : i32
      %dma_start3A_416 = arith.constant 0 : i32
      %dma_start3A_417 = tpu.memref_slice %arg13[%add3A_415, %dma_start3A_416] : memref<512x64xf32, #tpu.memory_space<vmem>> -> memref<1x64xf32, #tpu.memory_space<vmem>>
      %dma_start3A_418 = arith.constant 0 : i32
      %dma_start3A_419 = tpu.memref_slice %arg6[%squeeze3A_413, %dma_start3A_418] : memref<1000000x64xf32, #tpu.memory_space<hbm>> -> memref<1x64xf32, #tpu.memory_space<hbm>>
      %dma_start3A_420 = arith.constant 0 : i32
      %dma_start3A_421 = tpu.memref_slice %arg13[%add3A_415, %dma_start3A_420] : memref<512x64xf32, #tpu.memory_space<vmem>> -> memref<1x64xf32, #tpu.memory_space<vmem>>
      %dma_start3A_422 = arith.constant 0 : i32
      %dma_start3A_423 = tpu.memref_slice %arg6[%squeeze3A_413, %dma_start3A_422] : memref<1000000x64xf32, #tpu.memory_space<hbm>> -> memref<1x64xf32, #tpu.memory_space<hbm>>
      tpu.enqueue_dma source(%dma_start3A_423 : memref<1x64xf32, #tpu.memory_space<hbm>>) target(%dma_start3A_421 : memref<1x64xf32, #tpu.memory_space<vmem>>) target_semaphore(%arg14 : memref<!tpu.dma_semaphore, #tpu.memory_space<semaphore_mem>>)
      %slice3A_424 = vector.extract_strided_slice %get3A_245 {offsets = [15], sizes = [1], strides = [1]} : vector<16xi32> to vector<1xi32>
      %squeeze3A_425 = vector.extract %slice3A_424[0] : i32 from vector<1xi32>
      %add3A_426 = arith.constant 15 : i32
      %add3A_427 = arith.addi %add3A_244, %add3A_426 : i32
      %dma_start3A_428 = arith.constant 0 : i32
      %dma_start3A_429 = tpu.memref_slice %arg13[%add3A_427, %dma_start3A_428] : memref<512x64xf32, #tpu.memory_space<vmem>> -> memref<1x64xf32, #tpu.memory_space<vmem>>
      %dma_start3A_430 = arith.constant 0 : i32
      %dma_start3A_431 = tpu.memref_slice %arg6[%squeeze3A_425, %dma_start3A_430] : memref<1000000x64xf32, #tpu.memory_space<hbm>> -> memref<1x64xf32, #tpu.memory_space<hbm>>
      %dma_start3A_432 = arith.constant 0 : i32
      %dma_start3A_433 = tpu.memref_slice %arg13[%add3A_427, %dma_start3A_432] : memref<512x64xf32, #tpu.memory_space<vmem>> -> memref<1x64xf32, #tpu.memory_space<vmem>>
      %dma_start3A_434 = arith.constant 0 : i32
      %dma_start3A_435 = tpu.memref_slice %arg6[%squeeze3A_425, %dma_start3A_434] : memref<1000000x64xf32, #tpu.memory_space<hbm>> -> memref<1x64xf32, #tpu.memory_space<hbm>>
      tpu.enqueue_dma source(%dma_start3A_435 : memref<1x64xf32, #tpu.memory_space<hbm>>) target(%dma_start3A_433 : memref<1x64xf32, #tpu.memory_space<vmem>>) target_semaphore(%arg14 : memref<!tpu.dma_semaphore, #tpu.memory_space<semaphore_mem>>)
    }
    %scan3A_219 = arith.constant 8 : i32
    %dma_wait3A_220 = arith.constant 384 : i32
    %dma_wait3A_221 = arith.constant 0 : i32
    %dma_wait3A_222 = tpu.memref_slice %arg13[%dma_wait3A_220, %dma_wait3A_221] : memref<512x64xf32, #tpu.memory_space<vmem>> -> memref<128x64xf32, #tpu.memory_space<vmem>>
    %dma_wait3A_223 = arith.constant 0 : i32
    %dma_wait3A_224 = arith.constant 0 : i32
    %dma_wait3A_225 = tpu.memref_slice %arg6[%dma_wait3A_223, %dma_wait3A_224] : memref<1000000x64xf32, #tpu.memory_space<hbm>> -> memref<128x64xf32, #tpu.memory_space<hbm>>
    %dma_wait3A_226 = arith.constant 384 : i32
    %dma_wait3A_227 = arith.constant 0 : i32
    %dma_wait3A_228 = tpu.memref_slice %arg13[%dma_wait3A_226, %dma_wait3A_227] : memref<512x64xf32, #tpu.memory_space<vmem>> -> memref<128x64xf32, #tpu.memory_space<vmem>>
    %dma_wait3A_229 = arith.constant 0 : i32
    %dma_wait3A_230 = arith.constant 0 : i32
    %dma_wait3A_231 = tpu.memref_slice %arg6[%dma_wait3A_229, %dma_wait3A_230] : memref<1000000x64xf32, #tpu.memory_space<hbm>> -> memref<128x64xf32, #tpu.memory_space<hbm>>
    tpu.wait_dma2 semaphore(%arg14 : memref<!tpu.dma_semaphore, #tpu.memory_space<semaphore_mem>>) src(%dma_wait3A_231 : memref<128x64xf32, #tpu.memory_space<hbm>>) dst(%dma_wait3A_228 : memref<128x64xf32, #tpu.memory_space<vmem>>)
    %dma_start3A_232 = arith.constant 0 : i32
    %dma_start3A_233 = tpu.memref_slice %arg9[%mul3A_2, %dma_start3A_232] : memref<16384x64xf32, #tpu.memory_space<hbm>> -> memref<512x64xf32, #tpu.memory_space<hbm>>
    %dma_start3A_234 = arith.constant 0 : i32
    %dma_start3A_235 = tpu.memref_slice %arg9[%mul3A_2, %dma_start3A_234] : memref<16384x64xf32, #tpu.memory_space<hbm>> -> memref<512x64xf32, #tpu.memory_space<hbm>>
    tpu.enqueue_dma source(%arg13 : memref<512x64xf32, #tpu.memory_space<vmem>>) target(%dma_start3A_235 : memref<512x64xf32, #tpu.memory_space<hbm>>) target_semaphore(%arg15 : memref<!tpu.dma_semaphore, #tpu.memory_space<semaphore_mem>>)
    %dma_wait3A_236 = arith.constant 0 : i32
    %dma_wait3A_237 = tpu.memref_slice %arg9[%mul3A_2, %dma_wait3A_236] : memref<16384x64xf32, #tpu.memory_space<hbm>> -> memref<512x64xf32, #tpu.memory_space<hbm>>
    %dma_wait3A_238 = arith.constant 0 : i32
    %dma_wait3A_239 = tpu.memref_slice %arg9[%mul3A_2, %dma_wait3A_238] : memref<16384x64xf32, #tpu.memory_space<hbm>> -> memref<512x64xf32, #tpu.memory_space<hbm>>
    tpu.wait_dma2 semaphore(%arg15 : memref<!tpu.dma_semaphore, #tpu.memory_space<semaphore_mem>>) src(%arg13 : memref<512x64xf32, #tpu.memory_space<vmem>>) dst(%dma_wait3A_239 : memref<512x64xf32, #tpu.memory_space<hbm>>)
    return
  }
}

</mosaic_0001>

<sc_bundles>
// kernel: kernel.3.cloned.1.call-start
scs
__scs_entry_jumppad:
0x0: {  	(pc) =	sbr.rel $0x88, $3  }
0x1: {  	(tag) =	ssettag $0x0;
	lr =	simm.s32 $0x1  }
0x2: {  	[smem:$0x3F9C] =	sst lr;
	_ =	strace $0xD0000000  }
0x3: {  	_ = 	snop  }
0x4: {  	_ = 	snop  }
0x5: {  	_ = 	snop  }
0x6: {  	_ = 	snop  }
0x7: {  	_ = 	snop  }
__scs_overlays_trampoline_lowered:
0x8: {  	[smem:$0x3FAB] =	sst s0  }
0x9: {  	[smem:$0x3FAC] =	sst s1  }
0xa: {  	[smem:$0x3FAD] =	sst s2  }
0xb: {  	[smem:$0x3FAE] =	sst s3  }
0xc: {  	[smem:$0x3FAF] =	sst s4  }
0xd: {  	[smem:$0x3FB0] =	sst s5  }
0xe: {  	[smem:$0x3FB1] =	sst s6  }
0xf: {  	[smem:$0x3FB2] =	sst s7  }
0x10: {  	[smem:$0x3FB3] =	sst s8  }
0x11: {  	[smem:$0x3FB4] =	sst s9;
	s0 =	simm.s32 @!p0 $0x0  }
0x12: {  	s1 =	sld [smem:$0x3F9A];
	s0 =	simm.s32 @p0 $0x1  }
0x13: {  	[smem:$0x3FB5] =	sst s0;
	s0 =	simm.s32 @!p1 $0x0  }
0x14: {  	s2 =	sld [smem:$0x3F99];
	s0 =	simm.s32 @p1 $0x1  }
0x15: {  	[smem:$0x3FB6] =	sst s0;
	s0 =	simm.s32 @!p2 $0x0  }
0x16: {  	s3 =	sld [smem:$0x3FDB];
	s0 =	simm.s32 @p2 $0x1  }
0x17: {  	s4 =	simm.s32 $0x1BF5;
	[smem:$0x3FB8] =	sst s0  }
0x18: {  	s0 =	sld [smem:$0x3F9B];
	_ =	swait.ge [sflag:s4], $0x0  }
0x19: {  	s7 =	sld [smem:$0x3F9C]  }
0x1a: {  	s8 =	sadd.s32 $0xFFFFE003, lr  }
0x1b: {  	s9 =	sadd.s32 $0xFFFFFEF7, lr;
	s5 =	simm.s32 $0xFFFFFFFF;
	p2 =	slt.u32 s8, $0xFFFFF086  }
0x1c: {  	p1 =	slt.u32 s9, $0xF7A;
	s5 =	simm.s32 @!p2 $0x0  }
0x1d: {  	s5 =	simm.s32 @p1 $0x1;
	p0 =	seq.s32 s7, s2  }
0x1e: {  	s7 =	smul.u32 @!p0 $0xF7A, s2;
	p2 =	seq.s32 @!p0 s5, $0x0  }
0x1f: {  	s9 =	smul.u32 $0xF7A, s1;
	s8 =	simm.s32 @!p0 $0x1BF5;
	p2 =	por !p2, p0  }
0x20: {  	[sflag:s8] =	ssyncset.s32 @!p0 $0xFFFFF086;
	s6 =	sadd.s32 @!p0 s3, s7;
	s7 =	simm.s32 @!p0 $0x108  }
0x21: {  	s3 =	sadd.s32 s3, s9;
	s6 =	sadd.s32 @!p0 $0x88, s6;
	s7 =	simm.s32 @p2 $0x1082  }
0x22: {  	[simem:s7], [sflag:s8] =	dma.local @!p0 [hbm:s6], $0xF7A  }
0x23: {  	s9 =	sor.u32 $0xD0000000, s2;
	s6 =	simm.s32 $0x108;
	_ =	swait.ge @!p0 [sflag:s8], $0x0  }
0x24: {  	s3 =	sadd.s32 $0x88, s3;
	s6 =	simm.s32 @!p1 $0x1082;
	[sflag:s4] =	ssyncset.s32 $0xFFFFF086  }
0x25: {  	[simem:s6], [sflag:s4] =	dma.local [hbm:s3], $0xF7A  }
0x26: {  	[smem:$0x3F9C] =	sst s1;
	(tag) =	ssettag s2;
	_ =	strace s9  }
0x27: {  	s1 =	sld [smem:$0x3FAC]  }
0x28: {  	s2 =	sld [smem:$0x3FAD]  }
0x29: {  	s4 =	sld [smem:$0x3FAF]  }
0x2a: {  	p0 =	seq.s32 s5, $0x0;
	s5 =	sld [smem:$0x3FB0]  }
0x2b: {  	s6 =	sld [smem:$0x3FB1]  }
0x2c: {  	s7 =	sld [smem:$0x3FB2]  }
0x2d: {  	s3 =	simm.s32 $0x108;
	s8 =	sld [smem:$0x3FB3]  }
0x2e: {  	s3 =	simm.s32 @!p0 $0x1082;
	s9 =	sld [smem:$0x3FB4]  }
0x2f: {  	lr =	sadd.s32 s0, s3;
	s0 =	sld [smem:$0x3FAB]  }
0x30: {  	s3 =	sld [smem:$0x3FAE]  }
0x31: {  	[smem:$0x3FB7] =	sst s10  }
0x32: {  	s10 =	sld [smem:$0x3FB5];
	_ =	sdelay $0x3  }
0x33: {  	p0 =	seq.s32 s10, $0x1;
	s10 =	sld [smem:$0x3FB7];
	_ =	sdelay $0x3  }
0x34: {  	[smem:$0x3FB7] =	sst s10  }
0x35: {  	s10 =	sld [smem:$0x3FB6];
	_ =	sdelay $0x3  }
0x36: {  	p1 =	seq.s32 s10, $0x1;
	s10 =	sld [smem:$0x3FB7];
	_ =	sdelay $0x3  }
0x37: {  	[smem:$0x3FB7] =	sst s10  }
0x38: {  	s10 =	sld [smem:$0x3FB8]  }
0x39: {  	_ = 	snop;
	(pc) =	sbr.ind lr, $3  }
0x3a: {  	_ = 	snop  }
0x3b: {  	_ = 	snop  }
0x3c: {  	p2 =	seq.s32 s10, $0x1;
	s10 =	sld [smem:$0x3FB7]  }
0x3d: {  	_ =	shalt  }
0x3e: {  	_ =	shalt  }
0x3f: {  	_ =	shalt  }
0x40: {  	_ =	shalt  }
0x41: {  	_ =	shalt  }
0x42: {  	_ =	shalt  }
0x43: {  	_ =	shalt  }
0x44: {  	_ =	shalt  }
0x45: {  	_ =	shalt  }
0x46: {  	_ =	shalt  }
0x47: {  	_ =	shalt  }
0x48: {  	_ =	shalt  }
0x49: {  	_ =	shalt  }
0x4a: {  	_ =	shalt  }
0x4b: {  	_ =	shalt  }
0x4c: {  	_ =	shalt  }
0x4d: {  	_ =	shalt  }
0x4e: {  	_ =	shalt  }
0x4f: {  	_ =	shalt  }
0x50: {  	_ =	shalt  }
0x51: {  	_ =	shalt  }
0x52: {  	_ =	shalt  }
0x53: {  	_ =	shalt  }
0x54: {  	_ =	shalt  }
0x55: {  	_ =	shalt  }
0x56: {  	_ =	shalt  }
0x57: {  	_ =	shalt  }
0x58: {  	_ =	shalt  }
0x59: {  	_ =	shalt  }
0x5a: {  	_ =	shalt  }
0x5b: {  	_ =	shalt  }
0x5c: {  	_ =	shalt  }
0x5d: {  	_ =	shalt  }
0x5e: {  	_ =	shalt  }
0x5f: {  	_ =	shalt  }
0x60: {  	_ =	shalt  }
0x61: {  	_ =	shalt  }
0x62: {  	_ =	shalt  }
0x63: {  	_ =	shalt  }
0x64: {  	_ =	shalt  }
0x65: {  	_ =	shalt  }
0x66: {  	_ =	shalt  }
0x67: {  	_ =	shalt  }
0x68: {  	_ =	shalt  }
0x69: {  	_ =	shalt  }
0x6a: {  	_ =	shalt  }
0x6b: {  	_ =	shalt  }
0x6c: {  	_ =	shalt  }
0x6d: {  	_ =	shalt  }
0x6e: {  	_ =	shalt  }
0x6f: {  	_ =	shalt  }
0x70: {  	_ =	shalt  }
0x71: {  	_ =	shalt  }
0x72: {  	_ =	shalt  }
0x73: {  	_ =	shalt  }
0x74: {  	_ =	shalt  }
0x75: {  	_ =	shalt  }
0x76: {  	_ =	shalt  }
0x77: {  	_ =	shalt  }
0x78: {  	_ =	shalt  }
0x79: {  	_ =	shalt  }
0x7a: {  	_ =	shalt  }
0x7b: {  	_ =	shalt  }
0x7c: {  	_ =	shalt  }
0x7d: {  	_ =	shalt  }
0x7e: {  	_ =	shalt  }
0x7f: {  	_ =	shalt  }
0x80: {  	_ =	shalt  }
0x81: {  	_ =	shalt  }
0x82: {  	_ =	shalt  }
0x83: {  	_ =	shalt  }
0x84: {  	_ =	shalt  }
0x85: {  	_ =	shalt  }
0x86: {  	_ =	shalt  }
0x87: {  	_ =	shalt  }
.Lfunc_end0:
.L_simem_size_0:
called_computation_lowered:
.L_overlay_start_0:
0x88: {  	s2 =	sld [smem:$0x3FD9]  }
0x89: {  	s3 =	sld [smem:$0x3FFE];
	_ =	sdelay $0x1  }
0x8a: {  	s1 =	srdreg.scid  }
0x8b: {  	s0 =	sand.u32 $0x1, s1  }
0x8c: {  	s17 =	sshll.u32 s0, $0xA;
	s2 =	sadd.s32 s3, s2  }
0x8d: {  	s2 =	sadd.s32 s2, s17  }
0x8e: {  	[smem:$0x3FC3] =	sst s2  }
0x8f: {  	_ = 	snop  }
0x90: {  	s2 =	sld [smem:$0x3FC9]  }
0x91: {  	s18 =	sld [smem:$0x3FC8]  }
0x92: {  	s4 =	sld [smem:$0x3FC7];
	(tm) =	ssettm $0x1  }
0x93: {  	s5 =	sld [smem:$0x3FFB];
	_ =	sdelay $0x3  }
0x94: {  	_ =	strace s5  }
0x95: {  	s5 =	sld [smem:$0x3FFC];
	_ =	sdelay $0x3  }
0x96: {  	_ =	strace s5  }
0x97: {  	s5 =	sld [smem:$0x3FFD];
	_ =	sdelay $0x3  }
0x98: {  	_ =	strace s5  }
0x99: {  	_ =	strace $0x8FFFFFFF  }
0x9a: {  	s19 =	sld [smem:$0x3FDB];
	_ =	sdelay $0x1  }
0x9b: {  	s6 =	simm.s32 $_scs_section_size  }
0x9c: {  	s7 =	simm.s32 $_size__tile_overlayer_lowered;
	s8 =	simm.s32 $_tile_overlayer_lowered  }
0x9d: {  	s22 =	simm.s32 $0x1BFF;
	s21 =	sshll.u32 s8, $0x1;
	s5 =	sadd.s32 s6, s19  }
0x9e: {  	s9 =	simm.s32 $0x0;
	s20 =	sshll.u32 s7, $0x1;
	s7 =	sadd.s32 s21, s5  }
0x9f: {  	[timem:s9], [sflag:s22] =	dma.local [hbm:s7], s20  }
0xa0: {  	_ =	swait.ge [sflag:s22], s20  }
0xa1: {  	s6 =	ssub.s32 $0x0, s20;
	[sflag:s22] =	ssyncset.done $0x0  }
0xa2: {  	[sflag:s22] =	ssyncadd.s32 s6;
	_ =	sdelay $0x1  }
0xa3: {  	s23 =	simm.s32 $0x1B8B  }
0xa4: {  	_ =	swait.ge [sflag:s23], $0x1  }
0xa5: {  	[sflag:s23] =	ssyncset.done $0x0  }
0xa6: {  	s25 =	simm.s32 $0x1B8E;
	s24 =	sld [smem:$0x3FFE];
	[sflag:s23] =	ssyncadd.s32 $0xFFFFFFFF  }
0xa7: {  	s26 =	simm.s32 $execute0_lowered;
	[smem:$0x3FD2] =	sst s25  }
0xa8: {  	s7 =	sshll.u32 s26, $0x1;
	_ =	strace $0x80000046;
	[dreg:$0x1] =	wrdreg $0xFFFFFFFF  }
0xa9: {  	s28 =	simm.s32 $_size_execute0_lowered;
	s5 =	sadd.s32 s5, s7;
	[dreg:$0x0] =	wrdreg $0x0  }
0xaa: {  	s7 =	sshll.u32 s28, $0x1;
	[dreg:$0x2] =	wrdreg s5  }
0xab: {  	[dreg:$0x3] =	wrdreg s7  }
0xac: {  	[dreg:$0x4] =	wrdreg $0xC0  }
0xad: {  	_ =	task [dreg:s9], $0x5FFFF  }
0xae: {  	[dreg:$0x1] =	wrdreg $0xFFFFFFFF  }
0xaf: {  	[dreg:$0x0] =	wrdreg $0x60  }
0xb0: {  	[dreg:$0x2] =	wrdreg s2  }
0xb1: {  	[dreg:$0x3] =	wrdreg s18  }
0xb2: {  	[dreg:$0x4] =	wrdreg s4  }
0xb3: {  	[dreg:$0x5] =	wrdreg s24  }
0xb4: {  	[dreg:$0x6] =	wrdreg $0x9  }
0xb5: {  	_ =	task.clear_ibuf [dreg:s9], $0x7FFFF;
	_ =	strace $0x90000046  }
0xb6: {  	s29 =	simm.s32 $0x9;
	_ =	strace $0x80000048  }
0xb7: {  	_ =	swait.ge [sflag:s29], $0x1  }
0xb8: {  	[sflag:s29] =	ssyncadd.s32 $0xFFFFFFFF  }
0xb9: {  	_ =	strace $0x90000048  }
0xba: {  	_ =	sfence  }
0xbb: {  	s30 =	sld [smem:$0x0];
	_ =	sdelay $0x2  }
0xbc: {  	s31 =	sshll.u32 s1, $0xD;
	s1 =	sshrl.u32 s1, $0x2  }
0xbd: {  	s3 =	sand.u32 $0x4000, s31;
	s1 =	sadd.s32 s1, s30  }
0xbe: {  	s0 =	sor.u32 s3, s0;
	s1 =	sshll.u32 s1, $0x11  }
0xbf: {  	s0 =	sor.u32 s1, s0  }
0xc0: {  	s0 =	sadd.s32 $0x8F2B, s0  }
0xc1: {  	[sflag:s0] =	ssyncadd.remote.s32 $0x1  }
0xc2: {  	_ =	sfence.sel $0xFFFF  }
0xc3: {  	[dreg:$0x0] =	wrdreg $0xFFFFFFFF;
	(pc) =	sbr.abs _section_cstart, $3  }
0xc4: {  	[dreg:$0x1] =	wrdreg $0xFFFFFFFF  }
0xc5: {  	_ =	task.clear_ibuf [dreg:s9], $0x2FFFF;
	_ =	strace $0x9FFFFFFF  }
0xc6: {  	(tm) =	ssettm $0x7FFFFFFF  }
0xc7: {  	_ =	shalt  }
tec
execute0_lowered:
.L_overlay_start_1:
0x0: {  	(tag) =	ssettag $0x1  }
0x1: {  	s5 =	rddreg [dreg:$0x0]  }
0x2: {  	s6 =	rddreg [dreg:$0x1]  }
0x3: {  	s7 =	rddreg [dreg:$0x2]  }
0x4: {  	s8 =	rddreg [dreg:$0x3]  }
0x5: {  	s3 =	srdreg.scid;
	s2 =	simm.s32 $0x0;
	s0 =	stileid.u32  }
0x6: {  	s15 =	simm.s32 $0x1;
	s16 =	simm.s32 $0x600;
	s17 =	simm.s32 $0x2  }
0x7: {  	s18 =	simm.s32 $0x0;
	s9 =	sand.u32 $0x1, s3;
	[smem:$0x7FF] =	sst s2  }
0x8: {  	s4 =	sshll.u32 s0, $0xA;
	s3 =	sadd.s32 $0x1200, s8;
	s10 =	sshll.u32 s9, $0x9  }
0x9: {  	_ =	strace $0x80000047;
	s9 =	ssub.s32 $0x2, s9;
	s10 =	sor.u32 s10, s4  }
0xa: {  	s26 =	sshrl.u32 s9, $0x1;
	s11 =	sshll.u32 s10, $0x4;
	s10 =	sshrl.u32 s10, $0x3  }
0xb: {  	s4 =	sadd.s32 $0xF43600, s8;
	s12 =	ssub.s32 s9, s26;
	s28 =	sadd.s32 s5, s10  }
0xc: {  	s11 =	sadd.s32 s11, s8;
	s29 =	sadd.s32 s6, s10;
	[dreg:$0x5] =	wrdreg s28  }
0xd: {  	s30 =	sadd.s32 s7, s10;
	[dreg:$0x6] =	wrdreg s29;
	s31 =	sadd.s32 $0x1E85A00, s11  }
0xe: {  	[dreg:$0x7] =	wrdreg s30;
	s9 =	sadd.s32 $0x1EC5A00, s11;
	s10 =	sadd.s32 $0x1F05A00, s11  }
0xf: {  	s11 =	smax.u32 s12, $0x1;
	s12 =	simm.s32 $0x3;
	[dreg:$0x8] =	wrdreg s31  }
.LBB2_1:
0x10: {  	s0 =	rddreg [dreg:$0x5]  }
0x11: {  	[tilespmem:s2], [sflag:$0x3] =	stream.linear.gather [hbm4b:s0+s2], $0x200, $0x38;
	[tilespmem:$0x10600] =	vst v63  }
0x12: {  	_ =	swait.ge [sflag:s12], $0x200  }
0x13: {  	[sflag:s12] =	ssyncset.done $0x0  }
0x14: {  	s1 =	simm.s32 $0x200;
	s29 =	rddreg [dreg:$0x6];
	[sflag:s12] =	ssyncadd.s32 $0xFFFFFE00  }
0x15: {  	[tilespmem:s1], [sflag:$0x3] =	stream.linear.gather [hbm4b:s29+s2], $0x200, $0x38;
	[tilespmem:$0x10600] =	vst v63  }
0x16: {  	_ =	swait.ge [sflag:s12], $0x200  }
0x17: {  	[sflag:s12] =	ssyncset.done $0x0  }
0x18: {  	s31 =	simm.s32 $0x400;
	s30 =	rddreg [dreg:$0x7];
	[sflag:s12] =	ssyncadd.s32 $0xFFFFFE00  }
0x19: {  	[tilespmem:s31], [sflag:$0x3] =	stream.linear.gather [hbm4b:s30+s2], $0x200, $0x38;
	[tilespmem:$0x10600] =	vst v63  }
0x1a: {  	_ =	swait.ge [sflag:s12], $0x200  }
0x1b: {  	[sflag:s12] =	ssyncset.done $0x0  }
0x1c: {  	[sflag:s12] =	ssyncadd.s32 $0xFFFFFE00  }
0x1d: {  	v0 =	vld [tilespmem:s2+$0x0];
	_ =	sdelay $0x4  }
0x1e: {  	v0 =	vshll.u32 v0, $0x4  }
0x1f: {  	(v2sf) =	vpush v0, $0x0  }
0x20: {  	(v2sf) =	vpush v0, $0x1  }
0x21: {  	(v2sf) =	vpush v0, $0x2;
	_ =	sdelay $0x1  }
0x22: {  	(v2sf) =	vpush v0, $0x4;
	_ =	sdelay $0x1  }
0x23: {  	(v2sf) =	vpush v0, $0x3  }
0x24: {  	(v2sf) =	vpush v0, $0x5  }
0x25: {  	s20 =	simm.s32 $0x2000;
	s19 =	simm.s32 $0x0;
	s21 =	simm.s32 $0x0;
	(v2sf) =	vpush v0, $0x6  }
.LBB2_2:
0x26: {  	p0 =	sne.s32 s20, $0xE000  }
0x27: {  	s0 =	sadd.s32 $0x680, s19;
	s25 =	sadd.s32 $0xB80, s19;
	s22 =	smov.u32 s20  }
0x28: {  	s20 =	sadd.s32 $0x2000, s20;
	s29 =	sadd.s32 $0x980, s19;
	s23 =	sadd.s32 $0xC00, s19;
	(v2sf) =	vpush v0, $0x7  }
0x29: {  	s31 =	sadd.s32 $0x880, s19;
	s28 =	sadd.s32 $0xA00, s19;
	s24 =	sadd.s32 $0xC80, s19  }
0x2a: {  	s1 =	sadd.s32 $0x600, s19;
	s13 =	sadd.s32 $0x800, s19;
	(v2sf) =	vpush v0, $0x8  }
0x2b: {  	s14 =	sadd.s32 $0x900, s19;
	s21 =	sadd.s32 $0x10, s21  }
0x2c: {  	s5 =	sadd.s32 $0x700, s19;
	s26 =	sadd.s32 $0xB00, s19;
	s30 =	spop (v2sf);
	(v2sf) =	vpush v0, $0x9  }
0x2d: {  	s6 =	sand.u32 $0x1FFFFFF0, s30;
	s30 =	sadd.s32 $0xA80, s19;
	s7 =	spop (v2sf)  }
0x2e: {  	s6 =	sadd.s32 s3, s6;
	s7 =	sand.u32 $0x1FFFFFF0, s7;
	s8 =	spop (v2sf);
	(v2sf) =	vpush v0, $0xA  }
0x2f: {  	[tilespmem:s1], [sflag:$0x1] =	stream.linear.gather [hbm4b:s6+s2], $0x80, $0x38;
	[tilespmem:$0x10600] =	vst v63  }
0x30: {  	s1 =	sadd.s32 s3, s7;
	s6 =	sadd.s32 $0x780, s19;
	s7 =	spop (v2sf);
	(v2sf) =	vpush v0, $0xB  }
0x31: {  	[tilespmem:s0], [sflag:$0x1] =	stream.linear.gather [hbm4b:s1+s2], $0x80, $0x38;
	[tilespmem:$0x10600] =	vst v63  }
0x32: {  	s0 =	sand.u32 $0x1FFFFFF0, s8;
	s1 =	sand.u32 $0x1FFFFFF0, s7;
	s7 =	spop (v2sf);
	(v2sf) =	vpush v0, $0xC  }
0x33: {  	s0 =	sadd.s32 s3, s0;
	s7 =	sand.u32 $0x1FFFFFF0, s7;
	s8 =	spop (v2sf)  }
0x34: {  	[tilespmem:s5], [sflag:$0x1] =	stream.linear.gather [hbm4b:s0+s2], $0x80, $0x38;
	(v2sf) =	vpush v0, $0xD;
	[tilespmem:$0x10600] =	vst v63  }
0x35: {  	s0 =	sadd.s32 s3, s7;
	s5 =	sand.u32 $0x1FFFFFF0, s8;
	s7 =	spop (v2sf)  }
0x36: {  	[tilespmem:s6], [sflag:$0x1] =	stream.linear.gather [hbm4b:s0+s2], $0x80, $0x38;
	(v2sf) =	vpush v0, $0xE;
	[tilespmem:$0x10600] =	vst v63  }
0x37: {  	s0 =	sadd.s32 s3, s1;
	s1 =	sand.u32 $0x1FFFFFF0, s7;
	s6 =	spop (v2sf)  }
0x38: {  	[tilespmem:s13], [sflag:$0x1] =	stream.linear.gather [hbm4b:s0+s2], $0x80, $0x38;
	(v2sf) =	vpush v0, $0xF;
	[tilespmem:$0x10600] =	vst v63  }
0x39: {  	s0 =	sadd.s32 s3, s5;
	s5 =	sand.u32 $0x1FFFFFF0, s6;
	s6 =	spop (v2sf)  }
0x3a: {  	[tilespmem:s31], [sflag:$0x1] =	stream.linear.gather [hbm4b:s0+s2], $0x80, $0x38;
	[tilespmem:$0x10600] =	vst v63  }
0x3b: {  	s0 =	sadd.s32 s3, s1;
	s1 =	sand.u32 $0x1FFFFFF0, s6;
	s6 =	spop (v2sf)  }
0x3c: {  	[tilespmem:s14], [sflag:$0x1] =	stream.linear.gather [hbm4b:s0+s2], $0x80, $0x38;
	[tilespmem:$0x10600] =	vst v63  }
0x3d: {  	s0 =	sadd.s32 s3, s5;
	s5 =	sand.u32 $0x1FFFFFF0, s6;
	s6 =	spop (v2sf)  }
0x3e: {  	[tilespmem:s29], [sflag:$0x1] =	stream.linear.gather [hbm4b:s0+s2], $0x80, $0x38;
	[tilespmem:$0x10600] =	vst v63  }
0x3f: {  	s0 =	sadd.s32 s3, s1;
	s1 =	sand.u32 $0x1FFFFFF0, s6;
	s6 =	spop (v2sf)  }
0x40: {  	[tilespmem:s28], [sflag:$0x1] =	stream.linear.gather [hbm4b:s0+s2], $0x80, $0x38;
	[tilespmem:$0x10600] =	vst v63  }
0x41: {  	s0 =	sadd.s32 s3, s5;
	s5 =	sand.u32 $0x1FFFFFF0, s6;
	s6 =	spop (v2sf)  }
0x42: {  	[tilespmem:s30], [sflag:$0x1] =	stream.linear.gather [hbm4b:s0+s2], $0x80, $0x38;
	[tilespmem:$0x10600] =	vst v63  }
0x43: {  	s0 =	sadd.s32 s3, s1;
	s1 =	sand.u32 $0x1FFFFFF0, s6;
	s6 =	spop (v2sf)  }
0x44: {  	[tilespmem:s26], [sflag:$0x1] =	stream.linear.gather [hbm4b:s0+s2], $0x80, $0x38;
	[tilespmem:$0x10600] =	vst v63  }
0x45: {  	s0 =	sadd.s32 s3, s5;
	s5 =	sand.u32 $0x1FFFFFF0, s6;
	s6 =	spop (v2sf)  }
0x46: {  	[tilespmem:s25], [sflag:$0x1] =	stream.linear.gather [hbm4b:s0+s2], $0x80, $0x38;
	[tilespmem:$0x10600] =	vst v63  }
0x47: {  	s0 =	sadd.s32 s3, s1;
	s1 =	sand.u32 $0x1FFFFFF0, s6;
	s6 =	spop (v2sf)  }
0x48: {  	[tilespmem:s23], [sflag:$0x1] =	stream.linear.gather [hbm4b:s0+s2], $0x80, $0x38;
	[tilespmem:$0x10600] =	vst v63  }
0x49: {  	s0 =	sadd.s32 s3, s5;
	s5 =	sand.u32 $0x1FFFFFF0, s6  }
0x4a: {  	[tilespmem:s24], [sflag:$0x1] =	stream.linear.gather [hbm4b:s0+s2], $0x80, $0x38;
	[tilespmem:$0x10600] =	vst v63  }
0x4b: {  	s1 =	sadd.s32 s3, s1;
	s0 =	sadd.s32 $0xD00, s19  }
0x4c: {  	[tilespmem:s0], [sflag:$0x1] =	stream.linear.gather [hbm4b:s1+s2], $0x80, $0x38;
	[tilespmem:$0x10600] =	vst v63  }
0x4d: {  	s0 =	sadd.s32 $0xD80, s19;
	s1 =	sadd.s32 s3, s5  }
0x4e: {  	[tilespmem:s0], [sflag:$0x1] =	stream.linear.gather [hbm4b:s1+s2], $0x80, $0x38;
	[tilespmem:$0x10600] =	vst v63  }
0x4f: {  	v0 =	vld [tilespmem:s21+$0x0];
	_ =	sdelay $0x4  }
0x50: {  	v0 =	vshll.u32 v0, $0x4  }
0x51: {  	(v2sf) =	vpush v0, $0x0  }
0x52: {  	(v2sf) =	vpush v0, $0x1  }
0x53: {  	(v2sf) =	vpush v0, $0x2;
	_ =	sdelay $0x1  }
0x54: {  	(v2sf) =	vpush v0, $0x4  }
.Ltmp0:
0x55: {  	(pc) =	sbr.rel @p0 .LBB2_2-.Ltmp0, $3  }
0x56: {  	(v2sf) =	vpush v0, $0x3  }
0x57: {  	(v2sf) =	vpush v0, $0x5;
	_ =	sdelay $0x1  }
0x58: {  	s19 =	sshra.s32 s22, $0x2;
	(v2sf) =	vpush v0, $0x6  }
0x59: {  	_ =	sdelay $0x1  }
0x5a: {  	s0 =	sadd.s32 $0x680, s19;
	s22 =	sadd.s32 $0xB80, s19  }
0x5b: {  	s1 =	sadd.s32 $0x980, s19;
	s20 =	sadd.s32 $0xC00, s19;
	(v2sf) =	vpush v0, $0x7;
	s5 =	sadd.s32 $0x880, s19  }
0x5c: {  	s6 =	sadd.s32 $0xA00, s19;
	s21 =	sadd.s32 $0xC80, s19;
	s7 =	sadd.s32 $0x600, s19  }
0x5d: {  	s8 =	sadd.s32 $0x800, s19;
	s13 =	sadd.s32 $0x900, s19;
	(v2sf) =	vpush v0, $0x8;
	s14 =	spop (v2sf)  }
0x5e: {  	s23 =	sadd.s32 $0x700, s19;
	s14 =	sand.u32 $0x1FFFFFF0, s14;
	s24 =	spop (v2sf)  }
0x5f: {  	(v2sf) =	vpush v0, $0x9;
	s14 =	sadd.s32 s3, s14;
	s24 =	sand.u32 $0x1FFFFFF0, s24;
	s25 =	spop (v2sf)  }
0x60: {  	[tilespmem:s7], [sflag:$0x1] =	stream.linear.gather [hbm4b:s14+s2], $0x80, $0x38;
	[tilespmem:$0x10600] =	vst v63  }
0x61: {  	(v2sf) =	vpush v0, $0xA;
	s26 =	sadd.s32 s3, s24;
	s29 =	sand.u32 $0x1FFFFFF0, s25;
	s28 =	spop (v2sf)  }
0x62: {  	[tilespmem:s0], [sflag:$0x1] =	stream.linear.gather [hbm4b:s26+s2], $0x80, $0x38;
	[tilespmem:$0x10600] =	vst v63  }
0x63: {  	s7 =	sadd.s32 $0xB00, s19;
	(v2sf) =	vpush v0, $0xB;
	s14 =	sadd.s32 s3, s29;
	s30 =	spop (v2sf)  }
0x64: {  	s0 =	sadd.s32 $0xA80, s19;
	s26 =	sadd.s32 $0x780, s19;
	s25 =	sand.u32 $0x1FFFFFF0, s30  }
0x65: {  	(v2sf) =	vpush v0, $0xC;
	[tilespmem:s23], [sflag:$0x1] =	stream.linear.gather [hbm4b:s14+s2], $0x80, $0x38;
	[tilespmem:$0x10600] =	vst v63  }
0x66: {  	s31 =	sand.u32 $0x1FFFFFF0, s28;
	s28 =	spop (v2sf);
	s29 =	sadd.s32 s3, s25  }
0x67: {  	(v2sf) =	vpush v0, $0xD;
	[tilespmem:s26], [sflag:$0x1] =	stream.linear.gather [hbm4b:s29+s2], $0x80, $0x38;
	[tilespmem:$0x10600] =	vst v63  }
0x68: {  	s14 =	sadd.s32 s3, s31;
	s23 =	sand.u32 $0x1FFFFFF0, s28;
	s30 =	spop (v2sf)  }
0x69: {  	(v2sf) =	vpush v0, $0xE;
	[tilespmem:s8], [sflag:$0x1] =	stream.linear.gather [hbm4b:s14+s2], $0x80, $0x38;
	[tilespmem:$0x10600] =	vst v63  }
0x6a: {  	s23 =	sadd.s32 s3, s23;
	s31 =	sand.u32 $0x1FFFFFF0, s30;
	s24 =	spop (v2sf)  }
0x6b: {  	(v2sf) =	vpush v0, $0xF;
	[tilespmem:s5], [sflag:$0x1] =	stream.linear.gather [hbm4b:s23+s2], $0x80, $0x38;
	[tilespmem:$0x10600] =	vst v63  }
0x6c: {  	s25 =	sand.u32 $0x1FFFFFF0, s24;
	s26 =	spop (v2sf);
	s8 =	sadd.s32 s3, s31  }
0x6d: {  	[tilespmem:s13], [sflag:$0x1] =	stream.linear.gather [hbm4b:s8+s2], $0x80, $0x38;
	[tilespmem:$0x10600] =	vst v63  }
0x6e: {  	s28 =	sand.u32 $0x1FFFFFF0, s26;
	s5 =	sadd.s32 s3, s25;
	s29 =	spop (v2sf)  }
0x6f: {  	[tilespmem:s1], [sflag:$0x1] =	stream.linear.gather [hbm4b:s5+s2], $0x80, $0x38;
	[tilespmem:$0x10600] =	vst v63  }
0x70: {  	s8 =	sadd.s32 s3, s28;
	s30 =	sand.u32 $0x1FFFFFF0, s29;
	s31 =	spop (v2sf)  }
0x71: {  	[tilespmem:s6], [sflag:$0x1] =	stream.linear.gather [hbm4b:s8+s2], $0x80, $0x38;
	[tilespmem:$0x10600] =	vst v63  }
0x72: {  	s5 =	sand.u32 $0x1FFFFFF0, s31;
	s1 =	sadd.s32 s3, s30;
	s8 =	spop (v2sf)  }
0x73: {  	[tilespmem:s0], [sflag:$0x1] =	stream.linear.gather [hbm4b:s1+s2], $0x80, $0x38;
	[tilespmem:$0x10600] =	vst v63  }
0x74: {  	s5 =	sadd.s32 s3, s5;
	s13 =	sand.u32 $0x1FFFFFF0, s8;
	s14 =	spop (v2sf)  }
0x75: {  	[tilespmem:s7], [sflag:$0x1] =	stream.linear.gather [hbm4b:s5+s2], $0x80, $0x38;
	[tilespmem:$0x10600] =	vst v63  }
0x76: {  	s0 =	sadd.s32 s3, s13;
	s1 =	sand.u32 $0x1FFFFFF0, s14;
	s23 =	spop (v2sf)  }
0x77: {  	[tilespmem:s22], [sflag:$0x1] =	stream.linear.gather [hbm4b:s0+s2], $0x80, $0x38;
	[tilespmem:$0x10600] =	vst v63  }
0x78: {  	s24 =	sand.u32 $0x1FFFFFF0, s23;
	s1 =	sadd.s32 s3, s1;
	s25 =	spop (v2sf)  }
0x79: {  	[tilespmem:s20], [sflag:$0x1] =	stream.linear.gather [hbm4b:s1+s2], $0x80, $0x38;
	[tilespmem:$0x10600] =	vst v63  }
0x7a: {  	s26 =	sand.u32 $0x1FFFFFF0, s25;
	s28 =	spop (v2sf);
	s0 =	sadd.s32 s3, s24  }
0x7b: {  	[tilespmem:s21], [sflag:$0x1] =	stream.linear.gather [hbm4b:s0+s2], $0x80, $0x38;
	[tilespmem:$0x10600] =	vst v63  }
0x7c: {  	s30 =	sadd.s32 $0xD00, s19;
	s29 =	sand.u32 $0x1FFFFFF0, s28;
	s1 =	sadd.s32 s3, s26  }
0x7d: {  	[tilespmem:s30], [sflag:$0x1] =	stream.linear.gather [hbm4b:s1+s2], $0x80, $0x38;
	[tilespmem:$0x10600] =	vst v63  }
0x7e: {  	s31 =	sadd.s32 $0xD80, s19;
	s0 =	sadd.s32 s3, s29  }
0x7f: {  	[tilespmem:s31], [sflag:$0x1] =	stream.linear.gather [hbm4b:s0+s2], $0x80, $0x38;
	[tilespmem:$0x10600] =	vst v63  }
0x80: {  	_ =	swait.ge [sflag:s15], $0x4000  }
0x81: {  	[sflag:s15] =	ssyncset.done $0x0  }
0x82: {  	s20 =	simm.s32 $0x80;
	[sflag:s15] =	ssyncadd.s32 $0xFFFFC000  }
0x83: {  	v0 =	vld [tilespmem:s20+$0x0];
	_ =	sdelay $0x4  }
0x84: {  	v0 =	vshll.u32 v0, $0x4  }
0x85: {  	(v2sf) =	vpush v0, $0x0  }
0x86: {  	(v2sf) =	vpush v0, $0x1  }
0x87: {  	(v2sf) =	vpush v0, $0x2;
	_ =	sdelay $0x1  }
0x88: {  	(v2sf) =	vpush v0, $0x4;
	_ =	sdelay $0x1  }
0x89: {  	(v2sf) =	vpush v0, $0x3  }
0x8a: {  	(v2sf) =	vpush v0, $0x5  }
0x8b: {  	s19 =	simm.s32 $0x0;
	s21 =	simm.s32 $0x2000;
	(v2sf) =	vpush v0, $0x6  }
.LBB2_4:
0x8c: {  	p0 =	sne.s32 s21, $0xE000  }
0x8d: {  	s0 =	sadd.s32 $0x4680, s19;
	s25 =	sadd.s32 $0x4B80, s19;
	s22 =	smov.u32 s21  }
0x8e: {  	s21 =	sadd.s32 $0x2000, s21;
	s29 =	sadd.s32 $0x4980, s19;
	s23 =	sadd.s32 $0x4C00, s19;
	(v2sf) =	vpush v0, $0x7  }
0x8f: {  	s31 =	sadd.s32 $0x4880, s19;
	s28 =	sadd.s32 $0x4A00, s19;
	s24 =	sadd.s32 $0x4C80, s19  }
0x90: {  	s1 =	sadd.s32 $0x4600, s19;
	s5 =	sadd.s32 $0x4800, s19;
	(v2sf) =	vpush v0, $0x8  }
0x91: {  	s6 =	sadd.s32 $0x4900, s19;
	s20 =	sadd.s32 $0x10, s20  }
0x92: {  	s7 =	sadd.s32 $0x4700, s19;
	s26 =	sadd.s32 $0x4B00, s19;
	s8 =	spop (v2sf);
	(v2sf) =	vpush v0, $0x9  }
0x93: {  	s30 =	sadd.s32 $0x4A80, s19;
	s8 =	sand.u32 $0x1FFFFFF0, s8;
	s13 =	spop (v2sf)  }
0x94: {  	s8 =	sadd.s32 s3, s8;
	s13 =	sand.u32 $0x1FFFFFF0, s13;
	s14 =	spop (v2sf);
	(v2sf) =	vpush v0, $0xA  }
0x95: {  	[tilespmem:s1], [sflag:$0x1] =	stream.linear.gather [hbm4b:s8+s2], $0x80, $0x38;
	[tilespmem:$0x10600] =	vst v63  }
0x96: {  	s1 =	sadd.s32 s3, s13;
	s8 =	sadd.s32 $0x4780, s19;
	s13 =	spop (v2sf);
	(v2sf) =	vpush v0, $0xB  }
0x97: {  	[tilespmem:s0], [sflag:$0x1] =	stream.linear.gather [hbm4b:s1+s2], $0x80, $0x38;
	[tilespmem:$0x10600] =	vst v63  }
0x98: {  	s0 =	sand.u32 $0x1FFFFFF0, s14;
	s1 =	sand.u32 $0x1FFFFFF0, s13;
	s13 =	spop (v2sf);
	(v2sf) =	vpush v0, $0xC  }
0x99: {  	s0 =	sadd.s32 s3, s0;
	s13 =	sand.u32 $0x1FFFFFF0, s13;
	s14 =	spop (v2sf)  }
0x9a: {  	[tilespmem:s7], [sflag:$0x1] =	stream.linear.gather [hbm4b:s0+s2], $0x80, $0x38;
	(v2sf) =	vpush v0, $0xD;
	[tilespmem:$0x10600] =	vst v63  }
0x9b: {  	s0 =	sadd.s32 s3, s13;
	s7 =	sand.u32 $0x1FFFFFF0, s14;
	s13 =	spop (v2sf)  }
0x9c: {  	[tilespmem:s8], [sflag:$0x1] =	stream.linear.gather [hbm4b:s0+s2], $0x80, $0x38;
	(v2sf) =	vpush v0, $0xE;
	[tilespmem:$0x10600] =	vst v63  }
0x9d: {  	s0 =	sadd.s32 s3, s1;
	s1 =	sand.u32 $0x1FFFFFF0, s13;
	s8 =	spop (v2sf)  }
0x9e: {  	[tilespmem:s5], [sflag:$0x1] =	stream.linear.gather [hbm4b:s0+s2], $0x80, $0x38;
	(v2sf) =	vpush v0, $0xF;
	[tilespmem:$0x10600] =	vst v63  }
0x9f: {  	s0 =	sadd.s32 s3, s7;
	s5 =	sand.u32 $0x1FFFFFF0, s8;
	s7 =	spop (v2sf)  }
0xa0: {  	[tilespmem:s31], [sflag:$0x1] =	stream.linear.gather [hbm4b:s0+s2], $0x80, $0x38;
	[tilespmem:$0x10600] =	vst v63  }
0xa1: {  	s0 =	sadd.s32 s3, s1;
	s1 =	sand.u32 $0x1FFFFFF0, s7;
	s7 =	spop (v2sf)  }
0xa2: {  	[tilespmem:s6], [sflag:$0x1] =	stream.linear.gather [hbm4b:s0+s2], $0x80, $0x38;
	[tilespmem:$0x10600] =	vst v63  }
0xa3: {  	s0 =	sadd.s32 s3, s5;
	s5 =	sand.u32 $0x1FFFFFF0, s7;
	s6 =	spop (v2sf)  }
0xa4: {  	[tilespmem:s29], [sflag:$0x1] =	stream.linear.gather [hbm4b:s0+s2], $0x80, $0x38;
	[tilespmem:$0x10600] =	vst v63  }
0xa5: {  	s0 =	sadd.s32 s3, s1;
	s1 =	sand.u32 $0x1FFFFFF0, s6;
	s6 =	spop (v2sf)  }
0xa6: {  	[tilespmem:s28], [sflag:$0x1] =	stream.linear.gather [hbm4b:s0+s2], $0x80, $0x38;
	[tilespmem:$0x10600] =	vst v63  }
0xa7: {  	s0 =	sadd.s32 s3, s5;
	s5 =	sand.u32 $0x1FFFFFF0, s6;
	s6 =	spop (v2sf)  }
0xa8: {  	[tilespmem:s30], [sflag:$0x1] =	stream.linear.gather [hbm4b:s0+s2], $0x80, $0x38;
	[tilespmem:$0x10600] =	vst v63  }
0xa9: {  	s0 =	sadd.s32 s3, s1;
	s1 =	sand.u32 $0x1FFFFFF0, s6;
	s6 =	spop (v2sf)  }
0xaa: {  	[tilespmem:s26], [sflag:$0x1] =	stream.linear.gather [hbm4b:s0+s2], $0x80, $0x38;
	[tilespmem:$0x10600] =	vst v63  }
0xab: {  	s0 =	sadd.s32 s3, s5;
	s5 =	sand.u32 $0x1FFFFFF0, s6;
	s6 =	spop (v2sf)  }
0xac: {  	[tilespmem:s25], [sflag:$0x1] =	stream.linear.gather [hbm4b:s0+s2], $0x80, $0x38;
	[tilespmem:$0x10600] =	vst v63  }
0xad: {  	s0 =	sadd.s32 s3, s1;
	s1 =	sand.u32 $0x1FFFFFF0, s6;
	s6 =	spop (v2sf)  }
0xae: {  	[tilespmem:s23], [sflag:$0x1] =	stream.linear.gather [hbm4b:s0+s2], $0x80, $0x38;
	[tilespmem:$0x10600] =	vst v63  }
0xaf: {  	s0 =	sadd.s32 s3, s5;
	s5 =	sand.u32 $0x1FFFFFF0, s6  }
0xb0: {  	[tilespmem:s24], [sflag:$0x1] =	stream.linear.gather [hbm4b:s0+s2], $0x80, $0x38;
	[tilespmem:$0x10600] =	vst v63  }
0xb1: {  	s1 =	sadd.s32 s3, s1;
	s0 =	sadd.s32 $0x4D00, s19  }
0xb2: {  	[tilespmem:s0], [sflag:$0x1] =	stream.linear.gather [hbm4b:s1+s2], $0x80, $0x38;
	[tilespmem:$0x10600] =	vst v63  }
0xb3: {  	s0 =	sadd.s32 $0x4D80, s19;
	s1 =	sadd.s32 s3, s5  }
0xb4: {  	[tilespmem:s0], [sflag:$0x1] =	stream.linear.gather [hbm4b:s1+s2], $0x80, $0x38;
	[tilespmem:$0x10600] =	vst v63  }
0xb5: {  	v0 =	vld [tilespmem:s20+$0x0];
	_ =	sdelay $0x4  }
0xb6: {  	v0 =	vshll.u32 v0, $0x4  }
0xb7: {  	(v2sf) =	vpush v0, $0x0  }
0xb8: {  	(v2sf) =	vpush v0, $0x1  }
0xb9: {  	(v2sf) =	vpush v0, $0x2;
	_ =	sdelay $0x1  }
0xba: {  	(v2sf) =	vpush v0, $0x4  }
.Ltmp1:
0xbb: {  	(pc) =	sbr.rel @p0 .LBB2_4-.Ltmp1, $3  }
0xbc: {  	(v2sf) =	vpush v0, $0x3  }
0xbd: {  	(v2sf) =	vpush v0, $0x5;
	_ =	sdelay $0x1  }
0xbe: {  	s19 =	sshra.s32 s22, $0x2;
	(v2sf) =	vpush v0, $0x6  }
0xbf: {  	_ =	sdelay $0x1  }
0xc0: {  	s0 =	sadd.s32 $0x4680, s19;
	s22 =	sadd.s32 $0x4B80, s19  }
0xc1: {  	s1 =	sadd.s32 $0x4980, s19;
	s20 =	sadd.s32 $0x4C00, s19;
	(v2sf) =	vpush v0, $0x7;
	s5 =	sadd.s32 $0x4880, s19  }
0xc2: {  	s6 =	sadd.s32 $0x4A00, s19;
	s21 =	sadd.s32 $0x4C80, s19;
	s7 =	sadd.s32 $0x4600, s19  }
0xc3: {  	s8 =	sadd.s32 $0x4800, s19;
	s13 =	sadd.s32 $0x4900, s19;
	(v2sf) =	vpush v0, $0x8;
	s14 =	spop (v2sf)  }
0xc4: {  	s23 =	sadd.s32 $0x4700, s19;
	s14 =	sand.u32 $0x1FFFFFF0, s14;
	s24 =	spop (v2sf)  }
0xc5: {  	(v2sf) =	vpush v0, $0x9;
	s14 =	sadd.s32 s3, s14;
	s24 =	sand.u32 $0x1FFFFFF0, s24;
	s25 =	spop (v2sf)  }
0xc6: {  	[tilespmem:s7], [sflag:$0x1] =	stream.linear.gather [hbm4b:s14+s2], $0x80, $0x38;
	[tilespmem:$0x10600] =	vst v63  }
0xc7: {  	(v2sf) =	vpush v0, $0xA;
	s26 =	sadd.s32 s3, s24;
	s29 =	sand.u32 $0x1FFFFFF0, s25;
	s28 =	spop (v2sf)  }
0xc8: {  	[tilespmem:s0], [sflag:$0x1] =	stream.linear.gather [hbm4b:s26+s2], $0x80, $0x38;
	[tilespmem:$0x10600] =	vst v63  }
0xc9: {  	s7 =	sadd.s32 $0x4B00, s19;
	(v2sf) =	vpush v0, $0xB;
	s14 =	sadd.s32 s3, s29;
	s30 =	spop (v2sf)  }
0xca: {  	s0 =	sadd.s32 $0x4A80, s19;
	s26 =	sadd.s32 $0x4780, s19;
	s25 =	sand.u32 $0x1FFFFFF0, s30  }
0xcb: {  	(v2sf) =	vpush v0, $0xC;
	[tilespmem:s23], [sflag:$0x1] =	stream.linear.gather [hbm4b:s14+s2], $0x80, $0x38;
	[tilespmem:$0x10600] =	vst v63  }
0xcc: {  	s31 =	sand.u32 $0x1FFFFFF0, s28;
	s28 =	spop (v2sf);
	s29 =	sadd.s32 s3, s25  }
0xcd: {  	(v2sf) =	vpush v0, $0xD;
	[tilespmem:s26], [sflag:$0x1] =	stream.linear.gather [hbm4b:s29+s2], $0x80, $0x38;
	[tilespmem:$0x10600] =	vst v63  }
0xce: {  	s14 =	sadd.s32 s3, s31;
	s23 =	sand.u32 $0x1FFFFFF0, s28;
	s30 =	spop (v2sf)  }
0xcf: {  	(v2sf) =	vpush v0, $0xE;
	[tilespmem:s8], [sflag:$0x1] =	stream.linear.gather [hbm4b:s14+s2], $0x80, $0x38;
	[tilespmem:$0x10600] =	vst v63  }
0xd0: {  	s23 =	sadd.s32 s3, s23;
	s31 =	sand.u32 $0x1FFFFFF0, s30;
	s24 =	spop (v2sf)  }
0xd1: {  	(v2sf) =	vpush v0, $0xF;
	[tilespmem:s5], [sflag:$0x1] =	stream.linear.gather [hbm4b:s23+s2], $0x80, $0x38;
	[tilespmem:$0x10600] =	vst v63  }
0xd2: {  	s25 =	sand.u32 $0x1FFFFFF0, s24;
	s26 =	spop (v2sf);
	s8 =	sadd.s32 s3, s31  }
0xd3: {  	[tilespmem:s13], [sflag:$0x1] =	stream.linear.gather [hbm4b:s8+s2], $0x80, $0x38;
	[tilespmem:$0x10600] =	vst v63  }
0xd4: {  	s28 =	sand.u32 $0x1FFFFFF0, s26;
	s5 =	sadd.s32 s3, s25;
	s29 =	spop (v2sf)  }
0xd5: {  	[tilespmem:s1], [sflag:$0x1] =	stream.linear.gather [hbm4b:s5+s2], $0x80, $0x38;
	[tilespmem:$0x10600] =	vst v63  }
0xd6: {  	s8 =	sadd.s32 s3, s28;
	s30 =	sand.u32 $0x1FFFFFF0, s29;
	s31 =	spop (v2sf)  }
0xd7: {  	[tilespmem:s6], [sflag:$0x1] =	stream.linear.gather [hbm4b:s8+s2], $0x80, $0x38;
	[tilespmem:$0x10600] =	vst v63  }
0xd8: {  	s5 =	sand.u32 $0x1FFFFFF0, s31;
	s1 =	sadd.s32 s3, s30;
	s8 =	spop (v2sf)  }
0xd9: {  	[tilespmem:s0], [sflag:$0x1] =	stream.linear.gather [hbm4b:s1+s2], $0x80, $0x38;
	[tilespmem:$0x10600] =	vst v63  }
0xda: {  	s5 =	sadd.s32 s3, s5;
	s13 =	sand.u32 $0x1FFFFFF0, s8;
	s14 =	spop (v2sf)  }
0xdb: {  	[tilespmem:s7], [sflag:$0x1] =	stream.linear.gather [hbm4b:s5+s2], $0x80, $0x38;
	[tilespmem:$0x10600] =	vst v63  }
0xdc: {  	s0 =	sadd.s32 s3, s13;
	s1 =	sand.u32 $0x1FFFFFF0, s14;
	s23 =	spop (v2sf)  }
0xdd: {  	[tilespmem:s22], [sflag:$0x1] =	stream.linear.gather [hbm4b:s0+s2], $0x80, $0x38;
	[tilespmem:$0x10600] =	vst v63  }
0xde: {  	s24 =	sand.u32 $0x1FFFFFF0, s23;
	s1 =	sadd.s32 s3, s1;
	s25 =	spop (v2sf)  }
0xdf: {  	[tilespmem:s20], [sflag:$0x1] =	stream.linear.gather [hbm4b:s1+s2], $0x80, $0x38;
	[tilespmem:$0x10600] =	vst v63  }
0xe0: {  	s26 =	sand.u32 $0x1FFFFFF0, s25;
	s28 =	spop (v2sf);
	s0 =	sadd.s32 s3, s24  }
0xe1: {  	[tilespmem:s21], [sflag:$0x1] =	stream.linear.gather [hbm4b:s0+s2], $0x80, $0x38;
	[tilespmem:$0x10600] =	vst v63  }
0xe2: {  	s30 =	sadd.s32 $0x4D00, s19;
	s29 =	sand.u32 $0x1FFFFFF0, s28;
	s1 =	sadd.s32 s3, s26  }
0xe3: {  	[tilespmem:s30], [sflag:$0x1] =	stream.linear.gather [hbm4b:s1+s2], $0x80, $0x38;
	[tilespmem:$0x10600] =	vst v63  }
0xe4: {  	s31 =	sadd.s32 $0x4D80, s19;
	s0 =	sadd.s32 s3, s29  }
0xe5: {  	[tilespmem:s31], [sflag:$0x1] =	stream.linear.gather [hbm4b:s0+s2], $0x80, $0x38;
	[tilespmem:$0x10600] =	vst v63  }
0xe6: {  	_ =	swait.ge [sflag:s15], $0x4000  }
0xe7: {  	[sflag:s15] =	ssyncset.done $0x0  }
0xe8: {  	s20 =	simm.s32 $0x100;
	[sflag:s15] =	ssyncadd.s32 $0xFFFFC000  }
0xe9: {  	v0 =	vld [tilespmem:s20+$0x0];
	_ =	sdelay $0x4  }
0xea: {  	v0 =	vshll.u32 v0, $0x4  }
0xeb: {  	(v2sf) =	vpush v0, $0x0  }
0xec: {  	(v2sf) =	vpush v0, $0x1  }
0xed: {  	(v2sf) =	vpush v0, $0x2;
	_ =	sdelay $0x1  }
0xee: {  	(v2sf) =	vpush v0, $0x4;
	_ =	sdelay $0x1  }
0xef: {  	(v2sf) =	vpush v0, $0x3  }
0xf0: {  	(v2sf) =	vpush v0, $0x5  }
0xf1: {  	s19 =	simm.s32 $0x0;
	s21 =	simm.s32 $0x2000;
	(v2sf) =	vpush v0, $0x6  }
.LBB2_6:
0xf2: {  	p0 =	sne.s32 s21, $0xE000  }
0xf3: {  	s0 =	sadd.s32 $0x8680, s19;
	s25 =	sadd.s32 $0x8B80, s19;
	s22 =	smov.u32 s21  }
0xf4: {  	s21 =	sadd.s32 $0x2000, s21;
	s29 =	sadd.s32 $0x8980, s19;
	s23 =	sadd.s32 $0x8C00, s19;
	(v2sf) =	vpush v0, $0x7  }
0xf5: {  	s31 =	sadd.s32 $0x8880, s19;
	s28 =	sadd.s32 $0x8A00, s19;
	s24 =	sadd.s32 $0x8C80, s19  }
0xf6: {  	s1 =	sadd.s32 $0x8600, s19;
	s5 =	sadd.s32 $0x8800, s19;
	(v2sf) =	vpush v0, $0x8  }
0xf7: {  	s6 =	sadd.s32 $0x8900, s19;
	s20 =	sadd.s32 $0x10, s20  }
0xf8: {  	s7 =	sadd.s32 $0x8700, s19;
	s26 =	sadd.s32 $0x8B00, s19;
	s8 =	spop (v2sf);
	(v2sf) =	vpush v0, $0x9  }
0xf9: {  	s30 =	sadd.s32 $0x8A80, s19;
	s8 =	sand.u32 $0x1FFFFFF0, s8;
	s13 =	spop (v2sf)  }
0xfa: {  	s8 =	sadd.s32 s3, s8;
	s13 =	sand.u32 $0x1FFFFFF0, s13;
	s14 =	spop (v2sf);
	(v2sf) =	vpush v0, $0xA  }
0xfb: {  	[tilespmem:s1], [sflag:$0x1] =	stream.linear.gather [hbm4b:s8+s2], $0x80, $0x38;
	[tilespmem:$0x10600] =	vst v63  }
0xfc: {  	s1 =	sadd.s32 s3, s13;
	s8 =	sadd.s32 $0x8780, s19;
	s13 =	spop (v2sf);
	(v2sf) =	vpush v0, $0xB  }
0xfd: {  	[tilespmem:s0], [sflag:$0x1] =	stream.linear.gather [hbm4b:s1+s2], $0x80, $0x38;
	[tilespmem:$0x10600] =	vst v63  }
0xfe: {  	s0 =	sand.u32 $0x1FFFFFF0, s14;
	s1 =	sand.u32 $0x1FFFFFF0, s13;
	s13 =	spop (v2sf);
	(v2sf) =	vpush v0, $0xC  }
0xff: {  	s0 =	sadd.s32 s3, s0;
	s13 =	sand.u32 $0x1FFFFFF0, s13;
	s14 =	spop (v2sf)  }
0x100: {  	[tilespmem:s7], [sflag:$0x1] =	stream.linear.gather [hbm4b:s0+s2], $0x80, $0x38;
	(v2sf) =	vpush v0, $0xD;
	[tilespmem:$0x10600] =	vst v63  }
0x101: {  	s0 =	sadd.s32 s3, s13;
	s7 =	sand.u32 $0x1FFFFFF0, s14;
	s13 =	spop (v2sf)  }
0x102: {  	[tilespmem:s8], [sflag:$0x1] =	stream.linear.gather [hbm4b:s0+s2], $0x80, $0x38;
	(v2sf) =	vpush v0, $0xE;
	[tilespmem:$0x10600] =	vst v63  }
0x103: {  	s0 =	sadd.s32 s3, s1;
	s1 =	sand.u32 $0x1FFFFFF0, s13;
	s8 =	spop (v2sf)  }
0x104: {  	[tilespmem:s5], [sflag:$0x1] =	stream.linear.gather [hbm4b:s0+s2], $0x80, $0x38;
	(v2sf) =	vpush v0, $0xF;
	[tilespmem:$0x10600] =	vst v63  }
0x105: {  	s0 =	sadd.s32 s3, s7;
	s5 =	sand.u32 $0x1FFFFFF0, s8;
	s7 =	spop (v2sf)  }
0x106: {  	[tilespmem:s31], [sflag:$0x1] =	stream.linear.gather [hbm4b:s0+s2], $0x80, $0x38;
	[tilespmem:$0x10600] =	vst v63  }
0x107: {  	s0 =	sadd.s32 s3, s1;
	s1 =	sand.u32 $0x1FFFFFF0, s7;
	s7 =	spop (v2sf)  }
0x108: {  	[tilespmem:s6], [sflag:$0x1] =	stream.linear.gather [hbm4b:s0+s2], $0x80, $0x38;
	[tilespmem:$0x10600] =	vst v63  }
0x109: {  	s0 =	sadd.s32 s3, s5;
	s5 =	sand.u32 $0x1FFFFFF0, s7;
	s6 =	spop (v2sf)  }
0x10a: {  	[tilespmem:s29], [sflag:$0x1] =	stream.linear.gather [hbm4b:s0+s2], $0x80, $0x38;
	[tilespmem:$0x10600] =	vst v63  }
0x10b: {  	s0 =	sadd.s32 s3, s1;
	s1 =	sand.u32 $0x1FFFFFF0, s6;
	s6 =	spop (v2sf)  }
0x10c: {  	[tilespmem:s28], [sflag:$0x1] =	stream.linear.gather [hbm4b:s0+s2], $0x80, $0x38;
	[tilespmem:$0x10600] =	vst v63  }
0x10d: {  	s0 =	sadd.s32 s3, s5;
	s5 =	sand.u32 $0x1FFFFFF0, s6;
	s6 =	spop (v2sf)  }
0x10e: {  	[tilespmem:s30], [sflag:$0x1] =	stream.linear.gather [hbm4b:s0+s2], $0x80, $0x38;
	[tilespmem:$0x10600] =	vst v63  }
0x10f: {  	s0 =	sadd.s32 s3, s1;
	s1 =	sand.u32 $0x1FFFFFF0, s6;
	s6 =	spop (v2sf)  }
0x110: {  	[tilespmem:s26], [sflag:$0x1] =	stream.linear.gather [hbm4b:s0+s2], $0x80, $0x38;
	[tilespmem:$0x10600] =	vst v63  }
0x111: {  	s0 =	sadd.s32 s3, s5;
	s5 =	sand.u32 $0x1FFFFFF0, s6;
	s6 =	spop (v2sf)  }
0x112: {  	[tilespmem:s25], [sflag:$0x1] =	stream.linear.gather [hbm4b:s0+s2], $0x80, $0x38;
	[tilespmem:$0x10600] =	vst v63  }
0x113: {  	s0 =	sadd.s32 s3, s1;
	s1 =	sand.u32 $0x1FFFFFF0, s6;
	s6 =	spop (v2sf)  }
0x114: {  	[tilespmem:s23], [sflag:$0x1] =	stream.linear.gather [hbm4b:s0+s2], $0x80, $0x38;
	[tilespmem:$0x10600] =	vst v63  }
0x115: {  	s0 =	sadd.s32 s3, s5;
	s5 =	sand.u32 $0x1FFFFFF0, s6  }
0x116: {  	[tilespmem:s24], [sflag:$0x1] =	stream.linear.gather [hbm4b:s0+s2], $0x80, $0x38;
	[tilespmem:$0x10600] =	vst v63  }
0x117: {  	s1 =	sadd.s32 s3, s1;
	s0 =	sadd.s32 $0x8D00, s19  }
0x118: {  	[tilespmem:s0], [sflag:$0x1] =	stream.linear.gather [hbm4b:s1+s2], $0x80, $0x38;
	[tilespmem:$0x10600] =	vst v63  }
0x119: {  	s0 =	sadd.s32 $0x8D80, s19;
	s1 =	sadd.s32 s3, s5  }
0x11a: {  	[tilespmem:s0], [sflag:$0x1] =	stream.linear.gather [hbm4b:s1+s2], $0x80, $0x38;
	[tilespmem:$0x10600] =	vst v63  }
0x11b: {  	v0 =	vld [tilespmem:s20+$0x0];
	_ =	sdelay $0x4  }
0x11c: {  	v0 =	vshll.u32 v0, $0x4  }
0x11d: {  	(v2sf) =	vpush v0, $0x0  }
0x11e: {  	(v2sf) =	vpush v0, $0x1  }
0x11f: {  	(v2sf) =	vpush v0, $0x2;
	_ =	sdelay $0x1  }
0x120: {  	(v2sf) =	vpush v0, $0x4  }
.Ltmp2:
0x121: {  	(pc) =	sbr.rel @p0 .LBB2_6-.Ltmp2, $3  }
0x122: {  	(v2sf) =	vpush v0, $0x3  }
0x123: {  	(v2sf) =	vpush v0, $0x5;
	_ =	sdelay $0x1  }
0x124: {  	s19 =	sshra.s32 s22, $0x2;
	(v2sf) =	vpush v0, $0x6  }
0x125: {  	_ =	sdelay $0x1  }
0x126: {  	s0 =	sadd.s32 $0x8680, s19;
	s22 =	sadd.s32 $0x8B80, s19  }
0x127: {  	s1 =	sadd.s32 $0x8980, s19;
	s20 =	sadd.s32 $0x8C00, s19;
	(v2sf) =	vpush v0, $0x7;
	s5 =	sadd.s32 $0x8880, s19  }
0x128: {  	s6 =	sadd.s32 $0x8A00, s19;
	s21 =	sadd.s32 $0x8C80, s19;
	s7 =	sadd.s32 $0x8600, s19  }
0x129: {  	s8 =	sadd.s32 $0x8800, s19;
	s13 =	sadd.s32 $0x8900, s19;
	(v2sf) =	vpush v0, $0x8;
	s14 =	spop (v2sf)  }
0x12a: {  	s23 =	sadd.s32 $0x8700, s19;
	s14 =	sand.u32 $0x1FFFFFF0, s14;
	s24 =	spop (v2sf)  }
0x12b: {  	(v2sf) =	vpush v0, $0x9;
	s14 =	sadd.s32 s3, s14;
	s24 =	sand.u32 $0x1FFFFFF0, s24;
	s25 =	spop (v2sf)  }
0x12c: {  	[tilespmem:s7], [sflag:$0x1] =	stream.linear.gather [hbm4b:s14+s2], $0x80, $0x38;
	[tilespmem:$0x10600] =	vst v63  }
0x12d: {  	(v2sf) =	vpush v0, $0xA;
	s26 =	sadd.s32 s3, s24;
	s29 =	sand.u32 $0x1FFFFFF0, s25;
	s28 =	spop (v2sf)  }
0x12e: {  	[tilespmem:s0], [sflag:$0x1] =	stream.linear.gather [hbm4b:s26+s2], $0x80, $0x38;
	[tilespmem:$0x10600] =	vst v63  }
0x12f: {  	s7 =	sadd.s32 $0x8B00, s19;
	(v2sf) =	vpush v0, $0xB;
	s14 =	sadd.s32 s3, s29;
	s30 =	spop (v2sf)  }
0x130: {  	s0 =	sadd.s32 $0x8A80, s19;
	s26 =	sadd.s32 $0x8780, s19;
	s25 =	sand.u32 $0x1FFFFFF0, s30  }
0x131: {  	(v2sf) =	vpush v0, $0xC;
	[tilespmem:s23], [sflag:$0x1] =	stream.linear.gather [hbm4b:s14+s2], $0x80, $0x38;
	[tilespmem:$0x10600] =	vst v63  }
0x132: {  	s31 =	sand.u32 $0x1FFFFFF0, s28;
	s28 =	spop (v2sf);
	s29 =	sadd.s32 s3, s25  }
0x133: {  	(v2sf) =	vpush v0, $0xD;
	[tilespmem:s26], [sflag:$0x1] =	stream.linear.gather [hbm4b:s29+s2], $0x80, $0x38;
	[tilespmem:$0x10600] =	vst v63  }
0x134: {  	s14 =	sadd.s32 s3, s31;
	s23 =	sand.u32 $0x1FFFFFF0, s28;
	s30 =	spop (v2sf)  }
0x135: {  	(v2sf) =	vpush v0, $0xE;
	[tilespmem:s8], [sflag:$0x1] =	stream.linear.gather [hbm4b:s14+s2], $0x80, $0x38;
	[tilespmem:$0x10600] =	vst v63  }
0x136: {  	s23 =	sadd.s32 s3, s23;
	s31 =	sand.u32 $0x1FFFFFF0, s30;
	s24 =	spop (v2sf)  }
0x137: {  	(v2sf) =	vpush v0, $0xF;
	[tilespmem:s5], [sflag:$0x1] =	stream.linear.gather [hbm4b:s23+s2], $0x80, $0x38;
	[tilespmem:$0x10600] =	vst v63  }
0x138: {  	s25 =	sand.u32 $0x1FFFFFF0, s24;
	s26 =	spop (v2sf);
	s8 =	sadd.s32 s3, s31  }
0x139: {  	[tilespmem:s13], [sflag:$0x1] =	stream.linear.gather [hbm4b:s8+s2], $0x80, $0x38;
	[tilespmem:$0x10600] =	vst v63  }
0x13a: {  	s28 =	sand.u32 $0x1FFFFFF0, s26;
	s5 =	sadd.s32 s3, s25;
	s29 =	spop (v2sf)  }
0x13b: {  	[tilespmem:s1], [sflag:$0x1] =	stream.linear.gather [hbm4b:s5+s2], $0x80, $0x38;
	[tilespmem:$0x10600] =	vst v63  }
0x13c: {  	s8 =	sadd.s32 s3, s28;
	s30 =	sand.u32 $0x1FFFFFF0, s29;
	s31 =	spop (v2sf)  }
0x13d: {  	[tilespmem:s6], [sflag:$0x1] =	stream.linear.gather [hbm4b:s8+s2], $0x80, $0x38;
	[tilespmem:$0x10600] =	vst v63  }
0x13e: {  	s5 =	sand.u32 $0x1FFFFFF0, s31;
	s1 =	sadd.s32 s3, s30;
	s8 =	spop (v2sf)  }
0x13f: {  	[tilespmem:s0], [sflag:$0x1] =	stream.linear.gather [hbm4b:s1+s2], $0x80, $0x38;
	[tilespmem:$0x10600] =	vst v63  }
0x140: {  	s5 =	sadd.s32 s3, s5;
	s13 =	sand.u32 $0x1FFFFFF0, s8;
	s14 =	spop (v2sf)  }
0x141: {  	[tilespmem:s7], [sflag:$0x1] =	stream.linear.gather [hbm4b:s5+s2], $0x80, $0x38;
	[tilespmem:$0x10600] =	vst v63  }
0x142: {  	s0 =	sadd.s32 s3, s13;
	s1 =	sand.u32 $0x1FFFFFF0, s14;
	s23 =	spop (v2sf)  }
0x143: {  	[tilespmem:s22], [sflag:$0x1] =	stream.linear.gather [hbm4b:s0+s2], $0x80, $0x38;
	[tilespmem:$0x10600] =	vst v63  }
0x144: {  	s24 =	sand.u32 $0x1FFFFFF0, s23;
	s1 =	sadd.s32 s3, s1;
	s25 =	spop (v2sf)  }
0x145: {  	[tilespmem:s20], [sflag:$0x1] =	stream.linear.gather [hbm4b:s1+s2], $0x80, $0x38;
	[tilespmem:$0x10600] =	vst v63  }
0x146: {  	s26 =	sand.u32 $0x1FFFFFF0, s25;
	s28 =	spop (v2sf);
	s0 =	sadd.s32 s3, s24  }
0x147: {  	[tilespmem:s21], [sflag:$0x1] =	stream.linear.gather [hbm4b:s0+s2], $0x80, $0x38;
	[tilespmem:$0x10600] =	vst v63  }
0x148: {  	s30 =	sadd.s32 $0x8D00, s19;
	s29 =	sand.u32 $0x1FFFFFF0, s28;
	s1 =	sadd.s32 s3, s26  }
0x149: {  	[tilespmem:s30], [sflag:$0x1] =	stream.linear.gather [hbm4b:s1+s2], $0x80, $0x38;
	[tilespmem:$0x10600] =	vst v63  }
0x14a: {  	s31 =	sadd.s32 $0x8D80, s19;
	s0 =	sadd.s32 s3, s29  }
0x14b: {  	[tilespmem:s31], [sflag:$0x1] =	stream.linear.gather [hbm4b:s0+s2], $0x80, $0x38;
	[tilespmem:$0x10600] =	vst v63  }
0x14c: {  	_ =	swait.ge [sflag:s15], $0x4000  }
0x14d: {  	[sflag:s15] =	ssyncset.done $0x0  }
0x14e: {  	s20 =	simm.s32 $0x180;
	[sflag:s15] =	ssyncadd.s32 $0xFFFFC000  }
0x14f: {  	v0 =	vld [tilespmem:s20+$0x0];
	_ =	sdelay $0x4  }
0x150: {  	v0 =	vshll.u32 v0, $0x4  }
0x151: {  	(v2sf) =	vpush v0, $0x0  }
0x152: {  	(v2sf) =	vpush v0, $0x1  }
0x153: {  	(v2sf) =	vpush v0, $0x2;
	_ =	sdelay $0x1  }
0x154: {  	(v2sf) =	vpush v0, $0x4;
	_ =	sdelay $0x1  }
0x155: {  	(v2sf) =	vpush v0, $0x3  }
0x156: {  	(v2sf) =	vpush v0, $0x5  }
0x157: {  	s19 =	simm.s32 $0x0;
	s21 =	simm.s32 $0x2000;
	(v2sf) =	vpush v0, $0x6  }
.LBB2_8:
0x158: {  	p0 =	sne.s32 s21, $0xE000  }
0x159: {  	s0 =	sadd.s32 $0xC680, s19;
	s25 =	sadd.s32 $0xCB80, s19;
	s22 =	smov.u32 s21  }
0x15a: {  	s21 =	sadd.s32 $0x2000, s21;
	s29 =	sadd.s32 $0xC980, s19;
	s23 =	sadd.s32 $0xCC00, s19;
	(v2sf) =	vpush v0, $0x7  }
0x15b: {  	s31 =	sadd.s32 $0xC880, s19;
	s28 =	sadd.s32 $0xCA00, s19;
	s24 =	sadd.s32 $0xCC80, s19  }
0x15c: {  	s1 =	sadd.s32 $0xC600, s19;
	s5 =	sadd.s32 $0xC800, s19;
	(v2sf) =	vpush v0, $0x8  }
0x15d: {  	s6 =	sadd.s32 $0xC900, s19;
	s20 =	sadd.s32 $0x10, s20  }
0x15e: {  	s7 =	sadd.s32 $0xC700, s19;
	s26 =	sadd.s32 $0xCB00, s19;
	s8 =	spop (v2sf);
	(v2sf) =	vpush v0, $0x9  }
0x15f: {  	s30 =	sadd.s32 $0xCA80, s19;
	s8 =	sand.u32 $0x1FFFFFF0, s8;
	s13 =	spop (v2sf)  }
0x160: {  	s8 =	sadd.s32 s3, s8;
	s13 =	sand.u32 $0x1FFFFFF0, s13;
	s14 =	spop (v2sf);
	(v2sf) =	vpush v0, $0xA  }
0x161: {  	[tilespmem:s1], [sflag:$0x1] =	stream.linear.gather [hbm4b:s8+s2], $0x80, $0x38;
	[tilespmem:$0x10600] =	vst v63  }
0x162: {  	s1 =	sadd.s32 s3, s13;
	s8 =	sadd.s32 $0xC780, s19;
	s13 =	spop (v2sf);
	(v2sf) =	vpush v0, $0xB  }
0x163: {  	[tilespmem:s0], [sflag:$0x1] =	stream.linear.gather [hbm4b:s1+s2], $0x80, $0x38;
	[tilespmem:$0x10600] =	vst v63  }
0x164: {  	s0 =	sand.u32 $0x1FFFFFF0, s14;
	s1 =	sand.u32 $0x1FFFFFF0, s13;
	s13 =	spop (v2sf);
	(v2sf) =	vpush v0, $0xC  }
0x165: {  	s0 =	sadd.s32 s3, s0;
	s13 =	sand.u32 $0x1FFFFFF0, s13;
	s14 =	spop (v2sf)  }
0x166: {  	[tilespmem:s7], [sflag:$0x1] =	stream.linear.gather [hbm4b:s0+s2], $0x80, $0x38;
	(v2sf) =	vpush v0, $0xD;
	[tilespmem:$0x10600] =	vst v63  }
0x167: {  	s0 =	sadd.s32 s3, s13;
	s7 =	sand.u32 $0x1FFFFFF0, s14;
	s13 =	spop (v2sf)  }
0x168: {  	[tilespmem:s8], [sflag:$0x1] =	stream.linear.gather [hbm4b:s0+s2], $0x80, $0x38;
	(v2sf) =	vpush v0, $0xE;
	[tilespmem:$0x10600] =	vst v63  }
0x169: {  	s0 =	sadd.s32 s3, s1;
	s1 =	sand.u32 $0x1FFFFFF0, s13;
	s8 =	spop (v2sf)  }
0x16a: {  	[tilespmem:s5], [sflag:$0x1] =	stream.linear.gather [hbm4b:s0+s2], $0x80, $0x38;
	(v2sf) =	vpush v0, $0xF;
	[tilespmem:$0x10600] =	vst v63  }
0x16b: {  	s0 =	sadd.s32 s3, s7;
	s5 =	sand.u32 $0x1FFFFFF0, s8;
	s7 =	spop (v2sf)  }
0x16c: {  	[tilespmem:s31], [sflag:$0x1] =	stream.linear.gather [hbm4b:s0+s2], $0x80, $0x38;
	[tilespmem:$0x10600] =	vst v63  }
0x16d: {  	s0 =	sadd.s32 s3, s1;
	s1 =	sand.u32 $0x1FFFFFF0, s7;
	s7 =	spop (v2sf)  }
0x16e: {  	[tilespmem:s6], [sflag:$0x1] =	stream.linear.gather [hbm4b:s0+s2], $0x80, $0x38;
	[tilespmem:$0x10600] =	vst v63  }
0x16f: {  	s0 =	sadd.s32 s3, s5;
	s5 =	sand.u32 $0x1FFFFFF0, s7;
	s6 =	spop (v2sf)  }
0x170: {  	[tilespmem:s29], [sflag:$0x1] =	stream.linear.gather [hbm4b:s0+s2], $0x80, $0x38;
	[tilespmem:$0x10600] =	vst v63  }
0x171: {  	s0 =	sadd.s32 s3, s1;
	s1 =	sand.u32 $0x1FFFFFF0, s6;
	s6 =	spop (v2sf)  }
0x172: {  	[tilespmem:s28], [sflag:$0x1] =	stream.linear.gather [hbm4b:s0+s2], $0x80, $0x38;
	[tilespmem:$0x10600] =	vst v63  }
0x173: {  	s0 =	sadd.s32 s3, s5;
	s5 =	sand.u32 $0x1FFFFFF0, s6;
	s6 =	spop (v2sf)  }
0x174: {  	[tilespmem:s30], [sflag:$0x1] =	stream.linear.gather [hbm4b:s0+s2], $0x80, $0x38;
	[tilespmem:$0x10600] =	vst v63  }
0x175: {  	s0 =	sadd.s32 s3, s1;
	s1 =	sand.u32 $0x1FFFFFF0, s6;
	s6 =	spop (v2sf)  }
0x176: {  	[tilespmem:s26], [sflag:$0x1] =	stream.linear.gather [hbm4b:s0+s2], $0x80, $0x38;
	[tilespmem:$0x10600] =	vst v63  }
0x177: {  	s0 =	sadd.s32 s3, s5;
	s5 =	sand.u32 $0x1FFFFFF0, s6;
	s6 =	spop (v2sf)  }
0x178: {  	[tilespmem:s25], [sflag:$0x1] =	stream.linear.gather [hbm4b:s0+s2], $0x80, $0x38;
	[tilespmem:$0x10600] =	vst v63  }
0x179: {  	s0 =	sadd.s32 s3, s1;
	s1 =	sand.u32 $0x1FFFFFF0, s6;
	s6 =	spop (v2sf)  }
0x17a: {  	[tilespmem:s23], [sflag:$0x1] =	stream.linear.gather [hbm4b:s0+s2], $0x80, $0x38;
	[tilespmem:$0x10600] =	vst v63  }
0x17b: {  	s0 =	sadd.s32 s3, s5;
	s5 =	sand.u32 $0x1FFFFFF0, s6  }
0x17c: {  	[tilespmem:s24], [sflag:$0x1] =	stream.linear.gather [hbm4b:s0+s2], $0x80, $0x38;
	[tilespmem:$0x10600] =	vst v63  }
0x17d: {  	s1 =	sadd.s32 s3, s1;
	s0 =	sadd.s32 $0xCD00, s19  }
0x17e: {  	[tilespmem:s0], [sflag:$0x1] =	stream.linear.gather [hbm4b:s1+s2], $0x80, $0x38;
	[tilespmem:$0x10600] =	vst v63  }
0x17f: {  	s0 =	sadd.s32 $0xCD80, s19;
	s1 =	sadd.s32 s3, s5  }
0x180: {  	[tilespmem:s0], [sflag:$0x1] =	stream.linear.gather [hbm4b:s1+s2], $0x80, $0x38;
	[tilespmem:$0x10600] =	vst v63  }
0x181: {  	v0 =	vld [tilespmem:s20+$0x0];
	_ =	sdelay $0x4  }
0x182: {  	v0 =	vshll.u32 v0, $0x4  }
0x183: {  	(v2sf) =	vpush v0, $0x0  }
0x184: {  	(v2sf) =	vpush v0, $0x1  }
0x185: {  	(v2sf) =	vpush v0, $0x2;
	_ =	sdelay $0x1  }
0x186: {  	(v2sf) =	vpush v0, $0x4  }
.Ltmp3:
0x187: {  	(pc) =	sbr.rel @p0 .LBB2_8-.Ltmp3, $3  }
0x188: {  	(v2sf) =	vpush v0, $0x3  }
0x189: {  	(v2sf) =	vpush v0, $0x5;
	_ =	sdelay $0x1  }
0x18a: {  	s19 =	sshra.s32 s22, $0x2;
	(v2sf) =	vpush v0, $0x6  }
0x18b: {  	_ =	sdelay $0x1  }
0x18c: {  	s0 =	sadd.s32 $0xC680, s19;
	s22 =	sadd.s32 $0xCB80, s19  }
0x18d: {  	s1 =	sadd.s32 $0xC980, s19;
	s20 =	sadd.s32 $0xCC00, s19;
	(v2sf) =	vpush v0, $0x7;
	s5 =	sadd.s32 $0xC880, s19  }
0x18e: {  	s6 =	sadd.s32 $0xCA00, s19;
	s21 =	sadd.s32 $0xCC80, s19;
	s7 =	sadd.s32 $0xC600, s19  }
0x18f: {  	s8 =	sadd.s32 $0xC800, s19;
	s13 =	sadd.s32 $0xC900, s19;
	(v2sf) =	vpush v0, $0x8;
	s14 =	spop (v2sf)  }
0x190: {  	s23 =	sadd.s32 $0xC700, s19;
	s14 =	sand.u32 $0x1FFFFFF0, s14;
	s24 =	spop (v2sf)  }
0x191: {  	(v2sf) =	vpush v0, $0x9;
	s14 =	sadd.s32 s3, s14;
	s24 =	sand.u32 $0x1FFFFFF0, s24;
	s25 =	spop (v2sf)  }
0x192: {  	[tilespmem:s7], [sflag:$0x1] =	stream.linear.gather [hbm4b:s14+s2], $0x80, $0x38;
	[tilespmem:$0x10600] =	vst v63  }
0x193: {  	s26 =	sadd.s32 $0xC780, s19;
	(v2sf) =	vpush v0, $0xA;
	s30 =	sadd.s32 s3, s24;
	s31 =	spop (v2sf)  }
0x194: {  	[tilespmem:s0], [sflag:$0x1] =	stream.linear.gather [hbm4b:s30+s2], $0x80, $0x38;
	[tilespmem:$0x10600] =	vst v63  }
0x195: {  	s7 =	sadd.s32 $0xCB00, s19;
	s28 =	sand.u32 $0x1FFFFFF0, s25;
	(v2sf) =	vpush v0, $0xB;
	s29 =	spop (v2sf)  }
0x196: {  	s14 =	sadd.s32 s3, s28;
	s0 =	sadd.s32 $0xCA80, s19;
	s25 =	sand.u32 $0x1FFFFFF0, s29  }
0x197: {  	(v2sf) =	vpush v0, $0xC;
	[tilespmem:s23], [sflag:$0x1] =	stream.linear.gather [hbm4b:s14+s2], $0x80, $0x38;
	[tilespmem:$0x10600] =	vst v63  }
0x198: {  	s30 =	sand.u32 $0x1FFFFFF0, s31;
	s31 =	spop (v2sf);
	s28 =	sadd.s32 s3, s25  }
0x199: {  	(v2sf) =	vpush v0, $0xD;
	[tilespmem:s26], [sflag:$0x1] =	stream.linear.gather [hbm4b:s28+s2], $0x80, $0x38;
	[tilespmem:$0x10600] =	vst v63  }
0x19a: {  	s14 =	sadd.s32 s3, s30;
	s23 =	sand.u32 $0x1FFFFFF0, s31;
	s29 =	spop (v2sf)  }
0x19b: {  	(v2sf) =	vpush v0, $0xE;
	[tilespmem:s8], [sflag:$0x1] =	stream.linear.gather [hbm4b:s14+s2], $0x80, $0x38;
	[tilespmem:$0x10600] =	vst v63  }
0x19c: {  	s23 =	sadd.s32 s3, s23;
	s30 =	sand.u32 $0x1FFFFFF0, s29;
	s31 =	spop (v2sf)  }
0x19d: {  	(v2sf) =	vpush v0, $0xF;
	[tilespmem:s5], [sflag:$0x1] =	stream.linear.gather [hbm4b:s23+s2], $0x80, $0x38;
	[tilespmem:$0x10600] =	vst v63  }
0x19e: {  	s24 =	sand.u32 $0x1FFFFFF0, s31;
	s25 =	spop (v2sf);
	s8 =	sadd.s32 s3, s30  }
0x19f: {  	[tilespmem:s13], [sflag:$0x1] =	stream.linear.gather [hbm4b:s8+s2], $0x80, $0x38;
	[tilespmem:$0x10600] =	vst v63  }
0x1a0: {  	s26 =	sand.u32 $0x1FFFFFF0, s25;
	s5 =	sadd.s32 s3, s24;
	s28 =	spop (v2sf)  }
0x1a1: {  	[tilespmem:s1], [sflag:$0x1] =	stream.linear.gather [hbm4b:s5+s2], $0x80, $0x38;
	[tilespmem:$0x10600] =	vst v63  }
0x1a2: {  	s8 =	sadd.s32 s3, s26;
	s29 =	sand.u32 $0x1FFFFFF0, s28;
	s30 =	spop (v2sf)  }
0x1a3: {  	[tilespmem:s6], [sflag:$0x1] =	stream.linear.gather [hbm4b:s8+s2], $0x80, $0x38;
	[tilespmem:$0x10600] =	vst v63  }
0x1a4: {  	s5 =	sand.u32 $0x1FFFFFF0, s30;
	s1 =	sadd.s32 s3, s29;
	s31 =	spop (v2sf)  }
0x1a5: {  	[tilespmem:s0], [sflag:$0x1] =	stream.linear.gather [hbm4b:s1+s2], $0x80, $0x38;
	[tilespmem:$0x10600] =	vst v63  }
0x1a6: {  	s5 =	sadd.s32 s3, s5;
	s8 =	sand.u32 $0x1FFFFFF0, s31;
	s13 =	spop (v2sf)  }
0x1a7: {  	[tilespmem:s7], [sflag:$0x1] =	stream.linear.gather [hbm4b:s5+s2], $0x80, $0x38;
	[tilespmem:$0x10600] =	vst v63  }
0x1a8: {  	s0 =	sadd.s32 s3, s8;
	s1 =	sand.u32 $0x1FFFFFF0, s13;
	s14 =	spop (v2sf)  }
0x1a9: {  	[tilespmem:s22], [sflag:$0x1] =	stream.linear.gather [hbm4b:s0+s2], $0x80, $0x38;
	[tilespmem:$0x10600] =	vst v63  }
0x1aa: {  	s1 =	sadd.s32 s3, s1;
	s23 =	spop (v2sf);
	s22 =	sand.u32 $0x1FFFFFF0, s14  }
0x1ab: {  	[tilespmem:s20], [sflag:$0x1] =	stream.linear.gather [hbm4b:s1+s2], $0x80, $0x38;
	[tilespmem:$0x10600] =	vst v63  }
0x1ac: {  	s24 =	sand.u32 $0x1FFFFFF0, s23;
	s25 =	spop (v2sf);
	s0 =	sadd.s32 s3, s22  }
0x1ad: {  	[tilespmem:s21], [sflag:$0x1] =	stream.linear.gather [hbm4b:s0+s2], $0x80, $0x38;
	[tilespmem:$0x10600] =	vst v63  }
0x1ae: {  	s28 =	sadd.s32 $0xCD00, s19;
	s26 =	sand.u32 $0x1FFFFFF0, s25;
	s1 =	sadd.s32 s3, s24  }
0x1af: {  	[tilespmem:s28], [sflag:$0x1] =	stream.linear.gather [hbm4b:s1+s2], $0x80, $0x38;
	[tilespmem:$0x10600] =	vst v63  }
0x1b0: {  	s29 =	sadd.s32 $0xCD80, s19;
	s0 =	sadd.s32 s3, s26  }
0x1b1: {  	[tilespmem:s29], [sflag:$0x1] =	stream.linear.gather [hbm4b:s0+s2], $0x80, $0x38;
	[tilespmem:$0x10600] =	vst v63  }
0x1b2: {  	_ =	swait.ge [sflag:s15], $0x4000  }
0x1b3: {  	[sflag:s15] =	ssyncset.done $0x0  }
0x1b4: {  	s30 =	simm.s32 $0x0;
	s31 =	rddreg [dreg:$0x8];
	[sflag:s15] =	ssyncadd.s32 $0xFFFFC000  }
0x1b5: {  	[hbm4b:s31+s30] =	stream.linear.scatter [tilespmem:s16], [sflag:$0x2], $0x10000, $0x38;
	[tilespmem:$0x10600] =	vst v63  }
0x1b6: {  	_ =	swait.ge [sflag:s17], $0x10000  }
0x1b7: {  	[sflag:s17] =	ssyncset.done $0x0  }
0x1b8: {  	s20 =	simm.s32 $0x200;
	[sflag:s17] =	ssyncadd.s32 $0xFFFF0000  }
0x1b9: {  	v0 =	vld [tilespmem:s20+$0x0];
	_ =	sdelay $0x4  }
0x1ba: {  	v0 =	vshll.u32 v0, $0x4  }
0x1bb: {  	(v2sf) =	vpush v0, $0x0  }
0x1bc: {  	(v2sf) =	vpush v0, $0x1  }
0x1bd: {  	(v2sf) =	vpush v0, $0x2;
	_ =	sdelay $0x1  }
0x1be: {  	(v2sf) =	vpush v0, $0x4;
	_ =	sdelay $0x1  }
0x1bf: {  	(v2sf) =	vpush v0, $0x3  }
0x1c0: {  	(v2sf) =	vpush v0, $0x5  }
0x1c1: {  	s19 =	simm.s32 $0x0;
	s21 =	simm.s32 $0x2000;
	(v2sf) =	vpush v0, $0x6  }
.LBB2_10:
0x1c2: {  	p0 =	sne.s32 s21, $0xE000  }
0x1c3: {  	s0 =	sadd.s32 $0x680, s19;
	s25 =	sadd.s32 $0xB80, s19;
	s22 =	smov.u32 s21  }
0x1c4: {  	s21 =	sadd.s32 $0x2000, s21;
	s29 =	sadd.s32 $0x980, s19;
	s23 =	sadd.s32 $0xC00, s19;
	(v2sf) =	vpush v0, $0x7  }
0x1c5: {  	s31 =	sadd.s32 $0x880, s19;
	s28 =	sadd.s32 $0xA00, s19;
	s24 =	sadd.s32 $0xC80, s19  }
0x1c6: {  	s1 =	sadd.s32 $0x600, s19;
	s5 =	sadd.s32 $0x800, s19;
	(v2sf) =	vpush v0, $0x8  }
0x1c7: {  	s6 =	sadd.s32 $0x900, s19;
	s20 =	sadd.s32 $0x10, s20  }
0x1c8: {  	s7 =	sadd.s32 $0x700, s19;
	s26 =	sadd.s32 $0xB00, s19;
	s8 =	spop (v2sf);
	(v2sf) =	vpush v0, $0x9  }
0x1c9: {  	s30 =	sadd.s32 $0xA80, s19;
	s8 =	sand.u32 $0x1FFFFFF0, s8;
	s13 =	spop (v2sf)  }
0x1ca: {  	s8 =	sadd.s32 s4, s8;
	s13 =	sand.u32 $0x1FFFFFF0, s13;
	s14 =	spop (v2sf);
	(v2sf) =	vpush v0, $0xA  }
0x1cb: {  	[tilespmem:s1], [sflag:$0x1] =	stream.linear.gather [hbm4b:s8+s2], $0x80, $0x38;
	[tilespmem:$0x10600] =	vst v63  }
0x1cc: {  	s1 =	sadd.s32 s4, s13;
	s8 =	sadd.s32 $0x780, s19;
	s13 =	spop (v2sf);
	(v2sf) =	vpush v0, $0xB  }
0x1cd: {  	[tilespmem:s0], [sflag:$0x1] =	stream.linear.gather [hbm4b:s1+s2], $0x80, $0x38;
	[tilespmem:$0x10600] =	vst v63  }
0x1ce: {  	s0 =	sand.u32 $0x1FFFFFF0, s14;
	s1 =	sand.u32 $0x1FFFFFF0, s13;
	s13 =	spop (v2sf);
	(v2sf) =	vpush v0, $0xC  }
0x1cf: {  	s0 =	sadd.s32 s4, s0;
	s13 =	sand.u32 $0x1FFFFFF0, s13;
	s14 =	spop (v2sf)  }
0x1d0: {  	[tilespmem:s7], [sflag:$0x1] =	stream.linear.gather [hbm4b:s0+s2], $0x80, $0x38;
	(v2sf) =	vpush v0, $0xD;
	[tilespmem:$0x10600] =	vst v63  }
0x1d1: {  	s0 =	sadd.s32 s4, s13;
	s7 =	sand.u32 $0x1FFFFFF0, s14;
	s13 =	spop (v2sf)  }
0x1d2: {  	[tilespmem:s8], [sflag:$0x1] =	stream.linear.gather [hbm4b:s0+s2], $0x80, $0x38;
	(v2sf) =	vpush v0, $0xE;
	[tilespmem:$0x10600] =	vst v63  }
0x1d3: {  	s0 =	sadd.s32 s4, s1;
	s1 =	sand.u32 $0x1FFFFFF0, s13;
	s8 =	spop (v2sf)  }
0x1d4: {  	[tilespmem:s5], [sflag:$0x1] =	stream.linear.gather [hbm4b:s0+s2], $0x80, $0x38;
	(v2sf) =	vpush v0, $0xF;
	[tilespmem:$0x10600] =	vst v63  }
0x1d5: {  	s0 =	sadd.s32 s4, s7;
	s5 =	sand.u32 $0x1FFFFFF0, s8;
	s7 =	spop (v2sf)  }
0x1d6: {  	[tilespmem:s31], [sflag:$0x1] =	stream.linear.gather [hbm4b:s0+s2], $0x80, $0x38;
	[tilespmem:$0x10600] =	vst v63  }
0x1d7: {  	s0 =	sadd.s32 s4, s1;
	s1 =	sand.u32 $0x1FFFFFF0, s7;
	s7 =	spop (v2sf)  }
0x1d8: {  	[tilespmem:s6], [sflag:$0x1] =	stream.linear.gather [hbm4b:s0+s2], $0x80, $0x38;
	[tilespmem:$0x10600] =	vst v63  }
0x1d9: {  	s0 =	sadd.s32 s4, s5;
	s5 =	sand.u32 $0x1FFFFFF0, s7;
	s6 =	spop (v2sf)  }
0x1da: {  	[tilespmem:s29], [sflag:$0x1] =	stream.linear.gather [hbm4b:s0+s2], $0x80, $0x38;
	[tilespmem:$0x10600] =	vst v63  }
0x1db: {  	s0 =	sadd.s32 s4, s1;
	s1 =	sand.u32 $0x1FFFFFF0, s6;
	s6 =	spop (v2sf)  }
0x1dc: {  	[tilespmem:s28], [sflag:$0x1] =	stream.linear.gather [hbm4b:s0+s2], $0x80, $0x38;
	[tilespmem:$0x10600] =	vst v63  }
0x1dd: {  	s0 =	sadd.s32 s4, s5;
	s5 =	sand.u32 $0x1FFFFFF0, s6;
	s6 =	spop (v2sf)  }
0x1de: {  	[tilespmem:s30], [sflag:$0x1] =	stream.linear.gather [hbm4b:s0+s2], $0x80, $0x38;
	[tilespmem:$0x10600] =	vst v63  }
0x1df: {  	s0 =	sadd.s32 s4, s1;
	s1 =	sand.u32 $0x1FFFFFF0, s6;
	s6 =	spop (v2sf)  }
0x1e0: {  	[tilespmem:s26], [sflag:$0x1] =	stream.linear.gather [hbm4b:s0+s2], $0x80, $0x38;
	[tilespmem:$0x10600] =	vst v63  }
0x1e1: {  	s0 =	sadd.s32 s4, s5;
	s5 =	sand.u32 $0x1FFFFFF0, s6;
	s6 =	spop (v2sf)  }
0x1e2: {  	[tilespmem:s25], [sflag:$0x1] =	stream.linear.gather [hbm4b:s0+s2], $0x80, $0x38;
	[tilespmem:$0x10600] =	vst v63  }
0x1e3: {  	s0 =	sadd.s32 s4, s1;
	s1 =	sand.u32 $0x1FFFFFF0, s6;
	s6 =	spop (v2sf)  }
0x1e4: {  	[tilespmem:s23], [sflag:$0x1] =	stream.linear.gather [hbm4b:s0+s2], $0x80, $0x38;
	[tilespmem:$0x10600] =	vst v63  }
0x1e5: {  	s0 =	sadd.s32 s4, s5;
	s5 =	sand.u32 $0x1FFFFFF0, s6  }
0x1e6: {  	[tilespmem:s24], [sflag:$0x1] =	stream.linear.gather [hbm4b:s0+s2], $0x80, $0x38;
	[tilespmem:$0x10600] =	vst v63  }
0x1e7: {  	s1 =	sadd.s32 s4, s1;
	s0 =	sadd.s32 $0xD00, s19  }
0x1e8: {  	[tilespmem:s0], [sflag:$0x1] =	stream.linear.gather [hbm4b:s1+s2], $0x80, $0x38;
	[tilespmem:$0x10600] =	vst v63  }
0x1e9: {  	s0 =	sadd.s32 $0xD80, s19;
	s1 =	sadd.s32 s4, s5  }
0x1ea: {  	[tilespmem:s0], [sflag:$0x1] =	stream.linear.gather [hbm4b:s1+s2], $0x80, $0x38;
	[tilespmem:$0x10600] =	vst v63  }
0x1eb: {  	v0 =	vld [tilespmem:s20+$0x0];
	_ =	sdelay $0x4  }
0x1ec: {  	v0 =	vshll.u32 v0, $0x4  }
0x1ed: {  	(v2sf) =	vpush v0, $0x0  }
0x1ee: {  	(v2sf) =	vpush v0, $0x1  }
0x1ef: {  	(v2sf) =	vpush v0, $0x2;
	_ =	sdelay $0x1  }
0x1f0: {  	(v2sf) =	vpush v0, $0x4  }
.Ltmp4:
0x1f1: {  	(pc) =	sbr.rel @p0 .LBB2_10-.Ltmp4, $3  }
0x1f2: {  	(v2sf) =	vpush v0, $0x3  }
0x1f3: {  	(v2sf) =	vpush v0, $0x5;
	_ =	sdelay $0x1  }
0x1f4: {  	s19 =	sshra.s32 s22, $0x2;
	(v2sf) =	vpush v0, $0x6  }
0x1f5: {  	_ =	sdelay $0x1  }
0x1f6: {  	s0 =	sadd.s32 $0x680, s19;
	s22 =	sadd.s32 $0xB80, s19  }
0x1f7: {  	s1 =	sadd.s32 $0x980, s19;
	s20 =	sadd.s32 $0xC00, s19;
	(v2sf) =	vpush v0, $0x7;
	s5 =	sadd.s32 $0x880, s19  }
0x1f8: {  	s6 =	sadd.s32 $0xA00, s19;
	s21 =	sadd.s32 $0xC80, s19;
	s7 =	sadd.s32 $0x600, s19  }
0x1f9: {  	s8 =	sadd.s32 $0x800, s19;
	s13 =	sadd.s32 $0x900, s19;
	(v2sf) =	vpush v0, $0x8;
	s14 =	spop (v2sf)  }
0x1fa: {  	s23 =	sadd.s32 $0x700, s19;
	s14 =	sand.u32 $0x1FFFFFF0, s14;
	s24 =	spop (v2sf)  }
0x1fb: {  	(v2sf) =	vpush v0, $0x9;
	s14 =	sadd.s32 s4, s14;
	s24 =	sand.u32 $0x1FFFFFF0, s24;
	s25 =	spop (v2sf)  }
0x1fc: {  	[tilespmem:s7], [sflag:$0x1] =	stream.linear.gather [hbm4b:s14+s2], $0x80, $0x38;
	[tilespmem:$0x10600] =	vst v63  }
0x1fd: {  	(v2sf) =	vpush v0, $0xA;
	s26 =	sadd.s32 s4, s24;
	s29 =	sand.u32 $0x1FFFFFF0, s25;
	s28 =	spop (v2sf)  }
0x1fe: {  	[tilespmem:s0], [sflag:$0x1] =	stream.linear.gather [hbm4b:s26+s2], $0x80, $0x38;
	[tilespmem:$0x10600] =	vst v63  }
0x1ff: {  	s7 =	sadd.s32 $0xB00, s19;
	(v2sf) =	vpush v0, $0xB;
	s14 =	sadd.s32 s4, s29;
	s30 =	spop (v2sf)  }
0x200: {  	s0 =	sadd.s32 $0xA80, s19;
	s26 =	sadd.s32 $0x780, s19;
	s25 =	sand.u32 $0x1FFFFFF0, s30  }
0x201: {  	(v2sf) =	vpush v0, $0xC;
	[tilespmem:s23], [sflag:$0x1] =	stream.linear.gather [hbm4b:s14+s2], $0x80, $0x38;
	[tilespmem:$0x10600] =	vst v63  }
0x202: {  	s31 =	sand.u32 $0x1FFFFFF0, s28;
	s28 =	spop (v2sf);
	s29 =	sadd.s32 s4, s25  }
0x203: {  	(v2sf) =	vpush v0, $0xD;
	[tilespmem:s26], [sflag:$0x1] =	stream.linear.gather [hbm4b:s29+s2], $0x80, $0x38;
	[tilespmem:$0x10600] =	vst v63  }
0x204: {  	s14 =	sadd.s32 s4, s31;
	s23 =	sand.u32 $0x1FFFFFF0, s28;
	s30 =	spop (v2sf)  }
0x205: {  	(v2sf) =	vpush v0, $0xE;
	[tilespmem:s8], [sflag:$0x1] =	stream.linear.gather [hbm4b:s14+s2], $0x80, $0x38;
	[tilespmem:$0x10600] =	vst v63  }
0x206: {  	s23 =	sadd.s32 s4, s23;
	s31 =	sand.u32 $0x1FFFFFF0, s30;
	s24 =	spop (v2sf)  }
0x207: {  	(v2sf) =	vpush v0, $0xF;
	[tilespmem:s5], [sflag:$0x1] =	stream.linear.gather [hbm4b:s23+s2], $0x80, $0x38;
	[tilespmem:$0x10600] =	vst v63  }
0x208: {  	s25 =	sand.u32 $0x1FFFFFF0, s24;
	s26 =	spop (v2sf);
	s8 =	sadd.s32 s4, s31  }
0x209: {  	[tilespmem:s13], [sflag:$0x1] =	stream.linear.gather [hbm4b:s8+s2], $0x80, $0x38;
	[tilespmem:$0x10600] =	vst v63  }
0x20a: {  	s28 =	sand.u32 $0x1FFFFFF0, s26;
	s5 =	sadd.s32 s4, s25;
	s29 =	spop (v2sf)  }
0x20b: {  	[tilespmem:s1], [sflag:$0x1] =	stream.linear.gather [hbm4b:s5+s2], $0x80, $0x38;
	[tilespmem:$0x10600] =	vst v63  }
0x20c: {  	s8 =	sadd.s32 s4, s28;
	s30 =	sand.u32 $0x1FFFFFF0, s29;
	s31 =	spop (v2sf)  }
0x20d: {  	[tilespmem:s6], [sflag:$0x1] =	stream.linear.gather [hbm4b:s8+s2], $0x80, $0x38;
	[tilespmem:$0x10600] =	vst v63  }
0x20e: {  	s5 =	sand.u32 $0x1FFFFFF0, s31;
	s1 =	sadd.s32 s4, s30;
	s8 =	spop (v2sf)  }
0x20f: {  	[tilespmem:s0], [sflag:$0x1] =	stream.linear.gather [hbm4b:s1+s2], $0x80, $0x38;
	[tilespmem:$0x10600] =	vst v63  }
0x210: {  	s5 =	sadd.s32 s4, s5;
	s13 =	sand.u32 $0x1FFFFFF0, s8;
	s14 =	spop (v2sf)  }
0x211: {  	[tilespmem:s7], [sflag:$0x1] =	stream.linear.gather [hbm4b:s5+s2], $0x80, $0x38;
	[tilespmem:$0x10600] =	vst v63  }
0x212: {  	s0 =	sadd.s32 s4, s13;
	s1 =	sand.u32 $0x1FFFFFF0, s14;
	s23 =	spop (v2sf)  }
0x213: {  	[tilespmem:s22], [sflag:$0x1] =	stream.linear.gather [hbm4b:s0+s2], $0x80, $0x38;
	[tilespmem:$0x10600] =	vst v63  }
0x214: {  	s24 =	sand.u32 $0x1FFFFFF0, s23;
	s1 =	sadd.s32 s4, s1;
	s25 =	spop (v2sf)  }
0x215: {  	[tilespmem:s20], [sflag:$0x1] =	stream.linear.gather [hbm4b:s1+s2], $0x80, $0x38;
	[tilespmem:$0x10600] =	vst v63  }
0x216: {  	s26 =	sand.u32 $0x1FFFFFF0, s25;
	s28 =	spop (v2sf);
	s0 =	sadd.s32 s4, s24  }
0x217: {  	[tilespmem:s21], [sflag:$0x1] =	stream.linear.gather [hbm4b:s0+s2], $0x80, $0x38;
	[tilespmem:$0x10600] =	vst v63  }
0x218: {  	s30 =	sadd.s32 $0xD00, s19;
	s29 =	sand.u32 $0x1FFFFFF0, s28;
	s1 =	sadd.s32 s4, s26  }
0x219: {  	[tilespmem:s30], [sflag:$0x1] =	stream.linear.gather [hbm4b:s1+s2], $0x80, $0x38;
	[tilespmem:$0x10600] =	vst v63  }
0x21a: {  	s31 =	sadd.s32 $0xD80, s19;
	s0 =	sadd.s32 s4, s29  }
0x21b: {  	[tilespmem:s31], [sflag:$0x1] =	stream.linear.gather [hbm4b:s0+s2], $0x80, $0x38;
	[tilespmem:$0x10600] =	vst v63  }
0x21c: {  	_ =	swait.ge [sflag:s15], $0x4000  }
0x21d: {  	[sflag:s15] =	ssyncset.done $0x0  }
0x21e: {  	s20 =	simm.s32 $0x280;
	[sflag:s15] =	ssyncadd.s32 $0xFFFFC000  }
0x21f: {  	v0 =	vld [tilespmem:s20+$0x0];
	_ =	sdelay $0x4  }
0x220: {  	v0 =	vshll.u32 v0, $0x4  }
0x221: {  	(v2sf) =	vpush v0, $0x0  }
0x222: {  	(v2sf) =	vpush v0, $0x1  }
0x223: {  	(v2sf) =	vpush v0, $0x2;
	_ =	sdelay $0x1  }
0x224: {  	(v2sf) =	vpush v0, $0x4;
	_ =	sdelay $0x1  }
0x225: {  	(v2sf) =	vpush v0, $0x3  }
0x226: {  	(v2sf) =	vpush v0, $0x5  }
0x227: {  	s19 =	simm.s32 $0x0;
	s21 =	simm.s32 $0x2000;
	(v2sf) =	vpush v0, $0x6  }
.LBB2_12:
0x228: {  	p0 =	sne.s32 s21, $0xE000  }
0x229: {  	s0 =	sadd.s32 $0x4680, s19;
	s25 =	sadd.s32 $0x4B80, s19;
	s22 =	smov.u32 s21  }
0x22a: {  	s21 =	sadd.s32 $0x2000, s21;
	s29 =	sadd.s32 $0x4980, s19;
	s23 =	sadd.s32 $0x4C00, s19;
	(v2sf) =	vpush v0, $0x7  }
0x22b: {  	s31 =	sadd.s32 $0x4880, s19;
	s28 =	sadd.s32 $0x4A00, s19;
	s24 =	sadd.s32 $0x4C80, s19  }
0x22c: {  	s1 =	sadd.s32 $0x4600, s19;
	s5 =	sadd.s32 $0x4800, s19;
	(v2sf) =	vpush v0, $0x8  }
0x22d: {  	s6 =	sadd.s32 $0x4900, s19;
	s20 =	sadd.s32 $0x10, s20  }
0x22e: {  	s7 =	sadd.s32 $0x4700, s19;
	s26 =	sadd.s32 $0x4B00, s19;
	s8 =	spop (v2sf);
	(v2sf) =	vpush v0, $0x9  }
0x22f: {  	s30 =	sadd.s32 $0x4A80, s19;
	s8 =	sand.u32 $0x1FFFFFF0, s8;
	s13 =	spop (v2sf)  }
0x230: {  	s8 =	sadd.s32 s4, s8;
	s13 =	sand.u32 $0x1FFFFFF0, s13;
	s14 =	spop (v2sf);
	(v2sf) =	vpush v0, $0xA  }
0x231: {  	[tilespmem:s1], [sflag:$0x1] =	stream.linear.gather [hbm4b:s8+s2], $0x80, $0x38;
	[tilespmem:$0x10600] =	vst v63  }
0x232: {  	s1 =	sadd.s32 s4, s13;
	s8 =	sadd.s32 $0x4780, s19;
	s13 =	spop (v2sf);
	(v2sf) =	vpush v0, $0xB  }
0x233: {  	[tilespmem:s0], [sflag:$0x1] =	stream.linear.gather [hbm4b:s1+s2], $0x80, $0x38;
	[tilespmem:$0x10600] =	vst v63  }
0x234: {  	s0 =	sand.u32 $0x1FFFFFF0, s14;
	s1 =	sand.u32 $0x1FFFFFF0, s13;
	s13 =	spop (v2sf);
	(v2sf) =	vpush v0, $0xC  }
0x235: {  	s0 =	sadd.s32 s4, s0;
	s13 =	sand.u32 $0x1FFFFFF0, s13;
	s14 =	spop (v2sf)  }
0x236: {  	[tilespmem:s7], [sflag:$0x1] =	stream.linear.gather [hbm4b:s0+s2], $0x80, $0x38;
	(v2sf) =	vpush v0, $0xD;
	[tilespmem:$0x10600] =	vst v63  }
0x237: {  	s0 =	sadd.s32 s4, s13;
	s7 =	sand.u32 $0x1FFFFFF0, s14;
	s13 =	spop (v2sf)  }
0x238: {  	[tilespmem:s8], [sflag:$0x1] =	stream.linear.gather [hbm4b:s0+s2], $0x80, $0x38;
	(v2sf) =	vpush v0, $0xE;
	[tilespmem:$0x10600] =	vst v63  }
0x239: {  	s0 =	sadd.s32 s4, s1;
	s1 =	sand.u32 $0x1FFFFFF0, s13;
	s8 =	spop (v2sf)  }
0x23a: {  	[tilespmem:s5], [sflag:$0x1] =	stream.linear.gather [hbm4b:s0+s2], $0x80, $0x38;
	(v2sf) =	vpush v0, $0xF;
	[tilespmem:$0x10600] =	vst v63  }
0x23b: {  	s0 =	sadd.s32 s4, s7;
	s5 =	sand.u32 $0x1FFFFFF0, s8;
	s7 =	spop (v2sf)  }
0x23c: {  	[tilespmem:s31], [sflag:$0x1] =	stream.linear.gather [hbm4b:s0+s2], $0x80, $0x38;
	[tilespmem:$0x10600] =	vst v63  }
0x23d: {  	s0 =	sadd.s32 s4, s1;
	s1 =	sand.u32 $0x1FFFFFF0, s7;
	s7 =	spop (v2sf)  }
0x23e: {  	[tilespmem:s6], [sflag:$0x1] =	stream.linear.gather [hbm4b:s0+s2], $0x80, $0x38;
	[tilespmem:$0x10600] =	vst v63  }
0x23f: {  	s0 =	sadd.s32 s4, s5;
	s5 =	sand.u32 $0x1FFFFFF0, s7;
	s6 =	spop (v2sf)  }
0x240: {  	[tilespmem:s29], [sflag:$0x1] =	stream.linear.gather [hbm4b:s0+s2], $0x80, $0x38;
	[tilespmem:$0x10600] =	vst v63  }
0x241: {  	s0 =	sadd.s32 s4, s1;
	s1 =	sand.u32 $0x1FFFFFF0, s6;
	s6 =	spop (v2sf)  }
0x242: {  	[tilespmem:s28], [sflag:$0x1] =	stream.linear.gather [hbm4b:s0+s2], $0x80, $0x38;
	[tilespmem:$0x10600] =	vst v63  }
0x243: {  	s0 =	sadd.s32 s4, s5;
	s5 =	sand.u32 $0x1FFFFFF0, s6;
	s6 =	spop (v2sf)  }
0x244: {  	[tilespmem:s30], [sflag:$0x1] =	stream.linear.gather [hbm4b:s0+s2], $0x80, $0x38;
	[tilespmem:$0x10600] =	vst v63  }
0x245: {  	s0 =	sadd.s32 s4, s1;
	s1 =	sand.u32 $0x1FFFFFF0, s6;
	s6 =	spop (v2sf)  }
0x246: {  	[tilespmem:s26], [sflag:$0x1] =	stream.linear.gather [hbm4b:s0+s2], $0x80, $0x38;
	[tilespmem:$0x10600] =	vst v63  }
0x247: {  	s0 =	sadd.s32 s4, s5;
	s5 =	sand.u32 $0x1FFFFFF0, s6;
	s6 =	spop (v2sf)  }
0x248: {  	[tilespmem:s25], [sflag:$0x1] =	stream.linear.gather [hbm4b:s0+s2], $0x80, $0x38;
	[tilespmem:$0x10600] =	vst v63  }
0x249: {  	s0 =	sadd.s32 s4, s1;
	s1 =	sand.u32 $0x1FFFFFF0, s6;
	s6 =	spop (v2sf)  }
0x24a: {  	[tilespmem:s23], [sflag:$0x1] =	stream.linear.gather [hbm4b:s0+s2], $0x80, $0x38;
	[tilespmem:$0x10600] =	vst v63  }
0x24b: {  	s0 =	sadd.s32 s4, s5;
	s5 =	sand.u32 $0x1FFFFFF0, s6  }
0x24c: {  	[tilespmem:s24], [sflag:$0x1] =	stream.linear.gather [hbm4b:s0+s2], $0x80, $0x38;
	[tilespmem:$0x10600] =	vst v63  }
0x24d: {  	s1 =	sadd.s32 s4, s1;
	s0 =	sadd.s32 $0x4D00, s19  }
0x24e: {  	[tilespmem:s0], [sflag:$0x1] =	stream.linear.gather [hbm4b:s1+s2], $0x80, $0x38;
	[tilespmem:$0x10600] =	vst v63  }
0x24f: {  	s0 =	sadd.s32 $0x4D80, s19;
	s1 =	sadd.s32 s4, s5  }
0x250: {  	[tilespmem:s0], [sflag:$0x1] =	stream.linear.gather [hbm4b:s1+s2], $0x80, $0x38;
	[tilespmem:$0x10600] =	vst v63  }
0x251: {  	v0 =	vld [tilespmem:s20+$0x0];
	_ =	sdelay $0x4  }
0x252: {  	v0 =	vshll.u32 v0, $0x4  }
0x253: {  	(v2sf) =	vpush v0, $0x0  }
0x254: {  	(v2sf) =	vpush v0, $0x1  }
0x255: {  	(v2sf) =	vpush v0, $0x2;
	_ =	sdelay $0x1  }
0x256: {  	(v2sf) =	vpush v0, $0x4  }
.Ltmp5:
0x257: {  	(pc) =	sbr.rel @p0 .LBB2_12-.Ltmp5, $3  }
0x258: {  	(v2sf) =	vpush v0, $0x3  }
0x259: {  	(v2sf) =	vpush v0, $0x5;
	_ =	sdelay $0x1  }
0x25a: {  	s19 =	sshra.s32 s22, $0x2;
	(v2sf) =	vpush v0, $0x6  }
0x25b: {  	_ =	sdelay $0x1  }
0x25c: {  	s0 =	sadd.s32 $0x4680, s19;
	s22 =	sadd.s32 $0x4B80, s19  }
0x25d: {  	s1 =	sadd.s32 $0x4980, s19;
	s20 =	sadd.s32 $0x4C00, s19;
	(v2sf) =	vpush v0, $0x7;
	s5 =	sadd.s32 $0x4880, s19  }
0x25e: {  	s6 =	sadd.s32 $0x4A00, s19;
	s21 =	sadd.s32 $0x4C80, s19;
	s7 =	sadd.s32 $0x4600, s19  }
0x25f: {  	s8 =	sadd.s32 $0x4800, s19;
	s13 =	sadd.s32 $0x4900, s19;
	(v2sf) =	vpush v0, $0x8;
	s14 =	spop (v2sf)  }
0x260: {  	s23 =	sadd.s32 $0x4700, s19;
	s14 =	sand.u32 $0x1FFFFFF0, s14;
	s24 =	spop (v2sf)  }
0x261: {  	(v2sf) =	vpush v0, $0x9;
	s14 =	sadd.s32 s4, s14;
	s24 =	sand.u32 $0x1FFFFFF0, s24;
	s25 =	spop (v2sf)  }
0x262: {  	[tilespmem:s7], [sflag:$0x1] =	stream.linear.gather [hbm4b:s14+s2], $0x80, $0x38;
	[tilespmem:$0x10600] =	vst v63  }
0x263: {  	(v2sf) =	vpush v0, $0xA;
	s26 =	sadd.s32 s4, s24;
	s29 =	sand.u32 $0x1FFFFFF0, s25;
	s28 =	spop (v2sf)  }
0x264: {  	[tilespmem:s0], [sflag:$0x1] =	stream.linear.gather [hbm4b:s26+s2], $0x80, $0x38;
	[tilespmem:$0x10600] =	vst v63  }
0x265: {  	s7 =	sadd.s32 $0x4B00, s19;
	(v2sf) =	vpush v0, $0xB;
	s14 =	sadd.s32 s4, s29;
	s30 =	spop (v2sf)  }
0x266: {  	s0 =	sadd.s32 $0x4A80, s19;
	s26 =	sadd.s32 $0x4780, s19;
	s25 =	sand.u32 $0x1FFFFFF0, s30  }
0x267: {  	(v2sf) =	vpush v0, $0xC;
	[tilespmem:s23], [sflag:$0x1] =	stream.linear.gather [hbm4b:s14+s2], $0x80, $0x38;
	[tilespmem:$0x10600] =	vst v63  }
0x268: {  	s31 =	sand.u32 $0x1FFFFFF0, s28;
	s28 =	spop (v2sf);
	s29 =	sadd.s32 s4, s25  }
0x269: {  	(v2sf) =	vpush v0, $0xD;
	[tilespmem:s26], [sflag:$0x1] =	stream.linear.gather [hbm4b:s29+s2], $0x80, $0x38;
	[tilespmem:$0x10600] =	vst v63  }
0x26a: {  	s14 =	sadd.s32 s4, s31;
	s23 =	sand.u32 $0x1FFFFFF0, s28;
	s30 =	spop (v2sf)  }
0x26b: {  	(v2sf) =	vpush v0, $0xE;
	[tilespmem:s8], [sflag:$0x1] =	stream.linear.gather [hbm4b:s14+s2], $0x80, $0x38;
	[tilespmem:$0x10600] =	vst v63  }
0x26c: {  	s23 =	sadd.s32 s4, s23;
	s31 =	sand.u32 $0x1FFFFFF0, s30;
	s24 =	spop (v2sf)  }
0x26d: {  	(v2sf) =	vpush v0, $0xF;
	[tilespmem:s5], [sflag:$0x1] =	stream.linear.gather [hbm4b:s23+s2], $0x80, $0x38;
	[tilespmem:$0x10600] =	vst v63  }
0x26e: {  	s25 =	sand.u32 $0x1FFFFFF0, s24;
	s26 =	spop (v2sf);
	s8 =	sadd.s32 s4, s31  }
0x26f: {  	[tilespmem:s13], [sflag:$0x1] =	stream.linear.gather [hbm4b:s8+s2], $0x80, $0x38;
	[tilespmem:$0x10600] =	vst v63  }
0x270: {  	s28 =	sand.u32 $0x1FFFFFF0, s26;
	s5 =	sadd.s32 s4, s25;
	s29 =	spop (v2sf)  }
0x271: {  	[tilespmem:s1], [sflag:$0x1] =	stream.linear.gather [hbm4b:s5+s2], $0x80, $0x38;
	[tilespmem:$0x10600] =	vst v63  }
0x272: {  	s8 =	sadd.s32 s4, s28;
	s30 =	sand.u32 $0x1FFFFFF0, s29;
	s31 =	spop (v2sf)  }
0x273: {  	[tilespmem:s6], [sflag:$0x1] =	stream.linear.gather [hbm4b:s8+s2], $0x80, $0x38;
	[tilespmem:$0x10600] =	vst v63  }
0x274: {  	s5 =	sand.u32 $0x1FFFFFF0, s31;
	s1 =	sadd.s32 s4, s30;
	s8 =	spop (v2sf)  }
0x275: {  	[tilespmem:s0], [sflag:$0x1] =	stream.linear.gather [hbm4b:s1+s2], $0x80, $0x38;
	[tilespmem:$0x10600] =	vst v63  }
0x276: {  	s5 =	sadd.s32 s4, s5;
	s13 =	sand.u32 $0x1FFFFFF0, s8;
	s14 =	spop (v2sf)  }
0x277: {  	[tilespmem:s7], [sflag:$0x1] =	stream.linear.gather [hbm4b:s5+s2], $0x80, $0x38;
	[tilespmem:$0x10600] =	vst v63  }
0x278: {  	s0 =	sadd.s32 s4, s13;
	s1 =	sand.u32 $0x1FFFFFF0, s14;
	s23 =	spop (v2sf)  }
0x279: {  	[tilespmem:s22], [sflag:$0x1] =	stream.linear.gather [hbm4b:s0+s2], $0x80, $0x38;
	[tilespmem:$0x10600] =	vst v63  }
0x27a: {  	s24 =	sand.u32 $0x1FFFFFF0, s23;
	s1 =	sadd.s32 s4, s1;
	s25 =	spop (v2sf)  }
0x27b: {  	[tilespmem:s20], [sflag:$0x1] =	stream.linear.gather [hbm4b:s1+s2], $0x80, $0x38;
	[tilespmem:$0x10600] =	vst v63  }
0x27c: {  	s26 =	sand.u32 $0x1FFFFFF0, s25;
	s28 =	spop (v2sf);
	s0 =	sadd.s32 s4, s24  }
0x27d: {  	[tilespmem:s21], [sflag:$0x1] =	stream.linear.gather [hbm4b:s0+s2], $0x80, $0x38;
	[tilespmem:$0x10600] =	vst v63  }
0x27e: {  	s30 =	sadd.s32 $0x4D00, s19;
	s29 =	sand.u32 $0x1FFFFFF0, s28;
	s1 =	sadd.s32 s4, s26  }
0x27f: {  	[tilespmem:s30], [sflag:$0x1] =	stream.linear.gather [hbm4b:s1+s2], $0x80, $0x38;
	[tilespmem:$0x10600] =	vst v63  }
0x280: {  	s31 =	sadd.s32 $0x4D80, s19;
	s0 =	sadd.s32 s4, s29  }
0x281: {  	[tilespmem:s31], [sflag:$0x1] =	stream.linear.gather [hbm4b:s0+s2], $0x80, $0x38;
	[tilespmem:$0x10600] =	vst v63  }
0x282: {  	_ =	swait.ge [sflag:s15], $0x4000  }
0x283: {  	[sflag:s15] =	ssyncset.done $0x0  }
0x284: {  	s20 =	simm.s32 $0x300;
	[sflag:s15] =	ssyncadd.s32 $0xFFFFC000  }
0x285: {  	v0 =	vld [tilespmem:s20+$0x0];
	_ =	sdelay $0x4  }
0x286: {  	v0 =	vshll.u32 v0, $0x4  }
0x287: {  	(v2sf) =	vpush v0, $0x0  }
0x288: {  	(v2sf) =	vpush v0, $0x1  }
0x289: {  	(v2sf) =	vpush v0, $0x2;
	_ =	sdelay $0x1  }
0x28a: {  	(v2sf) =	vpush v0, $0x4;
	_ =	sdelay $0x1  }
0x28b: {  	(v2sf) =	vpush v0, $0x3  }
0x28c: {  	(v2sf) =	vpush v0, $0x5  }
0x28d: {  	s19 =	simm.s32 $0x0;
	s21 =	simm.s32 $0x2000;
	(v2sf) =	vpush v0, $0x6  }
.LBB2_14:
0x28e: {  	p0 =	sne.s32 s21, $0xE000  }
0x28f: {  	s0 =	sadd.s32 $0x8680, s19;
	s25 =	sadd.s32 $0x8B80, s19;
	s22 =	smov.u32 s21  }
0x290: {  	s21 =	sadd.s32 $0x2000, s21;
	s29 =	sadd.s32 $0x8980, s19;
	s23 =	sadd.s32 $0x8C00, s19;
	(v2sf) =	vpush v0, $0x7  }
0x291: {  	s31 =	sadd.s32 $0x8880, s19;
	s28 =	sadd.s32 $0x8A00, s19;
	s24 =	sadd.s32 $0x8C80, s19  }
0x292: {  	s1 =	sadd.s32 $0x8600, s19;
	s5 =	sadd.s32 $0x8800, s19;
	(v2sf) =	vpush v0, $0x8  }
0x293: {  	s6 =	sadd.s32 $0x8900, s19;
	s20 =	sadd.s32 $0x10, s20  }
0x294: {  	s7 =	sadd.s32 $0x8700, s19;
	s26 =	sadd.s32 $0x8B00, s19;
	s8 =	spop (v2sf);
	(v2sf) =	vpush v0, $0x9  }
0x295: {  	s30 =	sadd.s32 $0x8A80, s19;
	s8 =	sand.u32 $0x1FFFFFF0, s8;
	s13 =	spop (v2sf)  }
0x296: {  	s8 =	sadd.s32 s4, s8;
	s13 =	sand.u32 $0x1FFFFFF0, s13;
	s14 =	spop (v2sf);
	(v2sf) =	vpush v0, $0xA  }
0x297: {  	[tilespmem:s1], [sflag:$0x1] =	stream.linear.gather [hbm4b:s8+s2], $0x80, $0x38;
	[tilespmem:$0x10600] =	vst v63  }
0x298: {  	s1 =	sadd.s32 s4, s13;
	s8 =	sadd.s32 $0x8780, s19;
	s13 =	spop (v2sf);
	(v2sf) =	vpush v0, $0xB  }
0x299: {  	[tilespmem:s0], [sflag:$0x1] =	stream.linear.gather [hbm4b:s1+s2], $0x80, $0x38;
	[tilespmem:$0x10600] =	vst v63  }
0x29a: {  	s0 =	sand.u32 $0x1FFFFFF0, s14;
	s1 =	sand.u32 $0x1FFFFFF0, s13;
	s13 =	spop (v2sf);
	(v2sf) =	vpush v0, $0xC  }
0x29b: {  	s0 =	sadd.s32 s4, s0;
	s13 =	sand.u32 $0x1FFFFFF0, s13;
	s14 =	spop (v2sf)  }
0x29c: {  	[tilespmem:s7], [sflag:$0x1] =	stream.linear.gather [hbm4b:s0+s2], $0x80, $0x38;
	(v2sf) =	vpush v0, $0xD;
	[tilespmem:$0x10600] =	vst v63  }
0x29d: {  	s0 =	sadd.s32 s4, s13;
	s7 =	sand.u32 $0x1FFFFFF0, s14;
	s13 =	spop (v2sf)  }
0x29e: {  	[tilespmem:s8], [sflag:$0x1] =	stream.linear.gather [hbm4b:s0+s2], $0x80, $0x38;
	(v2sf) =	vpush v0, $0xE;
	[tilespmem:$0x10600] =	vst v63  }
0x29f: {  	s0 =	sadd.s32 s4, s1;
	s1 =	sand.u32 $0x1FFFFFF0, s13;
	s8 =	spop (v2sf)  }
0x2a0: {  	[tilespmem:s5], [sflag:$0x1] =	stream.linear.gather [hbm4b:s0+s2], $0x80, $0x38;
	(v2sf) =	vpush v0, $0xF;
	[tilespmem:$0x10600] =	vst v63  }
0x2a1: {  	s0 =	sadd.s32 s4, s7;
	s5 =	sand.u32 $0x1FFFFFF0, s8;
	s7 =	spop (v2sf)  }
0x2a2: {  	[tilespmem:s31], [sflag:$0x1] =	stream.linear.gather [hbm4b:s0+s2], $0x80, $0x38;
	[tilespmem:$0x10600] =	vst v63  }
0x2a3: {  	s0 =	sadd.s32 s4, s1;
	s1 =	sand.u32 $0x1FFFFFF0, s7;
	s7 =	spop (v2sf)  }
0x2a4: {  	[tilespmem:s6], [sflag:$0x1] =	stream.linear.gather [hbm4b:s0+s2], $0x80, $0x38;
	[tilespmem:$0x10600] =	vst v63  }
0x2a5: {  	s0 =	sadd.s32 s4, s5;
	s5 =	sand.u32 $0x1FFFFFF0, s7;
	s6 =	spop (v2sf)  }
0x2a6: {  	[tilespmem:s29], [sflag:$0x1] =	stream.linear.gather [hbm4b:s0+s2], $0x80, $0x38;
	[tilespmem:$0x10600] =	vst v63  }
0x2a7: {  	s0 =	sadd.s32 s4, s1;
	s1 =	sand.u32 $0x1FFFFFF0, s6;
	s6 =	spop (v2sf)  }
0x2a8: {  	[tilespmem:s28], [sflag:$0x1] =	stream.linear.gather [hbm4b:s0+s2], $0x80, $0x38;
	[tilespmem:$0x10600] =	vst v63  }
0x2a9: {  	s0 =	sadd.s32 s4, s5;
	s5 =	sand.u32 $0x1FFFFFF0, s6;
	s6 =	spop (v2sf)  }
0x2aa: {  	[tilespmem:s30], [sflag:$0x1] =	stream.linear.gather [hbm4b:s0+s2], $0x80, $0x38;
	[tilespmem:$0x10600] =	vst v63  }
0x2ab: {  	s0 =	sadd.s32 s4, s1;
	s1 =	sand.u32 $0x1FFFFFF0, s6;
	s6 =	spop (v2sf)  }
0x2ac: {  	[tilespmem:s26], [sflag:$0x1] =	stream.linear.gather [hbm4b:s0+s2], $0x80, $0x38;
	[tilespmem:$0x10600] =	vst v63  }
0x2ad: {  	s0 =	sadd.s32 s4, s5;
	s5 =	sand.u32 $0x1FFFFFF0, s6;
	s6 =	spop (v2sf)  }
0x2ae: {  	[tilespmem:s25], [sflag:$0x1] =	stream.linear.gather [hbm4b:s0+s2], $0x80, $0x38;
	[tilespmem:$0x10600] =	vst v63  }
0x2af: {  	s0 =	sadd.s32 s4, s1;
	s1 =	sand.u32 $0x1FFFFFF0, s6;
	s6 =	spop (v2sf)  }
0x2b0: {  	[tilespmem:s23], [sflag:$0x1] =	stream.linear.gather [hbm4b:s0+s2], $0x80, $0x38;
	[tilespmem:$0x10600] =	vst v63  }
0x2b1: {  	s0 =	sadd.s32 s4, s5;
	s5 =	sand.u32 $0x1FFFFFF0, s6  }
0x2b2: {  	[tilespmem:s24], [sflag:$0x1] =	stream.linear.gather [hbm4b:s0+s2], $0x80, $0x38;
	[tilespmem:$0x10600] =	vst v63  }
0x2b3: {  	s1 =	sadd.s32 s4, s1;
	s0 =	sadd.s32 $0x8D00, s19  }
0x2b4: {  	[tilespmem:s0], [sflag:$0x1] =	stream.linear.gather [hbm4b:s1+s2], $0x80, $0x38;
	[tilespmem:$0x10600] =	vst v63  }
0x2b5: {  	s0 =	sadd.s32 $0x8D80, s19;
	s1 =	sadd.s32 s4, s5  }
0x2b6: {  	[tilespmem:s0], [sflag:$0x1] =	stream.linear.gather [hbm4b:s1+s2], $0x80, $0x38;
	[tilespmem:$0x10600] =	vst v63  }
0x2b7: {  	v0 =	vld [tilespmem:s20+$0x0];
	_ =	sdelay $0x4  }
0x2b8: {  	v0 =	vshll.u32 v0, $0x4  }
0x2b9: {  	(v2sf) =	vpush v0, $0x0  }
0x2ba: {  	(v2sf) =	vpush v0, $0x1  }
0x2bb: {  	(v2sf) =	vpush v0, $0x2;
	_ =	sdelay $0x1  }
0x2bc: {  	(v2sf) =	vpush v0, $0x4  }
.Ltmp6:
0x2bd: {  	(pc) =	sbr.rel @p0 .LBB2_14-.Ltmp6, $3  }
0x2be: {  	(v2sf) =	vpush v0, $0x3  }
0x2bf: {  	(v2sf) =	vpush v0, $0x5;
	_ =	sdelay $0x1  }
0x2c0: {  	s19 =	sshra.s32 s22, $0x2;
	(v2sf) =	vpush v0, $0x6  }
0x2c1: {  	_ =	sdelay $0x1  }
0x2c2: {  	s0 =	sadd.s32 $0x8680, s19;
	s22 =	sadd.s32 $0x8B80, s19  }
0x2c3: {  	s1 =	sadd.s32 $0x8980, s19;
	s20 =	sadd.s32 $0x8C00, s19;
	(v2sf) =	vpush v0, $0x7;
	s5 =	sadd.s32 $0x8880, s19  }
0x2c4: {  	s6 =	sadd.s32 $0x8A00, s19;
	s21 =	sadd.s32 $0x8C80, s19;
	s7 =	sadd.s32 $0x8600, s19  }
0x2c5: {  	s8 =	sadd.s32 $0x8800, s19;
	s13 =	sadd.s32 $0x8900, s19;
	(v2sf) =	vpush v0, $0x8;
	s14 =	spop (v2sf)  }
0x2c6: {  	s23 =	sadd.s32 $0x8700, s19;
	s14 =	sand.u32 $0x1FFFFFF0, s14;
	s24 =	spop (v2sf)  }
0x2c7: {  	(v2sf) =	vpush v0, $0x9;
	s14 =	sadd.s32 s4, s14;
	s24 =	sand.u32 $0x1FFFFFF0, s24;
	s25 =	spop (v2sf)  }
0x2c8: {  	[tilespmem:s7], [sflag:$0x1] =	stream.linear.gather [hbm4b:s14+s2], $0x80, $0x38;
	[tilespmem:$0x10600] =	vst v63  }
0x2c9: {  	(v2sf) =	vpush v0, $0xA;
	s26 =	sadd.s32 s4, s24;
	s29 =	sand.u32 $0x1FFFFFF0, s25;
	s28 =	spop (v2sf)  }
0x2ca: {  	[tilespmem:s0], [sflag:$0x1] =	stream.linear.gather [hbm4b:s26+s2], $0x80, $0x38;
	[tilespmem:$0x10600] =	vst v63  }
0x2cb: {  	s7 =	sadd.s32 $0x8B00, s19;
	(v2sf) =	vpush v0, $0xB;
	s14 =	sadd.s32 s4, s29;
	s30 =	spop (v2sf)  }
0x2cc: {  	s0 =	sadd.s32 $0x8A80, s19;
	s26 =	sadd.s32 $0x8780, s19;
	s25 =	sand.u32 $0x1FFFFFF0, s30  }
0x2cd: {  	(v2sf) =	vpush v0, $0xC;
	[tilespmem:s23], [sflag:$0x1] =	stream.linear.gather [hbm4b:s14+s2], $0x80, $0x38;
	[tilespmem:$0x10600] =	vst v63  }
0x2ce: {  	s31 =	sand.u32 $0x1FFFFFF0, s28;
	s28 =	spop (v2sf);
	s29 =	sadd.s32 s4, s25  }
0x2cf: {  	(v2sf) =	vpush v0, $0xD;
	[tilespmem:s26], [sflag:$0x1] =	stream.linear.gather [hbm4b:s29+s2], $0x80, $0x38;
	[tilespmem:$0x10600] =	vst v63  }
0x2d0: {  	s14 =	sadd.s32 s4, s31;
	s23 =	sand.u32 $0x1FFFFFF0, s28;
	s30 =	spop (v2sf)  }
0x2d1: {  	(v2sf) =	vpush v0, $0xE;
	[tilespmem:s8], [sflag:$0x1] =	stream.linear.gather [hbm4b:s14+s2], $0x80, $0x38;
	[tilespmem:$0x10600] =	vst v63  }
0x2d2: {  	s23 =	sadd.s32 s4, s23;
	s31 =	sand.u32 $0x1FFFFFF0, s30;
	s24 =	spop (v2sf)  }
0x2d3: {  	(v2sf) =	vpush v0, $0xF;
	[tilespmem:s5], [sflag:$0x1] =	stream.linear.gather [hbm4b:s23+s2], $0x80, $0x38;
	[tilespmem:$0x10600] =	vst v63  }
0x2d4: {  	s25 =	sand.u32 $0x1FFFFFF0, s24;
	s26 =	spop (v2sf);
	s8 =	sadd.s32 s4, s31  }
0x2d5: {  	[tilespmem:s13], [sflag:$0x1] =	stream.linear.gather [hbm4b:s8+s2], $0x80, $0x38;
	[tilespmem:$0x10600] =	vst v63  }
0x2d6: {  	s28 =	sand.u32 $0x1FFFFFF0, s26;
	s5 =	sadd.s32 s4, s25;
	s29 =	spop (v2sf)  }
0x2d7: {  	[tilespmem:s1], [sflag:$0x1] =	stream.linear.gather [hbm4b:s5+s2], $0x80, $0x38;
	[tilespmem:$0x10600] =	vst v63  }
0x2d8: {  	s8 =	sadd.s32 s4, s28;
	s30 =	sand.u32 $0x1FFFFFF0, s29;
	s31 =	spop (v2sf)  }
0x2d9: {  	[tilespmem:s6], [sflag:$0x1] =	stream.linear.gather [hbm4b:s8+s2], $0x80, $0x38;
	[tilespmem:$0x10600] =	vst v63  }
0x2da: {  	s5 =	sand.u32 $0x1FFFFFF0, s31;
	s1 =	sadd.s32 s4, s30;
	s8 =	spop (v2sf)  }
0x2db: {  	[tilespmem:s0], [sflag:$0x1] =	stream.linear.gather [hbm4b:s1+s2], $0x80, $0x38;
	[tilespmem:$0x10600] =	vst v63  }
0x2dc: {  	s5 =	sadd.s32 s4, s5;
	s13 =	sand.u32 $0x1FFFFFF0, s8;
	s14 =	spop (v2sf)  }
0x2dd: {  	[tilespmem:s7], [sflag:$0x1] =	stream.linear.gather [hbm4b:s5+s2], $0x80, $0x38;
	[tilespmem:$0x10600] =	vst v63  }
0x2de: {  	s0 =	sadd.s32 s4, s13;
	s1 =	sand.u32 $0x1FFFFFF0, s14;
	s23 =	spop (v2sf)  }
0x2df: {  	[tilespmem:s22], [sflag:$0x1] =	stream.linear.gather [hbm4b:s0+s2], $0x80, $0x38;
	[tilespmem:$0x10600] =	vst v63  }
0x2e0: {  	s24 =	sand.u32 $0x1FFFFFF0, s23;
	s1 =	sadd.s32 s4, s1;
	s25 =	spop (v2sf)  }
0x2e1: {  	[tilespmem:s20], [sflag:$0x1] =	stream.linear.gather [hbm4b:s1+s2], $0x80, $0x38;
	[tilespmem:$0x10600] =	vst v63  }
0x2e2: {  	s26 =	sand.u32 $0x1FFFFFF0, s25;
	s28 =	spop (v2sf);
	s0 =	sadd.s32 s4, s24  }
0x2e3: {  	[tilespmem:s21], [sflag:$0x1] =	stream.linear.gather [hbm4b:s0+s2], $0x80, $0x38;
	[tilespmem:$0x10600] =	vst v63  }
0x2e4: {  	s30 =	sadd.s32 $0x8D00, s19;
	s29 =	sand.u32 $0x1FFFFFF0, s28;
	s1 =	sadd.s32 s4, s26  }
0x2e5: {  	[tilespmem:s30], [sflag:$0x1] =	stream.linear.gather [hbm4b:s1+s2], $0x80, $0x38;
	[tilespmem:$0x10600] =	vst v63  }
0x2e6: {  	s31 =	sadd.s32 $0x8D80, s19;
	s0 =	sadd.s32 s4, s29  }
0x2e7: {  	[tilespmem:s31], [sflag:$0x1] =	stream.linear.gather [hbm4b:s0+s2], $0x80, $0x38;
	[tilespmem:$0x10600] =	vst v63  }
0x2e8: {  	_ =	swait.ge [sflag:s15], $0x4000  }
0x2e9: {  	[sflag:s15] =	ssyncset.done $0x0  }
0x2ea: {  	s20 =	simm.s32 $0x380;
	[sflag:s15] =	ssyncadd.s32 $0xFFFFC000  }
0x2eb: {  	v0 =	vld [tilespmem:s20+$0x0];
	_ =	sdelay $0x4  }
0x2ec: {  	v0 =	vshll.u32 v0, $0x4  }
0x2ed: {  	(v2sf) =	vpush v0, $0x0  }
0x2ee: {  	(v2sf) =	vpush v0, $0x1  }
0x2ef: {  	(v2sf) =	vpush v0, $0x2;
	_ =	sdelay $0x1  }
0x2f0: {  	(v2sf) =	vpush v0, $0x4;
	_ =	sdelay $0x1  }
0x2f1: {  	(v2sf) =	vpush v0, $0x3  }
0x2f2: {  	(v2sf) =	vpush v0, $0x5  }
0x2f3: {  	s19 =	simm.s32 $0x0;
	s21 =	simm.s32 $0x2000;
	(v2sf) =	vpush v0, $0x6  }
.LBB2_16:
0x2f4: {  	p0 =	sne.s32 s21, $0xE000  }
0x2f5: {  	s0 =	sadd.s32 $0xC680, s19;
	s25 =	sadd.s32 $0xCB80, s19;
	s22 =	smov.u32 s21  }
0x2f6: {  	s21 =	sadd.s32 $0x2000, s21;
	s29 =	sadd.s32 $0xC980, s19;
	s23 =	sadd.s32 $0xCC00, s19;
	(v2sf) =	vpush v0, $0x7  }
0x2f7: {  	s31 =	sadd.s32 $0xC880, s19;
	s28 =	sadd.s32 $0xCA00, s19;
	s24 =	sadd.s32 $0xCC80, s19  }
0x2f8: {  	s1 =	sadd.s32 $0xC600, s19;
	s5 =	sadd.s32 $0xC800, s19;
	(v2sf) =	vpush v0, $0x8  }
0x2f9: {  	s6 =	sadd.s32 $0xC900, s19;
	s20 =	sadd.s32 $0x10, s20  }
0x2fa: {  	s7 =	sadd.s32 $0xC700, s19;
	s26 =	sadd.s32 $0xCB00, s19;
	s8 =	spop (v2sf);
	(v2sf) =	vpush v0, $0x9  }
0x2fb: {  	s30 =	sadd.s32 $0xCA80, s19;
	s8 =	sand.u32 $0x1FFFFFF0, s8;
	s13 =	spop (v2sf)  }
0x2fc: {  	s8 =	sadd.s32 s4, s8;
	s13 =	sand.u32 $0x1FFFFFF0, s13;
	s14 =	spop (v2sf);
	(v2sf) =	vpush v0, $0xA  }
0x2fd: {  	[tilespmem:s1], [sflag:$0x1] =	stream.linear.gather [hbm4b:s8+s2], $0x80, $0x38;
	[tilespmem:$0x10600] =	vst v63  }
0x2fe: {  	s1 =	sadd.s32 s4, s13;
	s8 =	sadd.s32 $0xC780, s19;
	s13 =	spop (v2sf);
	(v2sf) =	vpush v0, $0xB  }
0x2ff: {  	[tilespmem:s0], [sflag:$0x1] =	stream.linear.gather [hbm4b:s1+s2], $0x80, $0x38;
	[tilespmem:$0x10600] =	vst v63  }
0x300: {  	s0 =	sand.u32 $0x1FFFFFF0, s14;
	s1 =	sand.u32 $0x1FFFFFF0, s13;
	s13 =	spop (v2sf);
	(v2sf) =	vpush v0, $0xC  }
0x301: {  	s0 =	sadd.s32 s4, s0;
	s13 =	sand.u32 $0x1FFFFFF0, s13;
	s14 =	spop (v2sf)  }
0x302: {  	[tilespmem:s7], [sflag:$0x1] =	stream.linear.gather [hbm4b:s0+s2], $0x80, $0x38;
	(v2sf) =	vpush v0, $0xD;
	[tilespmem:$0x10600] =	vst v63  }
0x303: {  	s0 =	sadd.s32 s4, s13;
	s7 =	sand.u32 $0x1FFFFFF0, s14;
	s13 =	spop (v2sf)  }
0x304: {  	[tilespmem:s8], [sflag:$0x1] =	stream.linear.gather [hbm4b:s0+s2], $0x80, $0x38;
	(v2sf) =	vpush v0, $0xE;
	[tilespmem:$0x10600] =	vst v63  }
0x305: {  	s0 =	sadd.s32 s4, s1;
	s1 =	sand.u32 $0x1FFFFFF0, s13;
	s8 =	spop (v2sf)  }
0x306: {  	[tilespmem:s5], [sflag:$0x1] =	stream.linear.gather [hbm4b:s0+s2], $0x80, $0x38;
	(v2sf) =	vpush v0, $0xF;
	[tilespmem:$0x10600] =	vst v63  }
0x307: {  	s0 =	sadd.s32 s4, s7;
	s5 =	sand.u32 $0x1FFFFFF0, s8;
	s7 =	spop (v2sf)  }
0x308: {  	[tilespmem:s31], [sflag:$0x1] =	stream.linear.gather [hbm4b:s0+s2], $0x80, $0x38;
	[tilespmem:$0x10600] =	vst v63  }
0x309: {  	s0 =	sadd.s32 s4, s1;
	s1 =	sand.u32 $0x1FFFFFF0, s7;
	s7 =	spop (v2sf)  }
0x30a: {  	[tilespmem:s6], [sflag:$0x1] =	stream.linear.gather [hbm4b:s0+s2], $0x80, $0x38;
	[tilespmem:$0x10600] =	vst v63  }
0x30b: {  	s0 =	sadd.s32 s4, s5;
	s5 =	sand.u32 $0x1FFFFFF0, s7;
	s6 =	spop (v2sf)  }
0x30c: {  	[tilespmem:s29], [sflag:$0x1] =	stream.linear.gather [hbm4b:s0+s2], $0x80, $0x38;
	[tilespmem:$0x10600] =	vst v63  }
0x30d: {  	s0 =	sadd.s32 s4, s1;
	s1 =	sand.u32 $0x1FFFFFF0, s6;
	s6 =	spop (v2sf)  }
0x30e: {  	[tilespmem:s28], [sflag:$0x1] =	stream.linear.gather [hbm4b:s0+s2], $0x80, $0x38;
	[tilespmem:$0x10600] =	vst v63  }
0x30f: {  	s0 =	sadd.s32 s4, s5;
	s5 =	sand.u32 $0x1FFFFFF0, s6;
	s6 =	spop (v2sf)  }
0x310: {  	[tilespmem:s30], [sflag:$0x1] =	stream.linear.gather [hbm4b:s0+s2], $0x80, $0x38;
	[tilespmem:$0x10600] =	vst v63  }
0x311: {  	s0 =	sadd.s32 s4, s1;
	s1 =	sand.u32 $0x1FFFFFF0, s6;
	s6 =	spop (v2sf)  }
0x312: {  	[tilespmem:s26], [sflag:$0x1] =	stream.linear.gather [hbm4b:s0+s2], $0x80, $0x38;
	[tilespmem:$0x10600] =	vst v63  }
0x313: {  	s0 =	sadd.s32 s4, s5;
	s5 =	sand.u32 $0x1FFFFFF0, s6;
	s6 =	spop (v2sf)  }
0x314: {  	[tilespmem:s25], [sflag:$0x1] =	stream.linear.gather [hbm4b:s0+s2], $0x80, $0x38;
	[tilespmem:$0x10600] =	vst v63  }
0x315: {  	s0 =	sadd.s32 s4, s1;
	s1 =	sand.u32 $0x1FFFFFF0, s6;
	s6 =	spop (v2sf)  }
0x316: {  	[tilespmem:s23], [sflag:$0x1] =	stream.linear.gather [hbm4b:s0+s2], $0x80, $0x38;
	[tilespmem:$0x10600] =	vst v63  }
0x317: {  	s0 =	sadd.s32 s4, s5;
	s5 =	sand.u32 $0x1FFFFFF0, s6  }
0x318: {  	[tilespmem:s24], [sflag:$0x1] =	stream.linear.gather [hbm4b:s0+s2], $0x80, $0x38;
	[tilespmem:$0x10600] =	vst v63  }
0x319: {  	s1 =	sadd.s32 s4, s1;
	s0 =	sadd.s32 $0xCD00, s19  }
0x31a: {  	[tilespmem:s0], [sflag:$0x1] =	stream.linear.gather [hbm4b:s1+s2], $0x80, $0x38;
	[tilespmem:$0x10600] =	vst v63  }
0x31b: {  	s0 =	sadd.s32 $0xCD80, s19;
	s1 =	sadd.s32 s4, s5  }
0x31c: {  	[tilespmem:s0], [sflag:$0x1] =	stream.linear.gather [hbm4b:s1+s2], $0x80, $0x38;
	[tilespmem:$0x10600] =	vst v63  }
0x31d: {  	v0 =	vld [tilespmem:s20+$0x0];
	_ =	sdelay $0x4  }
0x31e: {  	v0 =	vshll.u32 v0, $0x4  }
0x31f: {  	(v2sf) =	vpush v0, $0x0  }
0x320: {  	(v2sf) =	vpush v0, $0x1  }
0x321: {  	(v2sf) =	vpush v0, $0x2;
	_ =	sdelay $0x1  }
0x322: {  	(v2sf) =	vpush v0, $0x4  }
.Ltmp7:
0x323: {  	(pc) =	sbr.rel @p0 .LBB2_16-.Ltmp7, $3  }
0x324: {  	(v2sf) =	vpush v0, $0x3  }
0x325: {  	(v2sf) =	vpush v0, $0x5;
	_ =	sdelay $0x1  }
0x326: {  	s19 =	sshra.s32 s22, $0x2;
	(v2sf) =	vpush v0, $0x6  }
0x327: {  	_ =	sdelay $0x1  }
0x328: {  	s0 =	sadd.s32 $0xC680, s19;
	s22 =	sadd.s32 $0xCB80, s19  }
0x329: {  	s1 =	sadd.s32 $0xC980, s19;
	s20 =	sadd.s32 $0xCC00, s19;
	(v2sf) =	vpush v0, $0x7;
	s5 =	sadd.s32 $0xC880, s19  }
0x32a: {  	s6 =	sadd.s32 $0xCA00, s19;
	s21 =	sadd.s32 $0xCC80, s19;
	s7 =	sadd.s32 $0xC600, s19  }
0x32b: {  	s8 =	sadd.s32 $0xC800, s19;
	s13 =	sadd.s32 $0xC900, s19;
	(v2sf) =	vpush v0, $0x8;
	s14 =	spop (v2sf)  }
0x32c: {  	s23 =	sadd.s32 $0xC700, s19;
	s14 =	sand.u32 $0x1FFFFFF0, s14;
	s24 =	spop (v2sf)  }
0x32d: {  	(v2sf) =	vpush v0, $0x9;
	s14 =	sadd.s32 s4, s14;
	s24 =	sand.u32 $0x1FFFFFF0, s24;
	s25 =	spop (v2sf)  }
0x32e: {  	[tilespmem:s7], [sflag:$0x1] =	stream.linear.gather [hbm4b:s14+s2], $0x80, $0x38;
	[tilespmem:$0x10600] =	vst v63  }
0x32f: {  	s26 =	sadd.s32 $0xC780, s19;
	(v2sf) =	vpush v0, $0xA;
	s30 =	sadd.s32 s4, s24;
	s31 =	spop (v2sf)  }
0x330: {  	[tilespmem:s0], [sflag:$0x1] =	stream.linear.gather [hbm4b:s30+s2], $0x80, $0x38;
	[tilespmem:$0x10600] =	vst v63  }
0x331: {  	s7 =	sadd.s32 $0xCB00, s19;
	s28 =	sand.u32 $0x1FFFFFF0, s25;
	(v2sf) =	vpush v0, $0xB;
	s29 =	spop (v2sf)  }
0x332: {  	s14 =	sadd.s32 s4, s28;
	s0 =	sadd.s32 $0xCA80, s19;
	s25 =	sand.u32 $0x1FFFFFF0, s29  }
0x333: {  	(v2sf) =	vpush v0, $0xC;
	[tilespmem:s23], [sflag:$0x1] =	stream.linear.gather [hbm4b:s14+s2], $0x80, $0x38;
	[tilespmem:$0x10600] =	vst v63  }
0x334: {  	s30 =	sand.u32 $0x1FFFFFF0, s31;
	s31 =	spop (v2sf);
	s28 =	sadd.s32 s4, s25  }
0x335: {  	(v2sf) =	vpush v0, $0xD;
	[tilespmem:s26], [sflag:$0x1] =	stream.linear.gather [hbm4b:s28+s2], $0x80, $0x38;
	[tilespmem:$0x10600] =	vst v63  }
0x336: {  	s14 =	sadd.s32 s4, s30;
	s23 =	sand.u32 $0x1FFFFFF0, s31;
	s29 =	spop (v2sf)  }
0x337: {  	(v2sf) =	vpush v0, $0xE;
	[tilespmem:s8], [sflag:$0x1] =	stream.linear.gather [hbm4b:s14+s2], $0x80, $0x38;
	[tilespmem:$0x10600] =	vst v63  }
0x338: {  	s23 =	sadd.s32 s4, s23;
	s30 =	sand.u32 $0x1FFFFFF0, s29;
	s31 =	spop (v2sf)  }
0x339: {  	(v2sf) =	vpush v0, $0xF;
	[tilespmem:s5], [sflag:$0x1] =	stream.linear.gather [hbm4b:s23+s2], $0x80, $0x38;
	[tilespmem:$0x10600] =	vst v63  }
0x33a: {  	s24 =	sand.u32 $0x1FFFFFF0, s31;
	s25 =	spop (v2sf);
	s8 =	sadd.s32 s4, s30  }
0x33b: {  	[tilespmem:s13], [sflag:$0x1] =	stream.linear.gather [hbm4b:s8+s2], $0x80, $0x38;
	[tilespmem:$0x10600] =	vst v63  }
0x33c: {  	s26 =	sand.u32 $0x1FFFFFF0, s25;
	s5 =	sadd.s32 s4, s24;
	s28 =	spop (v2sf)  }
0x33d: {  	[tilespmem:s1], [sflag:$0x1] =	stream.linear.gather [hbm4b:s5+s2], $0x80, $0x38;
	[tilespmem:$0x10600] =	vst v63  }
0x33e: {  	s8 =	sadd.s32 s4, s26;
	s29 =	sand.u32 $0x1FFFFFF0, s28;
	s30 =	spop (v2sf)  }
0x33f: {  	[tilespmem:s6], [sflag:$0x1] =	stream.linear.gather [hbm4b:s8+s2], $0x80, $0x38;
	[tilespmem:$0x10600] =	vst v63  }
0x340: {  	s5 =	sand.u32 $0x1FFFFFF0, s30;
	s1 =	sadd.s32 s4, s29;
	s31 =	spop (v2sf)  }
0x341: {  	[tilespmem:s0], [sflag:$0x1] =	stream.linear.gather [hbm4b:s1+s2], $0x80, $0x38;
	[tilespmem:$0x10600] =	vst v63  }
0x342: {  	s5 =	sadd.s32 s4, s5;
	s8 =	sand.u32 $0x1FFFFFF0, s31;
	s13 =	spop (v2sf)  }
0x343: {  	[tilespmem:s7], [sflag:$0x1] =	stream.linear.gather [hbm4b:s5+s2], $0x80, $0x38;
	[tilespmem:$0x10600] =	vst v63  }
0x344: {  	s0 =	sadd.s32 s4, s8;
	s1 =	sand.u32 $0x1FFFFFF0, s13;
	s14 =	spop (v2sf)  }
0x345: {  	[tilespmem:s22], [sflag:$0x1] =	stream.linear.gather [hbm4b:s0+s2], $0x80, $0x38;
	[tilespmem:$0x10600] =	vst v63  }
0x346: {  	s23 =	sand.u32 $0x1FFFFFF0, s14;
	s1 =	sadd.s32 s4, s1;
	s24 =	spop (v2sf)  }
0x347: {  	[tilespmem:s20], [sflag:$0x1] =	stream.linear.gather [hbm4b:s1+s2], $0x80, $0x38;
	[tilespmem:$0x10600] =	vst v63  }
0x348: {  	s25 =	sand.u32 $0x1FFFFFF0, s24;
	s26 =	spop (v2sf);
	s0 =	sadd.s32 s4, s23  }
0x349: {  	[tilespmem:s21], [sflag:$0x1] =	stream.linear.gather [hbm4b:s0+s2], $0x80, $0x38;
	[tilespmem:$0x10600] =	vst v63  }
0x34a: {  	s29 =	sadd.s32 $0xCD00, s19;
	s28 =	sand.u32 $0x1FFFFFF0, s26;
	s1 =	sadd.s32 s4, s25  }
0x34b: {  	[tilespmem:s29], [sflag:$0x1] =	stream.linear.gather [hbm4b:s1+s2], $0x80, $0x38;
	[tilespmem:$0x10600] =	vst v63  }
0x34c: {  	s30 =	sadd.s32 $0xCD80, s19;
	s0 =	sadd.s32 s4, s28  }
0x34d: {  	[tilespmem:s30], [sflag:$0x1] =	stream.linear.gather [hbm4b:s0+s2], $0x80, $0x38;
	[tilespmem:$0x10600] =	vst v63  }
0x34e: {  	_ =	swait.ge [sflag:s15], $0x4000  }
0x34f: {  	[sflag:s15] =	ssyncset.done $0x0  }
0x350: {  	s31 =	simm.s32 $0x0;
	[sflag:s15] =	ssyncadd.s32 $0xFFFFC000  }
0x351: {  	[hbm4b:s9+s31] =	stream.linear.scatter [tilespmem:s16], [sflag:$0x2], $0x10000, $0x38;
	[tilespmem:$0x10600] =	vst v63  }
0x352: {  	_ =	swait.ge [sflag:s17], $0x10000  }
0x353: {  	[sflag:s17] =	ssyncset.done $0x0  }
0x354: {  	s20 =	simm.s32 $0x400;
	[sflag:s17] =	ssyncadd.s32 $0xFFFF0000  }
0x355: {  	v0 =	vld [tilespmem:s20+$0x0];
	_ =	sdelay $0x4  }
0x356: {  	v0 =	vshll.u32 v0, $0x4  }
0x357: {  	(v2sf) =	vpush v0, $0x0  }
0x358: {  	(v2sf) =	vpush v0, $0x1  }
0x359: {  	(v2sf) =	vpush v0, $0x2;
	_ =	sdelay $0x1  }
0x35a: {  	(v2sf) =	vpush v0, $0x4;
	_ =	sdelay $0x1  }
0x35b: {  	(v2sf) =	vpush v0, $0x3  }
0x35c: {  	(v2sf) =	vpush v0, $0x5  }
0x35d: {  	s19 =	simm.s32 $0x0;
	s21 =	simm.s32 $0x2000;
	(v2sf) =	vpush v0, $0x6  }
.LBB2_18:
0x35e: {  	p0 =	sne.s32 s21, $0xE000  }
0x35f: {  	s0 =	sadd.s32 $0x680, s19;
	s25 =	sadd.s32 $0xB80, s19;
	s22 =	smov.u32 s21  }
0x360: {  	s21 =	sadd.s32 $0x2000, s21;
	s29 =	sadd.s32 $0x980, s19;
	s23 =	sadd.s32 $0xC00, s19;
	(v2sf) =	vpush v0, $0x7  }
0x361: {  	s31 =	sadd.s32 $0x880, s19;
	s28 =	sadd.s32 $0xA00, s19;
	s24 =	sadd.s32 $0xC80, s19  }
0x362: {  	s1 =	sadd.s32 $0x600, s19;
	s5 =	sadd.s32 $0x800, s19;
	(v2sf) =	vpush v0, $0x8  }
0x363: {  	s6 =	sadd.s32 $0x900, s19;
	s20 =	sadd.s32 $0x10, s20  }
0x364: {  	s7 =	sadd.s32 $0x700, s19;
	s26 =	sadd.s32 $0xB00, s19;
	s8 =	spop (v2sf);
	(v2sf) =	vpush v0, $0x9  }
0x365: {  	s30 =	sadd.s32 $0xA80, s19;
	s8 =	sand.u32 $0x1FFFFFF0, s8;
	s13 =	spop (v2sf)  }
0x366: {  	s8 =	sadd.s32 s4, s8;
	s13 =	sand.u32 $0x1FFFFFF0, s13;
	s14 =	spop (v2sf);
	(v2sf) =	vpush v0, $0xA  }
0x367: {  	[tilespmem:s1], [sflag:$0x1] =	stream.linear.gather [hbm4b:s8+s2], $0x80, $0x38;
	[tilespmem:$0x10600] =	vst v63  }
0x368: {  	s1 =	sadd.s32 s4, s13;
	s8 =	sadd.s32 $0x780, s19;
	s13 =	spop (v2sf);
	(v2sf) =	vpush v0, $0xB  }
0x369: {  	[tilespmem:s0], [sflag:$0x1] =	stream.linear.gather [hbm4b:s1+s2], $0x80, $0x38;
	[tilespmem:$0x10600] =	vst v63  }
0x36a: {  	s0 =	sand.u32 $0x1FFFFFF0, s14;
	s1 =	sand.u32 $0x1FFFFFF0, s13;
	s13 =	spop (v2sf);
	(v2sf) =	vpush v0, $0xC  }
0x36b: {  	s0 =	sadd.s32 s4, s0;
	s13 =	sand.u32 $0x1FFFFFF0, s13;
	s14 =	spop (v2sf)  }
0x36c: {  	[tilespmem:s7], [sflag:$0x1] =	stream.linear.gather [hbm4b:s0+s2], $0x80, $0x38;
	(v2sf) =	vpush v0, $0xD;
	[tilespmem:$0x10600] =	vst v63  }
0x36d: {  	s0 =	sadd.s32 s4, s13;
	s7 =	sand.u32 $0x1FFFFFF0, s14;
	s13 =	spop (v2sf)  }
0x36e: {  	[tilespmem:s8], [sflag:$0x1] =	stream.linear.gather [hbm4b:s0+s2], $0x80, $0x38;
	(v2sf) =	vpush v0, $0xE;
	[tilespmem:$0x10600] =	vst v63  }
0x36f: {  	s0 =	sadd.s32 s4, s1;
	s1 =	sand.u32 $0x1FFFFFF0, s13;
	s8 =	spop (v2sf)  }
0x370: {  	[tilespmem:s5], [sflag:$0x1] =	stream.linear.gather [hbm4b:s0+s2], $0x80, $0x38;
	(v2sf) =	vpush v0, $0xF;
	[tilespmem:$0x10600] =	vst v63  }
0x371: {  	s0 =	sadd.s32 s4, s7;
	s5 =	sand.u32 $0x1FFFFFF0, s8;
	s7 =	spop (v2sf)  }
0x372: {  	[tilespmem:s31], [sflag:$0x1] =	stream.linear.gather [hbm4b:s0+s2], $0x80, $0x38;
	[tilespmem:$0x10600] =	vst v63  }
0x373: {  	s0 =	sadd.s32 s4, s1;
	s1 =	sand.u32 $0x1FFFFFF0, s7;
	s7 =	spop (v2sf)  }
0x374: {  	[tilespmem:s6], [sflag:$0x1] =	stream.linear.gather [hbm4b:s0+s2], $0x80, $0x38;
	[tilespmem:$0x10600] =	vst v63  }
0x375: {  	s0 =	sadd.s32 s4, s5;
	s5 =	sand.u32 $0x1FFFFFF0, s7;
	s6 =	spop (v2sf)  }
0x376: {  	[tilespmem:s29], [sflag:$0x1] =	stream.linear.gather [hbm4b:s0+s2], $0x80, $0x38;
	[tilespmem:$0x10600] =	vst v63  }
0x377: {  	s0 =	sadd.s32 s4, s1;
	s1 =	sand.u32 $0x1FFFFFF0, s6;
	s6 =	spop (v2sf)  }
0x378: {  	[tilespmem:s28], [sflag:$0x1] =	stream.linear.gather [hbm4b:s0+s2], $0x80, $0x38;
	[tilespmem:$0x10600] =	vst v63  }
0x379: {  	s0 =	sadd.s32 s4, s5;
	s5 =	sand.u32 $0x1FFFFFF0, s6;
	s6 =	spop (v2sf)  }
0x37a: {  	[tilespmem:s30], [sflag:$0x1] =	stream.linear.gather [hbm4b:s0+s2], $0x80, $0x38;
	[tilespmem:$0x10600] =	vst v63  }
0x37b: {  	s0 =	sadd.s32 s4, s1;
	s1 =	sand.u32 $0x1FFFFFF0, s6;
	s6 =	spop (v2sf)  }
0x37c: {  	[tilespmem:s26], [sflag:$0x1] =	stream.linear.gather [hbm4b:s0+s2], $0x80, $0x38;
	[tilespmem:$0x10600] =	vst v63  }
0x37d: {  	s0 =	sadd.s32 s4, s5;
	s5 =	sand.u32 $0x1FFFFFF0, s6;
	s6 =	spop (v2sf)  }
0x37e: {  	[tilespmem:s25], [sflag:$0x1] =	stream.linear.gather [hbm4b:s0+s2], $0x80, $0x38;
	[tilespmem:$0x10600] =	vst v63  }
0x37f: {  	s0 =	sadd.s32 s4, s1;
	s1 =	sand.u32 $0x1FFFFFF0, s6;
	s6 =	spop (v2sf)  }
0x380: {  	[tilespmem:s23], [sflag:$0x1] =	stream.linear.gather [hbm4b:s0+s2], $0x80, $0x38;
	[tilespmem:$0x10600] =	vst v63  }
0x381: {  	s0 =	sadd.s32 s4, s5;
	s5 =	sand.u32 $0x1FFFFFF0, s6  }
0x382: {  	[tilespmem:s24], [sflag:$0x1] =	stream.linear.gather [hbm4b:s0+s2], $0x80, $0x38;
	[tilespmem:$0x10600] =	vst v63  }
0x383: {  	s1 =	sadd.s32 s4, s1;
	s0 =	sadd.s32 $0xD00, s19  }
0x384: {  	[tilespmem:s0], [sflag:$0x1] =	stream.linear.gather [hbm4b:s1+s2], $0x80, $0x38;
	[tilespmem:$0x10600] =	vst v63  }
0x385: {  	s0 =	sadd.s32 $0xD80, s19;
	s1 =	sadd.s32 s4, s5  }
0x386: {  	[tilespmem:s0], [sflag:$0x1] =	stream.linear.gather [hbm4b:s1+s2], $0x80, $0x38;
	[tilespmem:$0x10600] =	vst v63  }
0x387: {  	v0 =	vld [tilespmem:s20+$0x0];
	_ =	sdelay $0x4  }
0x388: {  	v0 =	vshll.u32 v0, $0x4  }
0x389: {  	(v2sf) =	vpush v0, $0x0  }
0x38a: {  	(v2sf) =	vpush v0, $0x1  }
0x38b: {  	(v2sf) =	vpush v0, $0x2;
	_ =	sdelay $0x1  }
0x38c: {  	(v2sf) =	vpush v0, $0x4  }
.Ltmp8:
0x38d: {  	(pc) =	sbr.rel @p0 .LBB2_18-.Ltmp8, $3  }
0x38e: {  	(v2sf) =	vpush v0, $0x3  }
0x38f: {  	(v2sf) =	vpush v0, $0x5;
	_ =	sdelay $0x1  }
0x390: {  	s19 =	sshra.s32 s22, $0x2;
	(v2sf) =	vpush v0, $0x6  }
0x391: {  	_ =	sdelay $0x1  }
0x392: {  	s0 =	sadd.s32 $0x680, s19;
	s22 =	sadd.s32 $0xB80, s19  }
0x393: {  	s1 =	sadd.s32 $0x980, s19;
	s20 =	sadd.s32 $0xC00, s19;
	(v2sf) =	vpush v0, $0x7;
	s5 =	sadd.s32 $0x880, s19  }
0x394: {  	s6 =	sadd.s32 $0xA00, s19;
	s21 =	sadd.s32 $0xC80, s19;
	s7 =	sadd.s32 $0x600, s19  }
0x395: {  	s8 =	sadd.s32 $0x800, s19;
	s13 =	sadd.s32 $0x900, s19;
	(v2sf) =	vpush v0, $0x8;
	s14 =	spop (v2sf)  }
0x396: {  	s23 =	sadd.s32 $0x700, s19;
	s14 =	sand.u32 $0x1FFFFFF0, s14;
	s24 =	spop (v2sf)  }
0x397: {  	(v2sf) =	vpush v0, $0x9;
	s14 =	sadd.s32 s4, s14;
	s24 =	sand.u32 $0x1FFFFFF0, s24;
	s25 =	spop (v2sf)  }
0x398: {  	[tilespmem:s7], [sflag:$0x1] =	stream.linear.gather [hbm4b:s14+s2], $0x80, $0x38;
	[tilespmem:$0x10600] =	vst v63  }
0x399: {  	(v2sf) =	vpush v0, $0xA;
	s26 =	sadd.s32 s4, s24;
	s29 =	sand.u32 $0x1FFFFFF0, s25;
	s28 =	spop (v2sf)  }
0x39a: {  	[tilespmem:s0], [sflag:$0x1] =	stream.linear.gather [hbm4b:s26+s2], $0x80, $0x38;
	[tilespmem:$0x10600] =	vst v63  }
0x39b: {  	s7 =	sadd.s32 $0xB00, s19;
	(v2sf) =	vpush v0, $0xB;
	s14 =	sadd.s32 s4, s29;
	s30 =	spop (v2sf)  }
0x39c: {  	s0 =	sadd.s32 $0xA80, s19;
	s26 =	sadd.s32 $0x780, s19;
	s25 =	sand.u32 $0x1FFFFFF0, s30  }
0x39d: {  	(v2sf) =	vpush v0, $0xC;
	[tilespmem:s23], [sflag:$0x1] =	stream.linear.gather [hbm4b:s14+s2], $0x80, $0x38;
	[tilespmem:$0x10600] =	vst v63  }
0x39e: {  	s31 =	sand.u32 $0x1FFFFFF0, s28;
	s28 =	spop (v2sf);
	s29 =	sadd.s32 s4, s25  }
0x39f: {  	(v2sf) =	vpush v0, $0xD;
	[tilespmem:s26], [sflag:$0x1] =	stream.linear.gather [hbm4b:s29+s2], $0x80, $0x38;
	[tilespmem:$0x10600] =	vst v63  }
0x3a0: {  	s14 =	sadd.s32 s4, s31;
	s23 =	sand.u32 $0x1FFFFFF0, s28;
	s30 =	spop (v2sf)  }
0x3a1: {  	(v2sf) =	vpush v0, $0xE;
	[tilespmem:s8], [sflag:$0x1] =	stream.linear.gather [hbm4b:s14+s2], $0x80, $0x38;
	[tilespmem:$0x10600] =	vst v63  }
0x3a2: {  	s23 =	sadd.s32 s4, s23;
	s31 =	sand.u32 $0x1FFFFFF0, s30;
	s24 =	spop (v2sf)  }
0x3a3: {  	(v2sf) =	vpush v0, $0xF;
	[tilespmem:s5], [sflag:$0x1] =	stream.linear.gather [hbm4b:s23+s2], $0x80, $0x38;
	[tilespmem:$0x10600] =	vst v63  }
0x3a4: {  	s25 =	sand.u32 $0x1FFFFFF0, s24;
	s26 =	spop (v2sf);
	s8 =	sadd.s32 s4, s31  }
0x3a5: {  	[tilespmem:s13], [sflag:$0x1] =	stream.linear.gather [hbm4b:s8+s2], $0x80, $0x38;
	[tilespmem:$0x10600] =	vst v63  }
0x3a6: {  	s28 =	sand.u32 $0x1FFFFFF0, s26;
	s5 =	sadd.s32 s4, s25;
	s29 =	spop (v2sf)  }
0x3a7: {  	[tilespmem:s1], [sflag:$0x1] =	stream.linear.gather [hbm4b:s5+s2], $0x80, $0x38;
	[tilespmem:$0x10600] =	vst v63  }
0x3a8: {  	s8 =	sadd.s32 s4, s28;
	s30 =	sand.u32 $0x1FFFFFF0, s29;
	s31 =	spop (v2sf)  }
0x3a9: {  	[tilespmem:s6], [sflag:$0x1] =	stream.linear.gather [hbm4b:s8+s2], $0x80, $0x38;
	[tilespmem:$0x10600] =	vst v63  }
0x3aa: {  	s5 =	sand.u32 $0x1FFFFFF0, s31;
	s1 =	sadd.s32 s4, s30;
	s8 =	spop (v2sf)  }
0x3ab: {  	[tilespmem:s0], [sflag:$0x1] =	stream.linear.gather [hbm4b:s1+s2], $0x80, $0x38;
	[tilespmem:$0x10600] =	vst v63  }
0x3ac: {  	s5 =	sadd.s32 s4, s5;
	s13 =	sand.u32 $0x1FFFFFF0, s8;
	s14 =	spop (v2sf)  }
0x3ad: {  	[tilespmem:s7], [sflag:$0x1] =	stream.linear.gather [hbm4b:s5+s2], $0x80, $0x38;
	[tilespmem:$0x10600] =	vst v63  }
0x3ae: {  	s0 =	sadd.s32 s4, s13;
	s1 =	sand.u32 $0x1FFFFFF0, s14;
	s23 =	spop (v2sf)  }
0x3af: {  	[tilespmem:s22], [sflag:$0x1] =	stream.linear.gather [hbm4b:s0+s2], $0x80, $0x38;
	[tilespmem:$0x10600] =	vst v63  }
0x3b0: {  	s24 =	sand.u32 $0x1FFFFFF0, s23;
	s1 =	sadd.s32 s4, s1;
	s25 =	spop (v2sf)  }
0x3b1: {  	[tilespmem:s20], [sflag:$0x1] =	stream.linear.gather [hbm4b:s1+s2], $0x80, $0x38;
	[tilespmem:$0x10600] =	vst v63  }
0x3b2: {  	s26 =	sand.u32 $0x1FFFFFF0, s25;
	s28 =	spop (v2sf);
	s0 =	sadd.s32 s4, s24  }
0x3b3: {  	[tilespmem:s21], [sflag:$0x1] =	stream.linear.gather [hbm4b:s0+s2], $0x80, $0x38;
	[tilespmem:$0x10600] =	vst v63  }
0x3b4: {  	s30 =	sadd.s32 $0xD00, s19;
	s29 =	sand.u32 $0x1FFFFFF0, s28;
	s1 =	sadd.s32 s4, s26  }
0x3b5: {  	[tilespmem:s30], [sflag:$0x1] =	stream.linear.gather [hbm4b:s1+s2], $0x80, $0x38;
	[tilespmem:$0x10600] =	vst v63  }
0x3b6: {  	s31 =	sadd.s32 $0xD80, s19;
	s0 =	sadd.s32 s4, s29  }
0x3b7: {  	[tilespmem:s31], [sflag:$0x1] =	stream.linear.gather [hbm4b:s0+s2], $0x80, $0x38;
	[tilespmem:$0x10600] =	vst v63  }
0x3b8: {  	_ =	swait.ge [sflag:s15], $0x4000  }
0x3b9: {  	[sflag:s15] =	ssyncset.done $0x0  }
0x3ba: {  	s20 =	simm.s32 $0x480;
	[sflag:s15] =	ssyncadd.s32 $0xFFFFC000  }
0x3bb: {  	v0 =	vld [tilespmem:s20+$0x0];
	_ =	sdelay $0x4  }
0x3bc: {  	v0 =	vshll.u32 v0, $0x4  }
0x3bd: {  	(v2sf) =	vpush v0, $0x0  }
0x3be: {  	(v2sf) =	vpush v0, $0x1  }
0x3bf: {  	(v2sf) =	vpush v0, $0x2;
	_ =	sdelay $0x1  }
0x3c0: {  	(v2sf) =	vpush v0, $0x4;
	_ =	sdelay $0x1  }
0x3c1: {  	(v2sf) =	vpush v0, $0x3  }
0x3c2: {  	(v2sf) =	vpush v0, $0x5  }
0x3c3: {  	s19 =	simm.s32 $0x0;
	s21 =	simm.s32 $0x2000;
	(v2sf) =	vpush v0, $0x6  }
.LBB2_20:
0x3c4: {  	p0 =	sne.s32 s21, $0xE000  }
0x3c5: {  	s0 =	sadd.s32 $0x4680, s19;
	s25 =	sadd.s32 $0x4B80, s19;
	s22 =	smov.u32 s21  }
0x3c6: {  	s21 =	sadd.s32 $0x2000, s21;
	s29 =	sadd.s32 $0x4980, s19;
	s23 =	sadd.s32 $0x4C00, s19;
	(v2sf) =	vpush v0, $0x7  }
0x3c7: {  	s31 =	sadd.s32 $0x4880, s19;
	s28 =	sadd.s32 $0x4A00, s19;
	s24 =	sadd.s32 $0x4C80, s19  }
0x3c8: {  	s1 =	sadd.s32 $0x4600, s19;
	s5 =	sadd.s32 $0x4800, s19;
	(v2sf) =	vpush v0, $0x8  }
0x3c9: {  	s6 =	sadd.s32 $0x4900, s19;
	s20 =	sadd.s32 $0x10, s20  }
0x3ca: {  	s7 =	sadd.s32 $0x4700, s19;
	s26 =	sadd.s32 $0x4B00, s19;
	s8 =	spop (v2sf);
	(v2sf) =	vpush v0, $0x9  }
0x3cb: {  	s30 =	sadd.s32 $0x4A80, s19;
	s8 =	sand.u32 $0x1FFFFFF0, s8;
	s13 =	spop (v2sf)  }
0x3cc: {  	s8 =	sadd.s32 s4, s8;
	s13 =	sand.u32 $0x1FFFFFF0, s13;
	s14 =	spop (v2sf);
	(v2sf) =	vpush v0, $0xA  }
0x3cd: {  	[tilespmem:s1], [sflag:$0x1] =	stream.linear.gather [hbm4b:s8+s2], $0x80, $0x38;
	[tilespmem:$0x10600] =	vst v63  }
0x3ce: {  	s1 =	sadd.s32 s4, s13;
	s8 =	sadd.s32 $0x4780, s19;
	s13 =	spop (v2sf);
	(v2sf) =	vpush v0, $0xB  }
0x3cf: {  	[tilespmem:s0], [sflag:$0x1] =	stream.linear.gather [hbm4b:s1+s2], $0x80, $0x38;
	[tilespmem:$0x10600] =	vst v63  }
0x3d0: {  	s0 =	sand.u32 $0x1FFFFFF0, s14;
	s1 =	sand.u32 $0x1FFFFFF0, s13;
	s13 =	spop (v2sf);
	(v2sf) =	vpush v0, $0xC  }
0x3d1: {  	s0 =	sadd.s32 s4, s0;
	s13 =	sand.u32 $0x1FFFFFF0, s13;
	s14 =	spop (v2sf)  }
0x3d2: {  	[tilespmem:s7], [sflag:$0x1] =	stream.linear.gather [hbm4b:s0+s2], $0x80, $0x38;
	(v2sf) =	vpush v0, $0xD;
	[tilespmem:$0x10600] =	vst v63  }
0x3d3: {  	s0 =	sadd.s32 s4, s13;
	s7 =	sand.u32 $0x1FFFFFF0, s14;
	s13 =	spop (v2sf)  }
0x3d4: {  	[tilespmem:s8], [sflag:$0x1] =	stream.linear.gather [hbm4b:s0+s2], $0x80, $0x38;
	(v2sf) =	vpush v0, $0xE;
	[tilespmem:$0x10600] =	vst v63  }
0x3d5: {  	s0 =	sadd.s32 s4, s1;
	s1 =	sand.u32 $0x1FFFFFF0, s13;
	s8 =	spop (v2sf)  }
0x3d6: {  	[tilespmem:s5], [sflag:$0x1] =	stream.linear.gather [hbm4b:s0+s2], $0x80, $0x38;
	(v2sf) =	vpush v0, $0xF;
	[tilespmem:$0x10600] =	vst v63  }
0x3d7: {  	s0 =	sadd.s32 s4, s7;
	s5 =	sand.u32 $0x1FFFFFF0, s8;
	s7 =	spop (v2sf)  }
0x3d8: {  	[tilespmem:s31], [sflag:$0x1] =	stream.linear.gather [hbm4b:s0+s2], $0x80, $0x38;
	[tilespmem:$0x10600] =	vst v63  }
0x3d9: {  	s0 =	sadd.s32 s4, s1;
	s1 =	sand.u32 $0x1FFFFFF0, s7;
	s7 =	spop (v2sf)  }
0x3da: {  	[tilespmem:s6], [sflag:$0x1] =	stream.linear.gather [hbm4b:s0+s2], $0x80, $0x38;
	[tilespmem:$0x10600] =	vst v63  }
0x3db: {  	s0 =	sadd.s32 s4, s5;
	s5 =	sand.u32 $0x1FFFFFF0, s7;
	s6 =	spop (v2sf)  }
0x3dc: {  	[tilespmem:s29], [sflag:$0x1] =	stream.linear.gather [hbm4b:s0+s2], $0x80, $0x38;
	[tilespmem:$0x10600] =	vst v63  }
0x3dd: {  	s0 =	sadd.s32 s4, s1;
	s1 =	sand.u32 $0x1FFFFFF0, s6;
	s6 =	spop (v2sf)  }
0x3de: {  	[tilespmem:s28], [sflag:$0x1] =	stream.linear.gather [hbm4b:s0+s2], $0x80, $0x38;
	[tilespmem:$0x10600] =	vst v63  }
0x3df: {  	s0 =	sadd.s32 s4, s5;
	s5 =	sand.u32 $0x1FFFFFF0, s6;
	s6 =	spop (v2sf)  }
0x3e0: {  	[tilespmem:s30], [sflag:$0x1] =	stream.linear.gather [hbm4b:s0+s2], $0x80, $0x38;
	[tilespmem:$0x10600] =	vst v63  }
0x3e1: {  	s0 =	sadd.s32 s4, s1;
	s1 =	sand.u32 $0x1FFFFFF0, s6;
	s6 =	spop (v2sf)  }
0x3e2: {  	[tilespmem:s26], [sflag:$0x1] =	stream.linear.gather [hbm4b:s0+s2], $0x80, $0x38;
	[tilespmem:$0x10600] =	vst v63  }
0x3e3: {  	s0 =	sadd.s32 s4, s5;
	s5 =	sand.u32 $0x1FFFFFF0, s6;
	s6 =	spop (v2sf)  }
0x3e4: {  	[tilespmem:s25], [sflag:$0x1] =	stream.linear.gather [hbm4b:s0+s2], $0x80, $0x38;
	[tilespmem:$0x10600] =	vst v63  }
0x3e5: {  	s0 =	sadd.s32 s4, s1;
	s1 =	sand.u32 $0x1FFFFFF0, s6;
	s6 =	spop (v2sf)  }
0x3e6: {  	[tilespmem:s23], [sflag:$0x1] =	stream.linear.gather [hbm4b:s0+s2], $0x80, $0x38;
	[tilespmem:$0x10600] =	vst v63  }
0x3e7: {  	s0 =	sadd.s32 s4, s5;
	s5 =	sand.u32 $0x1FFFFFF0, s6  }
0x3e8: {  	[tilespmem:s24], [sflag:$0x1] =	stream.linear.gather [hbm4b:s0+s2], $0x80, $0x38;
	[tilespmem:$0x10600] =	vst v63  }
0x3e9: {  	s1 =	sadd.s32 s4, s1;
	s0 =	sadd.s32 $0x4D00, s19  }
0x3ea: {  	[tilespmem:s0], [sflag:$0x1] =	stream.linear.gather [hbm4b:s1+s2], $0x80, $0x38;
	[tilespmem:$0x10600] =	vst v63  }
0x3eb: {  	s0 =	sadd.s32 $0x4D80, s19;
	s1 =	sadd.s32 s4, s5  }
0x3ec: {  	[tilespmem:s0], [sflag:$0x1] =	stream.linear.gather [hbm4b:s1+s2], $0x80, $0x38;
	[tilespmem:$0x10600] =	vst v63  }
0x3ed: {  	v0 =	vld [tilespmem:s20+$0x0];
	_ =	sdelay $0x4  }
0x3ee: {  	v0 =	vshll.u32 v0, $0x4  }
0x3ef: {  	(v2sf) =	vpush v0, $0x0  }
0x3f0: {  	(v2sf) =	vpush v0, $0x1  }
0x3f1: {  	(v2sf) =	vpush v0, $0x2;
	_ =	sdelay $0x1  }
0x3f2: {  	(v2sf) =	vpush v0, $0x4  }
.Ltmp9:
0x3f3: {  	(pc) =	sbr.rel @p0 .LBB2_20-.Ltmp9, $3  }
0x3f4: {  	(v2sf) =	vpush v0, $0x3  }
0x3f5: {  	(v2sf) =	vpush v0, $0x5;
	_ =	sdelay $0x1  }
0x3f6: {  	s19 =	sshra.s32 s22, $0x2;
	(v2sf) =	vpush v0, $0x6  }
0x3f7: {  	_ =	sdelay $0x1  }
0x3f8: {  	s0 =	sadd.s32 $0x4680, s19;
	s22 =	sadd.s32 $0x4B80, s19  }
0x3f9: {  	s1 =	sadd.s32 $0x4980, s19;
	s20 =	sadd.s32 $0x4C00, s19;
	(v2sf) =	vpush v0, $0x7;
	s5 =	sadd.s32 $0x4880, s19  }
0x3fa: {  	s6 =	sadd.s32 $0x4A00, s19;
	s21 =	sadd.s32 $0x4C80, s19;
	s7 =	sadd.s32 $0x4600, s19  }
0x3fb: {  	s8 =	sadd.s32 $0x4800, s19;
	s13 =	sadd.s32 $0x4900, s19;
	(v2sf) =	vpush v0, $0x8;
	s14 =	spop (v2sf)  }
0x3fc: {  	s23 =	sadd.s32 $0x4700, s19;
	s14 =	sand.u32 $0x1FFFFFF0, s14;
	s24 =	spop (v2sf)  }
0x3fd: {  	(v2sf) =	vpush v0, $0x9;
	s14 =	sadd.s32 s4, s14;
	s24 =	sand.u32 $0x1FFFFFF0, s24;
	s25 =	spop (v2sf)  }
0x3fe: {  	[tilespmem:s7], [sflag:$0x1] =	stream.linear.gather [hbm4b:s14+s2], $0x80, $0x38;
	[tilespmem:$0x10600] =	vst v63  }
0x3ff: {  	(v2sf) =	vpush v0, $0xA;
	s26 =	sadd.s32 s4, s24;
	s29 =	sand.u32 $0x1FFFFFF0, s25;
	s28 =	spop (v2sf)  }
0x400: {  	[tilespmem:s0], [sflag:$0x1] =	stream.linear.gather [hbm4b:s26+s2], $0x80, $0x38;
	[tilespmem:$0x10600] =	vst v63  }
0x401: {  	s7 =	sadd.s32 $0x4B00, s19;
	(v2sf) =	vpush v0, $0xB;
	s14 =	sadd.s32 s4, s29;
	s30 =	spop (v2sf)  }
0x402: {  	s0 =	sadd.s32 $0x4A80, s19;
	s26 =	sadd.s32 $0x4780, s19;
	s25 =	sand.u32 $0x1FFFFFF0, s30  }
0x403: {  	(v2sf) =	vpush v0, $0xC;
	[tilespmem:s23], [sflag:$0x1] =	stream.linear.gather [hbm4b:s14+s2], $0x80, $0x38;
	[tilespmem:$0x10600] =	vst v63  }
0x404: {  	s31 =	sand.u32 $0x1FFFFFF0, s28;
	s28 =	spop (v2sf);
	s29 =	sadd.s32 s4, s25  }
0x405: {  	(v2sf) =	vpush v0, $0xD;
	[tilespmem:s26], [sflag:$0x1] =	stream.linear.gather [hbm4b:s29+s2], $0x80, $0x38;
	[tilespmem:$0x10600] =	vst v63  }
0x406: {  	s14 =	sadd.s32 s4, s31;
	s23 =	sand.u32 $0x1FFFFFF0, s28;
	s30 =	spop (v2sf)  }
0x407: {  	(v2sf) =	vpush v0, $0xE;
	[tilespmem:s8], [sflag:$0x1] =	stream.linear.gather [hbm4b:s14+s2], $0x80, $0x38;
	[tilespmem:$0x10600] =	vst v63  }
0x408: {  	s23 =	sadd.s32 s4, s23;
	s31 =	sand.u32 $0x1FFFFFF0, s30;
	s24 =	spop (v2sf)  }
0x409: {  	(v2sf) =	vpush v0, $0xF;
	[tilespmem:s5], [sflag:$0x1] =	stream.linear.gather [hbm4b:s23+s2], $0x80, $0x38;
	[tilespmem:$0x10600] =	vst v63  }
0x40a: {  	s25 =	sand.u32 $0x1FFFFFF0, s24;
	s26 =	spop (v2sf);
	s8 =	sadd.s32 s4, s31  }
0x40b: {  	[tilespmem:s13], [sflag:$0x1] =	stream.linear.gather [hbm4b:s8+s2], $0x80, $0x38;
	[tilespmem:$0x10600] =	vst v63  }
0x40c: {  	s28 =	sand.u32 $0x1FFFFFF0, s26;
	s5 =	sadd.s32 s4, s25;
	s29 =	spop (v2sf)  }
0x40d: {  	[tilespmem:s1], [sflag:$0x1] =	stream.linear.gather [hbm4b:s5+s2], $0x80, $0x38;
	[tilespmem:$0x10600] =	vst v63  }
0x40e: {  	s8 =	sadd.s32 s4, s28;
	s30 =	sand.u32 $0x1FFFFFF0, s29;
	s31 =	spop (v2sf)  }
0x40f: {  	[tilespmem:s6], [sflag:$0x1] =	stream.linear.gather [hbm4b:s8+s2], $0x80, $0x38;
	[tilespmem:$0x10600] =	vst v63  }
0x410: {  	s5 =	sand.u32 $0x1FFFFFF0, s31;
	s1 =	sadd.s32 s4, s30;
	s8 =	spop (v2sf)  }
0x411: {  	[tilespmem:s0], [sflag:$0x1] =	stream.linear.gather [hbm4b:s1+s2], $0x80, $0x38;
	[tilespmem:$0x10600] =	vst v63  }
0x412: {  	s5 =	sadd.s32 s4, s5;
	s13 =	sand.u32 $0x1FFFFFF0, s8;
	s14 =	spop (v2sf)  }
0x413: {  	[tilespmem:s7], [sflag:$0x1] =	stream.linear.gather [hbm4b:s5+s2], $0x80, $0x38;
	[tilespmem:$0x10600] =	vst v63  }
0x414: {  	s0 =	sadd.s32 s4, s13;
	s1 =	sand.u32 $0x1FFFFFF0, s14;
	s23 =	spop (v2sf)  }
0x415: {  	[tilespmem:s22], [sflag:$0x1] =	stream.linear.gather [hbm4b:s0+s2], $0x80, $0x38;
	[tilespmem:$0x10600] =	vst v63  }
0x416: {  	s24 =	sand.u32 $0x1FFFFFF0, s23;
	s1 =	sadd.s32 s4, s1;
	s25 =	spop (v2sf)  }
0x417: {  	[tilespmem:s20], [sflag:$0x1] =	stream.linear.gather [hbm4b:s1+s2], $0x80, $0x38;
	[tilespmem:$0x10600] =	vst v63  }
0x418: {  	s26 =	sand.u32 $0x1FFFFFF0, s25;
	s28 =	spop (v2sf);
	s0 =	sadd.s32 s4, s24  }
0x419: {  	[tilespmem:s21], [sflag:$0x1] =	stream.linear.gather [hbm4b:s0+s2], $0x80, $0x38;
	[tilespmem:$0x10600] =	vst v63  }
0x41a: {  	s30 =	sadd.s32 $0x4D00, s19;
	s29 =	sand.u32 $0x1FFFFFF0, s28;
	s1 =	sadd.s32 s4, s26  }
0x41b: {  	[tilespmem:s30], [sflag:$0x1] =	stream.linear.gather [hbm4b:s1+s2], $0x80, $0x38;
	[tilespmem:$0x10600] =	vst v63  }
0x41c: {  	s31 =	sadd.s32 $0x4D80, s19;
	s0 =	sadd.s32 s4, s29  }
0x41d: {  	[tilespmem:s31], [sflag:$0x1] =	stream.linear.gather [hbm4b:s0+s2], $0x80, $0x38;
	[tilespmem:$0x10600] =	vst v63  }
0x41e: {  	_ =	swait.ge [sflag:s15], $0x4000  }
0x41f: {  	[sflag:s15] =	ssyncset.done $0x0  }
0x420: {  	s20 =	simm.s32 $0x500;
	[sflag:s15] =	ssyncadd.s32 $0xFFFFC000  }
0x421: {  	v0 =	vld [tilespmem:s20+$0x0];
	_ =	sdelay $0x4  }
0x422: {  	v0 =	vshll.u32 v0, $0x4  }
0x423: {  	(v2sf) =	vpush v0, $0x0  }
0x424: {  	(v2sf) =	vpush v0, $0x1  }
0x425: {  	(v2sf) =	vpush v0, $0x2;
	_ =	sdelay $0x1  }
0x426: {  	(v2sf) =	vpush v0, $0x4;
	_ =	sdelay $0x1  }
0x427: {  	(v2sf) =	vpush v0, $0x3  }
0x428: {  	(v2sf) =	vpush v0, $0x5  }
0x429: {  	s19 =	simm.s32 $0x0;
	s21 =	simm.s32 $0x2000;
	(v2sf) =	vpush v0, $0x6  }
.LBB2_22:
0x42a: {  	p0 =	sne.s32 s21, $0xE000  }
0x42b: {  	s0 =	sadd.s32 $0x8680, s19;
	s25 =	sadd.s32 $0x8B80, s19;
	s22 =	smov.u32 s21  }
0x42c: {  	s21 =	sadd.s32 $0x2000, s21;
	s29 =	sadd.s32 $0x8980, s19;
	s23 =	sadd.s32 $0x8C00, s19;
	(v2sf) =	vpush v0, $0x7  }
0x42d: {  	s31 =	sadd.s32 $0x8880, s19;
	s28 =	sadd.s32 $0x8A00, s19;
	s24 =	sadd.s32 $0x8C80, s19  }
0x42e: {  	s1 =	sadd.s32 $0x8600, s19;
	s5 =	sadd.s32 $0x8800, s19;
	(v2sf) =	vpush v0, $0x8  }
0x42f: {  	s6 =	sadd.s32 $0x8900, s19;
	s20 =	sadd.s32 $0x10, s20  }
0x430: {  	s7 =	sadd.s32 $0x8700, s19;
	s26 =	sadd.s32 $0x8B00, s19;
	s8 =	spop (v2sf);
	(v2sf) =	vpush v0, $0x9  }
0x431: {  	s30 =	sadd.s32 $0x8A80, s19;
	s8 =	sand.u32 $0x1FFFFFF0, s8;
	s13 =	spop (v2sf)  }
0x432: {  	s8 =	sadd.s32 s4, s8;
	s13 =	sand.u32 $0x1FFFFFF0, s13;
	s14 =	spop (v2sf);
	(v2sf) =	vpush v0, $0xA  }
0x433: {  	[tilespmem:s1], [sflag:$0x1] =	stream.linear.gather [hbm4b:s8+s2], $0x80, $0x38;
	[tilespmem:$0x10600] =	vst v63  }
0x434: {  	s1 =	sadd.s32 s4, s13;
	s8 =	sadd.s32 $0x8780, s19;
	s13 =	spop (v2sf);
	(v2sf) =	vpush v0, $0xB  }
0x435: {  	[tilespmem:s0], [sflag:$0x1] =	stream.linear.gather [hbm4b:s1+s2], $0x80, $0x38;
	[tilespmem:$0x10600] =	vst v63  }
0x436: {  	s0 =	sand.u32 $0x1FFFFFF0, s14;
	s1 =	sand.u32 $0x1FFFFFF0, s13;
	s13 =	spop (v2sf);
	(v2sf) =	vpush v0, $0xC  }
0x437: {  	s0 =	sadd.s32 s4, s0;
	s13 =	sand.u32 $0x1FFFFFF0, s13;
	s14 =	spop (v2sf)  }
0x438: {  	[tilespmem:s7], [sflag:$0x1] =	stream.linear.gather [hbm4b:s0+s2], $0x80, $0x38;
	(v2sf) =	vpush v0, $0xD;
	[tilespmem:$0x10600] =	vst v63  }
0x439: {  	s0 =	sadd.s32 s4, s13;
	s7 =	sand.u32 $0x1FFFFFF0, s14;
	s13 =	spop (v2sf)  }
0x43a: {  	[tilespmem:s8], [sflag:$0x1] =	stream.linear.gather [hbm4b:s0+s2], $0x80, $0x38;
	(v2sf) =	vpush v0, $0xE;
	[tilespmem:$0x10600] =	vst v63  }
0x43b: {  	s0 =	sadd.s32 s4, s1;
	s1 =	sand.u32 $0x1FFFFFF0, s13;
	s8 =	spop (v2sf)  }
0x43c: {  	[tilespmem:s5], [sflag:$0x1] =	stream.linear.gather [hbm4b:s0+s2], $0x80, $0x38;
	(v2sf) =	vpush v0, $0xF;
	[tilespmem:$0x10600] =	vst v63  }
0x43d: {  	s0 =	sadd.s32 s4, s7;
	s5 =	sand.u32 $0x1FFFFFF0, s8;
	s7 =	spop (v2sf)  }
0x43e: {  	[tilespmem:s31], [sflag:$0x1] =	stream.linear.gather [hbm4b:s0+s2], $0x80, $0x38;
	[tilespmem:$0x10600] =	vst v63  }
0x43f: {  	s0 =	sadd.s32 s4, s1;
	s1 =	sand.u32 $0x1FFFFFF0, s7;
	s7 =	spop (v2sf)  }
0x440: {  	[tilespmem:s6], [sflag:$0x1] =	stream.linear.gather [hbm4b:s0+s2], $0x80, $0x38;
	[tilespmem:$0x10600] =	vst v63  }
0x441: {  	s0 =	sadd.s32 s4, s5;
	s5 =	sand.u32 $0x1FFFFFF0, s7;
	s6 =	spop (v2sf)  }
0x442: {  	[tilespmem:s29], [sflag:$0x1] =	stream.linear.gather [hbm4b:s0+s2], $0x80, $0x38;
	[tilespmem:$0x10600] =	vst v63  }
0x443: {  	s0 =	sadd.s32 s4, s1;
	s1 =	sand.u32 $0x1FFFFFF0, s6;
	s6 =	spop (v2sf)  }
0x444: {  	[tilespmem:s28], [sflag:$0x1] =	stream.linear.gather [hbm4b:s0+s2], $0x80, $0x38;
	[tilespmem:$0x10600] =	vst v63  }
0x445: {  	s0 =	sadd.s32 s4, s5;
	s5 =	sand.u32 $0x1FFFFFF0, s6;
	s6 =	spop (v2sf)  }
0x446: {  	[tilespmem:s30], [sflag:$0x1] =	stream.linear.gather [hbm4b:s0+s2], $0x80, $0x38;
	[tilespmem:$0x10600] =	vst v63  }
0x447: {  	s0 =	sadd.s32 s4, s1;
	s1 =	sand.u32 $0x1FFFFFF0, s6;
	s6 =	spop (v2sf)  }
0x448: {  	[tilespmem:s26], [sflag:$0x1] =	stream.linear.gather [hbm4b:s0+s2], $0x80, $0x38;
	[tilespmem:$0x10600] =	vst v63  }
0x449: {  	s0 =	sadd.s32 s4, s5;
	s5 =	sand.u32 $0x1FFFFFF0, s6;
	s6 =	spop (v2sf)  }
0x44a: {  	[tilespmem:s25], [sflag:$0x1] =	stream.linear.gather [hbm4b:s0+s2], $0x80, $0x38;
	[tilespmem:$0x10600] =	vst v63  }
0x44b: {  	s0 =	sadd.s32 s4, s1;
	s1 =	sand.u32 $0x1FFFFFF0, s6;
	s6 =	spop (v2sf)  }
0x44c: {  	[tilespmem:s23], [sflag:$0x1] =	stream.linear.gather [hbm4b:s0+s2], $0x80, $0x38;
	[tilespmem:$0x10600] =	vst v63  }
0x44d: {  	s0 =	sadd.s32 s4, s5;
	s5 =	sand.u32 $0x1FFFFFF0, s6  }
0x44e: {  	[tilespmem:s24], [sflag:$0x1] =	stream.linear.gather [hbm4b:s0+s2], $0x80, $0x38;
	[tilespmem:$0x10600] =	vst v63  }
0x44f: {  	s1 =	sadd.s32 s4, s1;
	s0 =	sadd.s32 $0x8D00, s19  }
0x450: {  	[tilespmem:s0], [sflag:$0x1] =	stream.linear.gather [hbm4b:s1+s2], $0x80, $0x38;
	[tilespmem:$0x10600] =	vst v63  }
0x451: {  	s0 =	sadd.s32 $0x8D80, s19;
	s1 =	sadd.s32 s4, s5  }
0x452: {  	[tilespmem:s0], [sflag:$0x1] =	stream.linear.gather [hbm4b:s1+s2], $0x80, $0x38;
	[tilespmem:$0x10600] =	vst v63  }
0x453: {  	v0 =	vld [tilespmem:s20+$0x0];
	_ =	sdelay $0x4  }
0x454: {  	v0 =	vshll.u32 v0, $0x4  }
0x455: {  	(v2sf) =	vpush v0, $0x0  }
0x456: {  	(v2sf) =	vpush v0, $0x1  }
0x457: {  	(v2sf) =	vpush v0, $0x2;
	_ =	sdelay $0x1  }
0x458: {  	(v2sf) =	vpush v0, $0x4  }
.Ltmp10:
0x459: {  	(pc) =	sbr.rel @p0 .LBB2_22-.Ltmp10, $3  }
0x45a: {  	(v2sf) =	vpush v0, $0x3  }
0x45b: {  	(v2sf) =	vpush v0, $0x5;
	_ =	sdelay $0x1  }
0x45c: {  	s19 =	sshra.s32 s22, $0x2;
	(v2sf) =	vpush v0, $0x6  }
0x45d: {  	_ =	sdelay $0x1  }
0x45e: {  	s0 =	sadd.s32 $0x8680, s19;
	s22 =	sadd.s32 $0x8B80, s19  }
0x45f: {  	s1 =	sadd.s32 $0x8980, s19;
	s20 =	sadd.s32 $0x8C00, s19;
	(v2sf) =	vpush v0, $0x7;
	s5 =	sadd.s32 $0x8880, s19  }
0x460: {  	s6 =	sadd.s32 $0x8A00, s19;
	s21 =	sadd.s32 $0x8C80, s19;
	s7 =	sadd.s32 $0x8600, s19  }
0x461: {  	s8 =	sadd.s32 $0x8800, s19;
	s13 =	sadd.s32 $0x8900, s19;
	(v2sf) =	vpush v0, $0x8;
	s14 =	spop (v2sf)  }
0x462: {  	s23 =	sadd.s32 $0x8700, s19;
	s14 =	sand.u32 $0x1FFFFFF0, s14;
	s24 =	spop (v2sf)  }
0x463: {  	(v2sf) =	vpush v0, $0x9;
	s14 =	sadd.s32 s4, s14;
	s24 =	sand.u32 $0x1FFFFFF0, s24;
	s25 =	spop (v2sf)  }
0x464: {  	[tilespmem:s7], [sflag:$0x1] =	stream.linear.gather [hbm4b:s14+s2], $0x80, $0x38;
	[tilespmem:$0x10600] =	vst v63  }
0x465: {  	(v2sf) =	vpush v0, $0xA;
	s26 =	sadd.s32 s4, s24;
	s29 =	sand.u32 $0x1FFFFFF0, s25;
	s28 =	spop (v2sf)  }
0x466: {  	[tilespmem:s0], [sflag:$0x1] =	stream.linear.gather [hbm4b:s26+s2], $0x80, $0x38;
	[tilespmem:$0x10600] =	vst v63  }
0x467: {  	s7 =	sadd.s32 $0x8B00, s19;
	(v2sf) =	vpush v0, $0xB;
	s14 =	sadd.s32 s4, s29;
	s30 =	spop (v2sf)  }
0x468: {  	s0 =	sadd.s32 $0x8A80, s19;
	s26 =	sadd.s32 $0x8780, s19;
	s25 =	sand.u32 $0x1FFFFFF0, s30  }
0x469: {  	(v2sf) =	vpush v0, $0xC;
	[tilespmem:s23], [sflag:$0x1] =	stream.linear.gather [hbm4b:s14+s2], $0x80, $0x38;
	[tilespmem:$0x10600] =	vst v63  }
0x46a: {  	s31 =	sand.u32 $0x1FFFFFF0, s28;
	s28 =	spop (v2sf);
	s29 =	sadd.s32 s4, s25  }
0x46b: {  	(v2sf) =	vpush v0, $0xD;
	[tilespmem:s26], [sflag:$0x1] =	stream.linear.gather [hbm4b:s29+s2], $0x80, $0x38;
	[tilespmem:$0x10600] =	vst v63  }
0x46c: {  	s14 =	sadd.s32 s4, s31;
	s23 =	sand.u32 $0x1FFFFFF0, s28;
	s30 =	spop (v2sf)  }
0x46d: {  	(v2sf) =	vpush v0, $0xE;
	[tilespmem:s8], [sflag:$0x1] =	stream.linear.gather [hbm4b:s14+s2], $0x80, $0x38;
	[tilespmem:$0x10600] =	vst v63  }
0x46e: {  	s23 =	sadd.s32 s4, s23;
	s31 =	sand.u32 $0x1FFFFFF0, s30;
	s24 =	spop (v2sf)  }
0x46f: {  	(v2sf) =	vpush v0, $0xF;
	[tilespmem:s5], [sflag:$0x1] =	stream.linear.gather [hbm4b:s23+s2], $0x80, $0x38;
	[tilespmem:$0x10600] =	vst v63  }
0x470: {  	s25 =	sand.u32 $0x1FFFFFF0, s24;
	s26 =	spop (v2sf);
	s8 =	sadd.s32 s4, s31  }
0x471: {  	[tilespmem:s13], [sflag:$0x1] =	stream.linear.gather [hbm4b:s8+s2], $0x80, $0x38;
	[tilespmem:$0x10600] =	vst v63  }
0x472: {  	s28 =	sand.u32 $0x1FFFFFF0, s26;
	s5 =	sadd.s32 s4, s25;
	s29 =	spop (v2sf)  }
0x473: {  	[tilespmem:s1], [sflag:$0x1] =	stream.linear.gather [hbm4b:s5+s2], $0x80, $0x38;
	[tilespmem:$0x10600] =	vst v63  }
0x474: {  	s8 =	sadd.s32 s4, s28;
	s30 =	sand.u32 $0x1FFFFFF0, s29;
	s31 =	spop (v2sf)  }
0x475: {  	[tilespmem:s6], [sflag:$0x1] =	stream.linear.gather [hbm4b:s8+s2], $0x80, $0x38;
	[tilespmem:$0x10600] =	vst v63  }
0x476: {  	s5 =	sand.u32 $0x1FFFFFF0, s31;
	s1 =	sadd.s32 s4, s30;
	s8 =	spop (v2sf)  }
0x477: {  	[tilespmem:s0], [sflag:$0x1] =	stream.linear.gather [hbm4b:s1+s2], $0x80, $0x38;
	[tilespmem:$0x10600] =	vst v63  }
0x478: {  	s5 =	sadd.s32 s4, s5;
	s13 =	sand.u32 $0x1FFFFFF0, s8;
	s14 =	spop (v2sf)  }
0x479: {  	[tilespmem:s7], [sflag:$0x1] =	stream.linear.gather [hbm4b:s5+s2], $0x80, $0x38;
	[tilespmem:$0x10600] =	vst v63  }
0x47a: {  	s0 =	sadd.s32 s4, s13;
	s1 =	sand.u32 $0x1FFFFFF0, s14;
	s23 =	spop (v2sf)  }
0x47b: {  	[tilespmem:s22], [sflag:$0x1] =	stream.linear.gather [hbm4b:s0+s2], $0x80, $0x38;
	[tilespmem:$0x10600] =	vst v63  }
0x47c: {  	s24 =	sand.u32 $0x1FFFFFF0, s23;
	s1 =	sadd.s32 s4, s1;
	s25 =	spop (v2sf)  }
0x47d: {  	[tilespmem:s20], [sflag:$0x1] =	stream.linear.gather [hbm4b:s1+s2], $0x80, $0x38;
	[tilespmem:$0x10600] =	vst v63  }
0x47e: {  	s26 =	sand.u32 $0x1FFFFFF0, s25;
	s28 =	spop (v2sf);
	s0 =	sadd.s32 s4, s24  }
0x47f: {  	[tilespmem:s21], [sflag:$0x1] =	stream.linear.gather [hbm4b:s0+s2], $0x80, $0x38;
	[tilespmem:$0x10600] =	vst v63  }
0x480: {  	s30 =	sadd.s32 $0x8D00, s19;
	s29 =	sand.u32 $0x1FFFFFF0, s28;
	s1 =	sadd.s32 s4, s26  }
0x481: {  	[tilespmem:s30], [sflag:$0x1] =	stream.linear.gather [hbm4b:s1+s2], $0x80, $0x38;
	[tilespmem:$0x10600] =	vst v63  }
0x482: {  	s31 =	sadd.s32 $0x8D80, s19;
	s0 =	sadd.s32 s4, s29  }
0x483: {  	[tilespmem:s31], [sflag:$0x1] =	stream.linear.gather [hbm4b:s0+s2], $0x80, $0x38;
	[tilespmem:$0x10600] =	vst v63  }
0x484: {  	_ =	swait.ge [sflag:s15], $0x4000  }
0x485: {  	[sflag:s15] =	ssyncset.done $0x0  }
0x486: {  	s20 =	simm.s32 $0x580;
	[sflag:s15] =	ssyncadd.s32 $0xFFFFC000  }
0x487: {  	v0 =	vld [tilespmem:s20+$0x0];
	_ =	sdelay $0x4  }
0x488: {  	v0 =	vshll.u32 v0, $0x4  }
0x489: {  	(v2sf) =	vpush v0, $0x0  }
0x48a: {  	(v2sf) =	vpush v0, $0x1  }
0x48b: {  	(v2sf) =	vpush v0, $0x2;
	_ =	sdelay $0x1  }
0x48c: {  	(v2sf) =	vpush v0, $0x4;
	_ =	sdelay $0x1  }
0x48d: {  	(v2sf) =	vpush v0, $0x3  }
0x48e: {  	(v2sf) =	vpush v0, $0x5  }
0x48f: {  	s19 =	simm.s32 $0x0;
	s21 =	simm.s32 $0x2000;
	(v2sf) =	vpush v0, $0x6  }
.LBB2_24:
0x490: {  	p0 =	sne.s32 s21, $0xE000  }
0x491: {  	s0 =	sadd.s32 $0xC680, s19;
	s25 =	sadd.s32 $0xCB80, s19;
	s22 =	smov.u32 s21  }
0x492: {  	s21 =	sadd.s32 $0x2000, s21;
	s29 =	sadd.s32 $0xC980, s19;
	s23 =	sadd.s32 $0xCC00, s19;
	(v2sf) =	vpush v0, $0x7  }
0x493: {  	s31 =	sadd.s32 $0xC880, s19;
	s28 =	sadd.s32 $0xCA00, s19;
	s24 =	sadd.s32 $0xCC80, s19  }
0x494: {  	s1 =	sadd.s32 $0xC600, s19;
	s5 =	sadd.s32 $0xC800, s19;
	(v2sf) =	vpush v0, $0x8  }
0x495: {  	s6 =	sadd.s32 $0xC900, s19;
	s20 =	sadd.s32 $0x10, s20  }
0x496: {  	s7 =	sadd.s32 $0xC700, s19;
	s26 =	sadd.s32 $0xCB00, s19;
	s8 =	spop (v2sf);
	(v2sf) =	vpush v0, $0x9  }
0x497: {  	s30 =	sadd.s32 $0xCA80, s19;
	s8 =	sand.u32 $0x1FFFFFF0, s8;
	s13 =	spop (v2sf)  }
0x498: {  	s8 =	sadd.s32 s4, s8;
	s13 =	sand.u32 $0x1FFFFFF0, s13;
	s14 =	spop (v2sf);
	(v2sf) =	vpush v0, $0xA  }
0x499: {  	[tilespmem:s1], [sflag:$0x1] =	stream.linear.gather [hbm4b:s8+s2], $0x80, $0x38;
	[tilespmem:$0x10600] =	vst v63  }
0x49a: {  	s1 =	sadd.s32 s4, s13;
	s8 =	sadd.s32 $0xC780, s19;
	s13 =	spop (v2sf);
	(v2sf) =	vpush v0, $0xB  }
0x49b: {  	[tilespmem:s0], [sflag:$0x1] =	stream.linear.gather [hbm4b:s1+s2], $0x80, $0x38;
	[tilespmem:$0x10600] =	vst v63  }
0x49c: {  	s0 =	sand.u32 $0x1FFFFFF0, s14;
	s1 =	sand.u32 $0x1FFFFFF0, s13;
	s13 =	spop (v2sf);
	(v2sf) =	vpush v0, $0xC  }
0x49d: {  	s0 =	sadd.s32 s4, s0;
	s13 =	sand.u32 $0x1FFFFFF0, s13;
	s14 =	spop (v2sf)  }
0x49e: {  	[tilespmem:s7], [sflag:$0x1] =	stream.linear.gather [hbm4b:s0+s2], $0x80, $0x38;
	(v2sf) =	vpush v0, $0xD;
	[tilespmem:$0x10600] =	vst v63  }
0x49f: {  	s0 =	sadd.s32 s4, s13;
	s7 =	sand.u32 $0x1FFFFFF0, s14;
	s13 =	spop (v2sf)  }
0x4a0: {  	[tilespmem:s8], [sflag:$0x1] =	stream.linear.gather [hbm4b:s0+s2], $0x80, $0x38;
	(v2sf) =	vpush v0, $0xE;
	[tilespmem:$0x10600] =	vst v63  }
0x4a1: {  	s0 =	sadd.s32 s4, s1;
	s1 =	sand.u32 $0x1FFFFFF0, s13;
	s8 =	spop (v2sf)  }
0x4a2: {  	[tilespmem:s5], [sflag:$0x1] =	stream.linear.gather [hbm4b:s0+s2], $0x80, $0x38;
	(v2sf) =	vpush v0, $0xF;
	[tilespmem:$0x10600] =	vst v63  }
0x4a3: {  	s0 =	sadd.s32 s4, s7;
	s5 =	sand.u32 $0x1FFFFFF0, s8;
	s7 =	spop (v2sf)  }
0x4a4: {  	[tilespmem:s31], [sflag:$0x1] =	stream.linear.gather [hbm4b:s0+s2], $0x80, $0x38;
	[tilespmem:$0x10600] =	vst v63  }
0x4a5: {  	s0 =	sadd.s32 s4, s1;
	s1 =	sand.u32 $0x1FFFFFF0, s7;
	s7 =	spop (v2sf)  }
0x4a6: {  	[tilespmem:s6], [sflag:$0x1] =	stream.linear.gather [hbm4b:s0+s2], $0x80, $0x38;
	[tilespmem:$0x10600] =	vst v63  }
0x4a7: {  	s0 =	sadd.s32 s4, s5;
	s5 =	sand.u32 $0x1FFFFFF0, s7;
	s6 =	spop (v2sf)  }
0x4a8: {  	[tilespmem:s29], [sflag:$0x1] =	stream.linear.gather [hbm4b:s0+s2], $0x80, $0x38;
	[tilespmem:$0x10600] =	vst v63  }
0x4a9: {  	s0 =	sadd.s32 s4, s1;
	s1 =	sand.u32 $0x1FFFFFF0, s6;
	s6 =	spop (v2sf)  }
0x4aa: {  	[tilespmem:s28], [sflag:$0x1] =	stream.linear.gather [hbm4b:s0+s2], $0x80, $0x38;
	[tilespmem:$0x10600] =	vst v63  }
0x4ab: {  	s0 =	sadd.s32 s4, s5;
	s5 =	sand.u32 $0x1FFFFFF0, s6;
	s6 =	spop (v2sf)  }
0x4ac: {  	[tilespmem:s30], [sflag:$0x1] =	stream.linear.gather [hbm4b:s0+s2], $0x80, $0x38;
	[tilespmem:$0x10600] =	vst v63  }
0x4ad: {  	s0 =	sadd.s32 s4, s1;
	s1 =	sand.u32 $0x1FFFFFF0, s6;
	s6 =	spop (v2sf)  }
0x4ae: {  	[tilespmem:s26], [sflag:$0x1] =	stream.linear.gather [hbm4b:s0+s2], $0x80, $0x38;
	[tilespmem:$0x10600] =	vst v63  }
0x4af: {  	s0 =	sadd.s32 s4, s5;
	s5 =	sand.u32 $0x1FFFFFF0, s6;
	s6 =	spop (v2sf)  }
0x4b0: {  	[tilespmem:s25], [sflag:$0x1] =	stream.linear.gather [hbm4b:s0+s2], $0x80, $0x38;
	[tilespmem:$0x10600] =	vst v63  }
0x4b1: {  	s0 =	sadd.s32 s4, s1;
	s1 =	sand.u32 $0x1FFFFFF0, s6;
	s6 =	spop (v2sf)  }
0x4b2: {  	[tilespmem:s23], [sflag:$0x1] =	stream.linear.gather [hbm4b:s0+s2], $0x80, $0x38;
	[tilespmem:$0x10600] =	vst v63  }
0x4b3: {  	s0 =	sadd.s32 s4, s5;
	s5 =	sand.u32 $0x1FFFFFF0, s6  }
0x4b4: {  	[tilespmem:s24], [sflag:$0x1] =	stream.linear.gather [hbm4b:s0+s2], $0x80, $0x38;
	[tilespmem:$0x10600] =	vst v63  }
0x4b5: {  	s1 =	sadd.s32 s4, s1;
	s0 =	sadd.s32 $0xCD00, s19  }
0x4b6: {  	[tilespmem:s0], [sflag:$0x1] =	stream.linear.gather [hbm4b:s1+s2], $0x80, $0x38;
	[tilespmem:$0x10600] =	vst v63  }
0x4b7: {  	s0 =	sadd.s32 $0xCD80, s19;
	s1 =	sadd.s32 s4, s5  }
0x4b8: {  	[tilespmem:s0], [sflag:$0x1] =	stream.linear.gather [hbm4b:s1+s2], $0x80, $0x38;
	[tilespmem:$0x10600] =	vst v63  }
0x4b9: {  	v0 =	vld [tilespmem:s20+$0x0];
	_ =	sdelay $0x4  }
0x4ba: {  	v0 =	vshll.u32 v0, $0x4  }
0x4bb: {  	(v2sf) =	vpush v0, $0x0  }
0x4bc: {  	(v2sf) =	vpush v0, $0x1  }
0x4bd: {  	(v2sf) =	vpush v0, $0x2;
	_ =	sdelay $0x1  }
0x4be: {  	(v2sf) =	vpush v0, $0x4  }
.Ltmp11:
0x4bf: {  	(pc) =	sbr.rel @p0 .LBB2_24-.Ltmp11, $3  }
0x4c0: {  	(v2sf) =	vpush v0, $0x3  }
0x4c1: {  	(v2sf) =	vpush v0, $0x5;
	_ =	sdelay $0x1  }
0x4c2: {  	s19 =	sshra.s32 s22, $0x2;
	(v2sf) =	vpush v0, $0x6  }
0x4c3: {  	_ =	sdelay $0x1  }
0x4c4: {  	s0 =	sadd.s32 $0xC680, s19;
	s22 =	sadd.s32 $0xCB80, s19  }
0x4c5: {  	s1 =	sadd.s32 $0xC980, s19;
	s20 =	sadd.s32 $0xCC00, s19;
	(v2sf) =	vpush v0, $0x7;
	s5 =	sadd.s32 $0xC880, s19  }
0x4c6: {  	s6 =	sadd.s32 $0xCA00, s19;
	s21 =	sadd.s32 $0xCC80, s19;
	s7 =	sadd.s32 $0xC600, s19  }
0x4c7: {  	s8 =	sadd.s32 $0xC800, s19;
	s13 =	sadd.s32 $0xC900, s19;
	(v2sf) =	vpush v0, $0x8;
	s14 =	spop (v2sf)  }
0x4c8: {  	s23 =	sadd.s32 $0xC700, s19;
	s14 =	sand.u32 $0x1FFFFFF0, s14;
	s24 =	spop (v2sf)  }
0x4c9: {  	(v2sf) =	vpush v0, $0x9;
	s14 =	sadd.s32 s4, s14;
	s24 =	sand.u32 $0x1FFFFFF0, s24;
	s25 =	spop (v2sf)  }
0x4ca: {  	[tilespmem:s7], [sflag:$0x1] =	stream.linear.gather [hbm4b:s14+s2], $0x80, $0x38;
	[tilespmem:$0x10600] =	vst v63  }
0x4cb: {  	(v2sf) =	vpush v0, $0xA;
	s26 =	sadd.s32 s4, s24;
	s29 =	sand.u32 $0x1FFFFFF0, s25;
	s28 =	spop (v2sf)  }
0x4cc: {  	[tilespmem:s0], [sflag:$0x1] =	stream.linear.gather [hbm4b:s26+s2], $0x80, $0x38;
	[tilespmem:$0x10600] =	vst v63  }
0x4cd: {  	s7 =	sadd.s32 $0xCB00, s19;
	(v2sf) =	vpush v0, $0xB;
	s14 =	sadd.s32 s4, s29;
	s30 =	spop (v2sf)  }
0x4ce: {  	s0 =	sadd.s32 $0xCA80, s19;
	s26 =	sadd.s32 $0xC780, s19;
	s25 =	sand.u32 $0x1FFFFFF0, s30  }
0x4cf: {  	(v2sf) =	vpush v0, $0xC;
	[tilespmem:s23], [sflag:$0x1] =	stream.linear.gather [hbm4b:s14+s2], $0x80, $0x38;
	[tilespmem:$0x10600] =	vst v63  }
0x4d0: {  	s31 =	sand.u32 $0x1FFFFFF0, s28;
	s28 =	spop (v2sf);
	s29 =	sadd.s32 s4, s25  }
0x4d1: {  	(v2sf) =	vpush v0, $0xD;
	[tilespmem:s26], [sflag:$0x1] =	stream.linear.gather [hbm4b:s29+s2], $0x80, $0x38;
	[tilespmem:$0x10600] =	vst v63  }
0x4d2: {  	s14 =	sadd.s32 s4, s31;
	s23 =	sand.u32 $0x1FFFFFF0, s28;
	s30 =	spop (v2sf)  }
0x4d3: {  	(v2sf) =	vpush v0, $0xE;
	[tilespmem:s8], [sflag:$0x1] =	stream.linear.gather [hbm4b:s14+s2], $0x80, $0x38;
	[tilespmem:$0x10600] =	vst v63  }
0x4d4: {  	s23 =	sadd.s32 s4, s23;
	s31 =	sand.u32 $0x1FFFFFF0, s30;
	s24 =	spop (v2sf)  }
0x4d5: {  	(v2sf) =	vpush v0, $0xF;
	[tilespmem:s5], [sflag:$0x1] =	stream.linear.gather [hbm4b:s23+s2], $0x80, $0x38;
	[tilespmem:$0x10600] =	vst v63  }
0x4d6: {  	s25 =	sand.u32 $0x1FFFFFF0, s24;
	s26 =	spop (v2sf);
	s8 =	sadd.s32 s4, s31  }
0x4d7: {  	[tilespmem:s13], [sflag:$0x1] =	stream.linear.gather [hbm4b:s8+s2], $0x80, $0x38;
	[tilespmem:$0x10600] =	vst v63  }
0x4d8: {  	s28 =	sand.u32 $0x1FFFFFF0, s26;
	s5 =	sadd.s32 s4, s25;
	s29 =	spop (v2sf)  }
0x4d9: {  	[tilespmem:s1], [sflag:$0x1] =	stream.linear.gather [hbm4b:s5+s2], $0x80, $0x38;
	[tilespmem:$0x10600] =	vst v63  }
0x4da: {  	s8 =	sadd.s32 s4, s28;
	s30 =	sand.u32 $0x1FFFFFF0, s29;
	s31 =	spop (v2sf)  }
0x4db: {  	[tilespmem:s6], [sflag:$0x1] =	stream.linear.gather [hbm4b:s8+s2], $0x80, $0x38;
	[tilespmem:$0x10600] =	vst v63  }
0x4dc: {  	s5 =	sand.u32 $0x1FFFFFF0, s31;
	s1 =	sadd.s32 s4, s30;
	s8 =	spop (v2sf)  }
0x4dd: {  	[tilespmem:s0], [sflag:$0x1] =	stream.linear.gather [hbm4b:s1+s2], $0x80, $0x38;
	[tilespmem:$0x10600] =	vst v63  }
0x4de: {  	s5 =	sadd.s32 s4, s5;
	s13 =	sand.u32 $0x1FFFFFF0, s8;
	s14 =	spop (v2sf)  }
0x4df: {  	[tilespmem:s7], [sflag:$0x1] =	stream.linear.gather [hbm4b:s5+s2], $0x80, $0x38;
	[tilespmem:$0x10600] =	vst v63  }
0x4e0: {  	s0 =	sadd.s32 s4, s13;
	s1 =	sand.u32 $0x1FFFFFF0, s14;
	s23 =	spop (v2sf)  }
0x4e1: {  	[tilespmem:s22], [sflag:$0x1] =	stream.linear.gather [hbm4b:s0+s2], $0x80, $0x38;
	[tilespmem:$0x10600] =	vst v63  }
0x4e2: {  	s24 =	sand.u32 $0x1FFFFFF0, s23;
	s1 =	sadd.s32 s4, s1;
	s25 =	spop (v2sf)  }
0x4e3: {  	[tilespmem:s20], [sflag:$0x1] =	stream.linear.gather [hbm4b:s1+s2], $0x80, $0x38;
	[tilespmem:$0x10600] =	vst v63  }
0x4e4: {  	s26 =	sand.u32 $0x1FFFFFF0, s25;
	s28 =	spop (v2sf);
	s0 =	sadd.s32 s4, s24  }
0x4e5: {  	[tilespmem:s21], [sflag:$0x1] =	stream.linear.gather [hbm4b:s0+s2], $0x80, $0x38;
	[tilespmem:$0x10600] =	vst v63  }
0x4e6: {  	s30 =	sadd.s32 $0xCD00, s19;
	s29 =	sand.u32 $0x1FFFFFF0, s28;
	s1 =	sadd.s32 s4, s26  }
0x4e7: {  	[tilespmem:s30], [sflag:$0x1] =	stream.linear.gather [hbm4b:s1+s2], $0x80, $0x38;
	[tilespmem:$0x10600] =	vst v63  }
0x4e8: {  	s31 =	sadd.s32 $0xCD80, s19;
	s0 =	sadd.s32 s4, s29  }
0x4e9: {  	[tilespmem:s31], [sflag:$0x1] =	stream.linear.gather [hbm4b:s0+s2], $0x80, $0x38;
	[tilespmem:$0x10600] =	vst v63  }
0x4ea: {  	s18 =	sadd.s32 $0x1, s18;
	_ =	swait.ge [sflag:s15], $0x4000  }
0x4eb: {  	p0 =	sne.s32 s18, s11;
	[sflag:s15] =	ssyncset.done $0x0  }
.Ltmp12:
0x4ec: {  	[sflag:s15] =	ssyncadd.s32 $0xFFFFC000;
	(pc) =	sbr.rel @p0 .LBB2_1-.Ltmp12, $4  }
0x4ed: {  	[hbm4b:s10+s2] =	stream.linear.scatter [tilespmem:s16], [sflag:$0x2], $0x10000, $0x38;
	[tilespmem:$0x10600] =	vst v63  }
0x4ee: {  	_ =	swait.ge [sflag:s17], $0x10000  }
0x4ef: {  	[sflag:s17] =	ssyncset.done $0x0  }
0x4f0: {  	[sflag:s17] =	ssyncadd.s32 $0xFFFF0000  }
0x4f1: {  	_ =	sfence.sel $0x180000  }
0x4f2: {  	[bflag:$0x0] =	sbarrier.arrive $0xFFFF  }
0x4f3: {  	_ =	strace $0x90000047  }
0x4f4: {  	s0 =	stileid.u32;
	[bflag:$0x2] =	sbarrier.arrive $0xFFFF  }
0x4f5: {  	p0 =	sne.s32 s0, $0x0;
	s0 =	rddreg [dreg:$0x4]  }
0x4f6: {  	s0 =	sadd.s32 @!p0 $0x100000, s0  }
0x4f7: {  	[sflag:s0] =	ssyncadd.tile.s32 @!p0 $0x1;
	_ =	shalt  }
.Lfunc_end2:
_tile_overlayer_lowered:
.L_overlay_start_2:
0x4f8: {  	(tag) =	ssettag $0x2  }
0x4f9: {  	s0 =	rddreg [dreg:$0x0];
	s2 =	stileid.u32  }
0x4fa: {  	s1 =	rddreg [dreg:$0x1];
	p0 =	sne.s32 s2, $0x0  }
0x4fb: {  	s3 =	rddreg [dreg:$0x2];
	[bflag:$0x3] =	sbarrier.arrive $0xFFFF;
	s2 =	simm.s32 @!p0 $0x1C03  }
0x4fc: {  	[timem:s3], [sflag:s2] =	dma.local @!p0 [hbm:s0], s1  }
0x4fd: {  	s0 =	simm.s32 @!p0 $0x3  }
0x4fe: {  	_ =	swait.ge @!p0 [sflag:s0], s1  }
0x4ff: {  	s1 =	ssub.s32 @!p0 $0x0, s1;
	[sflag:s0] =	ssyncset.done @!p0 $0x0  }
0x500: {  	[sflag:s0] =	ssyncadd.s32 @!p0 s1  }
0x501: {  	[bflag:$0x3] =	sbarrier.arrive $0xFFFF  }
0x502: {  	_ =	shalt  }

</sc_bundles>
